<compile_context>
chip_gen: v7x
topology: tpu7x:2x2x1
jax: 0.10.2.dev20260603
libtpu: 0.0.44.dev20260713+nightly
codegen_flags: <defaults>
</compile_context>

<pallas_src>
import functools

import jax
import jax.numpy as jnp
from jax import lax
from jax.experimental import pallas as pl
from jax.experimental.pallas import tpu as pltpu
from jax.experimental.pallas import tpu_sc as plsc

_VOCAB = 8192
_D = 8192
_B = 4096

_INFO = plsc.get_sparse_core_info()
_NC = _INFO.num_cores
_NS = _INFO.num_subcores
_NW = _NC * _NS
_B_PER_W = _B // _NW
_K = 4
_NCHUNK = _B_PER_W // _K

_MESH = plsc.VectorSubcoreMesh(core_axis_name="c", subcore_axis_name="s")


@functools.partial(
    pl.kernel,
    mesh=_MESH,
    out_type=jax.ShapeDtypeStruct((_B, _D), jnp.float32),
    scratch_types=[
        pltpu.VMEM((_NCHUNK, _K), jnp.int32),
        pltpu.VMEM((2, _K, _D), jnp.float32),
        pltpu.SemaphoreType.DMA,
        pltpu.SemaphoreType.DMA,
        pltpu.SemaphoreType.DMA,
        pltpu.SemaphoreType.DMA,
    ],
)
def _sc_gather(idx_hbm, table_hbm, out_hbm, idx_v, rows_v, g0, g1, o0, o1):
    wid = lax.axis_index("s") * _NC + lax.axis_index("c")
    base = wid * _B_PER_W
    pltpu.sync_copy(idx_hbm.at[wid], idx_v)

    gsem = (g0, g1)
    osem = (o0, o1)

    def gather_start(c):
        buf = c % 2
        return pltpu.async_copy(
            table_hbm.at[idx_v.at[c]], rows_v.at[buf], gsem[buf]
        )

    def out_start(c):
        buf = c % 2
        return pltpu.async_copy(
            rows_v.at[buf], out_hbm.at[pl.ds(base + c * _K, _K)], osem[buf]
        )

    gathers = [None] * _NCHUNK
    outs = [None] * _NCHUNK
    gathers[0] = gather_start(0)
    for c in range(_NCHUNK):
        if c + 1 < _NCHUNK:
            if c - 1 >= 0:
                outs[c - 1].wait()
            gathers[c + 1] = gather_start(c + 1)
        gathers[c].wait()
        outs[c] = out_start(c)
    outs[_NCHUNK - 1].wait()


def kernel(idx, embedding):
    if idx.ndim == 2:
        idx = jnp.squeeze(idx, axis=-1)
    idx3 = idx.astype(jnp.int32).reshape(_NW, _NCHUNK, _K)
    return _sc_gather(idx3, embedding)

# --- scband reference (transcript-rebuilt; emitter-appended) ---
"""Pipeline reference for scband-neural-bigram-32100585570552 (READ-ONLY COPY).

The authoritative reference and input builder live on the scoring server;
editing this copy changes nothing except your own understanding.
"""

import jax, jax.numpy as jnp
import numpy as np

VOCAB = 8192
BATCH = 4096

def setup_inputs(seed: int = 0) -> dict:
    key = jax.random.key(seed)
    k_idx, k_emb = jax.random.split(key)
    idx = jax.random.randint(k_idx, (BATCH,), 0, VOCAB, dtype=jnp.int64 if jax.config.jax_enable_x64 else jnp.int32)
    embedding = jax.random.normal(k_emb, (VOCAB, VOCAB), dtype=jnp.float32) * 0.02
    return {"idx": idx, "embedding": embedding}

def reference(idx, embedding):
    # NeuralBigram.forward: squeeze trailing dim if 2-D, then embedding lookup
    if idx.ndim == 2:
        idx = jnp.squeeze(idx, axis=-1)
    logits = jnp.take(embedding, idx, axis=0)  # (batch, vocab)
    return logits

if __name__ == "__main__":
    import jax
    _d = setup_inputs()
    print(jax.jit(kernel)(*tuple(_d.values())))

</pallas_src>

<mosaic_0001>
#map = affine_map<(d0, d1) -> (0, 0, 0)>
#map1 = affine_map<(d0, d1) -> (0, 0)>
module attributes {stable_mosaic.version = 14 : i64} {
  func.func @_sc_gather(%arg0: i32, %arg1: i32, %arg2: memref<32x32x4xi32, #tpu.memory_space<hbm>>, %arg3: memref<8192x8192xf32, #tpu.memory_space<hbm>>, %arg4: memref<4096x8192xf32, #tpu.memory_space<hbm>>, %arg5: memref<32x4xi32, #tpu.memory_space<vmem>>, %arg6: memref<2x4x8192xf32, #tpu.memory_space<vmem>>, %arg7: memref<!tpu.dma_semaphore, #tpu.memory_space<semaphore_mem>>, %arg8: memref<!tpu.dma_semaphore, #tpu.memory_space<semaphore_mem>>, %arg9: memref<!tpu.dma_semaphore, #tpu.memory_space<semaphore_mem>>, %arg10: memref<!tpu.dma_semaphore, #tpu.memory_space<semaphore_mem>>) attributes {dimension_semantics = [#tpu.dimension_semantics<core_parallel>, #tpu.dimension_semantics<subcore_parallel>], iteration_bounds = array<i64: 2, 16>, scalar_prefetch = 0 : i64, scratch_operands = 6 : i64, tpu.core_type = #tpu.core_type<sc_vector_subcore>, window_params = [{transform_indices = #map}, {transform_indices = #map1}, {transform_indices = #map1}]} {
    %mul3A = arith.constant 2 : i32
    %mul3A_0 = arith.muli %arg1, %mul3A : i32
    %add3A = arith.addi %mul3A_0, %arg0 : i32
    %mul3A_1 = arith.constant 128 : i32
    %mul3A_2 = arith.muli %add3A, %mul3A_1 : i32
    "tpu.region"() ({
      %run_scoped3A = tpu.sem_alloc : memref<!tpu.dma_semaphore, #tpu.memory_space<semaphore_mem>>
      %dma_start3A_1652 = arith.constant 0 : i32
      %dma_start3A_1653 = arith.constant 0 : i32
      %dma_start3A_1654 = tpu.memref_slice %arg2[%add3A, %dma_start3A_1652, %dma_start3A_1653] : memref<32x32x4xi32, #tpu.memory_space<hbm>> -> memref<1x32x4xi32, #tpu.memory_space<hbm>>
      %dma_start3A_1655 = tpu.memref_squeeze %dma_start3A_1654 : memref<1x32x4xi32, #tpu.memory_space<hbm>> -> memref<32x4xi32, #tpu.memory_space<hbm>>
      %dma_start3A_1656 = arith.constant 0 : i32
      %dma_start3A_1657 = arith.constant 0 : i32
      %dma_start3A_1658 = tpu.memref_slice %arg2[%add3A, %dma_start3A_1656, %dma_start3A_1657] : memref<32x32x4xi32, #tpu.memory_space<hbm>> -> memref<1x32x4xi32, #tpu.memory_space<hbm>>
      %dma_start3A_1659 = tpu.memref_squeeze %dma_start3A_1658 : memref<1x32x4xi32, #tpu.memory_space<hbm>> -> memref<32x4xi32, #tpu.memory_space<hbm>>
      tpu.enqueue_dma source(%dma_start3A_1659 : memref<32x4xi32, #tpu.memory_space<hbm>>) target(%arg5 : memref<32x4xi32, #tpu.memory_space<vmem>>) target_semaphore(%run_scoped3A : memref<!tpu.dma_semaphore, #tpu.memory_space<semaphore_mem>>)
      %dma_wait3A_1660 = arith.constant 0 : i32
      %dma_wait3A_1661 = arith.constant 0 : i32
      %dma_wait3A_1662 = tpu.memref_slice %arg2[%add3A, %dma_wait3A_1660, %dma_wait3A_1661] : memref<32x32x4xi32, #tpu.memory_space<hbm>> -> memref<1x32x4xi32, #tpu.memory_space<hbm>>
      %dma_wait3A_1663 = tpu.memref_squeeze %dma_wait3A_1662 : memref<1x32x4xi32, #tpu.memory_space<hbm>> -> memref<32x4xi32, #tpu.memory_space<hbm>>
      %dma_wait3A_1664 = arith.constant 0 : i32
      %dma_wait3A_1665 = arith.constant 0 : i32
      %dma_wait3A_1666 = tpu.memref_slice %arg2[%add3A, %dma_wait3A_1664, %dma_wait3A_1665] : memref<32x32x4xi32, #tpu.memory_space<hbm>> -> memref<1x32x4xi32, #tpu.memory_space<hbm>>
      %dma_wait3A_1667 = tpu.memref_squeeze %dma_wait3A_1666 : memref<1x32x4xi32, #tpu.memory_space<hbm>> -> memref<32x4xi32, #tpu.memory_space<hbm>>
      tpu.wait_dma2 semaphore(%run_scoped3A : memref<!tpu.dma_semaphore, #tpu.memory_space<semaphore_mem>>) src(%dma_wait3A_1667 : memref<32x4xi32, #tpu.memory_space<hbm>>) dst(%arg5 : memref<32x4xi32, #tpu.memory_space<vmem>>)
      tpu.yield
    }) : () -> ()
    %dma_start3A = arith.constant 0 : i32
    %dma_start3A_3 = arith.constant 0 : i32
    %dma_start3A_4 = arith.constant 0 : i32
    %dma_start3A_5 = arith.constant 0 : i32
    %dma_start3A_6 = tpu.memref_slice %arg6[%dma_start3A_3, %dma_start3A_4, %dma_start3A_5] : memref<2x4x8192xf32, #tpu.memory_space<vmem>> -> memref<1x4x8192xf32, #tpu.memory_space<vmem>>
    %dma_start3A_7 = tpu.memref_squeeze %dma_start3A_6 : memref<1x4x8192xf32, #tpu.memory_space<vmem>> -> memref<4x8192xf32, #tpu.memory_space<vmem>>
    %dma_start3A_8 = arith.constant 0 : i32
    %dma_start3A_9 = tpu.memref_slice %arg5[%dma_start3A, %dma_start3A_8] : memref<32x4xi32, #tpu.memory_space<vmem>> -> memref<1x4xi32, #tpu.memory_space<vmem>>
    %dma_start3A_10 = tpu.memref_squeeze %dma_start3A_9 : memref<1x4xi32, #tpu.memory_space<vmem>> -> memref<4xi32, #tpu.memory_space<vmem>>
    %dma_start3A_11 = arith.constant 0 : i32
    %dma_start3A_12 = arith.constant 0 : i32
    %dma_start3A_13 = tpu.memref_slice %arg3[%dma_start3A_11, %dma_start3A_12] : memref<8192x8192xf32, #tpu.memory_space<hbm>> -> memref<8192x8192xf32, #tpu.memory_space<hbm>>
    tpu.enqueue_indirect_dma source(%dma_start3A_13 : memref<8192x8192xf32, #tpu.memory_space<hbm>>) target(%dma_start3A_7 : memref<4x8192xf32, #tpu.memory_space<vmem>>) offsets(%dma_start3A_10 : memref<4xi32, #tpu.memory_space<vmem>>) semaphore(%arg7 : memref<!tpu.dma_semaphore, #tpu.memory_space<semaphore_mem>>)
    %dma_start3A_14 = arith.constant 1 : i32
    %dma_start3A_15 = arith.constant 1 : i32
    %dma_start3A_16 = arith.constant 0 : i32
    %dma_start3A_17 = arith.constant 0 : i32
    %dma_start3A_18 = tpu.memref_slice %arg6[%dma_start3A_15, %dma_start3A_16, %dma_start3A_17] : memref<2x4x8192xf32, #tpu.memory_space<vmem>> -> memref<1x4x8192xf32, #tpu.memory_space<vmem>>
    %dma_start3A_19 = tpu.memref_squeeze %dma_start3A_18 : memref<1x4x8192xf32, #tpu.memory_space<vmem>> -> memref<4x8192xf32, #tpu.memory_space<vmem>>
    %dma_start3A_20 = arith.constant 0 : i32
    %dma_start3A_21 = tpu.memref_slice %arg5[%dma_start3A_14, %dma_start3A_20] : memref<32x4xi32, #tpu.memory_space<vmem>> -> memref<1x4xi32, #tpu.memory_space<vmem>>
    %dma_start3A_22 = tpu.memref_squeeze %dma_start3A_21 : memref<1x4xi32, #tpu.memory_space<vmem>> -> memref<4xi32, #tpu.memory_space<vmem>>
    %dma_start3A_23 = arith.constant 0 : i32
    %dma_start3A_24 = arith.constant 0 : i32
    %dma_start3A_25 = tpu.memref_slice %arg3[%dma_start3A_23, %dma_start3A_24] : memref<8192x8192xf32, #tpu.memory_space<hbm>> -> memref<8192x8192xf32, #tpu.memory_space<hbm>>
    tpu.enqueue_indirect_dma source(%dma_start3A_25 : memref<8192x8192xf32, #tpu.memory_space<hbm>>) target(%dma_start3A_19 : memref<4x8192xf32, #tpu.memory_space<vmem>>) offsets(%dma_start3A_22 : memref<4xi32, #tpu.memory_space<vmem>>) semaphore(%arg8 : memref<!tpu.dma_semaphore, #tpu.memory_space<semaphore_mem>>)
    %dma_wait3A = arith.constant 0 : i32
    %dma_wait3A_26 = arith.constant 0 : i32
    %dma_wait3A_27 = arith.constant 0 : i32
    %dma_wait3A_28 = arith.constant 0 : i32
    %dma_wait3A_29 = tpu.memref_slice %arg6[%dma_wait3A_26, %dma_wait3A_27, %dma_wait3A_28] : memref<2x4x8192xf32, #tpu.memory_space<vmem>> -> memref<1x4x8192xf32, #tpu.memory_space<vmem>>
    %dma_wait3A_30 = tpu.memref_squeeze %dma_wait3A_29 : memref<1x4x8192xf32, #tpu.memory_space<vmem>> -> memref<4x8192xf32, #tpu.memory_space<vmem>>
    %dma_wait3A_31 = arith.constant 0 : i32
    %dma_wait3A_32 = tpu.memref_slice %arg5[%dma_wait3A, %dma_wait3A_31] : memref<32x4xi32, #tpu.memory_space<vmem>> -> memref<1x4xi32, #tpu.memory_space<vmem>>
    %dma_wait3A_33 = tpu.memref_squeeze %dma_wait3A_32 : memref<1x4xi32, #tpu.memory_space<vmem>> -> memref<4xi32, #tpu.memory_space<vmem>>
    %dma_wait3A_34 = arith.constant 0 : i32
    %dma_wait3A_35 = arith.constant 0 : i32
    %dma_wait3A_36 = tpu.memref_slice %arg3[%dma_wait3A_34, %dma_wait3A_35] : memref<8192x8192xf32, #tpu.memory_space<hbm>> -> memref<8192x8192xf32, #tpu.memory_space<hbm>>
    tpu.wait_indirect_dma semaphore(%arg7 : memref<!tpu.dma_semaphore, #tpu.memory_space<semaphore_mem>>) src(%dma_wait3A_36 : memref<8192x8192xf32, #tpu.memory_space<hbm>>) dst(%dma_wait3A_30 : memref<4x8192xf32, #tpu.memory_space<vmem>>)
    %add3A_37 = arith.constant 0 : i32
    %add3A_38 = arith.addi %mul3A_2, %add3A_37 : i32
    %dma_start3A_39 = arith.constant 0 : i32
    %dma_start3A_40 = arith.constant 0 : i32
    %dma_start3A_41 = arith.constant 0 : i32
    %dma_start3A_42 = tpu.memref_slice %arg6[%dma_start3A_39, %dma_start3A_40, %dma_start3A_41] : memref<2x4x8192xf32, #tpu.memory_space<vmem>> -> memref<1x4x8192xf32, #tpu.memory_space<vmem>>
    %dma_start3A_43 = tpu.memref_squeeze %dma_start3A_42 : memref<1x4x8192xf32, #tpu.memory_space<vmem>> -> memref<4x8192xf32, #tpu.memory_space<vmem>>
    %dma_start3A_44 = arith.constant 0 : i32
    %dma_start3A_45 = tpu.memref_slice %arg4[%add3A_38, %dma_start3A_44] : memref<4096x8192xf32, #tpu.memory_space<hbm>> -> memref<4x8192xf32, #tpu.memory_space<hbm>>
    %dma_start3A_46 = arith.constant 0 : i32
    %dma_start3A_47 = tpu.memref_slice %arg4[%add3A_38, %dma_start3A_46] : memref<4096x8192xf32, #tpu.memory_space<hbm>> -> memref<4x8192xf32, #tpu.memory_space<hbm>>
    %dma_start3A_48 = arith.constant 0 : i32
    %dma_start3A_49 = arith.constant 0 : i32
    %dma_start3A_50 = tpu.memref_slice %arg6[%dma_start3A_39, %dma_start3A_48, %dma_start3A_49] : memref<2x4x8192xf32, #tpu.memory_space<vmem>> -> memref<1x4x8192xf32, #tpu.memory_space<vmem>>
    %dma_start3A_51 = tpu.memref_squeeze %dma_start3A_50 : memref<1x4x8192xf32, #tpu.memory_space<vmem>> -> memref<4x8192xf32, #tpu.memory_space<vmem>>
    tpu.enqueue_dma source(%dma_start3A_51 : memref<4x8192xf32, #tpu.memory_space<vmem>>) target(%dma_start3A_47 : memref<4x8192xf32, #tpu.memory_space<hbm>>) target_semaphore(%arg9 : memref<!tpu.dma_semaphore, #tpu.memory_space<semaphore_mem>>)
    %dma_wait3A_52 = arith.constant 0 : i32
    %dma_wait3A_53 = arith.constant 0 : i32
    %dma_wait3A_54 = arith.constant 0 : i32
    %dma_wait3A_55 = tpu.memref_slice %arg6[%dma_wait3A_52, %dma_wait3A_53, %dma_wait3A_54] : memref<2x4x8192xf32, #tpu.memory_space<vmem>> -> memref<1x4x8192xf32, #tpu.memory_space<vmem>>
    %dma_wait3A_56 = tpu.memref_squeeze %dma_wait3A_55 : memref<1x4x8192xf32, #tpu.memory_space<vmem>> -> memref<4x8192xf32, #tpu.memory_space<vmem>>
    %dma_wait3A_57 = arith.constant 0 : i32
    %dma_wait3A_58 = tpu.memref_slice %arg4[%add3A_38, %dma_wait3A_57] : memref<4096x8192xf32, #tpu.memory_space<hbm>> -> memref<4x8192xf32, #tpu.memory_space<hbm>>
    %dma_wait3A_59 = arith.constant 0 : i32
    %dma_wait3A_60 = tpu.memref_slice %arg4[%add3A_38, %dma_wait3A_59] : memref<4096x8192xf32, #tpu.memory_space<hbm>> -> memref<4x8192xf32, #tpu.memory_space<hbm>>
    %dma_wait3A_61 = arith.constant 0 : i32
    %dma_wait3A_62 = arith.constant 0 : i32
    %dma_wait3A_63 = tpu.memref_slice %arg6[%dma_wait3A_52, %dma_wait3A_61, %dma_wait3A_62] : memref<2x4x8192xf32, #tpu.memory_space<vmem>> -> memref<1x4x8192xf32, #tpu.memory_space<vmem>>
    %dma_wait3A_64 = tpu.memref_squeeze %dma_wait3A_63 : memref<1x4x8192xf32, #tpu.memory_space<vmem>> -> memref<4x8192xf32, #tpu.memory_space<vmem>>
    tpu.wait_dma2 semaphore(%arg9 : memref<!tpu.dma_semaphore, #tpu.memory_space<semaphore_mem>>) src(%dma_wait3A_64 : memref<4x8192xf32, #tpu.memory_space<vmem>>) dst(%dma_wait3A_60 : memref<4x8192xf32, #tpu.memory_space<hbm>>)
    %dma_start3A_65 = arith.constant 2 : i32
    %dma_start3A_66 = arith.constant 0 : i32
    %dma_start3A_67 = arith.constant 0 : i32
    %dma_start3A_68 = arith.constant 0 : i32
    %dma_start3A_69 = tpu.memref_slice %arg6[%dma_start3A_66, %dma_start3A_67, %dma_start3A_68] : memref<2x4x8192xf32, #tpu.memory_space<vmem>> -> memref<1x4x8192xf32, #tpu.memory_space<vmem>>
    %dma_start3A_70 = tpu.memref_squeeze %dma_start3A_69 : memref<1x4x8192xf32, #tpu.memory_space<vmem>> -> memref<4x8192xf32, #tpu.memory_space<vmem>>
    %dma_start3A_71 = arith.constant 0 : i32
    %dma_start3A_72 = tpu.memref_slice %arg5[%dma_start3A_65, %dma_start3A_71] : memref<32x4xi32, #tpu.memory_space<vmem>> -> memref<1x4xi32, #tpu.memory_space<vmem>>
    %dma_start3A_73 = tpu.memref_squeeze %dma_start3A_72 : memref<1x4xi32, #tpu.memory_space<vmem>> -> memref<4xi32, #tpu.memory_space<vmem>>
    %dma_start3A_74 = arith.constant 0 : i32
    %dma_start3A_75 = arith.constant 0 : i32
    %dma_start3A_76 = tpu.memref_slice %arg3[%dma_start3A_74, %dma_start3A_75] : memref<8192x8192xf32, #tpu.memory_space<hbm>> -> memref<8192x8192xf32, #tpu.memory_space<hbm>>
    tpu.enqueue_indirect_dma source(%dma_start3A_76 : memref<8192x8192xf32, #tpu.memory_space<hbm>>) target(%dma_start3A_70 : memref<4x8192xf32, #tpu.memory_space<vmem>>) offsets(%dma_start3A_73 : memref<4xi32, #tpu.memory_space<vmem>>) semaphore(%arg7 : memref<!tpu.dma_semaphore, #tpu.memory_space<semaphore_mem>>)
    %dma_wait3A_77 = arith.constant 1 : i32
    %dma_wait3A_78 = arith.constant 1 : i32
    %dma_wait3A_79 = arith.constant 0 : i32
    %dma_wait3A_80 = arith.constant 0 : i32
    %dma_wait3A_81 = tpu.memref_slice %arg6[%dma_wait3A_78, %dma_wait3A_79, %dma_wait3A_80] : memref<2x4x8192xf32, #tpu.memory_space<vmem>> -> memref<1x4x8192xf32, #tpu.memory_space<vmem>>
    %dma_wait3A_82 = tpu.memref_squeeze %dma_wait3A_81 : memref<1x4x8192xf32, #tpu.memory_space<vmem>> -> memref<4x8192xf32, #tpu.memory_space<vmem>>
    %dma_wait3A_83 = arith.constant 0 : i32
    %dma_wait3A_84 = tpu.memref_slice %arg5[%dma_wait3A_77, %dma_wait3A_83] : memref<32x4xi32, #tpu.memory_space<vmem>> -> memref<1x4xi32, #tpu.memory_space<vmem>>
    %dma_wait3A_85 = tpu.memref_squeeze %dma_wait3A_84 : memref<1x4xi32, #tpu.memory_space<vmem>> -> memref<4xi32, #tpu.memory_space<vmem>>
    %dma_wait3A_86 = arith.constant 0 : i32
    %dma_wait3A_87 = arith.constant 0 : i32
    %dma_wait3A_88 = tpu.memref_slice %arg3[%dma_wait3A_86, %dma_wait3A_87] : memref<8192x8192xf32, #tpu.memory_space<hbm>> -> memref<8192x8192xf32, #tpu.memory_space<hbm>>
    tpu.wait_indirect_dma semaphore(%arg8 : memref<!tpu.dma_semaphore, #tpu.memory_space<semaphore_mem>>) src(%dma_wait3A_88 : memref<8192x8192xf32, #tpu.memory_space<hbm>>) dst(%dma_wait3A_82 : memref<4x8192xf32, #tpu.memory_space<vmem>>)
    %add3A_89 = arith.constant 4 : i32
    %add3A_90 = arith.addi %mul3A_2, %add3A_89 : i32
    %dma_start3A_91 = arith.constant 1 : i32
    %dma_start3A_92 = arith.constant 0 : i32
    %dma_start3A_93 = arith.constant 0 : i32
    %dma_start3A_94 = tpu.memref_slice %arg6[%dma_start3A_91, %dma_start3A_92, %dma_start3A_93] : memref<2x4x8192xf32, #tpu.memory_space<vmem>> -> memref<1x4x8192xf32, #tpu.memory_space<vmem>>
    %dma_start3A_95 = tpu.memref_squeeze %dma_start3A_94 : memref<1x4x8192xf32, #tpu.memory_space<vmem>> -> memref<4x8192xf32, #tpu.memory_space<vmem>>
    %dma_start3A_96 = arith.constant 0 : i32
    %dma_start3A_97 = tpu.memref_slice %arg4[%add3A_90, %dma_start3A_96] : memref<4096x8192xf32, #tpu.memory_space<hbm>> -> memref<4x8192xf32, #tpu.memory_space<hbm>>
    %dma_start3A_98 = arith.constant 0 : i32
    %dma_start3A_99 = tpu.memref_slice %arg4[%add3A_90, %dma_start3A_98] : memref<4096x8192xf32, #tpu.memory_space<hbm>> -> memref<4x8192xf32, #tpu.memory_space<hbm>>
    %dma_start3A_100 = arith.constant 0 : i32
    %dma_start3A_101 = arith.constant 0 : i32
    %dma_start3A_102 = tpu.memref_slice %arg6[%dma_start3A_91, %dma_start3A_100, %dma_start3A_101] : memref<2x4x8192xf32, #tpu.memory_space<vmem>> -> memref<1x4x8192xf32, #tpu.memory_space<vmem>>
    %dma_start3A_103 = tpu.memref_squeeze %dma_start3A_102 : memref<1x4x8192xf32, #tpu.memory_space<vmem>> -> memref<4x8192xf32, #tpu.memory_space<vmem>>
    tpu.enqueue_dma source(%dma_start3A_103 : memref<4x8192xf32, #tpu.memory_space<vmem>>) target(%dma_start3A_99 : memref<4x8192xf32, #tpu.memory_space<hbm>>) target_semaphore(%arg10 : memref<!tpu.dma_semaphore, #tpu.memory_space<semaphore_mem>>)
    %dma_wait3A_104 = arith.constant 1 : i32
    %dma_wait3A_105 = arith.constant 0 : i32
    %dma_wait3A_106 = arith.constant 0 : i32
    %dma_wait3A_107 = tpu.memref_slice %arg6[%dma_wait3A_104, %dma_wait3A_105, %dma_wait3A_106] : memref<2x4x8192xf32, #tpu.memory_space<vmem>> -> memref<1x4x8192xf32, #tpu.memory_space<vmem>>
    %dma_wait3A_108 = tpu.memref_squeeze %dma_wait3A_107 : memref<1x4x8192xf32, #tpu.memory_space<vmem>> -> memref<4x8192xf32, #tpu.memory_space<vmem>>
    %dma_wait3A_109 = arith.constant 0 : i32
    %dma_wait3A_110 = tpu.memref_slice %arg4[%add3A_90, %dma_wait3A_109] : memref<4096x8192xf32, #tpu.memory_space<hbm>> -> memref<4x8192xf32, #tpu.memory_space<hbm>>
    %dma_wait3A_111 = arith.constant 0 : i32
    %dma_wait3A_112 = tpu.memref_slice %arg4[%add3A_90, %dma_wait3A_111] : memref<4096x8192xf32, #tpu.memory_space<hbm>> -> memref<4x8192xf32, #tpu.memory_space<hbm>>
    %dma_wait3A_113 = arith.constant 0 : i32
    %dma_wait3A_114 = arith.constant 0 : i32
    %dma_wait3A_115 = tpu.memref_slice %arg6[%dma_wait3A_104, %dma_wait3A_113, %dma_wait3A_114] : memref<2x4x8192xf32, #tpu.memory_space<vmem>> -> memref<1x4x8192xf32, #tpu.memory_space<vmem>>
    %dma_wait3A_116 = tpu.memref_squeeze %dma_wait3A_115 : memref<1x4x8192xf32, #tpu.memory_space<vmem>> -> memref<4x8192xf32, #tpu.memory_space<vmem>>
    tpu.wait_dma2 semaphore(%arg10 : memref<!tpu.dma_semaphore, #tpu.memory_space<semaphore_mem>>) src(%dma_wait3A_116 : memref<4x8192xf32, #tpu.memory_space<vmem>>) dst(%dma_wait3A_112 : memref<4x8192xf32, #tpu.memory_space<hbm>>)
    %dma_start3A_117 = arith.constant 3 : i32
    %dma_start3A_118 = arith.constant 1 : i32
    %dma_start3A_119 = arith.constant 0 : i32
    %dma_start3A_120 = arith.constant 0 : i32
    %dma_start3A_121 = tpu.memref_slice %arg6[%dma_start3A_118, %dma_start3A_119, %dma_start3A_120] : memref<2x4x8192xf32, #tpu.memory_space<vmem>> -> memref<1x4x8192xf32, #tpu.memory_space<vmem>>
    %dma_start3A_122 = tpu.memref_squeeze %dma_start3A_121 : memref<1x4x8192xf32, #tpu.memory_space<vmem>> -> memref<4x8192xf32, #tpu.memory_space<vmem>>
    %dma_start3A_123 = arith.constant 0 : i32
    %dma_start3A_124 = tpu.memref_slice %arg5[%dma_start3A_117, %dma_start3A_123] : memref<32x4xi32, #tpu.memory_space<vmem>> -> memref<1x4xi32, #tpu.memory_space<vmem>>
    %dma_start3A_125 = tpu.memref_squeeze %dma_start3A_124 : memref<1x4xi32, #tpu.memory_space<vmem>> -> memref<4xi32, #tpu.memory_space<vmem>>
    %dma_start3A_126 = arith.constant 0 : i32
    %dma_start3A_127 = arith.constant 0 : i32
    %dma_start3A_128 = tpu.memref_slice %arg3[%dma_start3A_126, %dma_start3A_127] : memref<8192x8192xf32, #tpu.memory_space<hbm>> -> memref<8192x8192xf32, #tpu.memory_space<hbm>>
    tpu.enqueue_indirect_dma source(%dma_start3A_128 : memref<8192x8192xf32, #tpu.memory_space<hbm>>) target(%dma_start3A_122 : memref<4x8192xf32, #tpu.memory_space<vmem>>) offsets(%dma_start3A_125 : memref<4xi32, #tpu.memory_space<vmem>>) semaphore(%arg8 : memref<!tpu.dma_semaphore, #tpu.memory_space<semaphore_mem>>)
    %dma_wait3A_129 = arith.constant 2 : i32
    %dma_wait3A_130 = arith.constant 0 : i32
    %dma_wait3A_131 = arith.constant 0 : i32
    %dma_wait3A_132 = arith.constant 0 : i32
    %dma_wait3A_133 = tpu.memref_slice %arg6[%dma_wait3A_130, %dma_wait3A_131, %dma_wait3A_132] : memref<2x4x8192xf32, #tpu.memory_space<vmem>> -> memref<1x4x8192xf32, #tpu.memory_space<vmem>>
    %dma_wait3A_134 = tpu.memref_squeeze %dma_wait3A_133 : memref<1x4x8192xf32, #tpu.memory_space<vmem>> -> memref<4x8192xf32, #tpu.memory_space<vmem>>
    %dma_wait3A_135 = arith.constant 0 : i32
    %dma_wait3A_136 = tpu.memref_slice %arg5[%dma_wait3A_129, %dma_wait3A_135] : memref<32x4xi32, #tpu.memory_space<vmem>> -> memref<1x4xi32, #tpu.memory_space<vmem>>
    %dma_wait3A_137 = tpu.memref_squeeze %dma_wait3A_136 : memref<1x4xi32, #tpu.memory_space<vmem>> -> memref<4xi32, #tpu.memory_space<vmem>>
    %dma_wait3A_138 = arith.constant 0 : i32
    %dma_wait3A_139 = arith.constant 0 : i32
    %dma_wait3A_140 = tpu.memref_slice %arg3[%dma_wait3A_138, %dma_wait3A_139] : memref<8192x8192xf32, #tpu.memory_space<hbm>> -> memref<8192x8192xf32, #tpu.memory_space<hbm>>
    tpu.wait_indirect_dma semaphore(%arg7 : memref<!tpu.dma_semaphore, #tpu.memory_space<semaphore_mem>>) src(%dma_wait3A_140 : memref<8192x8192xf32, #tpu.memory_space<hbm>>) dst(%dma_wait3A_134 : memref<4x8192xf32, #tpu.memory_space<vmem>>)
    %add3A_141 = arith.constant 8 : i32
    %add3A_142 = arith.addi %mul3A_2, %add3A_141 : i32
    %dma_start3A_143 = arith.constant 0 : i32
    %dma_start3A_144 = arith.constant 0 : i32
    %dma_start3A_145 = arith.constant 0 : i32
    %dma_start3A_146 = tpu.memref_slice %arg6[%dma_start3A_143, %dma_start3A_144, %dma_start3A_145] : memref<2x4x8192xf32, #tpu.memory_space<vmem>> -> memref<1x4x8192xf32, #tpu.memory_space<vmem>>
    %dma_start3A_147 = tpu.memref_squeeze %dma_start3A_146 : memref<1x4x8192xf32, #tpu.memory_space<vmem>> -> memref<4x8192xf32, #tpu.memory_space<vmem>>
    %dma_start3A_148 = arith.constant 0 : i32
    %dma_start3A_149 = tpu.memref_slice %arg4[%add3A_142, %dma_start3A_148] : memref<4096x8192xf32, #tpu.memory_space<hbm>> -> memref<4x8192xf32, #tpu.memory_space<hbm>>
    %dma_start3A_150 = arith.constant 0 : i32
    %dma_start3A_151 = tpu.memref_slice %arg4[%add3A_142, %dma_start3A_150] : memref<4096x8192xf32, #tpu.memory_space<hbm>> -> memref<4x8192xf32, #tpu.memory_space<hbm>>
    %dma_start3A_152 = arith.constant 0 : i32
    %dma_start3A_153 = arith.constant 0 : i32
    %dma_start3A_154 = tpu.memref_slice %arg6[%dma_start3A_143, %dma_start3A_152, %dma_start3A_153] : memref<2x4x8192xf32, #tpu.memory_space<vmem>> -> memref<1x4x8192xf32, #tpu.memory_space<vmem>>
    %dma_start3A_155 = tpu.memref_squeeze %dma_start3A_154 : memref<1x4x8192xf32, #tpu.memory_space<vmem>> -> memref<4x8192xf32, #tpu.memory_space<vmem>>
    tpu.enqueue_dma source(%dma_start3A_155 : memref<4x8192xf32, #tpu.memory_space<vmem>>) target(%dma_start3A_151 : memref<4x8192xf32, #tpu.memory_space<hbm>>) target_semaphore(%arg9 : memref<!tpu.dma_semaphore, #tpu.memory_space<semaphore_mem>>)
    %dma_wait3A_156 = arith.constant 0 : i32
    %dma_wait3A_157 = arith.constant 0 : i32
    %dma_wait3A_158 = arith.constant 0 : i32
    %dma_wait3A_159 = tpu.memref_slice %arg6[%dma_wait3A_156, %dma_wait3A_157, %dma_wait3A_158] : memref<2x4x8192xf32, #tpu.memory_space<vmem>> -> memref<1x4x8192xf32, #tpu.memory_space<vmem>>
    %dma_wait3A_160 = tpu.memref_squeeze %dma_wait3A_159 : memref<1x4x8192xf32, #tpu.memory_space<vmem>> -> memref<4x8192xf32, #tpu.memory_space<vmem>>
    %dma_wait3A_161 = arith.constant 0 : i32
    %dma_wait3A_162 = tpu.memref_slice %arg4[%add3A_142, %dma_wait3A_161] : memref<4096x8192xf32, #tpu.memory_space<hbm>> -> memref<4x8192xf32, #tpu.memory_space<hbm>>
    %dma_wait3A_163 = arith.constant 0 : i32
    %dma_wait3A_164 = tpu.memref_slice %arg4[%add3A_142, %dma_wait3A_163] : memref<4096x8192xf32, #tpu.memory_space<hbm>> -> memref<4x8192xf32, #tpu.memory_space<hbm>>
    %dma_wait3A_165 = arith.constant 0 : i32
    %dma_wait3A_166 = arith.constant 0 : i32
    %dma_wait3A_167 = tpu.memref_slice %arg6[%dma_wait3A_156, %dma_wait3A_165, %dma_wait3A_166] : memref<2x4x8192xf32, #tpu.memory_space<vmem>> -> memref<1x4x8192xf32, #tpu.memory_space<vmem>>
    %dma_wait3A_168 = tpu.memref_squeeze %dma_wait3A_167 : memref<1x4x8192xf32, #tpu.memory_space<vmem>> -> memref<4x8192xf32, #tpu.memory_space<vmem>>
    tpu.wait_dma2 semaphore(%arg9 : memref<!tpu.dma_semaphore, #tpu.memory_space<semaphore_mem>>) src(%dma_wait3A_168 : memref<4x8192xf32, #tpu.memory_space<vmem>>) dst(%dma_wait3A_164 : memref<4x8192xf32, #tpu.memory_space<hbm>>)
    %dma_start3A_169 = arith.constant 4 : i32
    %dma_start3A_170 = arith.constant 0 : i32
    %dma_start3A_171 = arith.constant 0 : i32
    %dma_start3A_172 = arith.constant 0 : i32
    %dma_start3A_173 = tpu.memref_slice %arg6[%dma_start3A_170, %dma_start3A_171, %dma_start3A_172] : memref<2x4x8192xf32, #tpu.memory_space<vmem>> -> memref<1x4x8192xf32, #tpu.memory_space<vmem>>
    %dma_start3A_174 = tpu.memref_squeeze %dma_start3A_173 : memref<1x4x8192xf32, #tpu.memory_space<vmem>> -> memref<4x8192xf32, #tpu.memory_space<vmem>>
    %dma_start3A_175 = arith.constant 0 : i32
    %dma_start3A_176 = tpu.memref_slice %arg5[%dma_start3A_169, %dma_start3A_175] : memref<32x4xi32, #tpu.memory_space<vmem>> -> memref<1x4xi32, #tpu.memory_space<vmem>>
    %dma_start3A_177 = tpu.memref_squeeze %dma_start3A_176 : memref<1x4xi32, #tpu.memory_space<vmem>> -> memref<4xi32, #tpu.memory_space<vmem>>
    %dma_start3A_178 = arith.constant 0 : i32
    %dma_start3A_179 = arith.constant 0 : i32
    %dma_start3A_180 = tpu.memref_slice %arg3[%dma_start3A_178, %dma_start3A_179] : memref<8192x8192xf32, #tpu.memory_space<hbm>> -> memref<8192x8192xf32, #tpu.memory_space<hbm>>
    tpu.enqueue_indirect_dma source(%dma_start3A_180 : memref<8192x8192xf32, #tpu.memory_space<hbm>>) target(%dma_start3A_174 : memref<4x8192xf32, #tpu.memory_space<vmem>>) offsets(%dma_start3A_177 : memref<4xi32, #tpu.memory_space<vmem>>) semaphore(%arg7 : memref<!tpu.dma_semaphore, #tpu.memory_space<semaphore_mem>>)
    %dma_wait3A_181 = arith.constant 3 : i32
    %dma_wait3A_182 = arith.constant 1 : i32
    %dma_wait3A_183 = arith.constant 0 : i32
    %dma_wait3A_184 = arith.constant 0 : i32
    %dma_wait3A_185 = tpu.memref_slice %arg6[%dma_wait3A_182, %dma_wait3A_183, %dma_wait3A_184] : memref<2x4x8192xf32, #tpu.memory_space<vmem>> -> memref<1x4x8192xf32, #tpu.memory_space<vmem>>
    %dma_wait3A_186 = tpu.memref_squeeze %dma_wait3A_185 : memref<1x4x8192xf32, #tpu.memory_space<vmem>> -> memref<4x8192xf32, #tpu.memory_space<vmem>>
    %dma_wait3A_187 = arith.constant 0 : i32
    %dma_wait3A_188 = tpu.memref_slice %arg5[%dma_wait3A_181, %dma_wait3A_187] : memref<32x4xi32, #tpu.memory_space<vmem>> -> memref<1x4xi32, #tpu.memory_space<vmem>>
    %dma_wait3A_189 = tpu.memref_squeeze %dma_wait3A_188 : memref<1x4xi32, #tpu.memory_space<vmem>> -> memref<4xi32, #tpu.memory_space<vmem>>
    %dma_wait3A_190 = arith.constant 0 : i32
    %dma_wait3A_191 = arith.constant 0 : i32
    %dma_wait3A_192 = tpu.memref_slice %arg3[%dma_wait3A_190, %dma_wait3A_191] : memref<8192x8192xf32, #tpu.memory_space<hbm>> -> memref<8192x8192xf32, #tpu.memory_space<hbm>>
    tpu.wait_indirect_dma semaphore(%arg8 : memref<!tpu.dma_semaphore, #tpu.memory_space<semaphore_mem>>) src(%dma_wait3A_192 : memref<8192x8192xf32, #tpu.memory_space<hbm>>) dst(%dma_wait3A_186 : memref<4x8192xf32, #tpu.memory_space<vmem>>)
    %add3A_193 = arith.constant 12 : i32
    %add3A_194 = arith.addi %mul3A_2, %add3A_193 : i32
    %dma_start3A_195 = arith.constant 1 : i32
    %dma_start3A_196 = arith.constant 0 : i32
    %dma_start3A_197 = arith.constant 0 : i32
    %dma_start3A_198 = tpu.memref_slice %arg6[%dma_start3A_195, %dma_start3A_196, %dma_start3A_197] : memref<2x4x8192xf32, #tpu.memory_space<vmem>> -> memref<1x4x8192xf32, #tpu.memory_space<vmem>>
    %dma_start3A_199 = tpu.memref_squeeze %dma_start3A_198 : memref<1x4x8192xf32, #tpu.memory_space<vmem>> -> memref<4x8192xf32, #tpu.memory_space<vmem>>
    %dma_start3A_200 = arith.constant 0 : i32
    %dma_start3A_201 = tpu.memref_slice %arg4[%add3A_194, %dma_start3A_200] : memref<4096x8192xf32, #tpu.memory_space<hbm>> -> memref<4x8192xf32, #tpu.memory_space<hbm>>
    %dma_start3A_202 = arith.constant 0 : i32
    %dma_start3A_203 = tpu.memref_slice %arg4[%add3A_194, %dma_start3A_202] : memref<4096x8192xf32, #tpu.memory_space<hbm>> -> memref<4x8192xf32, #tpu.memory_space<hbm>>
    %dma_start3A_204 = arith.constant 0 : i32
    %dma_start3A_205 = arith.constant 0 : i32
    %dma_start3A_206 = tpu.memref_slice %arg6[%dma_start3A_195, %dma_start3A_204, %dma_start3A_205] : memref<2x4x8192xf32, #tpu.memory_space<vmem>> -> memref<1x4x8192xf32, #tpu.memory_space<vmem>>
    %dma_start3A_207 = tpu.memref_squeeze %dma_start3A_206 : memref<1x4x8192xf32, #tpu.memory_space<vmem>> -> memref<4x8192xf32, #tpu.memory_space<vmem>>
    tpu.enqueue_dma source(%dma_start3A_207 : memref<4x8192xf32, #tpu.memory_space<vmem>>) target(%dma_start3A_203 : memref<4x8192xf32, #tpu.memory_space<hbm>>) target_semaphore(%arg10 : memref<!tpu.dma_semaphore, #tpu.memory_space<semaphore_mem>>)
    %dma_wait3A_208 = arith.constant 1 : i32
    %dma_wait3A_209 = arith.constant 0 : i32
    %dma_wait3A_210 = arith.constant 0 : i32
    %dma_wait3A_211 = tpu.memref_slice %arg6[%dma_wait3A_208, %dma_wait3A_209, %dma_wait3A_210] : memref<2x4x8192xf32, #tpu.memory_space<vmem>> -> memref<1x4x8192xf32, #tpu.memory_space<vmem>>
    %dma_wait3A_212 = tpu.memref_squeeze %dma_wait3A_211 : memref<1x4x8192xf32, #tpu.memory_space<vmem>> -> memref<4x8192xf32, #tpu.memory_space<vmem>>
    %dma_wait3A_213 = arith.constant 0 : i32
    %dma_wait3A_214 = tpu.memref_slice %arg4[%add3A_194, %dma_wait3A_213] : memref<4096x8192xf32, #tpu.memory_space<hbm>> -> memref<4x8192xf32, #tpu.memory_space<hbm>>
    %dma_wait3A_215 = arith.constant 0 : i32
    %dma_wait3A_216 = tpu.memref_slice %arg4[%add3A_194, %dma_wait3A_215] : memref<4096x8192xf32, #tpu.memory_space<hbm>> -> memref<4x8192xf32, #tpu.memory_space<hbm>>
    %dma_wait3A_217 = arith.constant 0 : i32
    %dma_wait3A_218 = arith.constant 0 : i32
    %dma_wait3A_219 = tpu.memref_slice %arg6[%dma_wait3A_208, %dma_wait3A_217, %dma_wait3A_218] : memref<2x4x8192xf32, #tpu.memory_space<vmem>> -> memref<1x4x8192xf32, #tpu.memory_space<vmem>>
    %dma_wait3A_220 = tpu.memref_squeeze %dma_wait3A_219 : memref<1x4x8192xf32, #tpu.memory_space<vmem>> -> memref<4x8192xf32, #tpu.memory_space<vmem>>
    tpu.wait_dma2 semaphore(%arg10 : memref<!tpu.dma_semaphore, #tpu.memory_space<semaphore_mem>>) src(%dma_wait3A_220 : memref<4x8192xf32, #tpu.memory_space<vmem>>) dst(%dma_wait3A_216 : memref<4x8192xf32, #tpu.memory_space<hbm>>)
    %dma_start3A_221 = arith.constant 5 : i32
    %dma_start3A_222 = arith.constant 1 : i32
    %dma_start3A_223 = arith.constant 0 : i32
    %dma_start3A_224 = arith.constant 0 : i32
    %dma_start3A_225 = tpu.memref_slice %arg6[%dma_start3A_222, %dma_start3A_223, %dma_start3A_224] : memref<2x4x8192xf32, #tpu.memory_space<vmem>> -> memref<1x4x8192xf32, #tpu.memory_space<vmem>>
    %dma_start3A_226 = tpu.memref_squeeze %dma_start3A_225 : memref<1x4x8192xf32, #tpu.memory_space<vmem>> -> memref<4x8192xf32, #tpu.memory_space<vmem>>
    %dma_start3A_227 = arith.constant 0 : i32
    %dma_start3A_228 = tpu.memref_slice %arg5[%dma_start3A_221, %dma_start3A_227] : memref<32x4xi32, #tpu.memory_space<vmem>> -> memref<1x4xi32, #tpu.memory_space<vmem>>
    %dma_start3A_229 = tpu.memref_squeeze %dma_start3A_228 : memref<1x4xi32, #tpu.memory_space<vmem>> -> memref<4xi32, #tpu.memory_space<vmem>>
    %dma_start3A_230 = arith.constant 0 : i32
    %dma_start3A_231 = arith.constant 0 : i32
    %dma_start3A_232 = tpu.memref_slice %arg3[%dma_start3A_230, %dma_start3A_231] : memref<8192x8192xf32, #tpu.memory_space<hbm>> -> memref<8192x8192xf32, #tpu.memory_space<hbm>>
    tpu.enqueue_indirect_dma source(%dma_start3A_232 : memref<8192x8192xf32, #tpu.memory_space<hbm>>) target(%dma_start3A_226 : memref<4x8192xf32, #tpu.memory_space<vmem>>) offsets(%dma_start3A_229 : memref<4xi32, #tpu.memory_space<vmem>>) semaphore(%arg8 : memref<!tpu.dma_semaphore, #tpu.memory_space<semaphore_mem>>)
    %dma_wait3A_233 = arith.constant 4 : i32
    %dma_wait3A_234 = arith.constant 0 : i32
    %dma_wait3A_235 = arith.constant 0 : i32
    %dma_wait3A_236 = arith.constant 0 : i32
    %dma_wait3A_237 = tpu.memref_slice %arg6[%dma_wait3A_234, %dma_wait3A_235, %dma_wait3A_236] : memref<2x4x8192xf32, #tpu.memory_space<vmem>> -> memref<1x4x8192xf32, #tpu.memory_space<vmem>>
    %dma_wait3A_238 = tpu.memref_squeeze %dma_wait3A_237 : memref<1x4x8192xf32, #tpu.memory_space<vmem>> -> memref<4x8192xf32, #tpu.memory_space<vmem>>
    %dma_wait3A_239 = arith.constant 0 : i32
    %dma_wait3A_240 = tpu.memref_slice %arg5[%dma_wait3A_233, %dma_wait3A_239] : memref<32x4xi32, #tpu.memory_space<vmem>> -> memref<1x4xi32, #tpu.memory_space<vmem>>
    %dma_wait3A_241 = tpu.memref_squeeze %dma_wait3A_240 : memref<1x4xi32, #tpu.memory_space<vmem>> -> memref<4xi32, #tpu.memory_space<vmem>>
    %dma_wait3A_242 = arith.constant 0 : i32
    %dma_wait3A_243 = arith.constant 0 : i32
    %dma_wait3A_244 = tpu.memref_slice %arg3[%dma_wait3A_242, %dma_wait3A_243] : memref<8192x8192xf32, #tpu.memory_space<hbm>> -> memref<8192x8192xf32, #tpu.memory_space<hbm>>
    tpu.wait_indirect_dma semaphore(%arg7 : memref<!tpu.dma_semaphore, #tpu.memory_space<semaphore_mem>>) src(%dma_wait3A_244 : memref<8192x8192xf32, #tpu.memory_space<hbm>>) dst(%dma_wait3A_238 : memref<4x8192xf32, #tpu.memory_space<vmem>>)
    %add3A_245 = arith.constant 16 : i32
    %add3A_246 = arith.addi %mul3A_2, %add3A_245 : i32
    %dma_start3A_247 = arith.constant 0 : i32
    %dma_start3A_248 = arith.constant 0 : i32
    %dma_start3A_249 = arith.constant 0 : i32
    %dma_start3A_250 = tpu.memref_slice %arg6[%dma_start3A_247, %dma_start3A_248, %dma_start3A_249] : memref<2x4x8192xf32, #tpu.memory_space<vmem>> -> memref<1x4x8192xf32, #tpu.memory_space<vmem>>
    %dma_start3A_251 = tpu.memref_squeeze %dma_start3A_250 : memref<1x4x8192xf32, #tpu.memory_space<vmem>> -> memref<4x8192xf32, #tpu.memory_space<vmem>>
    %dma_start3A_252 = arith.constant 0 : i32
    %dma_start3A_253 = tpu.memref_slice %arg4[%add3A_246, %dma_start3A_252] : memref<4096x8192xf32, #tpu.memory_space<hbm>> -> memref<4x8192xf32, #tpu.memory_space<hbm>>
    %dma_start3A_254 = arith.constant 0 : i32
    %dma_start3A_255 = tpu.memref_slice %arg4[%add3A_246, %dma_start3A_254] : memref<4096x8192xf32, #tpu.memory_space<hbm>> -> memref<4x8192xf32, #tpu.memory_space<hbm>>
    %dma_start3A_256 = arith.constant 0 : i32
    %dma_start3A_257 = arith.constant 0 : i32
    %dma_start3A_258 = tpu.memref_slice %arg6[%dma_start3A_247, %dma_start3A_256, %dma_start3A_257] : memref<2x4x8192xf32, #tpu.memory_space<vmem>> -> memref<1x4x8192xf32, #tpu.memory_space<vmem>>
    %dma_start3A_259 = tpu.memref_squeeze %dma_start3A_258 : memref<1x4x8192xf32, #tpu.memory_space<vmem>> -> memref<4x8192xf32, #tpu.memory_space<vmem>>
    tpu.enqueue_dma source(%dma_start3A_259 : memref<4x8192xf32, #tpu.memory_space<vmem>>) target(%dma_start3A_255 : memref<4x8192xf32, #tpu.memory_space<hbm>>) target_semaphore(%arg9 : memref<!tpu.dma_semaphore, #tpu.memory_space<semaphore_mem>>)
    %dma_wait3A_260 = arith.constant 0 : i32
    %dma_wait3A_261 = arith.constant 0 : i32
    %dma_wait3A_262 = arith.constant 0 : i32
    %dma_wait3A_263 = tpu.memref_slice %arg6[%dma_wait3A_260, %dma_wait3A_261, %dma_wait3A_262] : memref<2x4x8192xf32, #tpu.memory_space<vmem>> -> memref<1x4x8192xf32, #tpu.memory_space<vmem>>
    %dma_wait3A_264 = tpu.memref_squeeze %dma_wait3A_263 : memref<1x4x8192xf32, #tpu.memory_space<vmem>> -> memref<4x8192xf32, #tpu.memory_space<vmem>>
    %dma_wait3A_265 = arith.constant 0 : i32
    %dma_wait3A_266 = tpu.memref_slice %arg4[%add3A_246, %dma_wait3A_265] : memref<4096x8192xf32, #tpu.memory_space<hbm>> -> memref<4x8192xf32, #tpu.memory_space<hbm>>
    %dma_wait3A_267 = arith.constant 0 : i32
    %dma_wait3A_268 = tpu.memref_slice %arg4[%add3A_246, %dma_wait3A_267] : memref<4096x8192xf32, #tpu.memory_space<hbm>> -> memref<4x8192xf32, #tpu.memory_space<hbm>>
    %dma_wait3A_269 = arith.constant 0 : i32
    %dma_wait3A_270 = arith.constant 0 : i32
    %dma_wait3A_271 = tpu.memref_slice %arg6[%dma_wait3A_260, %dma_wait3A_269, %dma_wait3A_270] : memref<2x4x8192xf32, #tpu.memory_space<vmem>> -> memref<1x4x8192xf32, #tpu.memory_space<vmem>>
    %dma_wait3A_272 = tpu.memref_squeeze %dma_wait3A_271 : memref<1x4x8192xf32, #tpu.memory_space<vmem>> -> memref<4x8192xf32, #tpu.memory_space<vmem>>
    tpu.wait_dma2 semaphore(%arg9 : memref<!tpu.dma_semaphore, #tpu.memory_space<semaphore_mem>>) src(%dma_wait3A_272 : memref<4x8192xf32, #tpu.memory_space<vmem>>) dst(%dma_wait3A_268 : memref<4x8192xf32, #tpu.memory_space<hbm>>)
    %dma_start3A_273 = arith.constant 6 : i32
    %dma_start3A_274 = arith.constant 0 : i32
    %dma_start3A_275 = arith.constant 0 : i32
    %dma_start3A_276 = arith.constant 0 : i32
    %dma_start3A_277 = tpu.memref_slice %arg6[%dma_start3A_274, %dma_start3A_275, %dma_start3A_276] : memref<2x4x8192xf32, #tpu.memory_space<vmem>> -> memref<1x4x8192xf32, #tpu.memory_space<vmem>>
    %dma_start3A_278 = tpu.memref_squeeze %dma_start3A_277 : memref<1x4x8192xf32, #tpu.memory_space<vmem>> -> memref<4x8192xf32, #tpu.memory_space<vmem>>
    %dma_start3A_279 = arith.constant 0 : i32
    %dma_start3A_280 = tpu.memref_slice %arg5[%dma_start3A_273, %dma_start3A_279] : memref<32x4xi32, #tpu.memory_space<vmem>> -> memref<1x4xi32, #tpu.memory_space<vmem>>
    %dma_start3A_281 = tpu.memref_squeeze %dma_start3A_280 : memref<1x4xi32, #tpu.memory_space<vmem>> -> memref<4xi32, #tpu.memory_space<vmem>>
    %dma_start3A_282 = arith.constant 0 : i32
    %dma_start3A_283 = arith.constant 0 : i32
    %dma_start3A_284 = tpu.memref_slice %arg3[%dma_start3A_282, %dma_start3A_283] : memref<8192x8192xf32, #tpu.memory_space<hbm>> -> memref<8192x8192xf32, #tpu.memory_space<hbm>>
    tpu.enqueue_indirect_dma source(%dma_start3A_284 : memref<8192x8192xf32, #tpu.memory_space<hbm>>) target(%dma_start3A_278 : memref<4x8192xf32, #tpu.memory_space<vmem>>) offsets(%dma_start3A_281 : memref<4xi32, #tpu.memory_space<vmem>>) semaphore(%arg7 : memref<!tpu.dma_semaphore, #tpu.memory_space<semaphore_mem>>)
    %dma_wait3A_285 = arith.constant 5 : i32
    %dma_wait3A_286 = arith.constant 1 : i32
    %dma_wait3A_287 = arith.constant 0 : i32
    %dma_wait3A_288 = arith.constant 0 : i32
    %dma_wait3A_289 = tpu.memref_slice %arg6[%dma_wait3A_286, %dma_wait3A_287, %dma_wait3A_288] : memref<2x4x8192xf32, #tpu.memory_space<vmem>> -> memref<1x4x8192xf32, #tpu.memory_space<vmem>>
    %dma_wait3A_290 = tpu.memref_squeeze %dma_wait3A_289 : memref<1x4x8192xf32, #tpu.memory_space<vmem>> -> memref<4x8192xf32, #tpu.memory_space<vmem>>
    %dma_wait3A_291 = arith.constant 0 : i32
    %dma_wait3A_292 = tpu.memref_slice %arg5[%dma_wait3A_285, %dma_wait3A_291] : memref<32x4xi32, #tpu.memory_space<vmem>> -> memref<1x4xi32, #tpu.memory_space<vmem>>
    %dma_wait3A_293 = tpu.memref_squeeze %dma_wait3A_292 : memref<1x4xi32, #tpu.memory_space<vmem>> -> memref<4xi32, #tpu.memory_space<vmem>>
    %dma_wait3A_294 = arith.constant 0 : i32
    %dma_wait3A_295 = arith.constant 0 : i32
    %dma_wait3A_296 = tpu.memref_slice %arg3[%dma_wait3A_294, %dma_wait3A_295] : memref<8192x8192xf32, #tpu.memory_space<hbm>> -> memref<8192x8192xf32, #tpu.memory_space<hbm>>
    tpu.wait_indirect_dma semaphore(%arg8 : memref<!tpu.dma_semaphore, #tpu.memory_space<semaphore_mem>>) src(%dma_wait3A_296 : memref<8192x8192xf32, #tpu.memory_space<hbm>>) dst(%dma_wait3A_290 : memref<4x8192xf32, #tpu.memory_space<vmem>>)
    %add3A_297 = arith.constant 20 : i32
    %add3A_298 = arith.addi %mul3A_2, %add3A_297 : i32
    %dma_start3A_299 = arith.constant 1 : i32
    %dma_start3A_300 = arith.constant 0 : i32
    %dma_start3A_301 = arith.constant 0 : i32
    %dma_start3A_302 = tpu.memref_slice %arg6[%dma_start3A_299, %dma_start3A_300, %dma_start3A_301] : memref<2x4x8192xf32, #tpu.memory_space<vmem>> -> memref<1x4x8192xf32, #tpu.memory_space<vmem>>
    %dma_start3A_303 = tpu.memref_squeeze %dma_start3A_302 : memref<1x4x8192xf32, #tpu.memory_space<vmem>> -> memref<4x8192xf32, #tpu.memory_space<vmem>>
    %dma_start3A_304 = arith.constant 0 : i32
    %dma_start3A_305 = tpu.memref_slice %arg4[%add3A_298, %dma_start3A_304] : memref<4096x8192xf32, #tpu.memory_space<hbm>> -> memref<4x8192xf32, #tpu.memory_space<hbm>>
    %dma_start3A_306 = arith.constant 0 : i32
    %dma_start3A_307 = tpu.memref_slice %arg4[%add3A_298, %dma_start3A_306] : memref<4096x8192xf32, #tpu.memory_space<hbm>> -> memref<4x8192xf32, #tpu.memory_space<hbm>>
    %dma_start3A_308 = arith.constant 0 : i32
    %dma_start3A_309 = arith.constant 0 : i32
    %dma_start3A_310 = tpu.memref_slice %arg6[%dma_start3A_299, %dma_start3A_308, %dma_start3A_309] : memref<2x4x8192xf32, #tpu.memory_space<vmem>> -> memref<1x4x8192xf32, #tpu.memory_space<vmem>>
    %dma_start3A_311 = tpu.memref_squeeze %dma_start3A_310 : memref<1x4x8192xf32, #tpu.memory_space<vmem>> -> memref<4x8192xf32, #tpu.memory_space<vmem>>
    tpu.enqueue_dma source(%dma_start3A_311 : memref<4x8192xf32, #tpu.memory_space<vmem>>) target(%dma_start3A_307 : memref<4x8192xf32, #tpu.memory_space<hbm>>) target_semaphore(%arg10 : memref<!tpu.dma_semaphore, #tpu.memory_space<semaphore_mem>>)
    %dma_wait3A_312 = arith.constant 1 : i32
    %dma_wait3A_313 = arith.constant 0 : i32
    %dma_wait3A_314 = arith.constant 0 : i32
    %dma_wait3A_315 = tpu.memref_slice %arg6[%dma_wait3A_312, %dma_wait3A_313, %dma_wait3A_314] : memref<2x4x8192xf32, #tpu.memory_space<vmem>> -> memref<1x4x8192xf32, #tpu.memory_space<vmem>>
    %dma_wait3A_316 = tpu.memref_squeeze %dma_wait3A_315 : memref<1x4x8192xf32, #tpu.memory_space<vmem>> -> memref<4x8192xf32, #tpu.memory_space<vmem>>
    %dma_wait3A_317 = arith.constant 0 : i32
    %dma_wait3A_318 = tpu.memref_slice %arg4[%add3A_298, %dma_wait3A_317] : memref<4096x8192xf32, #tpu.memory_space<hbm>> -> memref<4x8192xf32, #tpu.memory_space<hbm>>
    %dma_wait3A_319 = arith.constant 0 : i32
    %dma_wait3A_320 = tpu.memref_slice %arg4[%add3A_298, %dma_wait3A_319] : memref<4096x8192xf32, #tpu.memory_space<hbm>> -> memref<4x8192xf32, #tpu.memory_space<hbm>>
    %dma_wait3A_321 = arith.constant 0 : i32
    %dma_wait3A_322 = arith.constant 0 : i32
    %dma_wait3A_323 = tpu.memref_slice %arg6[%dma_wait3A_312, %dma_wait3A_321, %dma_wait3A_322] : memref<2x4x8192xf32, #tpu.memory_space<vmem>> -> memref<1x4x8192xf32, #tpu.memory_space<vmem>>
    %dma_wait3A_324 = tpu.memref_squeeze %dma_wait3A_323 : memref<1x4x8192xf32, #tpu.memory_space<vmem>> -> memref<4x8192xf32, #tpu.memory_space<vmem>>
    tpu.wait_dma2 semaphore(%arg10 : memref<!tpu.dma_semaphore, #tpu.memory_space<semaphore_mem>>) src(%dma_wait3A_324 : memref<4x8192xf32, #tpu.memory_space<vmem>>) dst(%dma_wait3A_320 : memref<4x8192xf32, #tpu.memory_space<hbm>>)
    %dma_start3A_325 = arith.constant 7 : i32
    %dma_start3A_326 = arith.constant 1 : i32
    %dma_start3A_327 = arith.constant 0 : i32
    %dma_start3A_328 = arith.constant 0 : i32
    %dma_start3A_329 = tpu.memref_slice %arg6[%dma_start3A_326, %dma_start3A_327, %dma_start3A_328] : memref<2x4x8192xf32, #tpu.memory_space<vmem>> -> memref<1x4x8192xf32, #tpu.memory_space<vmem>>
    %dma_start3A_330 = tpu.memref_squeeze %dma_start3A_329 : memref<1x4x8192xf32, #tpu.memory_space<vmem>> -> memref<4x8192xf32, #tpu.memory_space<vmem>>
    %dma_start3A_331 = arith.constant 0 : i32
    %dma_start3A_332 = tpu.memref_slice %arg5[%dma_start3A_325, %dma_start3A_331] : memref<32x4xi32, #tpu.memory_space<vmem>> -> memref<1x4xi32, #tpu.memory_space<vmem>>
    %dma_start3A_333 = tpu.memref_squeeze %dma_start3A_332 : memref<1x4xi32, #tpu.memory_space<vmem>> -> memref<4xi32, #tpu.memory_space<vmem>>
    %dma_start3A_334 = arith.constant 0 : i32
    %dma_start3A_335 = arith.constant 0 : i32
    %dma_start3A_336 = tpu.memref_slice %arg3[%dma_start3A_334, %dma_start3A_335] : memref<8192x8192xf32, #tpu.memory_space<hbm>> -> memref<8192x8192xf32, #tpu.memory_space<hbm>>
    tpu.enqueue_indirect_dma source(%dma_start3A_336 : memref<8192x8192xf32, #tpu.memory_space<hbm>>) target(%dma_start3A_330 : memref<4x8192xf32, #tpu.memory_space<vmem>>) offsets(%dma_start3A_333 : memref<4xi32, #tpu.memory_space<vmem>>) semaphore(%arg8 : memref<!tpu.dma_semaphore, #tpu.memory_space<semaphore_mem>>)
    %dma_wait3A_337 = arith.constant 6 : i32
    %dma_wait3A_338 = arith.constant 0 : i32
    %dma_wait3A_339 = arith.constant 0 : i32
    %dma_wait3A_340 = arith.constant 0 : i32
    %dma_wait3A_341 = tpu.memref_slice %arg6[%dma_wait3A_338, %dma_wait3A_339, %dma_wait3A_340] : memref<2x4x8192xf32, #tpu.memory_space<vmem>> -> memref<1x4x8192xf32, #tpu.memory_space<vmem>>
    %dma_wait3A_342 = tpu.memref_squeeze %dma_wait3A_341 : memref<1x4x8192xf32, #tpu.memory_space<vmem>> -> memref<4x8192xf32, #tpu.memory_space<vmem>>
    %dma_wait3A_343 = arith.constant 0 : i32
    %dma_wait3A_344 = tpu.memref_slice %arg5[%dma_wait3A_337, %dma_wait3A_343] : memref<32x4xi32, #tpu.memory_space<vmem>> -> memref<1x4xi32, #tpu.memory_space<vmem>>
    %dma_wait3A_345 = tpu.memref_squeeze %dma_wait3A_344 : memref<1x4xi32, #tpu.memory_space<vmem>> -> memref<4xi32, #tpu.memory_space<vmem>>
    %dma_wait3A_346 = arith.constant 0 : i32
    %dma_wait3A_347 = arith.constant 0 : i32
    %dma_wait3A_348 = tpu.memref_slice %arg3[%dma_wait3A_346, %dma_wait3A_347] : memref<8192x8192xf32, #tpu.memory_space<hbm>> -> memref<8192x8192xf32, #tpu.memory_space<hbm>>
    tpu.wait_indirect_dma semaphore(%arg7 : memref<!tpu.dma_semaphore, #tpu.memory_space<semaphore_mem>>) src(%dma_wait3A_348 : memref<8192x8192xf32, #tpu.memory_space<hbm>>) dst(%dma_wait3A_342 : memref<4x8192xf32, #tpu.memory_space<vmem>>)
    %add3A_349 = arith.constant 24 : i32
    %add3A_350 = arith.addi %mul3A_2, %add3A_349 : i32
    %dma_start3A_351 = arith.constant 0 : i32
    %dma_start3A_352 = arith.constant 0 : i32
    %dma_start3A_353 = arith.constant 0 : i32
    %dma_start3A_354 = tpu.memref_slice %arg6[%dma_start3A_351, %dma_start3A_352, %dma_start3A_353] : memref<2x4x8192xf32, #tpu.memory_space<vmem>> -> memref<1x4x8192xf32, #tpu.memory_space<vmem>>
    %dma_start3A_355 = tpu.memref_squeeze %dma_start3A_354 : memref<1x4x8192xf32, #tpu.memory_space<vmem>> -> memref<4x8192xf32, #tpu.memory_space<vmem>>
    %dma_start3A_356 = arith.constant 0 : i32
    %dma_start3A_357 = tpu.memref_slice %arg4[%add3A_350, %dma_start3A_356] : memref<4096x8192xf32, #tpu.memory_space<hbm>> -> memref<4x8192xf32, #tpu.memory_space<hbm>>
    %dma_start3A_358 = arith.constant 0 : i32
    %dma_start3A_359 = tpu.memref_slice %arg4[%add3A_350, %dma_start3A_358] : memref<4096x8192xf32, #tpu.memory_space<hbm>> -> memref<4x8192xf32, #tpu.memory_space<hbm>>
    %dma_start3A_360 = arith.constant 0 : i32
    %dma_start3A_361 = arith.constant 0 : i32
    %dma_start3A_362 = tpu.memref_slice %arg6[%dma_start3A_351, %dma_start3A_360, %dma_start3A_361] : memref<2x4x8192xf32, #tpu.memory_space<vmem>> -> memref<1x4x8192xf32, #tpu.memory_space<vmem>>
    %dma_start3A_363 = tpu.memref_squeeze %dma_start3A_362 : memref<1x4x8192xf32, #tpu.memory_space<vmem>> -> memref<4x8192xf32, #tpu.memory_space<vmem>>
    tpu.enqueue_dma source(%dma_start3A_363 : memref<4x8192xf32, #tpu.memory_space<vmem>>) target(%dma_start3A_359 : memref<4x8192xf32, #tpu.memory_space<hbm>>) target_semaphore(%arg9 : memref<!tpu.dma_semaphore, #tpu.memory_space<semaphore_mem>>)
    %dma_wait3A_364 = arith.constant 0 : i32
    %dma_wait3A_365 = arith.constant 0 : i32
    %dma_wait3A_366 = arith.constant 0 : i32
    %dma_wait3A_367 = tpu.memref_slice %arg6[%dma_wait3A_364, %dma_wait3A_365, %dma_wait3A_366] : memref<2x4x8192xf32, #tpu.memory_space<vmem>> -> memref<1x4x8192xf32, #tpu.memory_space<vmem>>
    %dma_wait3A_368 = tpu.memref_squeeze %dma_wait3A_367 : memref<1x4x8192xf32, #tpu.memory_space<vmem>> -> memref<4x8192xf32, #tpu.memory_space<vmem>>
    %dma_wait3A_369 = arith.constant 0 : i32
    %dma_wait3A_370 = tpu.memref_slice %arg4[%add3A_350, %dma_wait3A_369] : memref<4096x8192xf32, #tpu.memory_space<hbm>> -> memref<4x8192xf32, #tpu.memory_space<hbm>>
    %dma_wait3A_371 = arith.constant 0 : i32
    %dma_wait3A_372 = tpu.memref_slice %arg4[%add3A_350, %dma_wait3A_371] : memref<4096x8192xf32, #tpu.memory_space<hbm>> -> memref<4x8192xf32, #tpu.memory_space<hbm>>
    %dma_wait3A_373 = arith.constant 0 : i32
    %dma_wait3A_374 = arith.constant 0 : i32
    %dma_wait3A_375 = tpu.memref_slice %arg6[%dma_wait3A_364, %dma_wait3A_373, %dma_wait3A_374] : memref<2x4x8192xf32, #tpu.memory_space<vmem>> -> memref<1x4x8192xf32, #tpu.memory_space<vmem>>
    %dma_wait3A_376 = tpu.memref_squeeze %dma_wait3A_375 : memref<1x4x8192xf32, #tpu.memory_space<vmem>> -> memref<4x8192xf32, #tpu.memory_space<vmem>>
    tpu.wait_dma2 semaphore(%arg9 : memref<!tpu.dma_semaphore, #tpu.memory_space<semaphore_mem>>) src(%dma_wait3A_376 : memref<4x8192xf32, #tpu.memory_space<vmem>>) dst(%dma_wait3A_372 : memref<4x8192xf32, #tpu.memory_space<hbm>>)
    %dma_start3A_377 = arith.constant 8 : i32
    %dma_start3A_378 = arith.constant 0 : i32
    %dma_start3A_379 = arith.constant 0 : i32
    %dma_start3A_380 = arith.constant 0 : i32
    %dma_start3A_381 = tpu.memref_slice %arg6[%dma_start3A_378, %dma_start3A_379, %dma_start3A_380] : memref<2x4x8192xf32, #tpu.memory_space<vmem>> -> memref<1x4x8192xf32, #tpu.memory_space<vmem>>
    %dma_start3A_382 = tpu.memref_squeeze %dma_start3A_381 : memref<1x4x8192xf32, #tpu.memory_space<vmem>> -> memref<4x8192xf32, #tpu.memory_space<vmem>>
    %dma_start3A_383 = arith.constant 0 : i32
    %dma_start3A_384 = tpu.memref_slice %arg5[%dma_start3A_377, %dma_start3A_383] : memref<32x4xi32, #tpu.memory_space<vmem>> -> memref<1x4xi32, #tpu.memory_space<vmem>>
    %dma_start3A_385 = tpu.memref_squeeze %dma_start3A_384 : memref<1x4xi32, #tpu.memory_space<vmem>> -> memref<4xi32, #tpu.memory_space<vmem>>
    %dma_start3A_386 = arith.constant 0 : i32
    %dma_start3A_387 = arith.constant 0 : i32
    %dma_start3A_388 = tpu.memref_slice %arg3[%dma_start3A_386, %dma_start3A_387] : memref<8192x8192xf32, #tpu.memory_space<hbm>> -> memref<8192x8192xf32, #tpu.memory_space<hbm>>
    tpu.enqueue_indirect_dma source(%dma_start3A_388 : memref<8192x8192xf32, #tpu.memory_space<hbm>>) target(%dma_start3A_382 : memref<4x8192xf32, #tpu.memory_space<vmem>>) offsets(%dma_start3A_385 : memref<4xi32, #tpu.memory_space<vmem>>) semaphore(%arg7 : memref<!tpu.dma_semaphore, #tpu.memory_space<semaphore_mem>>)
    %dma_wait3A_389 = arith.constant 7 : i32
    %dma_wait3A_390 = arith.constant 1 : i32
    %dma_wait3A_391 = arith.constant 0 : i32
    %dma_wait3A_392 = arith.constant 0 : i32
    %dma_wait3A_393 = tpu.memref_slice %arg6[%dma_wait3A_390, %dma_wait3A_391, %dma_wait3A_392] : memref<2x4x8192xf32, #tpu.memory_space<vmem>> -> memref<1x4x8192xf32, #tpu.memory_space<vmem>>
    %dma_wait3A_394 = tpu.memref_squeeze %dma_wait3A_393 : memref<1x4x8192xf32, #tpu.memory_space<vmem>> -> memref<4x8192xf32, #tpu.memory_space<vmem>>
    %dma_wait3A_395 = arith.constant 0 : i32
    %dma_wait3A_396 = tpu.memref_slice %arg5[%dma_wait3A_389, %dma_wait3A_395] : memref<32x4xi32, #tpu.memory_space<vmem>> -> memref<1x4xi32, #tpu.memory_space<vmem>>
    %dma_wait3A_397 = tpu.memref_squeeze %dma_wait3A_396 : memref<1x4xi32, #tpu.memory_space<vmem>> -> memref<4xi32, #tpu.memory_space<vmem>>
    %dma_wait3A_398 = arith.constant 0 : i32
    %dma_wait3A_399 = arith.constant 0 : i32
    %dma_wait3A_400 = tpu.memref_slice %arg3[%dma_wait3A_398, %dma_wait3A_399] : memref<8192x8192xf32, #tpu.memory_space<hbm>> -> memref<8192x8192xf32, #tpu.memory_space<hbm>>
    tpu.wait_indirect_dma semaphore(%arg8 : memref<!tpu.dma_semaphore, #tpu.memory_space<semaphore_mem>>) src(%dma_wait3A_400 : memref<8192x8192xf32, #tpu.memory_space<hbm>>) dst(%dma_wait3A_394 : memref<4x8192xf32, #tpu.memory_space<vmem>>)
    %add3A_401 = arith.constant 28 : i32
    %add3A_402 = arith.addi %mul3A_2, %add3A_401 : i32
    %dma_start3A_403 = arith.constant 1 : i32
    %dma_start3A_404 = arith.constant 0 : i32
    %dma_start3A_405 = arith.constant 0 : i32
    %dma_start3A_406 = tpu.memref_slice %arg6[%dma_start3A_403, %dma_start3A_404, %dma_start3A_405] : memref<2x4x8192xf32, #tpu.memory_space<vmem>> -> memref<1x4x8192xf32, #tpu.memory_space<vmem>>
    %dma_start3A_407 = tpu.memref_squeeze %dma_start3A_406 : memref<1x4x8192xf32, #tpu.memory_space<vmem>> -> memref<4x8192xf32, #tpu.memory_space<vmem>>
    %dma_start3A_408 = arith.constant 0 : i32
    %dma_start3A_409 = tpu.memref_slice %arg4[%add3A_402, %dma_start3A_408] : memref<4096x8192xf32, #tpu.memory_space<hbm>> -> memref<4x8192xf32, #tpu.memory_space<hbm>>
    %dma_start3A_410 = arith.constant 0 : i32
    %dma_start3A_411 = tpu.memref_slice %arg4[%add3A_402, %dma_start3A_410] : memref<4096x8192xf32, #tpu.memory_space<hbm>> -> memref<4x8192xf32, #tpu.memory_space<hbm>>
    %dma_start3A_412 = arith.constant 0 : i32
    %dma_start3A_413 = arith.constant 0 : i32
    %dma_start3A_414 = tpu.memref_slice %arg6[%dma_start3A_403, %dma_start3A_412, %dma_start3A_413] : memref<2x4x8192xf32, #tpu.memory_space<vmem>> -> memref<1x4x8192xf32, #tpu.memory_space<vmem>>
    %dma_start3A_415 = tpu.memref_squeeze %dma_start3A_414 : memref<1x4x8192xf32, #tpu.memory_space<vmem>> -> memref<4x8192xf32, #tpu.memory_space<vmem>>
    tpu.enqueue_dma source(%dma_start3A_415 : memref<4x8192xf32, #tpu.memory_space<vmem>>) target(%dma_start3A_411 : memref<4x8192xf32, #tpu.memory_space<hbm>>) target_semaphore(%arg10 : memref<!tpu.dma_semaphore, #tpu.memory_space<semaphore_mem>>)
    %dma_wait3A_416 = arith.constant 1 : i32
    %dma_wait3A_417 = arith.constant 0 : i32
    %dma_wait3A_418 = arith.constant 0 : i32
    %dma_wait3A_419 = tpu.memref_slice %arg6[%dma_wait3A_416, %dma_wait3A_417, %dma_wait3A_418] : memref<2x4x8192xf32, #tpu.memory_space<vmem>> -> memref<1x4x8192xf32, #tpu.memory_space<vmem>>
    %dma_wait3A_420 = tpu.memref_squeeze %dma_wait3A_419 : memref<1x4x8192xf32, #tpu.memory_space<vmem>> -> memref<4x8192xf32, #tpu.memory_space<vmem>>
    %dma_wait3A_421 = arith.constant 0 : i32
    %dma_wait3A_422 = tpu.memref_slice %arg4[%add3A_402, %dma_wait3A_421] : memref<4096x8192xf32, #tpu.memory_space<hbm>> -> memref<4x8192xf32, #tpu.memory_space<hbm>>
    %dma_wait3A_423 = arith.constant 0 : i32
    %dma_wait3A_424 = tpu.memref_slice %arg4[%add3A_402, %dma_wait3A_423] : memref<4096x8192xf32, #tpu.memory_space<hbm>> -> memref<4x8192xf32, #tpu.memory_space<hbm>>
    %dma_wait3A_425 = arith.constant 0 : i32
    %dma_wait3A_426 = arith.constant 0 : i32
    %dma_wait3A_427 = tpu.memref_slice %arg6[%dma_wait3A_416, %dma_wait3A_425, %dma_wait3A_426] : memref<2x4x8192xf32, #tpu.memory_space<vmem>> -> memref<1x4x8192xf32, #tpu.memory_space<vmem>>
    %dma_wait3A_428 = tpu.memref_squeeze %dma_wait3A_427 : memref<1x4x8192xf32, #tpu.memory_space<vmem>> -> memref<4x8192xf32, #tpu.memory_space<vmem>>
    tpu.wait_dma2 semaphore(%arg10 : memref<!tpu.dma_semaphore, #tpu.memory_space<semaphore_mem>>) src(%dma_wait3A_428 : memref<4x8192xf32, #tpu.memory_space<vmem>>) dst(%dma_wait3A_424 : memref<4x8192xf32, #tpu.memory_space<hbm>>)
    %dma_start3A_429 = arith.constant 9 : i32
    %dma_start3A_430 = arith.constant 1 : i32
    %dma_start3A_431 = arith.constant 0 : i32
    %dma_start3A_432 = arith.constant 0 : i32
    %dma_start3A_433 = tpu.memref_slice %arg6[%dma_start3A_430, %dma_start3A_431, %dma_start3A_432] : memref<2x4x8192xf32, #tpu.memory_space<vmem>> -> memref<1x4x8192xf32, #tpu.memory_space<vmem>>
    %dma_start3A_434 = tpu.memref_squeeze %dma_start3A_433 : memref<1x4x8192xf32, #tpu.memory_space<vmem>> -> memref<4x8192xf32, #tpu.memory_space<vmem>>
    %dma_start3A_435 = arith.constant 0 : i32
    %dma_start3A_436 = tpu.memref_slice %arg5[%dma_start3A_429, %dma_start3A_435] : memref<32x4xi32, #tpu.memory_space<vmem>> -> memref<1x4xi32, #tpu.memory_space<vmem>>
    %dma_start3A_437 = tpu.memref_squeeze %dma_start3A_436 : memref<1x4xi32, #tpu.memory_space<vmem>> -> memref<4xi32, #tpu.memory_space<vmem>>
    %dma_start3A_438 = arith.constant 0 : i32
    %dma_start3A_439 = arith.constant 0 : i32
    %dma_start3A_440 = tpu.memref_slice %arg3[%dma_start3A_438, %dma_start3A_439] : memref<8192x8192xf32, #tpu.memory_space<hbm>> -> memref<8192x8192xf32, #tpu.memory_space<hbm>>
    tpu.enqueue_indirect_dma source(%dma_start3A_440 : memref<8192x8192xf32, #tpu.memory_space<hbm>>) target(%dma_start3A_434 : memref<4x8192xf32, #tpu.memory_space<vmem>>) offsets(%dma_start3A_437 : memref<4xi32, #tpu.memory_space<vmem>>) semaphore(%arg8 : memref<!tpu.dma_semaphore, #tpu.memory_space<semaphore_mem>>)
    %dma_wait3A_441 = arith.constant 8 : i32
    %dma_wait3A_442 = arith.constant 0 : i32
    %dma_wait3A_443 = arith.constant 0 : i32
    %dma_wait3A_444 = arith.constant 0 : i32
    %dma_wait3A_445 = tpu.memref_slice %arg6[%dma_wait3A_442, %dma_wait3A_443, %dma_wait3A_444] : memref<2x4x8192xf32, #tpu.memory_space<vmem>> -> memref<1x4x8192xf32, #tpu.memory_space<vmem>>
    %dma_wait3A_446 = tpu.memref_squeeze %dma_wait3A_445 : memref<1x4x8192xf32, #tpu.memory_space<vmem>> -> memref<4x8192xf32, #tpu.memory_space<vmem>>
    %dma_wait3A_447 = arith.constant 0 : i32
    %dma_wait3A_448 = tpu.memref_slice %arg5[%dma_wait3A_441, %dma_wait3A_447] : memref<32x4xi32, #tpu.memory_space<vmem>> -> memref<1x4xi32, #tpu.memory_space<vmem>>
    %dma_wait3A_449 = tpu.memref_squeeze %dma_wait3A_448 : memref<1x4xi32, #tpu.memory_space<vmem>> -> memref<4xi32, #tpu.memory_space<vmem>>
    %dma_wait3A_450 = arith.constant 0 : i32
    %dma_wait3A_451 = arith.constant 0 : i32
    %dma_wait3A_452 = tpu.memref_slice %arg3[%dma_wait3A_450, %dma_wait3A_451] : memref<8192x8192xf32, #tpu.memory_space<hbm>> -> memref<8192x8192xf32, #tpu.memory_space<hbm>>
    tpu.wait_indirect_dma semaphore(%arg7 : memref<!tpu.dma_semaphore, #tpu.memory_space<semaphore_mem>>) src(%dma_wait3A_452 : memref<8192x8192xf32, #tpu.memory_space<hbm>>) dst(%dma_wait3A_446 : memref<4x8192xf32, #tpu.memory_space<vmem>>)
    %add3A_453 = arith.constant 32 : i32
    %add3A_454 = arith.addi %mul3A_2, %add3A_453 : i32
    %dma_start3A_455 = arith.constant 0 : i32
    %dma_start3A_456 = arith.constant 0 : i32
    %dma_start3A_457 = arith.constant 0 : i32
    %dma_start3A_458 = tpu.memref_slice %arg6[%dma_start3A_455, %dma_start3A_456, %dma_start3A_457] : memref<2x4x8192xf32, #tpu.memory_space<vmem>> -> memref<1x4x8192xf32, #tpu.memory_space<vmem>>
    %dma_start3A_459 = tpu.memref_squeeze %dma_start3A_458 : memref<1x4x8192xf32, #tpu.memory_space<vmem>> -> memref<4x8192xf32, #tpu.memory_space<vmem>>
    %dma_start3A_460 = arith.constant 0 : i32
    %dma_start3A_461 = tpu.memref_slice %arg4[%add3A_454, %dma_start3A_460] : memref<4096x8192xf32, #tpu.memory_space<hbm>> -> memref<4x8192xf32, #tpu.memory_space<hbm>>
    %dma_start3A_462 = arith.constant 0 : i32
    %dma_start3A_463 = tpu.memref_slice %arg4[%add3A_454, %dma_start3A_462] : memref<4096x8192xf32, #tpu.memory_space<hbm>> -> memref<4x8192xf32, #tpu.memory_space<hbm>>
    %dma_start3A_464 = arith.constant 0 : i32
    %dma_start3A_465 = arith.constant 0 : i32
    %dma_start3A_466 = tpu.memref_slice %arg6[%dma_start3A_455, %dma_start3A_464, %dma_start3A_465] : memref<2x4x8192xf32, #tpu.memory_space<vmem>> -> memref<1x4x8192xf32, #tpu.memory_space<vmem>>
    %dma_start3A_467 = tpu.memref_squeeze %dma_start3A_466 : memref<1x4x8192xf32, #tpu.memory_space<vmem>> -> memref<4x8192xf32, #tpu.memory_space<vmem>>
    tpu.enqueue_dma source(%dma_start3A_467 : memref<4x8192xf32, #tpu.memory_space<vmem>>) target(%dma_start3A_463 : memref<4x8192xf32, #tpu.memory_space<hbm>>) target_semaphore(%arg9 : memref<!tpu.dma_semaphore, #tpu.memory_space<semaphore_mem>>)
    %dma_wait3A_468 = arith.constant 0 : i32
    %dma_wait3A_469 = arith.constant 0 : i32
    %dma_wait3A_470 = arith.constant 0 : i32
    %dma_wait3A_471 = tpu.memref_slice %arg6[%dma_wait3A_468, %dma_wait3A_469, %dma_wait3A_470] : memref<2x4x8192xf32, #tpu.memory_space<vmem>> -> memref<1x4x8192xf32, #tpu.memory_space<vmem>>
    %dma_wait3A_472 = tpu.memref_squeeze %dma_wait3A_471 : memref<1x4x8192xf32, #tpu.memory_space<vmem>> -> memref<4x8192xf32, #tpu.memory_space<vmem>>
    %dma_wait3A_473 = arith.constant 0 : i32
    %dma_wait3A_474 = tpu.memref_slice %arg4[%add3A_454, %dma_wait3A_473] : memref<4096x8192xf32, #tpu.memory_space<hbm>> -> memref<4x8192xf32, #tpu.memory_space<hbm>>
    %dma_wait3A_475 = arith.constant 0 : i32
    %dma_wait3A_476 = tpu.memref_slice %arg4[%add3A_454, %dma_wait3A_475] : memref<4096x8192xf32, #tpu.memory_space<hbm>> -> memref<4x8192xf32, #tpu.memory_space<hbm>>
    %dma_wait3A_477 = arith.constant 0 : i32
    %dma_wait3A_478 = arith.constant 0 : i32
    %dma_wait3A_479 = tpu.memref_slice %arg6[%dma_wait3A_468, %dma_wait3A_477, %dma_wait3A_478] : memref<2x4x8192xf32, #tpu.memory_space<vmem>> -> memref<1x4x8192xf32, #tpu.memory_space<vmem>>
    %dma_wait3A_480 = tpu.memref_squeeze %dma_wait3A_479 : memref<1x4x8192xf32, #tpu.memory_space<vmem>> -> memref<4x8192xf32, #tpu.memory_space<vmem>>
    tpu.wait_dma2 semaphore(%arg9 : memref<!tpu.dma_semaphore, #tpu.memory_space<semaphore_mem>>) src(%dma_wait3A_480 : memref<4x8192xf32, #tpu.memory_space<vmem>>) dst(%dma_wait3A_476 : memref<4x8192xf32, #tpu.memory_space<hbm>>)
    %dma_start3A_481 = arith.constant 10 : i32
    %dma_start3A_482 = arith.constant 0 : i32
    %dma_start3A_483 = arith.constant 0 : i32
    %dma_start3A_484 = arith.constant 0 : i32
    %dma_start3A_485 = tpu.memref_slice %arg6[%dma_start3A_482, %dma_start3A_483, %dma_start3A_484] : memref<2x4x8192xf32, #tpu.memory_space<vmem>> -> memref<1x4x8192xf32, #tpu.memory_space<vmem>>
    %dma_start3A_486 = tpu.memref_squeeze %dma_start3A_485 : memref<1x4x8192xf32, #tpu.memory_space<vmem>> -> memref<4x8192xf32, #tpu.memory_space<vmem>>
    %dma_start3A_487 = arith.constant 0 : i32
    %dma_start3A_488 = tpu.memref_slice %arg5[%dma_start3A_481, %dma_start3A_487] : memref<32x4xi32, #tpu.memory_space<vmem>> -> memref<1x4xi32, #tpu.memory_space<vmem>>
    %dma_start3A_489 = tpu.memref_squeeze %dma_start3A_488 : memref<1x4xi32, #tpu.memory_space<vmem>> -> memref<4xi32, #tpu.memory_space<vmem>>
    %dma_start3A_490 = arith.constant 0 : i32
    %dma_start3A_491 = arith.constant 0 : i32
    %dma_start3A_492 = tpu.memref_slice %arg3[%dma_start3A_490, %dma_start3A_491] : memref<8192x8192xf32, #tpu.memory_space<hbm>> -> memref<8192x8192xf32, #tpu.memory_space<hbm>>
    tpu.enqueue_indirect_dma source(%dma_start3A_492 : memref<8192x8192xf32, #tpu.memory_space<hbm>>) target(%dma_start3A_486 : memref<4x8192xf32, #tpu.memory_space<vmem>>) offsets(%dma_start3A_489 : memref<4xi32, #tpu.memory_space<vmem>>) semaphore(%arg7 : memref<!tpu.dma_semaphore, #tpu.memory_space<semaphore_mem>>)
    %dma_wait3A_493 = arith.constant 9 : i32
    %dma_wait3A_494 = arith.constant 1 : i32
    %dma_wait3A_495 = arith.constant 0 : i32
    %dma_wait3A_496 = arith.constant 0 : i32
    %dma_wait3A_497 = tpu.memref_slice %arg6[%dma_wait3A_494, %dma_wait3A_495, %dma_wait3A_496] : memref<2x4x8192xf32, #tpu.memory_space<vmem>> -> memref<1x4x8192xf32, #tpu.memory_space<vmem>>
    %dma_wait3A_498 = tpu.memref_squeeze %dma_wait3A_497 : memref<1x4x8192xf32, #tpu.memory_space<vmem>> -> memref<4x8192xf32, #tpu.memory_space<vmem>>
    %dma_wait3A_499 = arith.constant 0 : i32
    %dma_wait3A_500 = tpu.memref_slice %arg5[%dma_wait3A_493, %dma_wait3A_499] : memref<32x4xi32, #tpu.memory_space<vmem>> -> memref<1x4xi32, #tpu.memory_space<vmem>>
    %dma_wait3A_501 = tpu.memref_squeeze %dma_wait3A_500 : memref<1x4xi32, #tpu.memory_space<vmem>> -> memref<4xi32, #tpu.memory_space<vmem>>
    %dma_wait3A_502 = arith.constant 0 : i32
    %dma_wait3A_503 = arith.constant 0 : i32
    %dma_wait3A_504 = tpu.memref_slice %arg3[%dma_wait3A_502, %dma_wait3A_503] : memref<8192x8192xf32, #tpu.memory_space<hbm>> -> memref<8192x8192xf32, #tpu.memory_space<hbm>>
    tpu.wait_indirect_dma semaphore(%arg8 : memref<!tpu.dma_semaphore, #tpu.memory_space<semaphore_mem>>) src(%dma_wait3A_504 : memref<8192x8192xf32, #tpu.memory_space<hbm>>) dst(%dma_wait3A_498 : memref<4x8192xf32, #tpu.memory_space<vmem>>)
    %add3A_505 = arith.constant 36 : i32
    %add3A_506 = arith.addi %mul3A_2, %add3A_505 : i32
    %dma_start3A_507 = arith.constant 1 : i32
    %dma_start3A_508 = arith.constant 0 : i32
    %dma_start3A_509 = arith.constant 0 : i32
    %dma_start3A_510 = tpu.memref_slice %arg6[%dma_start3A_507, %dma_start3A_508, %dma_start3A_509] : memref<2x4x8192xf32, #tpu.memory_space<vmem>> -> memref<1x4x8192xf32, #tpu.memory_space<vmem>>
    %dma_start3A_511 = tpu.memref_squeeze %dma_start3A_510 : memref<1x4x8192xf32, #tpu.memory_space<vmem>> -> memref<4x8192xf32, #tpu.memory_space<vmem>>
    %dma_start3A_512 = arith.constant 0 : i32
    %dma_start3A_513 = tpu.memref_slice %arg4[%add3A_506, %dma_start3A_512] : memref<4096x8192xf32, #tpu.memory_space<hbm>> -> memref<4x8192xf32, #tpu.memory_space<hbm>>
    %dma_start3A_514 = arith.constant 0 : i32
    %dma_start3A_515 = tpu.memref_slice %arg4[%add3A_506, %dma_start3A_514] : memref<4096x8192xf32, #tpu.memory_space<hbm>> -> memref<4x8192xf32, #tpu.memory_space<hbm>>
    %dma_start3A_516 = arith.constant 0 : i32
    %dma_start3A_517 = arith.constant 0 : i32
    %dma_start3A_518 = tpu.memref_slice %arg6[%dma_start3A_507, %dma_start3A_516, %dma_start3A_517] : memref<2x4x8192xf32, #tpu.memory_space<vmem>> -> memref<1x4x8192xf32, #tpu.memory_space<vmem>>
    %dma_start3A_519 = tpu.memref_squeeze %dma_start3A_518 : memref<1x4x8192xf32, #tpu.memory_space<vmem>> -> memref<4x8192xf32, #tpu.memory_space<vmem>>
    tpu.enqueue_dma source(%dma_start3A_519 : memref<4x8192xf32, #tpu.memory_space<vmem>>) target(%dma_start3A_515 : memref<4x8192xf32, #tpu.memory_space<hbm>>) target_semaphore(%arg10 : memref<!tpu.dma_semaphore, #tpu.memory_space<semaphore_mem>>)
    %dma_wait3A_520 = arith.constant 1 : i32
    %dma_wait3A_521 = arith.constant 0 : i32
    %dma_wait3A_522 = arith.constant 0 : i32
    %dma_wait3A_523 = tpu.memref_slice %arg6[%dma_wait3A_520, %dma_wait3A_521, %dma_wait3A_522] : memref<2x4x8192xf32, #tpu.memory_space<vmem>> -> memref<1x4x8192xf32, #tpu.memory_space<vmem>>
    %dma_wait3A_524 = tpu.memref_squeeze %dma_wait3A_523 : memref<1x4x8192xf32, #tpu.memory_space<vmem>> -> memref<4x8192xf32, #tpu.memory_space<vmem>>
    %dma_wait3A_525 = arith.constant 0 : i32
    %dma_wait3A_526 = tpu.memref_slice %arg4[%add3A_506, %dma_wait3A_525] : memref<4096x8192xf32, #tpu.memory_space<hbm>> -> memref<4x8192xf32, #tpu.memory_space<hbm>>
    %dma_wait3A_527 = arith.constant 0 : i32
    %dma_wait3A_528 = tpu.memref_slice %arg4[%add3A_506, %dma_wait3A_527] : memref<4096x8192xf32, #tpu.memory_space<hbm>> -> memref<4x8192xf32, #tpu.memory_space<hbm>>
    %dma_wait3A_529 = arith.constant 0 : i32
    %dma_wait3A_530 = arith.constant 0 : i32
    %dma_wait3A_531 = tpu.memref_slice %arg6[%dma_wait3A_520, %dma_wait3A_529, %dma_wait3A_530] : memref<2x4x8192xf32, #tpu.memory_space<vmem>> -> memref<1x4x8192xf32, #tpu.memory_space<vmem>>
    %dma_wait3A_532 = tpu.memref_squeeze %dma_wait3A_531 : memref<1x4x8192xf32, #tpu.memory_space<vmem>> -> memref<4x8192xf32, #tpu.memory_space<vmem>>
    tpu.wait_dma2 semaphore(%arg10 : memref<!tpu.dma_semaphore, #tpu.memory_space<semaphore_mem>>) src(%dma_wait3A_532 : memref<4x8192xf32, #tpu.memory_space<vmem>>) dst(%dma_wait3A_528 : memref<4x8192xf32, #tpu.memory_space<hbm>>)
    %dma_start3A_533 = arith.constant 11 : i32
    %dma_start3A_534 = arith.constant 1 : i32
    %dma_start3A_535 = arith.constant 0 : i32
    %dma_start3A_536 = arith.constant 0 : i32
    %dma_start3A_537 = tpu.memref_slice %arg6[%dma_start3A_534, %dma_start3A_535, %dma_start3A_536] : memref<2x4x8192xf32, #tpu.memory_space<vmem>> -> memref<1x4x8192xf32, #tpu.memory_space<vmem>>
    %dma_start3A_538 = tpu.memref_squeeze %dma_start3A_537 : memref<1x4x8192xf32, #tpu.memory_space<vmem>> -> memref<4x8192xf32, #tpu.memory_space<vmem>>
    %dma_start3A_539 = arith.constant 0 : i32
    %dma_start3A_540 = tpu.memref_slice %arg5[%dma_start3A_533, %dma_start3A_539] : memref<32x4xi32, #tpu.memory_space<vmem>> -> memref<1x4xi32, #tpu.memory_space<vmem>>
    %dma_start3A_541 = tpu.memref_squeeze %dma_start3A_540 : memref<1x4xi32, #tpu.memory_space<vmem>> -> memref<4xi32, #tpu.memory_space<vmem>>
    %dma_start3A_542 = arith.constant 0 : i32
    %dma_start3A_543 = arith.constant 0 : i32
    %dma_start3A_544 = tpu.memref_slice %arg3[%dma_start3A_542, %dma_start3A_543] : memref<8192x8192xf32, #tpu.memory_space<hbm>> -> memref<8192x8192xf32, #tpu.memory_space<hbm>>
    tpu.enqueue_indirect_dma source(%dma_start3A_544 : memref<8192x8192xf32, #tpu.memory_space<hbm>>) target(%dma_start3A_538 : memref<4x8192xf32, #tpu.memory_space<vmem>>) offsets(%dma_start3A_541 : memref<4xi32, #tpu.memory_space<vmem>>) semaphore(%arg8 : memref<!tpu.dma_semaphore, #tpu.memory_space<semaphore_mem>>)
    %dma_wait3A_545 = arith.constant 10 : i32
    %dma_wait3A_546 = arith.constant 0 : i32
    %dma_wait3A_547 = arith.constant 0 : i32
    %dma_wait3A_548 = arith.constant 0 : i32
    %dma_wait3A_549 = tpu.memref_slice %arg6[%dma_wait3A_546, %dma_wait3A_547, %dma_wait3A_548] : memref<2x4x8192xf32, #tpu.memory_space<vmem>> -> memref<1x4x8192xf32, #tpu.memory_space<vmem>>
    %dma_wait3A_550 = tpu.memref_squeeze %dma_wait3A_549 : memref<1x4x8192xf32, #tpu.memory_space<vmem>> -> memref<4x8192xf32, #tpu.memory_space<vmem>>
    %dma_wait3A_551 = arith.constant 0 : i32
    %dma_wait3A_552 = tpu.memref_slice %arg5[%dma_wait3A_545, %dma_wait3A_551] : memref<32x4xi32, #tpu.memory_space<vmem>> -> memref<1x4xi32, #tpu.memory_space<vmem>>
    %dma_wait3A_553 = tpu.memref_squeeze %dma_wait3A_552 : memref<1x4xi32, #tpu.memory_space<vmem>> -> memref<4xi32, #tpu.memory_space<vmem>>
    %dma_wait3A_554 = arith.constant 0 : i32
    %dma_wait3A_555 = arith.constant 0 : i32
    %dma_wait3A_556 = tpu.memref_slice %arg3[%dma_wait3A_554, %dma_wait3A_555] : memref<8192x8192xf32, #tpu.memory_space<hbm>> -> memref<8192x8192xf32, #tpu.memory_space<hbm>>
    tpu.wait_indirect_dma semaphore(%arg7 : memref<!tpu.dma_semaphore, #tpu.memory_space<semaphore_mem>>) src(%dma_wait3A_556 : memref<8192x8192xf32, #tpu.memory_space<hbm>>) dst(%dma_wait3A_550 : memref<4x8192xf32, #tpu.memory_space<vmem>>)
    %add3A_557 = arith.constant 40 : i32
    %add3A_558 = arith.addi %mul3A_2, %add3A_557 : i32
    %dma_start3A_559 = arith.constant 0 : i32
    %dma_start3A_560 = arith.constant 0 : i32
    %dma_start3A_561 = arith.constant 0 : i32
    %dma_start3A_562 = tpu.memref_slice %arg6[%dma_start3A_559, %dma_start3A_560, %dma_start3A_561] : memref<2x4x8192xf32, #tpu.memory_space<vmem>> -> memref<1x4x8192xf32, #tpu.memory_space<vmem>>
    %dma_start3A_563 = tpu.memref_squeeze %dma_start3A_562 : memref<1x4x8192xf32, #tpu.memory_space<vmem>> -> memref<4x8192xf32, #tpu.memory_space<vmem>>
    %dma_start3A_564 = arith.constant 0 : i32
    %dma_start3A_565 = tpu.memref_slice %arg4[%add3A_558, %dma_start3A_564] : memref<4096x8192xf32, #tpu.memory_space<hbm>> -> memref<4x8192xf32, #tpu.memory_space<hbm>>
    %dma_start3A_566 = arith.constant 0 : i32
    %dma_start3A_567 = tpu.memref_slice %arg4[%add3A_558, %dma_start3A_566] : memref<4096x8192xf32, #tpu.memory_space<hbm>> -> memref<4x8192xf32, #tpu.memory_space<hbm>>
    %dma_start3A_568 = arith.constant 0 : i32
    %dma_start3A_569 = arith.constant 0 : i32
    %dma_start3A_570 = tpu.memref_slice %arg6[%dma_start3A_559, %dma_start3A_568, %dma_start3A_569] : memref<2x4x8192xf32, #tpu.memory_space<vmem>> -> memref<1x4x8192xf32, #tpu.memory_space<vmem>>
    %dma_start3A_571 = tpu.memref_squeeze %dma_start3A_570 : memref<1x4x8192xf32, #tpu.memory_space<vmem>> -> memref<4x8192xf32, #tpu.memory_space<vmem>>
    tpu.enqueue_dma source(%dma_start3A_571 : memref<4x8192xf32, #tpu.memory_space<vmem>>) target(%dma_start3A_567 : memref<4x8192xf32, #tpu.memory_space<hbm>>) target_semaphore(%arg9 : memref<!tpu.dma_semaphore, #tpu.memory_space<semaphore_mem>>)
    %dma_wait3A_572 = arith.constant 0 : i32
    %dma_wait3A_573 = arith.constant 0 : i32
    %dma_wait3A_574 = arith.constant 0 : i32
    %dma_wait3A_575 = tpu.memref_slice %arg6[%dma_wait3A_572, %dma_wait3A_573, %dma_wait3A_574] : memref<2x4x8192xf32, #tpu.memory_space<vmem>> -> memref<1x4x8192xf32, #tpu.memory_space<vmem>>
    %dma_wait3A_576 = tpu.memref_squeeze %dma_wait3A_575 : memref<1x4x8192xf32, #tpu.memory_space<vmem>> -> memref<4x8192xf32, #tpu.memory_space<vmem>>
    %dma_wait3A_577 = arith.constant 0 : i32
    %dma_wait3A_578 = tpu.memref_slice %arg4[%add3A_558, %dma_wait3A_577] : memref<4096x8192xf32, #tpu.memory_space<hbm>> -> memref<4x8192xf32, #tpu.memory_space<hbm>>
    %dma_wait3A_579 = arith.constant 0 : i32
    %dma_wait3A_580 = tpu.memref_slice %arg4[%add3A_558, %dma_wait3A_579] : memref<4096x8192xf32, #tpu.memory_space<hbm>> -> memref<4x8192xf32, #tpu.memory_space<hbm>>
    %dma_wait3A_581 = arith.constant 0 : i32
    %dma_wait3A_582 = arith.constant 0 : i32
    %dma_wait3A_583 = tpu.memref_slice %arg6[%dma_wait3A_572, %dma_wait3A_581, %dma_wait3A_582] : memref<2x4x8192xf32, #tpu.memory_space<vmem>> -> memref<1x4x8192xf32, #tpu.memory_space<vmem>>
    %dma_wait3A_584 = tpu.memref_squeeze %dma_wait3A_583 : memref<1x4x8192xf32, #tpu.memory_space<vmem>> -> memref<4x8192xf32, #tpu.memory_space<vmem>>
    tpu.wait_dma2 semaphore(%arg9 : memref<!tpu.dma_semaphore, #tpu.memory_space<semaphore_mem>>) src(%dma_wait3A_584 : memref<4x8192xf32, #tpu.memory_space<vmem>>) dst(%dma_wait3A_580 : memref<4x8192xf32, #tpu.memory_space<hbm>>)
    %dma_start3A_585 = arith.constant 12 : i32
    %dma_start3A_586 = arith.constant 0 : i32
    %dma_start3A_587 = arith.constant 0 : i32
    %dma_start3A_588 = arith.constant 0 : i32
    %dma_start3A_589 = tpu.memref_slice %arg6[%dma_start3A_586, %dma_start3A_587, %dma_start3A_588] : memref<2x4x8192xf32, #tpu.memory_space<vmem>> -> memref<1x4x8192xf32, #tpu.memory_space<vmem>>
    %dma_start3A_590 = tpu.memref_squeeze %dma_start3A_589 : memref<1x4x8192xf32, #tpu.memory_space<vmem>> -> memref<4x8192xf32, #tpu.memory_space<vmem>>
    %dma_start3A_591 = arith.constant 0 : i32
    %dma_start3A_592 = tpu.memref_slice %arg5[%dma_start3A_585, %dma_start3A_591] : memref<32x4xi32, #tpu.memory_space<vmem>> -> memref<1x4xi32, #tpu.memory_space<vmem>>
    %dma_start3A_593 = tpu.memref_squeeze %dma_start3A_592 : memref<1x4xi32, #tpu.memory_space<vmem>> -> memref<4xi32, #tpu.memory_space<vmem>>
    %dma_start3A_594 = arith.constant 0 : i32
    %dma_start3A_595 = arith.constant 0 : i32
    %dma_start3A_596 = tpu.memref_slice %arg3[%dma_start3A_594, %dma_start3A_595] : memref<8192x8192xf32, #tpu.memory_space<hbm>> -> memref<8192x8192xf32, #tpu.memory_space<hbm>>
    tpu.enqueue_indirect_dma source(%dma_start3A_596 : memref<8192x8192xf32, #tpu.memory_space<hbm>>) target(%dma_start3A_590 : memref<4x8192xf32, #tpu.memory_space<vmem>>) offsets(%dma_start3A_593 : memref<4xi32, #tpu.memory_space<vmem>>) semaphore(%arg7 : memref<!tpu.dma_semaphore, #tpu.memory_space<semaphore_mem>>)
    %dma_wait3A_597 = arith.constant 11 : i32
    %dma_wait3A_598 = arith.constant 1 : i32
    %dma_wait3A_599 = arith.constant 0 : i32
    %dma_wait3A_600 = arith.constant 0 : i32
    %dma_wait3A_601 = tpu.memref_slice %arg6[%dma_wait3A_598, %dma_wait3A_599, %dma_wait3A_600] : memref<2x4x8192xf32, #tpu.memory_space<vmem>> -> memref<1x4x8192xf32, #tpu.memory_space<vmem>>
    %dma_wait3A_602 = tpu.memref_squeeze %dma_wait3A_601 : memref<1x4x8192xf32, #tpu.memory_space<vmem>> -> memref<4x8192xf32, #tpu.memory_space<vmem>>
    %dma_wait3A_603 = arith.constant 0 : i32
    %dma_wait3A_604 = tpu.memref_slice %arg5[%dma_wait3A_597, %dma_wait3A_603] : memref<32x4xi32, #tpu.memory_space<vmem>> -> memref<1x4xi32, #tpu.memory_space<vmem>>
    %dma_wait3A_605 = tpu.memref_squeeze %dma_wait3A_604 : memref<1x4xi32, #tpu.memory_space<vmem>> -> memref<4xi32, #tpu.memory_space<vmem>>
    %dma_wait3A_606 = arith.constant 0 : i32
    %dma_wait3A_607 = arith.constant 0 : i32
    %dma_wait3A_608 = tpu.memref_slice %arg3[%dma_wait3A_606, %dma_wait3A_607] : memref<8192x8192xf32, #tpu.memory_space<hbm>> -> memref<8192x8192xf32, #tpu.memory_space<hbm>>
    tpu.wait_indirect_dma semaphore(%arg8 : memref<!tpu.dma_semaphore, #tpu.memory_space<semaphore_mem>>) src(%dma_wait3A_608 : memref<8192x8192xf32, #tpu.memory_space<hbm>>) dst(%dma_wait3A_602 : memref<4x8192xf32, #tpu.memory_space<vmem>>)
    %add3A_609 = arith.constant 44 : i32
    %add3A_610 = arith.addi %mul3A_2, %add3A_609 : i32
    %dma_start3A_611 = arith.constant 1 : i32
    %dma_start3A_612 = arith.constant 0 : i32
    %dma_start3A_613 = arith.constant 0 : i32
    %dma_start3A_614 = tpu.memref_slice %arg6[%dma_start3A_611, %dma_start3A_612, %dma_start3A_613] : memref<2x4x8192xf32, #tpu.memory_space<vmem>> -> memref<1x4x8192xf32, #tpu.memory_space<vmem>>
    %dma_start3A_615 = tpu.memref_squeeze %dma_start3A_614 : memref<1x4x8192xf32, #tpu.memory_space<vmem>> -> memref<4x8192xf32, #tpu.memory_space<vmem>>
    %dma_start3A_616 = arith.constant 0 : i32
    %dma_start3A_617 = tpu.memref_slice %arg4[%add3A_610, %dma_start3A_616] : memref<4096x8192xf32, #tpu.memory_space<hbm>> -> memref<4x8192xf32, #tpu.memory_space<hbm>>
    %dma_start3A_618 = arith.constant 0 : i32
    %dma_start3A_619 = tpu.memref_slice %arg4[%add3A_610, %dma_start3A_618] : memref<4096x8192xf32, #tpu.memory_space<hbm>> -> memref<4x8192xf32, #tpu.memory_space<hbm>>
    %dma_start3A_620 = arith.constant 0 : i32
    %dma_start3A_621 = arith.constant 0 : i32
    %dma_start3A_622 = tpu.memref_slice %arg6[%dma_start3A_611, %dma_start3A_620, %dma_start3A_621] : memref<2x4x8192xf32, #tpu.memory_space<vmem>> -> memref<1x4x8192xf32, #tpu.memory_space<vmem>>
    %dma_start3A_623 = tpu.memref_squeeze %dma_start3A_622 : memref<1x4x8192xf32, #tpu.memory_space<vmem>> -> memref<4x8192xf32, #tpu.memory_space<vmem>>
    tpu.enqueue_dma source(%dma_start3A_623 : memref<4x8192xf32, #tpu.memory_space<vmem>>) target(%dma_start3A_619 : memref<4x8192xf32, #tpu.memory_space<hbm>>) target_semaphore(%arg10 : memref<!tpu.dma_semaphore, #tpu.memory_space<semaphore_mem>>)
    %dma_wait3A_624 = arith.constant 1 : i32
    %dma_wait3A_625 = arith.constant 0 : i32
    %dma_wait3A_626 = arith.constant 0 : i32
    %dma_wait3A_627 = tpu.memref_slice %arg6[%dma_wait3A_624, %dma_wait3A_625, %dma_wait3A_626] : memref<2x4x8192xf32, #tpu.memory_space<vmem>> -> memref<1x4x8192xf32, #tpu.memory_space<vmem>>
    %dma_wait3A_628 = tpu.memref_squeeze %dma_wait3A_627 : memref<1x4x8192xf32, #tpu.memory_space<vmem>> -> memref<4x8192xf32, #tpu.memory_space<vmem>>
    %dma_wait3A_629 = arith.constant 0 : i32
    %dma_wait3A_630 = tpu.memref_slice %arg4[%add3A_610, %dma_wait3A_629] : memref<4096x8192xf32, #tpu.memory_space<hbm>> -> memref<4x8192xf32, #tpu.memory_space<hbm>>
    %dma_wait3A_631 = arith.constant 0 : i32
    %dma_wait3A_632 = tpu.memref_slice %arg4[%add3A_610, %dma_wait3A_631] : memref<4096x8192xf32, #tpu.memory_space<hbm>> -> memref<4x8192xf32, #tpu.memory_space<hbm>>
    %dma_wait3A_633 = arith.constant 0 : i32
    %dma_wait3A_634 = arith.constant 0 : i32
    %dma_wait3A_635 = tpu.memref_slice %arg6[%dma_wait3A_624, %dma_wait3A_633, %dma_wait3A_634] : memref<2x4x8192xf32, #tpu.memory_space<vmem>> -> memref<1x4x8192xf32, #tpu.memory_space<vmem>>
    %dma_wait3A_636 = tpu.memref_squeeze %dma_wait3A_635 : memref<1x4x8192xf32, #tpu.memory_space<vmem>> -> memref<4x8192xf32, #tpu.memory_space<vmem>>
    tpu.wait_dma2 semaphore(%arg10 : memref<!tpu.dma_semaphore, #tpu.memory_space<semaphore_mem>>) src(%dma_wait3A_636 : memref<4x8192xf32, #tpu.memory_space<vmem>>) dst(%dma_wait3A_632 : memref<4x8192xf32, #tpu.memory_space<hbm>>)
    %dma_start3A_637 = arith.constant 13 : i32
    %dma_start3A_638 = arith.constant 1 : i32
    %dma_start3A_639 = arith.constant 0 : i32
    %dma_start3A_640 = arith.constant 0 : i32
    %dma_start3A_641 = tpu.memref_slice %arg6[%dma_start3A_638, %dma_start3A_639, %dma_start3A_640] : memref<2x4x8192xf32, #tpu.memory_space<vmem>> -> memref<1x4x8192xf32, #tpu.memory_space<vmem>>
    %dma_start3A_642 = tpu.memref_squeeze %dma_start3A_641 : memref<1x4x8192xf32, #tpu.memory_space<vmem>> -> memref<4x8192xf32, #tpu.memory_space<vmem>>
    %dma_start3A_643 = arith.constant 0 : i32
    %dma_start3A_644 = tpu.memref_slice %arg5[%dma_start3A_637, %dma_start3A_643] : memref<32x4xi32, #tpu.memory_space<vmem>> -> memref<1x4xi32, #tpu.memory_space<vmem>>
    %dma_start3A_645 = tpu.memref_squeeze %dma_start3A_644 : memref<1x4xi32, #tpu.memory_space<vmem>> -> memref<4xi32, #tpu.memory_space<vmem>>
    %dma_start3A_646 = arith.constant 0 : i32
    %dma_start3A_647 = arith.constant 0 : i32
    %dma_start3A_648 = tpu.memref_slice %arg3[%dma_start3A_646, %dma_start3A_647] : memref<8192x8192xf32, #tpu.memory_space<hbm>> -> memref<8192x8192xf32, #tpu.memory_space<hbm>>
    tpu.enqueue_indirect_dma source(%dma_start3A_648 : memref<8192x8192xf32, #tpu.memory_space<hbm>>) target(%dma_start3A_642 : memref<4x8192xf32, #tpu.memory_space<vmem>>) offsets(%dma_start3A_645 : memref<4xi32, #tpu.memory_space<vmem>>) semaphore(%arg8 : memref<!tpu.dma_semaphore, #tpu.memory_space<semaphore_mem>>)
    %dma_wait3A_649 = arith.constant 12 : i32
    %dma_wait3A_650 = arith.constant 0 : i32
    %dma_wait3A_651 = arith.constant 0 : i32
    %dma_wait3A_652 = arith.constant 0 : i32
    %dma_wait3A_653 = tpu.memref_slice %arg6[%dma_wait3A_650, %dma_wait3A_651, %dma_wait3A_652] : memref<2x4x8192xf32, #tpu.memory_space<vmem>> -> memref<1x4x8192xf32, #tpu.memory_space<vmem>>
    %dma_wait3A_654 = tpu.memref_squeeze %dma_wait3A_653 : memref<1x4x8192xf32, #tpu.memory_space<vmem>> -> memref<4x8192xf32, #tpu.memory_space<vmem>>
    %dma_wait3A_655 = arith.constant 0 : i32
    %dma_wait3A_656 = tpu.memref_slice %arg5[%dma_wait3A_649, %dma_wait3A_655] : memref<32x4xi32, #tpu.memory_space<vmem>> -> memref<1x4xi32, #tpu.memory_space<vmem>>
    %dma_wait3A_657 = tpu.memref_squeeze %dma_wait3A_656 : memref<1x4xi32, #tpu.memory_space<vmem>> -> memref<4xi32, #tpu.memory_space<vmem>>
    %dma_wait3A_658 = arith.constant 0 : i32
    %dma_wait3A_659 = arith.constant 0 : i32
    %dma_wait3A_660 = tpu.memref_slice %arg3[%dma_wait3A_658, %dma_wait3A_659] : memref<8192x8192xf32, #tpu.memory_space<hbm>> -> memref<8192x8192xf32, #tpu.memory_space<hbm>>
    tpu.wait_indirect_dma semaphore(%arg7 : memref<!tpu.dma_semaphore, #tpu.memory_space<semaphore_mem>>) src(%dma_wait3A_660 : memref<8192x8192xf32, #tpu.memory_space<hbm>>) dst(%dma_wait3A_654 : memref<4x8192xf32, #tpu.memory_space<vmem>>)
    %add3A_661 = arith.constant 48 : i32
    %add3A_662 = arith.addi %mul3A_2, %add3A_661 : i32
    %dma_start3A_663 = arith.constant 0 : i32
    %dma_start3A_664 = arith.constant 0 : i32
    %dma_start3A_665 = arith.constant 0 : i32
    %dma_start3A_666 = tpu.memref_slice %arg6[%dma_start3A_663, %dma_start3A_664, %dma_start3A_665] : memref<2x4x8192xf32, #tpu.memory_space<vmem>> -> memref<1x4x8192xf32, #tpu.memory_space<vmem>>
    %dma_start3A_667 = tpu.memref_squeeze %dma_start3A_666 : memref<1x4x8192xf32, #tpu.memory_space<vmem>> -> memref<4x8192xf32, #tpu.memory_space<vmem>>
    %dma_start3A_668 = arith.constant 0 : i32
    %dma_start3A_669 = tpu.memref_slice %arg4[%add3A_662, %dma_start3A_668] : memref<4096x8192xf32, #tpu.memory_space<hbm>> -> memref<4x8192xf32, #tpu.memory_space<hbm>>
    %dma_start3A_670 = arith.constant 0 : i32
    %dma_start3A_671 = tpu.memref_slice %arg4[%add3A_662, %dma_start3A_670] : memref<4096x8192xf32, #tpu.memory_space<hbm>> -> memref<4x8192xf32, #tpu.memory_space<hbm>>
    %dma_start3A_672 = arith.constant 0 : i32
    %dma_start3A_673 = arith.constant 0 : i32
    %dma_start3A_674 = tpu.memref_slice %arg6[%dma_start3A_663, %dma_start3A_672, %dma_start3A_673] : memref<2x4x8192xf32, #tpu.memory_space<vmem>> -> memref<1x4x8192xf32, #tpu.memory_space<vmem>>
    %dma_start3A_675 = tpu.memref_squeeze %dma_start3A_674 : memref<1x4x8192xf32, #tpu.memory_space<vmem>> -> memref<4x8192xf32, #tpu.memory_space<vmem>>
    tpu.enqueue_dma source(%dma_start3A_675 : memref<4x8192xf32, #tpu.memory_space<vmem>>) target(%dma_start3A_671 : memref<4x8192xf32, #tpu.memory_space<hbm>>) target_semaphore(%arg9 : memref<!tpu.dma_semaphore, #tpu.memory_space<semaphore_mem>>)
    %dma_wait3A_676 = arith.constant 0 : i32
    %dma_wait3A_677 = arith.constant 0 : i32
    %dma_wait3A_678 = arith.constant 0 : i32
    %dma_wait3A_679 = tpu.memref_slice %arg6[%dma_wait3A_676, %dma_wait3A_677, %dma_wait3A_678] : memref<2x4x8192xf32, #tpu.memory_space<vmem>> -> memref<1x4x8192xf32, #tpu.memory_space<vmem>>
    %dma_wait3A_680 = tpu.memref_squeeze %dma_wait3A_679 : memref<1x4x8192xf32, #tpu.memory_space<vmem>> -> memref<4x8192xf32, #tpu.memory_space<vmem>>
    %dma_wait3A_681 = arith.constant 0 : i32
    %dma_wait3A_682 = tpu.memref_slice %arg4[%add3A_662, %dma_wait3A_681] : memref<4096x8192xf32, #tpu.memory_space<hbm>> -> memref<4x8192xf32, #tpu.memory_space<hbm>>
    %dma_wait3A_683 = arith.constant 0 : i32
    %dma_wait3A_684 = tpu.memref_slice %arg4[%add3A_662, %dma_wait3A_683] : memref<4096x8192xf32, #tpu.memory_space<hbm>> -> memref<4x8192xf32, #tpu.memory_space<hbm>>
    %dma_wait3A_685 = arith.constant 0 : i32
    %dma_wait3A_686 = arith.constant 0 : i32
    %dma_wait3A_687 = tpu.memref_slice %arg6[%dma_wait3A_676, %dma_wait3A_685, %dma_wait3A_686] : memref<2x4x8192xf32, #tpu.memory_space<vmem>> -> memref<1x4x8192xf32, #tpu.memory_space<vmem>>
    %dma_wait3A_688 = tpu.memref_squeeze %dma_wait3A_687 : memref<1x4x8192xf32, #tpu.memory_space<vmem>> -> memref<4x8192xf32, #tpu.memory_space<vmem>>
    tpu.wait_dma2 semaphore(%arg9 : memref<!tpu.dma_semaphore, #tpu.memory_space<semaphore_mem>>) src(%dma_wait3A_688 : memref<4x8192xf32, #tpu.memory_space<vmem>>) dst(%dma_wait3A_684 : memref<4x8192xf32, #tpu.memory_space<hbm>>)
    %dma_start3A_689 = arith.constant 14 : i32
    %dma_start3A_690 = arith.constant 0 : i32
    %dma_start3A_691 = arith.constant 0 : i32
    %dma_start3A_692 = arith.constant 0 : i32
    %dma_start3A_693 = tpu.memref_slice %arg6[%dma_start3A_690, %dma_start3A_691, %dma_start3A_692] : memref<2x4x8192xf32, #tpu.memory_space<vmem>> -> memref<1x4x8192xf32, #tpu.memory_space<vmem>>
    %dma_start3A_694 = tpu.memref_squeeze %dma_start3A_693 : memref<1x4x8192xf32, #tpu.memory_space<vmem>> -> memref<4x8192xf32, #tpu.memory_space<vmem>>
    %dma_start3A_695 = arith.constant 0 : i32
    %dma_start3A_696 = tpu.memref_slice %arg5[%dma_start3A_689, %dma_start3A_695] : memref<32x4xi32, #tpu.memory_space<vmem>> -> memref<1x4xi32, #tpu.memory_space<vmem>>
    %dma_start3A_697 = tpu.memref_squeeze %dma_start3A_696 : memref<1x4xi32, #tpu.memory_space<vmem>> -> memref<4xi32, #tpu.memory_space<vmem>>
    %dma_start3A_698 = arith.constant 0 : i32
    %dma_start3A_699 = arith.constant 0 : i32
    %dma_start3A_700 = tpu.memref_slice %arg3[%dma_start3A_698, %dma_start3A_699] : memref<8192x8192xf32, #tpu.memory_space<hbm>> -> memref<8192x8192xf32, #tpu.memory_space<hbm>>
    tpu.enqueue_indirect_dma source(%dma_start3A_700 : memref<8192x8192xf32, #tpu.memory_space<hbm>>) target(%dma_start3A_694 : memref<4x8192xf32, #tpu.memory_space<vmem>>) offsets(%dma_start3A_697 : memref<4xi32, #tpu.memory_space<vmem>>) semaphore(%arg7 : memref<!tpu.dma_semaphore, #tpu.memory_space<semaphore_mem>>)
    %dma_wait3A_701 = arith.constant 13 : i32
    %dma_wait3A_702 = arith.constant 1 : i32
    %dma_wait3A_703 = arith.constant 0 : i32
    %dma_wait3A_704 = arith.constant 0 : i32
    %dma_wait3A_705 = tpu.memref_slice %arg6[%dma_wait3A_702, %dma_wait3A_703, %dma_wait3A_704] : memref<2x4x8192xf32, #tpu.memory_space<vmem>> -> memref<1x4x8192xf32, #tpu.memory_space<vmem>>
    %dma_wait3A_706 = tpu.memref_squeeze %dma_wait3A_705 : memref<1x4x8192xf32, #tpu.memory_space<vmem>> -> memref<4x8192xf32, #tpu.memory_space<vmem>>
    %dma_wait3A_707 = arith.constant 0 : i32
    %dma_wait3A_708 = tpu.memref_slice %arg5[%dma_wait3A_701, %dma_wait3A_707] : memref<32x4xi32, #tpu.memory_space<vmem>> -> memref<1x4xi32, #tpu.memory_space<vmem>>
    %dma_wait3A_709 = tpu.memref_squeeze %dma_wait3A_708 : memref<1x4xi32, #tpu.memory_space<vmem>> -> memref<4xi32, #tpu.memory_space<vmem>>
    %dma_wait3A_710 = arith.constant 0 : i32
    %dma_wait3A_711 = arith.constant 0 : i32
    %dma_wait3A_712 = tpu.memref_slice %arg3[%dma_wait3A_710, %dma_wait3A_711] : memref<8192x8192xf32, #tpu.memory_space<hbm>> -> memref<8192x8192xf32, #tpu.memory_space<hbm>>
    tpu.wait_indirect_dma semaphore(%arg8 : memref<!tpu.dma_semaphore, #tpu.memory_space<semaphore_mem>>) src(%dma_wait3A_712 : memref<8192x8192xf32, #tpu.memory_space<hbm>>) dst(%dma_wait3A_706 : memref<4x8192xf32, #tpu.memory_space<vmem>>)
    %add3A_713 = arith.constant 52 : i32
    %add3A_714 = arith.addi %mul3A_2, %add3A_713 : i32
    %dma_start3A_715 = arith.constant 1 : i32
    %dma_start3A_716 = arith.constant 0 : i32
    %dma_start3A_717 = arith.constant 0 : i32
    %dma_start3A_718 = tpu.memref_slice %arg6[%dma_start3A_715, %dma_start3A_716, %dma_start3A_717] : memref<2x4x8192xf32, #tpu.memory_space<vmem>> -> memref<1x4x8192xf32, #tpu.memory_space<vmem>>
    %dma_start3A_719 = tpu.memref_squeeze %dma_start3A_718 : memref<1x4x8192xf32, #tpu.memory_space<vmem>> -> memref<4x8192xf32, #tpu.memory_space<vmem>>
    %dma_start3A_720 = arith.constant 0 : i32
    %dma_start3A_721 = tpu.memref_slice %arg4[%add3A_714, %dma_start3A_720] : memref<4096x8192xf32, #tpu.memory_space<hbm>> -> memref<4x8192xf32, #tpu.memory_space<hbm>>
    %dma_start3A_722 = arith.constant 0 : i32
    %dma_start3A_723 = tpu.memref_slice %arg4[%add3A_714, %dma_start3A_722] : memref<4096x8192xf32, #tpu.memory_space<hbm>> -> memref<4x8192xf32, #tpu.memory_space<hbm>>
    %dma_start3A_724 = arith.constant 0 : i32
    %dma_start3A_725 = arith.constant 0 : i32
    %dma_start3A_726 = tpu.memref_slice %arg6[%dma_start3A_715, %dma_start3A_724, %dma_start3A_725] : memref<2x4x8192xf32, #tpu.memory_space<vmem>> -> memref<1x4x8192xf32, #tpu.memory_space<vmem>>
    %dma_start3A_727 = tpu.memref_squeeze %dma_start3A_726 : memref<1x4x8192xf32, #tpu.memory_space<vmem>> -> memref<4x8192xf32, #tpu.memory_space<vmem>>
    tpu.enqueue_dma source(%dma_start3A_727 : memref<4x8192xf32, #tpu.memory_space<vmem>>) target(%dma_start3A_723 : memref<4x8192xf32, #tpu.memory_space<hbm>>) target_semaphore(%arg10 : memref<!tpu.dma_semaphore, #tpu.memory_space<semaphore_mem>>)
    %dma_wait3A_728 = arith.constant 1 : i32
    %dma_wait3A_729 = arith.constant 0 : i32
    %dma_wait3A_730 = arith.constant 0 : i32
    %dma_wait3A_731 = tpu.memref_slice %arg6[%dma_wait3A_728, %dma_wait3A_729, %dma_wait3A_730] : memref<2x4x8192xf32, #tpu.memory_space<vmem>> -> memref<1x4x8192xf32, #tpu.memory_space<vmem>>
    %dma_wait3A_732 = tpu.memref_squeeze %dma_wait3A_731 : memref<1x4x8192xf32, #tpu.memory_space<vmem>> -> memref<4x8192xf32, #tpu.memory_space<vmem>>
    %dma_wait3A_733 = arith.constant 0 : i32
    %dma_wait3A_734 = tpu.memref_slice %arg4[%add3A_714, %dma_wait3A_733] : memref<4096x8192xf32, #tpu.memory_space<hbm>> -> memref<4x8192xf32, #tpu.memory_space<hbm>>
    %dma_wait3A_735 = arith.constant 0 : i32
    %dma_wait3A_736 = tpu.memref_slice %arg4[%add3A_714, %dma_wait3A_735] : memref<4096x8192xf32, #tpu.memory_space<hbm>> -> memref<4x8192xf32, #tpu.memory_space<hbm>>
    %dma_wait3A_737 = arith.constant 0 : i32
    %dma_wait3A_738 = arith.constant 0 : i32
    %dma_wait3A_739 = tpu.memref_slice %arg6[%dma_wait3A_728, %dma_wait3A_737, %dma_wait3A_738] : memref<2x4x8192xf32, #tpu.memory_space<vmem>> -> memref<1x4x8192xf32, #tpu.memory_space<vmem>>
    %dma_wait3A_740 = tpu.memref_squeeze %dma_wait3A_739 : memref<1x4x8192xf32, #tpu.memory_space<vmem>> -> memref<4x8192xf32, #tpu.memory_space<vmem>>
    tpu.wait_dma2 semaphore(%arg10 : memref<!tpu.dma_semaphore, #tpu.memory_space<semaphore_mem>>) src(%dma_wait3A_740 : memref<4x8192xf32, #tpu.memory_space<vmem>>) dst(%dma_wait3A_736 : memref<4x8192xf32, #tpu.memory_space<hbm>>)
    %dma_start3A_741 = arith.constant 15 : i32
    %dma_start3A_742 = arith.constant 1 : i32
    %dma_start3A_743 = arith.constant 0 : i32
    %dma_start3A_744 = arith.constant 0 : i32
    %dma_start3A_745 = tpu.memref_slice %arg6[%dma_start3A_742, %dma_start3A_743, %dma_start3A_744] : memref<2x4x8192xf32, #tpu.memory_space<vmem>> -> memref<1x4x8192xf32, #tpu.memory_space<vmem>>
    %dma_start3A_746 = tpu.memref_squeeze %dma_start3A_745 : memref<1x4x8192xf32, #tpu.memory_space<vmem>> -> memref<4x8192xf32, #tpu.memory_space<vmem>>
    %dma_start3A_747 = arith.constant 0 : i32
    %dma_start3A_748 = tpu.memref_slice %arg5[%dma_start3A_741, %dma_start3A_747] : memref<32x4xi32, #tpu.memory_space<vmem>> -> memref<1x4xi32, #tpu.memory_space<vmem>>
    %dma_start3A_749 = tpu.memref_squeeze %dma_start3A_748 : memref<1x4xi32, #tpu.memory_space<vmem>> -> memref<4xi32, #tpu.memory_space<vmem>>
    %dma_start3A_750 = arith.constant 0 : i32
    %dma_start3A_751 = arith.constant 0 : i32
    %dma_start3A_752 = tpu.memref_slice %arg3[%dma_start3A_750, %dma_start3A_751] : memref<8192x8192xf32, #tpu.memory_space<hbm>> -> memref<8192x8192xf32, #tpu.memory_space<hbm>>
    tpu.enqueue_indirect_dma source(%dma_start3A_752 : memref<8192x8192xf32, #tpu.memory_space<hbm>>) target(%dma_start3A_746 : memref<4x8192xf32, #tpu.memory_space<vmem>>) offsets(%dma_start3A_749 : memref<4xi32, #tpu.memory_space<vmem>>) semaphore(%arg8 : memref<!tpu.dma_semaphore, #tpu.memory_space<semaphore_mem>>)
    %dma_wait3A_753 = arith.constant 14 : i32
    %dma_wait3A_754 = arith.constant 0 : i32
    %dma_wait3A_755 = arith.constant 0 : i32
    %dma_wait3A_756 = arith.constant 0 : i32
    %dma_wait3A_757 = tpu.memref_slice %arg6[%dma_wait3A_754, %dma_wait3A_755, %dma_wait3A_756] : memref<2x4x8192xf32, #tpu.memory_space<vmem>> -> memref<1x4x8192xf32, #tpu.memory_space<vmem>>
    %dma_wait3A_758 = tpu.memref_squeeze %dma_wait3A_757 : memref<1x4x8192xf32, #tpu.memory_space<vmem>> -> memref<4x8192xf32, #tpu.memory_space<vmem>>
    %dma_wait3A_759 = arith.constant 0 : i32
    %dma_wait3A_760 = tpu.memref_slice %arg5[%dma_wait3A_753, %dma_wait3A_759] : memref<32x4xi32, #tpu.memory_space<vmem>> -> memref<1x4xi32, #tpu.memory_space<vmem>>
    %dma_wait3A_761 = tpu.memref_squeeze %dma_wait3A_760 : memref<1x4xi32, #tpu.memory_space<vmem>> -> memref<4xi32, #tpu.memory_space<vmem>>
    %dma_wait3A_762 = arith.constant 0 : i32
    %dma_wait3A_763 = arith.constant 0 : i32
    %dma_wait3A_764 = tpu.memref_slice %arg3[%dma_wait3A_762, %dma_wait3A_763] : memref<8192x8192xf32, #tpu.memory_space<hbm>> -> memref<8192x8192xf32, #tpu.memory_space<hbm>>
    tpu.wait_indirect_dma semaphore(%arg7 : memref<!tpu.dma_semaphore, #tpu.memory_space<semaphore_mem>>) src(%dma_wait3A_764 : memref<8192x8192xf32, #tpu.memory_space<hbm>>) dst(%dma_wait3A_758 : memref<4x8192xf32, #tpu.memory_space<vmem>>)
    %add3A_765 = arith.constant 56 : i32
    %add3A_766 = arith.addi %mul3A_2, %add3A_765 : i32
    %dma_start3A_767 = arith.constant 0 : i32
    %dma_start3A_768 = arith.constant 0 : i32
    %dma_start3A_769 = arith.constant 0 : i32
    %dma_start3A_770 = tpu.memref_slice %arg6[%dma_start3A_767, %dma_start3A_768, %dma_start3A_769] : memref<2x4x8192xf32, #tpu.memory_space<vmem>> -> memref<1x4x8192xf32, #tpu.memory_space<vmem>>
    %dma_start3A_771 = tpu.memref_squeeze %dma_start3A_770 : memref<1x4x8192xf32, #tpu.memory_space<vmem>> -> memref<4x8192xf32, #tpu.memory_space<vmem>>
    %dma_start3A_772 = arith.constant 0 : i32
    %dma_start3A_773 = tpu.memref_slice %arg4[%add3A_766, %dma_start3A_772] : memref<4096x8192xf32, #tpu.memory_space<hbm>> -> memref<4x8192xf32, #tpu.memory_space<hbm>>
    %dma_start3A_774 = arith.constant 0 : i32
    %dma_start3A_775 = tpu.memref_slice %arg4[%add3A_766, %dma_start3A_774] : memref<4096x8192xf32, #tpu.memory_space<hbm>> -> memref<4x8192xf32, #tpu.memory_space<hbm>>
    %dma_start3A_776 = arith.constant 0 : i32
    %dma_start3A_777 = arith.constant 0 : i32
    %dma_start3A_778 = tpu.memref_slice %arg6[%dma_start3A_767, %dma_start3A_776, %dma_start3A_777] : memref<2x4x8192xf32, #tpu.memory_space<vmem>> -> memref<1x4x8192xf32, #tpu.memory_space<vmem>>
    %dma_start3A_779 = tpu.memref_squeeze %dma_start3A_778 : memref<1x4x8192xf32, #tpu.memory_space<vmem>> -> memref<4x8192xf32, #tpu.memory_space<vmem>>
    tpu.enqueue_dma source(%dma_start3A_779 : memref<4x8192xf32, #tpu.memory_space<vmem>>) target(%dma_start3A_775 : memref<4x8192xf32, #tpu.memory_space<hbm>>) target_semaphore(%arg9 : memref<!tpu.dma_semaphore, #tpu.memory_space<semaphore_mem>>)
    %dma_wait3A_780 = arith.constant 0 : i32
    %dma_wait3A_781 = arith.constant 0 : i32
    %dma_wait3A_782 = arith.constant 0 : i32
    %dma_wait3A_783 = tpu.memref_slice %arg6[%dma_wait3A_780, %dma_wait3A_781, %dma_wait3A_782] : memref<2x4x8192xf32, #tpu.memory_space<vmem>> -> memref<1x4x8192xf32, #tpu.memory_space<vmem>>
    %dma_wait3A_784 = tpu.memref_squeeze %dma_wait3A_783 : memref<1x4x8192xf32, #tpu.memory_space<vmem>> -> memref<4x8192xf32, #tpu.memory_space<vmem>>
    %dma_wait3A_785 = arith.constant 0 : i32
    %dma_wait3A_786 = tpu.memref_slice %arg4[%add3A_766, %dma_wait3A_785] : memref<4096x8192xf32, #tpu.memory_space<hbm>> -> memref<4x8192xf32, #tpu.memory_space<hbm>>
    %dma_wait3A_787 = arith.constant 0 : i32
    %dma_wait3A_788 = tpu.memref_slice %arg4[%add3A_766, %dma_wait3A_787] : memref<4096x8192xf32, #tpu.memory_space<hbm>> -> memref<4x8192xf32, #tpu.memory_space<hbm>>
    %dma_wait3A_789 = arith.constant 0 : i32
    %dma_wait3A_790 = arith.constant 0 : i32
    %dma_wait3A_791 = tpu.memref_slice %arg6[%dma_wait3A_780, %dma_wait3A_789, %dma_wait3A_790] : memref<2x4x8192xf32, #tpu.memory_space<vmem>> -> memref<1x4x8192xf32, #tpu.memory_space<vmem>>
    %dma_wait3A_792 = tpu.memref_squeeze %dma_wait3A_791 : memref<1x4x8192xf32, #tpu.memory_space<vmem>> -> memref<4x8192xf32, #tpu.memory_space<vmem>>
    tpu.wait_dma2 semaphore(%arg9 : memref<!tpu.dma_semaphore, #tpu.memory_space<semaphore_mem>>) src(%dma_wait3A_792 : memref<4x8192xf32, #tpu.memory_space<vmem>>) dst(%dma_wait3A_788 : memref<4x8192xf32, #tpu.memory_space<hbm>>)
    %dma_start3A_793 = arith.constant 16 : i32
    %dma_start3A_794 = arith.constant 0 : i32
    %dma_start3A_795 = arith.constant 0 : i32
    %dma_start3A_796 = arith.constant 0 : i32
    %dma_start3A_797 = tpu.memref_slice %arg6[%dma_start3A_794, %dma_start3A_795, %dma_start3A_796] : memref<2x4x8192xf32, #tpu.memory_space<vmem>> -> memref<1x4x8192xf32, #tpu.memory_space<vmem>>
    %dma_start3A_798 = tpu.memref_squeeze %dma_start3A_797 : memref<1x4x8192xf32, #tpu.memory_space<vmem>> -> memref<4x8192xf32, #tpu.memory_space<vmem>>
    %dma_start3A_799 = arith.constant 0 : i32
    %dma_start3A_800 = tpu.memref_slice %arg5[%dma_start3A_793, %dma_start3A_799] : memref<32x4xi32, #tpu.memory_space<vmem>> -> memref<1x4xi32, #tpu.memory_space<vmem>>
    %dma_start3A_801 = tpu.memref_squeeze %dma_start3A_800 : memref<1x4xi32, #tpu.memory_space<vmem>> -> memref<4xi32, #tpu.memory_space<vmem>>
    %dma_start3A_802 = arith.constant 0 : i32
    %dma_start3A_803 = arith.constant 0 : i32
    %dma_start3A_804 = tpu.memref_slice %arg3[%dma_start3A_802, %dma_start3A_803] : memref<8192x8192xf32, #tpu.memory_space<hbm>> -> memref<8192x8192xf32, #tpu.memory_space<hbm>>
    tpu.enqueue_indirect_dma source(%dma_start3A_804 : memref<8192x8192xf32, #tpu.memory_space<hbm>>) target(%dma_start3A_798 : memref<4x8192xf32, #tpu.memory_space<vmem>>) offsets(%dma_start3A_801 : memref<4xi32, #tpu.memory_space<vmem>>) semaphore(%arg7 : memref<!tpu.dma_semaphore, #tpu.memory_space<semaphore_mem>>)
    %dma_wait3A_805 = arith.constant 15 : i32
    %dma_wait3A_806 = arith.constant 1 : i32
    %dma_wait3A_807 = arith.constant 0 : i32
    %dma_wait3A_808 = arith.constant 0 : i32
    %dma_wait3A_809 = tpu.memref_slice %arg6[%dma_wait3A_806, %dma_wait3A_807, %dma_wait3A_808] : memref<2x4x8192xf32, #tpu.memory_space<vmem>> -> memref<1x4x8192xf32, #tpu.memory_space<vmem>>
    %dma_wait3A_810 = tpu.memref_squeeze %dma_wait3A_809 : memref<1x4x8192xf32, #tpu.memory_space<vmem>> -> memref<4x8192xf32, #tpu.memory_space<vmem>>
    %dma_wait3A_811 = arith.constant 0 : i32
    %dma_wait3A_812 = tpu.memref_slice %arg5[%dma_wait3A_805, %dma_wait3A_811] : memref<32x4xi32, #tpu.memory_space<vmem>> -> memref<1x4xi32, #tpu.memory_space<vmem>>
    %dma_wait3A_813 = tpu.memref_squeeze %dma_wait3A_812 : memref<1x4xi32, #tpu.memory_space<vmem>> -> memref<4xi32, #tpu.memory_space<vmem>>
    %dma_wait3A_814 = arith.constant 0 : i32
    %dma_wait3A_815 = arith.constant 0 : i32
    %dma_wait3A_816 = tpu.memref_slice %arg3[%dma_wait3A_814, %dma_wait3A_815] : memref<8192x8192xf32, #tpu.memory_space<hbm>> -> memref<8192x8192xf32, #tpu.memory_space<hbm>>
    tpu.wait_indirect_dma semaphore(%arg8 : memref<!tpu.dma_semaphore, #tpu.memory_space<semaphore_mem>>) src(%dma_wait3A_816 : memref<8192x8192xf32, #tpu.memory_space<hbm>>) dst(%dma_wait3A_810 : memref<4x8192xf32, #tpu.memory_space<vmem>>)
    %add3A_817 = arith.constant 60 : i32
    %add3A_818 = arith.addi %mul3A_2, %add3A_817 : i32
    %dma_start3A_819 = arith.constant 1 : i32
    %dma_start3A_820 = arith.constant 0 : i32
    %dma_start3A_821 = arith.constant 0 : i32
    %dma_start3A_822 = tpu.memref_slice %arg6[%dma_start3A_819, %dma_start3A_820, %dma_start3A_821] : memref<2x4x8192xf32, #tpu.memory_space<vmem>> -> memref<1x4x8192xf32, #tpu.memory_space<vmem>>
    %dma_start3A_823 = tpu.memref_squeeze %dma_start3A_822 : memref<1x4x8192xf32, #tpu.memory_space<vmem>> -> memref<4x8192xf32, #tpu.memory_space<vmem>>
    %dma_start3A_824 = arith.constant 0 : i32
    %dma_start3A_825 = tpu.memref_slice %arg4[%add3A_818, %dma_start3A_824] : memref<4096x8192xf32, #tpu.memory_space<hbm>> -> memref<4x8192xf32, #tpu.memory_space<hbm>>
    %dma_start3A_826 = arith.constant 0 : i32
    %dma_start3A_827 = tpu.memref_slice %arg4[%add3A_818, %dma_start3A_826] : memref<4096x8192xf32, #tpu.memory_space<hbm>> -> memref<4x8192xf32, #tpu.memory_space<hbm>>
    %dma_start3A_828 = arith.constant 0 : i32
    %dma_start3A_829 = arith.constant 0 : i32
    %dma_start3A_830 = tpu.memref_slice %arg6[%dma_start3A_819, %dma_start3A_828, %dma_start3A_829] : memref<2x4x8192xf32, #tpu.memory_space<vmem>> -> memref<1x4x8192xf32, #tpu.memory_space<vmem>>
    %dma_start3A_831 = tpu.memref_squeeze %dma_start3A_830 : memref<1x4x8192xf32, #tpu.memory_space<vmem>> -> memref<4x8192xf32, #tpu.memory_space<vmem>>
    tpu.enqueue_dma source(%dma_start3A_831 : memref<4x8192xf32, #tpu.memory_space<vmem>>) target(%dma_start3A_827 : memref<4x8192xf32, #tpu.memory_space<hbm>>) target_semaphore(%arg10 : memref<!tpu.dma_semaphore, #tpu.memory_space<semaphore_mem>>)
    %dma_wait3A_832 = arith.constant 1 : i32
    %dma_wait3A_833 = arith.constant 0 : i32
    %dma_wait3A_834 = arith.constant 0 : i32
    %dma_wait3A_835 = tpu.memref_slice %arg6[%dma_wait3A_832, %dma_wait3A_833, %dma_wait3A_834] : memref<2x4x8192xf32, #tpu.memory_space<vmem>> -> memref<1x4x8192xf32, #tpu.memory_space<vmem>>
    %dma_wait3A_836 = tpu.memref_squeeze %dma_wait3A_835 : memref<1x4x8192xf32, #tpu.memory_space<vmem>> -> memref<4x8192xf32, #tpu.memory_space<vmem>>
    %dma_wait3A_837 = arith.constant 0 : i32
    %dma_wait3A_838 = tpu.memref_slice %arg4[%add3A_818, %dma_wait3A_837] : memref<4096x8192xf32, #tpu.memory_space<hbm>> -> memref<4x8192xf32, #tpu.memory_space<hbm>>
    %dma_wait3A_839 = arith.constant 0 : i32
    %dma_wait3A_840 = tpu.memref_slice %arg4[%add3A_818, %dma_wait3A_839] : memref<4096x8192xf32, #tpu.memory_space<hbm>> -> memref<4x8192xf32, #tpu.memory_space<hbm>>
    %dma_wait3A_841 = arith.constant 0 : i32
    %dma_wait3A_842 = arith.constant 0 : i32
    %dma_wait3A_843 = tpu.memref_slice %arg6[%dma_wait3A_832, %dma_wait3A_841, %dma_wait3A_842] : memref<2x4x8192xf32, #tpu.memory_space<vmem>> -> memref<1x4x8192xf32, #tpu.memory_space<vmem>>
    %dma_wait3A_844 = tpu.memref_squeeze %dma_wait3A_843 : memref<1x4x8192xf32, #tpu.memory_space<vmem>> -> memref<4x8192xf32, #tpu.memory_space<vmem>>
    tpu.wait_dma2 semaphore(%arg10 : memref<!tpu.dma_semaphore, #tpu.memory_space<semaphore_mem>>) src(%dma_wait3A_844 : memref<4x8192xf32, #tpu.memory_space<vmem>>) dst(%dma_wait3A_840 : memref<4x8192xf32, #tpu.memory_space<hbm>>)
    %dma_start3A_845 = arith.constant 17 : i32
    %dma_start3A_846 = arith.constant 1 : i32
    %dma_start3A_847 = arith.constant 0 : i32
    %dma_start3A_848 = arith.constant 0 : i32
    %dma_start3A_849 = tpu.memref_slice %arg6[%dma_start3A_846, %dma_start3A_847, %dma_start3A_848] : memref<2x4x8192xf32, #tpu.memory_space<vmem>> -> memref<1x4x8192xf32, #tpu.memory_space<vmem>>
    %dma_start3A_850 = tpu.memref_squeeze %dma_start3A_849 : memref<1x4x8192xf32, #tpu.memory_space<vmem>> -> memref<4x8192xf32, #tpu.memory_space<vmem>>
    %dma_start3A_851 = arith.constant 0 : i32
    %dma_start3A_852 = tpu.memref_slice %arg5[%dma_start3A_845, %dma_start3A_851] : memref<32x4xi32, #tpu.memory_space<vmem>> -> memref<1x4xi32, #tpu.memory_space<vmem>>
    %dma_start3A_853 = tpu.memref_squeeze %dma_start3A_852 : memref<1x4xi32, #tpu.memory_space<vmem>> -> memref<4xi32, #tpu.memory_space<vmem>>
    %dma_start3A_854 = arith.constant 0 : i32
    %dma_start3A_855 = arith.constant 0 : i32
    %dma_start3A_856 = tpu.memref_slice %arg3[%dma_start3A_854, %dma_start3A_855] : memref<8192x8192xf32, #tpu.memory_space<hbm>> -> memref<8192x8192xf32, #tpu.memory_space<hbm>>
    tpu.enqueue_indirect_dma source(%dma_start3A_856 : memref<8192x8192xf32, #tpu.memory_space<hbm>>) target(%dma_start3A_850 : memref<4x8192xf32, #tpu.memory_space<vmem>>) offsets(%dma_start3A_853 : memref<4xi32, #tpu.memory_space<vmem>>) semaphore(%arg8 : memref<!tpu.dma_semaphore, #tpu.memory_space<semaphore_mem>>)
    %dma_wait3A_857 = arith.constant 16 : i32
    %dma_wait3A_858 = arith.constant 0 : i32
    %dma_wait3A_859 = arith.constant 0 : i32
    %dma_wait3A_860 = arith.constant 0 : i32
    %dma_wait3A_861 = tpu.memref_slice %arg6[%dma_wait3A_858, %dma_wait3A_859, %dma_wait3A_860] : memref<2x4x8192xf32, #tpu.memory_space<vmem>> -> memref<1x4x8192xf32, #tpu.memory_space<vmem>>
    %dma_wait3A_862 = tpu.memref_squeeze %dma_wait3A_861 : memref<1x4x8192xf32, #tpu.memory_space<vmem>> -> memref<4x8192xf32, #tpu.memory_space<vmem>>
    %dma_wait3A_863 = arith.constant 0 : i32
    %dma_wait3A_864 = tpu.memref_slice %arg5[%dma_wait3A_857, %dma_wait3A_863] : memref<32x4xi32, #tpu.memory_space<vmem>> -> memref<1x4xi32, #tpu.memory_space<vmem>>
    %dma_wait3A_865 = tpu.memref_squeeze %dma_wait3A_864 : memref<1x4xi32, #tpu.memory_space<vmem>> -> memref<4xi32, #tpu.memory_space<vmem>>
    %dma_wait3A_866 = arith.constant 0 : i32
    %dma_wait3A_867 = arith.constant 0 : i32
    %dma_wait3A_868 = tpu.memref_slice %arg3[%dma_wait3A_866, %dma_wait3A_867] : memref<8192x8192xf32, #tpu.memory_space<hbm>> -> memref<8192x8192xf32, #tpu.memory_space<hbm>>
    tpu.wait_indirect_dma semaphore(%arg7 : memref<!tpu.dma_semaphore, #tpu.memory_space<semaphore_mem>>) src(%dma_wait3A_868 : memref<8192x8192xf32, #tpu.memory_space<hbm>>) dst(%dma_wait3A_862 : memref<4x8192xf32, #tpu.memory_space<vmem>>)
    %add3A_869 = arith.constant 64 : i32
    %add3A_870 = arith.addi %mul3A_2, %add3A_869 : i32
    %dma_start3A_871 = arith.constant 0 : i32
    %dma_start3A_872 = arith.constant 0 : i32
    %dma_start3A_873 = arith.constant 0 : i32
    %dma_start3A_874 = tpu.memref_slice %arg6[%dma_start3A_871, %dma_start3A_872, %dma_start3A_873] : memref<2x4x8192xf32, #tpu.memory_space<vmem>> -> memref<1x4x8192xf32, #tpu.memory_space<vmem>>
    %dma_start3A_875 = tpu.memref_squeeze %dma_start3A_874 : memref<1x4x8192xf32, #tpu.memory_space<vmem>> -> memref<4x8192xf32, #tpu.memory_space<vmem>>
    %dma_start3A_876 = arith.constant 0 : i32
    %dma_start3A_877 = tpu.memref_slice %arg4[%add3A_870, %dma_start3A_876] : memref<4096x8192xf32, #tpu.memory_space<hbm>> -> memref<4x8192xf32, #tpu.memory_space<hbm>>
    %dma_start3A_878 = arith.constant 0 : i32
    %dma_start3A_879 = tpu.memref_slice %arg4[%add3A_870, %dma_start3A_878] : memref<4096x8192xf32, #tpu.memory_space<hbm>> -> memref<4x8192xf32, #tpu.memory_space<hbm>>
    %dma_start3A_880 = arith.constant 0 : i32
    %dma_start3A_881 = arith.constant 0 : i32
    %dma_start3A_882 = tpu.memref_slice %arg6[%dma_start3A_871, %dma_start3A_880, %dma_start3A_881] : memref<2x4x8192xf32, #tpu.memory_space<vmem>> -> memref<1x4x8192xf32, #tpu.memory_space<vmem>>
    %dma_start3A_883 = tpu.memref_squeeze %dma_start3A_882 : memref<1x4x8192xf32, #tpu.memory_space<vmem>> -> memref<4x8192xf32, #tpu.memory_space<vmem>>
    tpu.enqueue_dma source(%dma_start3A_883 : memref<4x8192xf32, #tpu.memory_space<vmem>>) target(%dma_start3A_879 : memref<4x8192xf32, #tpu.memory_space<hbm>>) target_semaphore(%arg9 : memref<!tpu.dma_semaphore, #tpu.memory_space<semaphore_mem>>)
    %dma_wait3A_884 = arith.constant 0 : i32
    %dma_wait3A_885 = arith.constant 0 : i32
    %dma_wait3A_886 = arith.constant 0 : i32
    %dma_wait3A_887 = tpu.memref_slice %arg6[%dma_wait3A_884, %dma_wait3A_885, %dma_wait3A_886] : memref<2x4x8192xf32, #tpu.memory_space<vmem>> -> memref<1x4x8192xf32, #tpu.memory_space<vmem>>
    %dma_wait3A_888 = tpu.memref_squeeze %dma_wait3A_887 : memref<1x4x8192xf32, #tpu.memory_space<vmem>> -> memref<4x8192xf32, #tpu.memory_space<vmem>>
    %dma_wait3A_889 = arith.constant 0 : i32
    %dma_wait3A_890 = tpu.memref_slice %arg4[%add3A_870, %dma_wait3A_889] : memref<4096x8192xf32, #tpu.memory_space<hbm>> -> memref<4x8192xf32, #tpu.memory_space<hbm>>
    %dma_wait3A_891 = arith.constant 0 : i32
    %dma_wait3A_892 = tpu.memref_slice %arg4[%add3A_870, %dma_wait3A_891] : memref<4096x8192xf32, #tpu.memory_space<hbm>> -> memref<4x8192xf32, #tpu.memory_space<hbm>>
    %dma_wait3A_893 = arith.constant 0 : i32
    %dma_wait3A_894 = arith.constant 0 : i32
    %dma_wait3A_895 = tpu.memref_slice %arg6[%dma_wait3A_884, %dma_wait3A_893, %dma_wait3A_894] : memref<2x4x8192xf32, #tpu.memory_space<vmem>> -> memref<1x4x8192xf32, #tpu.memory_space<vmem>>
    %dma_wait3A_896 = tpu.memref_squeeze %dma_wait3A_895 : memref<1x4x8192xf32, #tpu.memory_space<vmem>> -> memref<4x8192xf32, #tpu.memory_space<vmem>>
    tpu.wait_dma2 semaphore(%arg9 : memref<!tpu.dma_semaphore, #tpu.memory_space<semaphore_mem>>) src(%dma_wait3A_896 : memref<4x8192xf32, #tpu.memory_space<vmem>>) dst(%dma_wait3A_892 : memref<4x8192xf32, #tpu.memory_space<hbm>>)
    %dma_start3A_897 = arith.constant 18 : i32
    %dma_start3A_898 = arith.constant 0 : i32
    %dma_start3A_899 = arith.constant 0 : i32
    %dma_start3A_900 = arith.constant 0 : i32
    %dma_start3A_901 = tpu.memref_slice %arg6[%dma_start3A_898, %dma_start3A_899, %dma_start3A_900] : memref<2x4x8192xf32, #tpu.memory_space<vmem>> -> memref<1x4x8192xf32, #tpu.memory_space<vmem>>
    %dma_start3A_902 = tpu.memref_squeeze %dma_start3A_901 : memref<1x4x8192xf32, #tpu.memory_space<vmem>> -> memref<4x8192xf32, #tpu.memory_space<vmem>>
    %dma_start3A_903 = arith.constant 0 : i32
    %dma_start3A_904 = tpu.memref_slice %arg5[%dma_start3A_897, %dma_start3A_903] : memref<32x4xi32, #tpu.memory_space<vmem>> -> memref<1x4xi32, #tpu.memory_space<vmem>>
    %dma_start3A_905 = tpu.memref_squeeze %dma_start3A_904 : memref<1x4xi32, #tpu.memory_space<vmem>> -> memref<4xi32, #tpu.memory_space<vmem>>
    %dma_start3A_906 = arith.constant 0 : i32
    %dma_start3A_907 = arith.constant 0 : i32
    %dma_start3A_908 = tpu.memref_slice %arg3[%dma_start3A_906, %dma_start3A_907] : memref<8192x8192xf32, #tpu.memory_space<hbm>> -> memref<8192x8192xf32, #tpu.memory_space<hbm>>
    tpu.enqueue_indirect_dma source(%dma_start3A_908 : memref<8192x8192xf32, #tpu.memory_space<hbm>>) target(%dma_start3A_902 : memref<4x8192xf32, #tpu.memory_space<vmem>>) offsets(%dma_start3A_905 : memref<4xi32, #tpu.memory_space<vmem>>) semaphore(%arg7 : memref<!tpu.dma_semaphore, #tpu.memory_space<semaphore_mem>>)
    %dma_wait3A_909 = arith.constant 17 : i32
    %dma_wait3A_910 = arith.constant 1 : i32
    %dma_wait3A_911 = arith.constant 0 : i32
    %dma_wait3A_912 = arith.constant 0 : i32
    %dma_wait3A_913 = tpu.memref_slice %arg6[%dma_wait3A_910, %dma_wait3A_911, %dma_wait3A_912] : memref<2x4x8192xf32, #tpu.memory_space<vmem>> -> memref<1x4x8192xf32, #tpu.memory_space<vmem>>
    %dma_wait3A_914 = tpu.memref_squeeze %dma_wait3A_913 : memref<1x4x8192xf32, #tpu.memory_space<vmem>> -> memref<4x8192xf32, #tpu.memory_space<vmem>>
    %dma_wait3A_915 = arith.constant 0 : i32
    %dma_wait3A_916 = tpu.memref_slice %arg5[%dma_wait3A_909, %dma_wait3A_915] : memref<32x4xi32, #tpu.memory_space<vmem>> -> memref<1x4xi32, #tpu.memory_space<vmem>>
    %dma_wait3A_917 = tpu.memref_squeeze %dma_wait3A_916 : memref<1x4xi32, #tpu.memory_space<vmem>> -> memref<4xi32, #tpu.memory_space<vmem>>
    %dma_wait3A_918 = arith.constant 0 : i32
    %dma_wait3A_919 = arith.constant 0 : i32
    %dma_wait3A_920 = tpu.memref_slice %arg3[%dma_wait3A_918, %dma_wait3A_919] : memref<8192x8192xf32, #tpu.memory_space<hbm>> -> memref<8192x8192xf32, #tpu.memory_space<hbm>>
    tpu.wait_indirect_dma semaphore(%arg8 : memref<!tpu.dma_semaphore, #tpu.memory_space<semaphore_mem>>) src(%dma_wait3A_920 : memref<8192x8192xf32, #tpu.memory_space<hbm>>) dst(%dma_wait3A_914 : memref<4x8192xf32, #tpu.memory_space<vmem>>)
    %add3A_921 = arith.constant 68 : i32
    %add3A_922 = arith.addi %mul3A_2, %add3A_921 : i32
    %dma_start3A_923 = arith.constant 1 : i32
    %dma_start3A_924 = arith.constant 0 : i32
    %dma_start3A_925 = arith.constant 0 : i32
    %dma_start3A_926 = tpu.memref_slice %arg6[%dma_start3A_923, %dma_start3A_924, %dma_start3A_925] : memref<2x4x8192xf32, #tpu.memory_space<vmem>> -> memref<1x4x8192xf32, #tpu.memory_space<vmem>>
    %dma_start3A_927 = tpu.memref_squeeze %dma_start3A_926 : memref<1x4x8192xf32, #tpu.memory_space<vmem>> -> memref<4x8192xf32, #tpu.memory_space<vmem>>
    %dma_start3A_928 = arith.constant 0 : i32
    %dma_start3A_929 = tpu.memref_slice %arg4[%add3A_922, %dma_start3A_928] : memref<4096x8192xf32, #tpu.memory_space<hbm>> -> memref<4x8192xf32, #tpu.memory_space<hbm>>
    %dma_start3A_930 = arith.constant 0 : i32
    %dma_start3A_931 = tpu.memref_slice %arg4[%add3A_922, %dma_start3A_930] : memref<4096x8192xf32, #tpu.memory_space<hbm>> -> memref<4x8192xf32, #tpu.memory_space<hbm>>
    %dma_start3A_932 = arith.constant 0 : i32
    %dma_start3A_933 = arith.constant 0 : i32
    %dma_start3A_934 = tpu.memref_slice %arg6[%dma_start3A_923, %dma_start3A_932, %dma_start3A_933] : memref<2x4x8192xf32, #tpu.memory_space<vmem>> -> memref<1x4x8192xf32, #tpu.memory_space<vmem>>
    %dma_start3A_935 = tpu.memref_squeeze %dma_start3A_934 : memref<1x4x8192xf32, #tpu.memory_space<vmem>> -> memref<4x8192xf32, #tpu.memory_space<vmem>>
    tpu.enqueue_dma source(%dma_start3A_935 : memref<4x8192xf32, #tpu.memory_space<vmem>>) target(%dma_start3A_931 : memref<4x8192xf32, #tpu.memory_space<hbm>>) target_semaphore(%arg10 : memref<!tpu.dma_semaphore, #tpu.memory_space<semaphore_mem>>)
    %dma_wait3A_936 = arith.constant 1 : i32
    %dma_wait3A_937 = arith.constant 0 : i32
    %dma_wait3A_938 = arith.constant 0 : i32
    %dma_wait3A_939 = tpu.memref_slice %arg6[%dma_wait3A_936, %dma_wait3A_937, %dma_wait3A_938] : memref<2x4x8192xf32, #tpu.memory_space<vmem>> -> memref<1x4x8192xf32, #tpu.memory_space<vmem>>
    %dma_wait3A_940 = tpu.memref_squeeze %dma_wait3A_939 : memref<1x4x8192xf32, #tpu.memory_space<vmem>> -> memref<4x8192xf32, #tpu.memory_space<vmem>>
    %dma_wait3A_941 = arith.constant 0 : i32
    %dma_wait3A_942 = tpu.memref_slice %arg4[%add3A_922, %dma_wait3A_941] : memref<4096x8192xf32, #tpu.memory_space<hbm>> -> memref<4x8192xf32, #tpu.memory_space<hbm>>
    %dma_wait3A_943 = arith.constant 0 : i32
    %dma_wait3A_944 = tpu.memref_slice %arg4[%add3A_922, %dma_wait3A_943] : memref<4096x8192xf32, #tpu.memory_space<hbm>> -> memref<4x8192xf32, #tpu.memory_space<hbm>>
    %dma_wait3A_945 = arith.constant 0 : i32
    %dma_wait3A_946 = arith.constant 0 : i32
    %dma_wait3A_947 = tpu.memref_slice %arg6[%dma_wait3A_936, %dma_wait3A_945, %dma_wait3A_946] : memref<2x4x8192xf32, #tpu.memory_space<vmem>> -> memref<1x4x8192xf32, #tpu.memory_space<vmem>>
    %dma_wait3A_948 = tpu.memref_squeeze %dma_wait3A_947 : memref<1x4x8192xf32, #tpu.memory_space<vmem>> -> memref<4x8192xf32, #tpu.memory_space<vmem>>
    tpu.wait_dma2 semaphore(%arg10 : memref<!tpu.dma_semaphore, #tpu.memory_space<semaphore_mem>>) src(%dma_wait3A_948 : memref<4x8192xf32, #tpu.memory_space<vmem>>) dst(%dma_wait3A_944 : memref<4x8192xf32, #tpu.memory_space<hbm>>)
    %dma_start3A_949 = arith.constant 19 : i32
    %dma_start3A_950 = arith.constant 1 : i32
    %dma_start3A_951 = arith.constant 0 : i32
    %dma_start3A_952 = arith.constant 0 : i32
    %dma_start3A_953 = tpu.memref_slice %arg6[%dma_start3A_950, %dma_start3A_951, %dma_start3A_952] : memref<2x4x8192xf32, #tpu.memory_space<vmem>> -> memref<1x4x8192xf32, #tpu.memory_space<vmem>>
    %dma_start3A_954 = tpu.memref_squeeze %dma_start3A_953 : memref<1x4x8192xf32, #tpu.memory_space<vmem>> -> memref<4x8192xf32, #tpu.memory_space<vmem>>
    %dma_start3A_955 = arith.constant 0 : i32
    %dma_start3A_956 = tpu.memref_slice %arg5[%dma_start3A_949, %dma_start3A_955] : memref<32x4xi32, #tpu.memory_space<vmem>> -> memref<1x4xi32, #tpu.memory_space<vmem>>
    %dma_start3A_957 = tpu.memref_squeeze %dma_start3A_956 : memref<1x4xi32, #tpu.memory_space<vmem>> -> memref<4xi32, #tpu.memory_space<vmem>>
    %dma_start3A_958 = arith.constant 0 : i32
    %dma_start3A_959 = arith.constant 0 : i32
    %dma_start3A_960 = tpu.memref_slice %arg3[%dma_start3A_958, %dma_start3A_959] : memref<8192x8192xf32, #tpu.memory_space<hbm>> -> memref<8192x8192xf32, #tpu.memory_space<hbm>>
    tpu.enqueue_indirect_dma source(%dma_start3A_960 : memref<8192x8192xf32, #tpu.memory_space<hbm>>) target(%dma_start3A_954 : memref<4x8192xf32, #tpu.memory_space<vmem>>) offsets(%dma_start3A_957 : memref<4xi32, #tpu.memory_space<vmem>>) semaphore(%arg8 : memref<!tpu.dma_semaphore, #tpu.memory_space<semaphore_mem>>)
    %dma_wait3A_961 = arith.constant 18 : i32
    %dma_wait3A_962 = arith.constant 0 : i32
    %dma_wait3A_963 = arith.constant 0 : i32
    %dma_wait3A_964 = arith.constant 0 : i32
    %dma_wait3A_965 = tpu.memref_slice %arg6[%dma_wait3A_962, %dma_wait3A_963, %dma_wait3A_964] : memref<2x4x8192xf32, #tpu.memory_space<vmem>> -> memref<1x4x8192xf32, #tpu.memory_space<vmem>>
    %dma_wait3A_966 = tpu.memref_squeeze %dma_wait3A_965 : memref<1x4x8192xf32, #tpu.memory_space<vmem>> -> memref<4x8192xf32, #tpu.memory_space<vmem>>
    %dma_wait3A_967 = arith.constant 0 : i32
    %dma_wait3A_968 = tpu.memref_slice %arg5[%dma_wait3A_961, %dma_wait3A_967] : memref<32x4xi32, #tpu.memory_space<vmem>> -> memref<1x4xi32, #tpu.memory_space<vmem>>
    %dma_wait3A_969 = tpu.memref_squeeze %dma_wait3A_968 : memref<1x4xi32, #tpu.memory_space<vmem>> -> memref<4xi32, #tpu.memory_space<vmem>>
    %dma_wait3A_970 = arith.constant 0 : i32
    %dma_wait3A_971 = arith.constant 0 : i32
    %dma_wait3A_972 = tpu.memref_slice %arg3[%dma_wait3A_970, %dma_wait3A_971] : memref<8192x8192xf32, #tpu.memory_space<hbm>> -> memref<8192x8192xf32, #tpu.memory_space<hbm>>
    tpu.wait_indirect_dma semaphore(%arg7 : memref<!tpu.dma_semaphore, #tpu.memory_space<semaphore_mem>>) src(%dma_wait3A_972 : memref<8192x8192xf32, #tpu.memory_space<hbm>>) dst(%dma_wait3A_966 : memref<4x8192xf32, #tpu.memory_space<vmem>>)
    %add3A_973 = arith.constant 72 : i32
    %add3A_974 = arith.addi %mul3A_2, %add3A_973 : i32
    %dma_start3A_975 = arith.constant 0 : i32
    %dma_start3A_976 = arith.constant 0 : i32
    %dma_start3A_977 = arith.constant 0 : i32
    %dma_start3A_978 = tpu.memref_slice %arg6[%dma_start3A_975, %dma_start3A_976, %dma_start3A_977] : memref<2x4x8192xf32, #tpu.memory_space<vmem>> -> memref<1x4x8192xf32, #tpu.memory_space<vmem>>
    %dma_start3A_979 = tpu.memref_squeeze %dma_start3A_978 : memref<1x4x8192xf32, #tpu.memory_space<vmem>> -> memref<4x8192xf32, #tpu.memory_space<vmem>>
    %dma_start3A_980 = arith.constant 0 : i32
    %dma_start3A_981 = tpu.memref_slice %arg4[%add3A_974, %dma_start3A_980] : memref<4096x8192xf32, #tpu.memory_space<hbm>> -> memref<4x8192xf32, #tpu.memory_space<hbm>>
    %dma_start3A_982 = arith.constant 0 : i32
    %dma_start3A_983 = tpu.memref_slice %arg4[%add3A_974, %dma_start3A_982] : memref<4096x8192xf32, #tpu.memory_space<hbm>> -> memref<4x8192xf32, #tpu.memory_space<hbm>>
    %dma_start3A_984 = arith.constant 0 : i32
    %dma_start3A_985 = arith.constant 0 : i32
    %dma_start3A_986 = tpu.memref_slice %arg6[%dma_start3A_975, %dma_start3A_984, %dma_start3A_985] : memref<2x4x8192xf32, #tpu.memory_space<vmem>> -> memref<1x4x8192xf32, #tpu.memory_space<vmem>>
    %dma_start3A_987 = tpu.memref_squeeze %dma_start3A_986 : memref<1x4x8192xf32, #tpu.memory_space<vmem>> -> memref<4x8192xf32, #tpu.memory_space<vmem>>
    tpu.enqueue_dma source(%dma_start3A_987 : memref<4x8192xf32, #tpu.memory_space<vmem>>) target(%dma_start3A_983 : memref<4x8192xf32, #tpu.memory_space<hbm>>) target_semaphore(%arg9 : memref<!tpu.dma_semaphore, #tpu.memory_space<semaphore_mem>>)
    %dma_wait3A_988 = arith.constant 0 : i32
    %dma_wait3A_989 = arith.constant 0 : i32
    %dma_wait3A_990 = arith.constant 0 : i32
    %dma_wait3A_991 = tpu.memref_slice %arg6[%dma_wait3A_988, %dma_wait3A_989, %dma_wait3A_990] : memref<2x4x8192xf32, #tpu.memory_space<vmem>> -> memref<1x4x8192xf32, #tpu.memory_space<vmem>>
    %dma_wait3A_992 = tpu.memref_squeeze %dma_wait3A_991 : memref<1x4x8192xf32, #tpu.memory_space<vmem>> -> memref<4x8192xf32, #tpu.memory_space<vmem>>
    %dma_wait3A_993 = arith.constant 0 : i32
    %dma_wait3A_994 = tpu.memref_slice %arg4[%add3A_974, %dma_wait3A_993] : memref<4096x8192xf32, #tpu.memory_space<hbm>> -> memref<4x8192xf32, #tpu.memory_space<hbm>>
    %dma_wait3A_995 = arith.constant 0 : i32
    %dma_wait3A_996 = tpu.memref_slice %arg4[%add3A_974, %dma_wait3A_995] : memref<4096x8192xf32, #tpu.memory_space<hbm>> -> memref<4x8192xf32, #tpu.memory_space<hbm>>
    %dma_wait3A_997 = arith.constant 0 : i32
    %dma_wait3A_998 = arith.constant 0 : i32
    %dma_wait3A_999 = tpu.memref_slice %arg6[%dma_wait3A_988, %dma_wait3A_997, %dma_wait3A_998] : memref<2x4x8192xf32, #tpu.memory_space<vmem>> -> memref<1x4x8192xf32, #tpu.memory_space<vmem>>
    %dma_wait3A_1000 = tpu.memref_squeeze %dma_wait3A_999 : memref<1x4x8192xf32, #tpu.memory_space<vmem>> -> memref<4x8192xf32, #tpu.memory_space<vmem>>
    tpu.wait_dma2 semaphore(%arg9 : memref<!tpu.dma_semaphore, #tpu.memory_space<semaphore_mem>>) src(%dma_wait3A_1000 : memref<4x8192xf32, #tpu.memory_space<vmem>>) dst(%dma_wait3A_996 : memref<4x8192xf32, #tpu.memory_space<hbm>>)
    %dma_start3A_1001 = arith.constant 20 : i32
    %dma_start3A_1002 = arith.constant 0 : i32
    %dma_start3A_1003 = arith.constant 0 : i32
    %dma_start3A_1004 = arith.constant 0 : i32
    %dma_start3A_1005 = tpu.memref_slice %arg6[%dma_start3A_1002, %dma_start3A_1003, %dma_start3A_1004] : memref<2x4x8192xf32, #tpu.memory_space<vmem>> -> memref<1x4x8192xf32, #tpu.memory_space<vmem>>
    %dma_start3A_1006 = tpu.memref_squeeze %dma_start3A_1005 : memref<1x4x8192xf32, #tpu.memory_space<vmem>> -> memref<4x8192xf32, #tpu.memory_space<vmem>>
    %dma_start3A_1007 = arith.constant 0 : i32
    %dma_start3A_1008 = tpu.memref_slice %arg5[%dma_start3A_1001, %dma_start3A_1007] : memref<32x4xi32, #tpu.memory_space<vmem>> -> memref<1x4xi32, #tpu.memory_space<vmem>>
    %dma_start3A_1009 = tpu.memref_squeeze %dma_start3A_1008 : memref<1x4xi32, #tpu.memory_space<vmem>> -> memref<4xi32, #tpu.memory_space<vmem>>
    %dma_start3A_1010 = arith.constant 0 : i32
    %dma_start3A_1011 = arith.constant 0 : i32
    %dma_start3A_1012 = tpu.memref_slice %arg3[%dma_start3A_1010, %dma_start3A_1011] : memref<8192x8192xf32, #tpu.memory_space<hbm>> -> memref<8192x8192xf32, #tpu.memory_space<hbm>>
    tpu.enqueue_indirect_dma source(%dma_start3A_1012 : memref<8192x8192xf32, #tpu.memory_space<hbm>>) target(%dma_start3A_1006 : memref<4x8192xf32, #tpu.memory_space<vmem>>) offsets(%dma_start3A_1009 : memref<4xi32, #tpu.memory_space<vmem>>) semaphore(%arg7 : memref<!tpu.dma_semaphore, #tpu.memory_space<semaphore_mem>>)
    %dma_wait3A_1013 = arith.constant 19 : i32
    %dma_wait3A_1014 = arith.constant 1 : i32
    %dma_wait3A_1015 = arith.constant 0 : i32
    %dma_wait3A_1016 = arith.constant 0 : i32
    %dma_wait3A_1017 = tpu.memref_slice %arg6[%dma_wait3A_1014, %dma_wait3A_1015, %dma_wait3A_1016] : memref<2x4x8192xf32, #tpu.memory_space<vmem>> -> memref<1x4x8192xf32, #tpu.memory_space<vmem>>
    %dma_wait3A_1018 = tpu.memref_squeeze %dma_wait3A_1017 : memref<1x4x8192xf32, #tpu.memory_space<vmem>> -> memref<4x8192xf32, #tpu.memory_space<vmem>>
    %dma_wait3A_1019 = arith.constant 0 : i32
    %dma_wait3A_1020 = tpu.memref_slice %arg5[%dma_wait3A_1013, %dma_wait3A_1019] : memref<32x4xi32, #tpu.memory_space<vmem>> -> memref<1x4xi32, #tpu.memory_space<vmem>>
    %dma_wait3A_1021 = tpu.memref_squeeze %dma_wait3A_1020 : memref<1x4xi32, #tpu.memory_space<vmem>> -> memref<4xi32, #tpu.memory_space<vmem>>
    %dma_wait3A_1022 = arith.constant 0 : i32
    %dma_wait3A_1023 = arith.constant 0 : i32
    %dma_wait3A_1024 = tpu.memref_slice %arg3[%dma_wait3A_1022, %dma_wait3A_1023] : memref<8192x8192xf32, #tpu.memory_space<hbm>> -> memref<8192x8192xf32, #tpu.memory_space<hbm>>
    tpu.wait_indirect_dma semaphore(%arg8 : memref<!tpu.dma_semaphore, #tpu.memory_space<semaphore_mem>>) src(%dma_wait3A_1024 : memref<8192x8192xf32, #tpu.memory_space<hbm>>) dst(%dma_wait3A_1018 : memref<4x8192xf32, #tpu.memory_space<vmem>>)
    %add3A_1025 = arith.constant 76 : i32
    %add3A_1026 = arith.addi %mul3A_2, %add3A_1025 : i32
    %dma_start3A_1027 = arith.constant 1 : i32
    %dma_start3A_1028 = arith.constant 0 : i32
    %dma_start3A_1029 = arith.constant 0 : i32
    %dma_start3A_1030 = tpu.memref_slice %arg6[%dma_start3A_1027, %dma_start3A_1028, %dma_start3A_1029] : memref<2x4x8192xf32, #tpu.memory_space<vmem>> -> memref<1x4x8192xf32, #tpu.memory_space<vmem>>
    %dma_start3A_1031 = tpu.memref_squeeze %dma_start3A_1030 : memref<1x4x8192xf32, #tpu.memory_space<vmem>> -> memref<4x8192xf32, #tpu.memory_space<vmem>>
    %dma_start3A_1032 = arith.constant 0 : i32
    %dma_start3A_1033 = tpu.memref_slice %arg4[%add3A_1026, %dma_start3A_1032] : memref<4096x8192xf32, #tpu.memory_space<hbm>> -> memref<4x8192xf32, #tpu.memory_space<hbm>>
    %dma_start3A_1034 = arith.constant 0 : i32
    %dma_start3A_1035 = tpu.memref_slice %arg4[%add3A_1026, %dma_start3A_1034] : memref<4096x8192xf32, #tpu.memory_space<hbm>> -> memref<4x8192xf32, #tpu.memory_space<hbm>>
    %dma_start3A_1036 = arith.constant 0 : i32
    %dma_start3A_1037 = arith.constant 0 : i32
    %dma_start3A_1038 = tpu.memref_slice %arg6[%dma_start3A_1027, %dma_start3A_1036, %dma_start3A_1037] : memref<2x4x8192xf32, #tpu.memory_space<vmem>> -> memref<1x4x8192xf32, #tpu.memory_space<vmem>>
    %dma_start3A_1039 = tpu.memref_squeeze %dma_start3A_1038 : memref<1x4x8192xf32, #tpu.memory_space<vmem>> -> memref<4x8192xf32, #tpu.memory_space<vmem>>
    tpu.enqueue_dma source(%dma_start3A_1039 : memref<4x8192xf32, #tpu.memory_space<vmem>>) target(%dma_start3A_1035 : memref<4x8192xf32, #tpu.memory_space<hbm>>) target_semaphore(%arg10 : memref<!tpu.dma_semaphore, #tpu.memory_space<semaphore_mem>>)
    %dma_wait3A_1040 = arith.constant 1 : i32
    %dma_wait3A_1041 = arith.constant 0 : i32
    %dma_wait3A_1042 = arith.constant 0 : i32
    %dma_wait3A_1043 = tpu.memref_slice %arg6[%dma_wait3A_1040, %dma_wait3A_1041, %dma_wait3A_1042] : memref<2x4x8192xf32, #tpu.memory_space<vmem>> -> memref<1x4x8192xf32, #tpu.memory_space<vmem>>
    %dma_wait3A_1044 = tpu.memref_squeeze %dma_wait3A_1043 : memref<1x4x8192xf32, #tpu.memory_space<vmem>> -> memref<4x8192xf32, #tpu.memory_space<vmem>>
    %dma_wait3A_1045 = arith.constant 0 : i32
    %dma_wait3A_1046 = tpu.memref_slice %arg4[%add3A_1026, %dma_wait3A_1045] : memref<4096x8192xf32, #tpu.memory_space<hbm>> -> memref<4x8192xf32, #tpu.memory_space<hbm>>
    %dma_wait3A_1047 = arith.constant 0 : i32
    %dma_wait3A_1048 = tpu.memref_slice %arg4[%add3A_1026, %dma_wait3A_1047] : memref<4096x8192xf32, #tpu.memory_space<hbm>> -> memref<4x8192xf32, #tpu.memory_space<hbm>>
    %dma_wait3A_1049 = arith.constant 0 : i32
    %dma_wait3A_1050 = arith.constant 0 : i32
    %dma_wait3A_1051 = tpu.memref_slice %arg6[%dma_wait3A_1040, %dma_wait3A_1049, %dma_wait3A_1050] : memref<2x4x8192xf32, #tpu.memory_space<vmem>> -> memref<1x4x8192xf32, #tpu.memory_space<vmem>>
    %dma_wait3A_1052 = tpu.memref_squeeze %dma_wait3A_1051 : memref<1x4x8192xf32, #tpu.memory_space<vmem>> -> memref<4x8192xf32, #tpu.memory_space<vmem>>
    tpu.wait_dma2 semaphore(%arg10 : memref<!tpu.dma_semaphore, #tpu.memory_space<semaphore_mem>>) src(%dma_wait3A_1052 : memref<4x8192xf32, #tpu.memory_space<vmem>>) dst(%dma_wait3A_1048 : memref<4x8192xf32, #tpu.memory_space<hbm>>)
    %dma_start3A_1053 = arith.constant 21 : i32
    %dma_start3A_1054 = arith.constant 1 : i32
    %dma_start3A_1055 = arith.constant 0 : i32
    %dma_start3A_1056 = arith.constant 0 : i32
    %dma_start3A_1057 = tpu.memref_slice %arg6[%dma_start3A_1054, %dma_start3A_1055, %dma_start3A_1056] : memref<2x4x8192xf32, #tpu.memory_space<vmem>> -> memref<1x4x8192xf32, #tpu.memory_space<vmem>>
    %dma_start3A_1058 = tpu.memref_squeeze %dma_start3A_1057 : memref<1x4x8192xf32, #tpu.memory_space<vmem>> -> memref<4x8192xf32, #tpu.memory_space<vmem>>
    %dma_start3A_1059 = arith.constant 0 : i32
    %dma_start3A_1060 = tpu.memref_slice %arg5[%dma_start3A_1053, %dma_start3A_1059] : memref<32x4xi32, #tpu.memory_space<vmem>> -> memref<1x4xi32, #tpu.memory_space<vmem>>
    %dma_start3A_1061 = tpu.memref_squeeze %dma_start3A_1060 : memref<1x4xi32, #tpu.memory_space<vmem>> -> memref<4xi32, #tpu.memory_space<vmem>>
    %dma_start3A_1062 = arith.constant 0 : i32
    %dma_start3A_1063 = arith.constant 0 : i32
    %dma_start3A_1064 = tpu.memref_slice %arg3[%dma_start3A_1062, %dma_start3A_1063] : memref<8192x8192xf32, #tpu.memory_space<hbm>> -> memref<8192x8192xf32, #tpu.memory_space<hbm>>
    tpu.enqueue_indirect_dma source(%dma_start3A_1064 : memref<8192x8192xf32, #tpu.memory_space<hbm>>) target(%dma_start3A_1058 : memref<4x8192xf32, #tpu.memory_space<vmem>>) offsets(%dma_start3A_1061 : memref<4xi32, #tpu.memory_space<vmem>>) semaphore(%arg8 : memref<!tpu.dma_semaphore, #tpu.memory_space<semaphore_mem>>)
    %dma_wait3A_1065 = arith.constant 20 : i32
    %dma_wait3A_1066 = arith.constant 0 : i32
    %dma_wait3A_1067 = arith.constant 0 : i32
    %dma_wait3A_1068 = arith.constant 0 : i32
    %dma_wait3A_1069 = tpu.memref_slice %arg6[%dma_wait3A_1066, %dma_wait3A_1067, %dma_wait3A_1068] : memref<2x4x8192xf32, #tpu.memory_space<vmem>> -> memref<1x4x8192xf32, #tpu.memory_space<vmem>>
    %dma_wait3A_1070 = tpu.memref_squeeze %dma_wait3A_1069 : memref<1x4x8192xf32, #tpu.memory_space<vmem>> -> memref<4x8192xf32, #tpu.memory_space<vmem>>
    %dma_wait3A_1071 = arith.constant 0 : i32
    %dma_wait3A_1072 = tpu.memref_slice %arg5[%dma_wait3A_1065, %dma_wait3A_1071] : memref<32x4xi32, #tpu.memory_space<vmem>> -> memref<1x4xi32, #tpu.memory_space<vmem>>
    %dma_wait3A_1073 = tpu.memref_squeeze %dma_wait3A_1072 : memref<1x4xi32, #tpu.memory_space<vmem>> -> memref<4xi32, #tpu.memory_space<vmem>>
    %dma_wait3A_1074 = arith.constant 0 : i32
    %dma_wait3A_1075 = arith.constant 0 : i32
    %dma_wait3A_1076 = tpu.memref_slice %arg3[%dma_wait3A_1074, %dma_wait3A_1075] : memref<8192x8192xf32, #tpu.memory_space<hbm>> -> memref<8192x8192xf32, #tpu.memory_space<hbm>>
    tpu.wait_indirect_dma semaphore(%arg7 : memref<!tpu.dma_semaphore, #tpu.memory_space<semaphore_mem>>) src(%dma_wait3A_1076 : memref<8192x8192xf32, #tpu.memory_space<hbm>>) dst(%dma_wait3A_1070 : memref<4x8192xf32, #tpu.memory_space<vmem>>)
    %add3A_1077 = arith.constant 80 : i32
    %add3A_1078 = arith.addi %mul3A_2, %add3A_1077 : i32
    %dma_start3A_1079 = arith.constant 0 : i32
    %dma_start3A_1080 = arith.constant 0 : i32
    %dma_start3A_1081 = arith.constant 0 : i32
    %dma_start3A_1082 = tpu.memref_slice %arg6[%dma_start3A_1079, %dma_start3A_1080, %dma_start3A_1081] : memref<2x4x8192xf32, #tpu.memory_space<vmem>> -> memref<1x4x8192xf32, #tpu.memory_space<vmem>>
    %dma_start3A_1083 = tpu.memref_squeeze %dma_start3A_1082 : memref<1x4x8192xf32, #tpu.memory_space<vmem>> -> memref<4x8192xf32, #tpu.memory_space<vmem>>
    %dma_start3A_1084 = arith.constant 0 : i32
    %dma_start3A_1085 = tpu.memref_slice %arg4[%add3A_1078, %dma_start3A_1084] : memref<4096x8192xf32, #tpu.memory_space<hbm>> -> memref<4x8192xf32, #tpu.memory_space<hbm>>
    %dma_start3A_1086 = arith.constant 0 : i32
    %dma_start3A_1087 = tpu.memref_slice %arg4[%add3A_1078, %dma_start3A_1086] : memref<4096x8192xf32, #tpu.memory_space<hbm>> -> memref<4x8192xf32, #tpu.memory_space<hbm>>
    %dma_start3A_1088 = arith.constant 0 : i32
    %dma_start3A_1089 = arith.constant 0 : i32
    %dma_start3A_1090 = tpu.memref_slice %arg6[%dma_start3A_1079, %dma_start3A_1088, %dma_start3A_1089] : memref<2x4x8192xf32, #tpu.memory_space<vmem>> -> memref<1x4x8192xf32, #tpu.memory_space<vmem>>
    %dma_start3A_1091 = tpu.memref_squeeze %dma_start3A_1090 : memref<1x4x8192xf32, #tpu.memory_space<vmem>> -> memref<4x8192xf32, #tpu.memory_space<vmem>>
    tpu.enqueue_dma source(%dma_start3A_1091 : memref<4x8192xf32, #tpu.memory_space<vmem>>) target(%dma_start3A_1087 : memref<4x8192xf32, #tpu.memory_space<hbm>>) target_semaphore(%arg9 : memref<!tpu.dma_semaphore, #tpu.memory_space<semaphore_mem>>)
    %dma_wait3A_1092 = arith.constant 0 : i32
    %dma_wait3A_1093 = arith.constant 0 : i32
    %dma_wait3A_1094 = arith.constant 0 : i32
    %dma_wait3A_1095 = tpu.memref_slice %arg6[%dma_wait3A_1092, %dma_wait3A_1093, %dma_wait3A_1094] : memref<2x4x8192xf32, #tpu.memory_space<vmem>> -> memref<1x4x8192xf32, #tpu.memory_space<vmem>>
    %dma_wait3A_1096 = tpu.memref_squeeze %dma_wait3A_1095 : memref<1x4x8192xf32, #tpu.memory_space<vmem>> -> memref<4x8192xf32, #tpu.memory_space<vmem>>
    %dma_wait3A_1097 = arith.constant 0 : i32
    %dma_wait3A_1098 = tpu.memref_slice %arg4[%add3A_1078, %dma_wait3A_1097] : memref<4096x8192xf32, #tpu.memory_space<hbm>> -> memref<4x8192xf32, #tpu.memory_space<hbm>>
    %dma_wait3A_1099 = arith.constant 0 : i32
    %dma_wait3A_1100 = tpu.memref_slice %arg4[%add3A_1078, %dma_wait3A_1099] : memref<4096x8192xf32, #tpu.memory_space<hbm>> -> memref<4x8192xf32, #tpu.memory_space<hbm>>
    %dma_wait3A_1101 = arith.constant 0 : i32
    %dma_wait3A_1102 = arith.constant 0 : i32
    %dma_wait3A_1103 = tpu.memref_slice %arg6[%dma_wait3A_1092, %dma_wait3A_1101, %dma_wait3A_1102] : memref<2x4x8192xf32, #tpu.memory_space<vmem>> -> memref<1x4x8192xf32, #tpu.memory_space<vmem>>
    %dma_wait3A_1104 = tpu.memref_squeeze %dma_wait3A_1103 : memref<1x4x8192xf32, #tpu.memory_space<vmem>> -> memref<4x8192xf32, #tpu.memory_space<vmem>>
    tpu.wait_dma2 semaphore(%arg9 : memref<!tpu.dma_semaphore, #tpu.memory_space<semaphore_mem>>) src(%dma_wait3A_1104 : memref<4x8192xf32, #tpu.memory_space<vmem>>) dst(%dma_wait3A_1100 : memref<4x8192xf32, #tpu.memory_space<hbm>>)
    %dma_start3A_1105 = arith.constant 22 : i32
    %dma_start3A_1106 = arith.constant 0 : i32
    %dma_start3A_1107 = arith.constant 0 : i32
    %dma_start3A_1108 = arith.constant 0 : i32
    %dma_start3A_1109 = tpu.memref_slice %arg6[%dma_start3A_1106, %dma_start3A_1107, %dma_start3A_1108] : memref<2x4x8192xf32, #tpu.memory_space<vmem>> -> memref<1x4x8192xf32, #tpu.memory_space<vmem>>
    %dma_start3A_1110 = tpu.memref_squeeze %dma_start3A_1109 : memref<1x4x8192xf32, #tpu.memory_space<vmem>> -> memref<4x8192xf32, #tpu.memory_space<vmem>>
    %dma_start3A_1111 = arith.constant 0 : i32
    %dma_start3A_1112 = tpu.memref_slice %arg5[%dma_start3A_1105, %dma_start3A_1111] : memref<32x4xi32, #tpu.memory_space<vmem>> -> memref<1x4xi32, #tpu.memory_space<vmem>>
    %dma_start3A_1113 = tpu.memref_squeeze %dma_start3A_1112 : memref<1x4xi32, #tpu.memory_space<vmem>> -> memref<4xi32, #tpu.memory_space<vmem>>
    %dma_start3A_1114 = arith.constant 0 : i32
    %dma_start3A_1115 = arith.constant 0 : i32
    %dma_start3A_1116 = tpu.memref_slice %arg3[%dma_start3A_1114, %dma_start3A_1115] : memref<8192x8192xf32, #tpu.memory_space<hbm>> -> memref<8192x8192xf32, #tpu.memory_space<hbm>>
    tpu.enqueue_indirect_dma source(%dma_start3A_1116 : memref<8192x8192xf32, #tpu.memory_space<hbm>>) target(%dma_start3A_1110 : memref<4x8192xf32, #tpu.memory_space<vmem>>) offsets(%dma_start3A_1113 : memref<4xi32, #tpu.memory_space<vmem>>) semaphore(%arg7 : memref<!tpu.dma_semaphore, #tpu.memory_space<semaphore_mem>>)
    %dma_wait3A_1117 = arith.constant 21 : i32
    %dma_wait3A_1118 = arith.constant 1 : i32
    %dma_wait3A_1119 = arith.constant 0 : i32
    %dma_wait3A_1120 = arith.constant 0 : i32
    %dma_wait3A_1121 = tpu.memref_slice %arg6[%dma_wait3A_1118, %dma_wait3A_1119, %dma_wait3A_1120] : memref<2x4x8192xf32, #tpu.memory_space<vmem>> -> memref<1x4x8192xf32, #tpu.memory_space<vmem>>
    %dma_wait3A_1122 = tpu.memref_squeeze %dma_wait3A_1121 : memref<1x4x8192xf32, #tpu.memory_space<vmem>> -> memref<4x8192xf32, #tpu.memory_space<vmem>>
    %dma_wait3A_1123 = arith.constant 0 : i32
    %dma_wait3A_1124 = tpu.memref_slice %arg5[%dma_wait3A_1117, %dma_wait3A_1123] : memref<32x4xi32, #tpu.memory_space<vmem>> -> memref<1x4xi32, #tpu.memory_space<vmem>>
    %dma_wait3A_1125 = tpu.memref_squeeze %dma_wait3A_1124 : memref<1x4xi32, #tpu.memory_space<vmem>> -> memref<4xi32, #tpu.memory_space<vmem>>
    %dma_wait3A_1126 = arith.constant 0 : i32
    %dma_wait3A_1127 = arith.constant 0 : i32
    %dma_wait3A_1128 = tpu.memref_slice %arg3[%dma_wait3A_1126, %dma_wait3A_1127] : memref<8192x8192xf32, #tpu.memory_space<hbm>> -> memref<8192x8192xf32, #tpu.memory_space<hbm>>
    tpu.wait_indirect_dma semaphore(%arg8 : memref<!tpu.dma_semaphore, #tpu.memory_space<semaphore_mem>>) src(%dma_wait3A_1128 : memref<8192x8192xf32, #tpu.memory_space<hbm>>) dst(%dma_wait3A_1122 : memref<4x8192xf32, #tpu.memory_space<vmem>>)
    %add3A_1129 = arith.constant 84 : i32
    %add3A_1130 = arith.addi %mul3A_2, %add3A_1129 : i32
    %dma_start3A_1131 = arith.constant 1 : i32
    %dma_start3A_1132 = arith.constant 0 : i32
    %dma_start3A_1133 = arith.constant 0 : i32
    %dma_start3A_1134 = tpu.memref_slice %arg6[%dma_start3A_1131, %dma_start3A_1132, %dma_start3A_1133] : memref<2x4x8192xf32, #tpu.memory_space<vmem>> -> memref<1x4x8192xf32, #tpu.memory_space<vmem>>
    %dma_start3A_1135 = tpu.memref_squeeze %dma_start3A_1134 : memref<1x4x8192xf32, #tpu.memory_space<vmem>> -> memref<4x8192xf32, #tpu.memory_space<vmem>>
    %dma_start3A_1136 = arith.constant 0 : i32
    %dma_start3A_1137 = tpu.memref_slice %arg4[%add3A_1130, %dma_start3A_1136] : memref<4096x8192xf32, #tpu.memory_space<hbm>> -> memref<4x8192xf32, #tpu.memory_space<hbm>>
    %dma_start3A_1138 = arith.constant 0 : i32
    %dma_start3A_1139 = tpu.memref_slice %arg4[%add3A_1130, %dma_start3A_1138] : memref<4096x8192xf32, #tpu.memory_space<hbm>> -> memref<4x8192xf32, #tpu.memory_space<hbm>>
    %dma_start3A_1140 = arith.constant 0 : i32
    %dma_start3A_1141 = arith.constant 0 : i32
    %dma_start3A_1142 = tpu.memref_slice %arg6[%dma_start3A_1131, %dma_start3A_1140, %dma_start3A_1141] : memref<2x4x8192xf32, #tpu.memory_space<vmem>> -> memref<1x4x8192xf32, #tpu.memory_space<vmem>>
    %dma_start3A_1143 = tpu.memref_squeeze %dma_start3A_1142 : memref<1x4x8192xf32, #tpu.memory_space<vmem>> -> memref<4x8192xf32, #tpu.memory_space<vmem>>
    tpu.enqueue_dma source(%dma_start3A_1143 : memref<4x8192xf32, #tpu.memory_space<vmem>>) target(%dma_start3A_1139 : memref<4x8192xf32, #tpu.memory_space<hbm>>) target_semaphore(%arg10 : memref<!tpu.dma_semaphore, #tpu.memory_space<semaphore_mem>>)
    %dma_wait3A_1144 = arith.constant 1 : i32
    %dma_wait3A_1145 = arith.constant 0 : i32
    %dma_wait3A_1146 = arith.constant 0 : i32
    %dma_wait3A_1147 = tpu.memref_slice %arg6[%dma_wait3A_1144, %dma_wait3A_1145, %dma_wait3A_1146] : memref<2x4x8192xf32, #tpu.memory_space<vmem>> -> memref<1x4x8192xf32, #tpu.memory_space<vmem>>
    %dma_wait3A_1148 = tpu.memref_squeeze %dma_wait3A_1147 : memref<1x4x8192xf32, #tpu.memory_space<vmem>> -> memref<4x8192xf32, #tpu.memory_space<vmem>>
    %dma_wait3A_1149 = arith.constant 0 : i32
    %dma_wait3A_1150 = tpu.memref_slice %arg4[%add3A_1130, %dma_wait3A_1149] : memref<4096x8192xf32, #tpu.memory_space<hbm>> -> memref<4x8192xf32, #tpu.memory_space<hbm>>
    %dma_wait3A_1151 = arith.constant 0 : i32
    %dma_wait3A_1152 = tpu.memref_slice %arg4[%add3A_1130, %dma_wait3A_1151] : memref<4096x8192xf32, #tpu.memory_space<hbm>> -> memref<4x8192xf32, #tpu.memory_space<hbm>>
    %dma_wait3A_1153 = arith.constant 0 : i32
    %dma_wait3A_1154 = arith.constant 0 : i32
    %dma_wait3A_1155 = tpu.memref_slice %arg6[%dma_wait3A_1144, %dma_wait3A_1153, %dma_wait3A_1154] : memref<2x4x8192xf32, #tpu.memory_space<vmem>> -> memref<1x4x8192xf32, #tpu.memory_space<vmem>>
    %dma_wait3A_1156 = tpu.memref_squeeze %dma_wait3A_1155 : memref<1x4x8192xf32, #tpu.memory_space<vmem>> -> memref<4x8192xf32, #tpu.memory_space<vmem>>
    tpu.wait_dma2 semaphore(%arg10 : memref<!tpu.dma_semaphore, #tpu.memory_space<semaphore_mem>>) src(%dma_wait3A_1156 : memref<4x8192xf32, #tpu.memory_space<vmem>>) dst(%dma_wait3A_1152 : memref<4x8192xf32, #tpu.memory_space<hbm>>)
    %dma_start3A_1157 = arith.constant 23 : i32
    %dma_start3A_1158 = arith.constant 1 : i32
    %dma_start3A_1159 = arith.constant 0 : i32
    %dma_start3A_1160 = arith.constant 0 : i32
    %dma_start3A_1161 = tpu.memref_slice %arg6[%dma_start3A_1158, %dma_start3A_1159, %dma_start3A_1160] : memref<2x4x8192xf32, #tpu.memory_space<vmem>> -> memref<1x4x8192xf32, #tpu.memory_space<vmem>>
    %dma_start3A_1162 = tpu.memref_squeeze %dma_start3A_1161 : memref<1x4x8192xf32, #tpu.memory_space<vmem>> -> memref<4x8192xf32, #tpu.memory_space<vmem>>
    %dma_start3A_1163 = arith.constant 0 : i32
    %dma_start3A_1164 = tpu.memref_slice %arg5[%dma_start3A_1157, %dma_start3A_1163] : memref<32x4xi32, #tpu.memory_space<vmem>> -> memref<1x4xi32, #tpu.memory_space<vmem>>
    %dma_start3A_1165 = tpu.memref_squeeze %dma_start3A_1164 : memref<1x4xi32, #tpu.memory_space<vmem>> -> memref<4xi32, #tpu.memory_space<vmem>>
    %dma_start3A_1166 = arith.constant 0 : i32
    %dma_start3A_1167 = arith.constant 0 : i32
    %dma_start3A_1168 = tpu.memref_slice %arg3[%dma_start3A_1166, %dma_start3A_1167] : memref<8192x8192xf32, #tpu.memory_space<hbm>> -> memref<8192x8192xf32, #tpu.memory_space<hbm>>
    tpu.enqueue_indirect_dma source(%dma_start3A_1168 : memref<8192x8192xf32, #tpu.memory_space<hbm>>) target(%dma_start3A_1162 : memref<4x8192xf32, #tpu.memory_space<vmem>>) offsets(%dma_start3A_1165 : memref<4xi32, #tpu.memory_space<vmem>>) semaphore(%arg8 : memref<!tpu.dma_semaphore, #tpu.memory_space<semaphore_mem>>)
    %dma_wait3A_1169 = arith.constant 22 : i32
    %dma_wait3A_1170 = arith.constant 0 : i32
    %dma_wait3A_1171 = arith.constant 0 : i32
    %dma_wait3A_1172 = arith.constant 0 : i32
    %dma_wait3A_1173 = tpu.memref_slice %arg6[%dma_wait3A_1170, %dma_wait3A_1171, %dma_wait3A_1172] : memref<2x4x8192xf32, #tpu.memory_space<vmem>> -> memref<1x4x8192xf32, #tpu.memory_space<vmem>>
    %dma_wait3A_1174 = tpu.memref_squeeze %dma_wait3A_1173 : memref<1x4x8192xf32, #tpu.memory_space<vmem>> -> memref<4x8192xf32, #tpu.memory_space<vmem>>
    %dma_wait3A_1175 = arith.constant 0 : i32
    %dma_wait3A_1176 = tpu.memref_slice %arg5[%dma_wait3A_1169, %dma_wait3A_1175] : memref<32x4xi32, #tpu.memory_space<vmem>> -> memref<1x4xi32, #tpu.memory_space<vmem>>
    %dma_wait3A_1177 = tpu.memref_squeeze %dma_wait3A_1176 : memref<1x4xi32, #tpu.memory_space<vmem>> -> memref<4xi32, #tpu.memory_space<vmem>>
    %dma_wait3A_1178 = arith.constant 0 : i32
    %dma_wait3A_1179 = arith.constant 0 : i32
    %dma_wait3A_1180 = tpu.memref_slice %arg3[%dma_wait3A_1178, %dma_wait3A_1179] : memref<8192x8192xf32, #tpu.memory_space<hbm>> -> memref<8192x8192xf32, #tpu.memory_space<hbm>>
    tpu.wait_indirect_dma semaphore(%arg7 : memref<!tpu.dma_semaphore, #tpu.memory_space<semaphore_mem>>) src(%dma_wait3A_1180 : memref<8192x8192xf32, #tpu.memory_space<hbm>>) dst(%dma_wait3A_1174 : memref<4x8192xf32, #tpu.memory_space<vmem>>)
    %add3A_1181 = arith.constant 88 : i32
    %add3A_1182 = arith.addi %mul3A_2, %add3A_1181 : i32
    %dma_start3A_1183 = arith.constant 0 : i32
    %dma_start3A_1184 = arith.constant 0 : i32
    %dma_start3A_1185 = arith.constant 0 : i32
    %dma_start3A_1186 = tpu.memref_slice %arg6[%dma_start3A_1183, %dma_start3A_1184, %dma_start3A_1185] : memref<2x4x8192xf32, #tpu.memory_space<vmem>> -> memref<1x4x8192xf32, #tpu.memory_space<vmem>>
    %dma_start3A_1187 = tpu.memref_squeeze %dma_start3A_1186 : memref<1x4x8192xf32, #tpu.memory_space<vmem>> -> memref<4x8192xf32, #tpu.memory_space<vmem>>
    %dma_start3A_1188 = arith.constant 0 : i32
    %dma_start3A_1189 = tpu.memref_slice %arg4[%add3A_1182, %dma_start3A_1188] : memref<4096x8192xf32, #tpu.memory_space<hbm>> -> memref<4x8192xf32, #tpu.memory_space<hbm>>
    %dma_start3A_1190 = arith.constant 0 : i32
    %dma_start3A_1191 = tpu.memref_slice %arg4[%add3A_1182, %dma_start3A_1190] : memref<4096x8192xf32, #tpu.memory_space<hbm>> -> memref<4x8192xf32, #tpu.memory_space<hbm>>
    %dma_start3A_1192 = arith.constant 0 : i32
    %dma_start3A_1193 = arith.constant 0 : i32
    %dma_start3A_1194 = tpu.memref_slice %arg6[%dma_start3A_1183, %dma_start3A_1192, %dma_start3A_1193] : memref<2x4x8192xf32, #tpu.memory_space<vmem>> -> memref<1x4x8192xf32, #tpu.memory_space<vmem>>
    %dma_start3A_1195 = tpu.memref_squeeze %dma_start3A_1194 : memref<1x4x8192xf32, #tpu.memory_space<vmem>> -> memref<4x8192xf32, #tpu.memory_space<vmem>>
    tpu.enqueue_dma source(%dma_start3A_1195 : memref<4x8192xf32, #tpu.memory_space<vmem>>) target(%dma_start3A_1191 : memref<4x8192xf32, #tpu.memory_space<hbm>>) target_semaphore(%arg9 : memref<!tpu.dma_semaphore, #tpu.memory_space<semaphore_mem>>)
    %dma_wait3A_1196 = arith.constant 0 : i32
    %dma_wait3A_1197 = arith.constant 0 : i32
    %dma_wait3A_1198 = arith.constant 0 : i32
    %dma_wait3A_1199 = tpu.memref_slice %arg6[%dma_wait3A_1196, %dma_wait3A_1197, %dma_wait3A_1198] : memref<2x4x8192xf32, #tpu.memory_space<vmem>> -> memref<1x4x8192xf32, #tpu.memory_space<vmem>>
    %dma_wait3A_1200 = tpu.memref_squeeze %dma_wait3A_1199 : memref<1x4x8192xf32, #tpu.memory_space<vmem>> -> memref<4x8192xf32, #tpu.memory_space<vmem>>
    %dma_wait3A_1201 = arith.constant 0 : i32
    %dma_wait3A_1202 = tpu.memref_slice %arg4[%add3A_1182, %dma_wait3A_1201] : memref<4096x8192xf32, #tpu.memory_space<hbm>> -> memref<4x8192xf32, #tpu.memory_space<hbm>>
    %dma_wait3A_1203 = arith.constant 0 : i32
    %dma_wait3A_1204 = tpu.memref_slice %arg4[%add3A_1182, %dma_wait3A_1203] : memref<4096x8192xf32, #tpu.memory_space<hbm>> -> memref<4x8192xf32, #tpu.memory_space<hbm>>
    %dma_wait3A_1205 = arith.constant 0 : i32
    %dma_wait3A_1206 = arith.constant 0 : i32
    %dma_wait3A_1207 = tpu.memref_slice %arg6[%dma_wait3A_1196, %dma_wait3A_1205, %dma_wait3A_1206] : memref<2x4x8192xf32, #tpu.memory_space<vmem>> -> memref<1x4x8192xf32, #tpu.memory_space<vmem>>
    %dma_wait3A_1208 = tpu.memref_squeeze %dma_wait3A_1207 : memref<1x4x8192xf32, #tpu.memory_space<vmem>> -> memref<4x8192xf32, #tpu.memory_space<vmem>>
    tpu.wait_dma2 semaphore(%arg9 : memref<!tpu.dma_semaphore, #tpu.memory_space<semaphore_mem>>) src(%dma_wait3A_1208 : memref<4x8192xf32, #tpu.memory_space<vmem>>) dst(%dma_wait3A_1204 : memref<4x8192xf32, #tpu.memory_space<hbm>>)
    %dma_start3A_1209 = arith.constant 24 : i32
    %dma_start3A_1210 = arith.constant 0 : i32
    %dma_start3A_1211 = arith.constant 0 : i32
    %dma_start3A_1212 = arith.constant 0 : i32
    %dma_start3A_1213 = tpu.memref_slice %arg6[%dma_start3A_1210, %dma_start3A_1211, %dma_start3A_1212] : memref<2x4x8192xf32, #tpu.memory_space<vmem>> -> memref<1x4x8192xf32, #tpu.memory_space<vmem>>
    %dma_start3A_1214 = tpu.memref_squeeze %dma_start3A_1213 : memref<1x4x8192xf32, #tpu.memory_space<vmem>> -> memref<4x8192xf32, #tpu.memory_space<vmem>>
    %dma_start3A_1215 = arith.constant 0 : i32
    %dma_start3A_1216 = tpu.memref_slice %arg5[%dma_start3A_1209, %dma_start3A_1215] : memref<32x4xi32, #tpu.memory_space<vmem>> -> memref<1x4xi32, #tpu.memory_space<vmem>>
    %dma_start3A_1217 = tpu.memref_squeeze %dma_start3A_1216 : memref<1x4xi32, #tpu.memory_space<vmem>> -> memref<4xi32, #tpu.memory_space<vmem>>
    %dma_start3A_1218 = arith.constant 0 : i32
    %dma_start3A_1219 = arith.constant 0 : i32
    %dma_start3A_1220 = tpu.memref_slice %arg3[%dma_start3A_1218, %dma_start3A_1219] : memref<8192x8192xf32, #tpu.memory_space<hbm>> -> memref<8192x8192xf32, #tpu.memory_space<hbm>>
    tpu.enqueue_indirect_dma source(%dma_start3A_1220 : memref<8192x8192xf32, #tpu.memory_space<hbm>>) target(%dma_start3A_1214 : memref<4x8192xf32, #tpu.memory_space<vmem>>) offsets(%dma_start3A_1217 : memref<4xi32, #tpu.memory_space<vmem>>) semaphore(%arg7 : memref<!tpu.dma_semaphore, #tpu.memory_space<semaphore_mem>>)
    %dma_wait3A_1221 = arith.constant 23 : i32
    %dma_wait3A_1222 = arith.constant 1 : i32
    %dma_wait3A_1223 = arith.constant 0 : i32
    %dma_wait3A_1224 = arith.constant 0 : i32
    %dma_wait3A_1225 = tpu.memref_slice %arg6[%dma_wait3A_1222, %dma_wait3A_1223, %dma_wait3A_1224] : memref<2x4x8192xf32, #tpu.memory_space<vmem>> -> memref<1x4x8192xf32, #tpu.memory_space<vmem>>
    %dma_wait3A_1226 = tpu.memref_squeeze %dma_wait3A_1225 : memref<1x4x8192xf32, #tpu.memory_space<vmem>> -> memref<4x8192xf32, #tpu.memory_space<vmem>>
    %dma_wait3A_1227 = arith.constant 0 : i32
    %dma_wait3A_1228 = tpu.memref_slice %arg5[%dma_wait3A_1221, %dma_wait3A_1227] : memref<32x4xi32, #tpu.memory_space<vmem>> -> memref<1x4xi32, #tpu.memory_space<vmem>>
    %dma_wait3A_1229 = tpu.memref_squeeze %dma_wait3A_1228 : memref<1x4xi32, #tpu.memory_space<vmem>> -> memref<4xi32, #tpu.memory_space<vmem>>
    %dma_wait3A_1230 = arith.constant 0 : i32
    %dma_wait3A_1231 = arith.constant 0 : i32
    %dma_wait3A_1232 = tpu.memref_slice %arg3[%dma_wait3A_1230, %dma_wait3A_1231] : memref<8192x8192xf32, #tpu.memory_space<hbm>> -> memref<8192x8192xf32, #tpu.memory_space<hbm>>
    tpu.wait_indirect_dma semaphore(%arg8 : memref<!tpu.dma_semaphore, #tpu.memory_space<semaphore_mem>>) src(%dma_wait3A_1232 : memref<8192x8192xf32, #tpu.memory_space<hbm>>) dst(%dma_wait3A_1226 : memref<4x8192xf32, #tpu.memory_space<vmem>>)
    %add3A_1233 = arith.constant 92 : i32
    %add3A_1234 = arith.addi %mul3A_2, %add3A_1233 : i32
    %dma_start3A_1235 = arith.constant 1 : i32
    %dma_start3A_1236 = arith.constant 0 : i32
    %dma_start3A_1237 = arith.constant 0 : i32
    %dma_start3A_1238 = tpu.memref_slice %arg6[%dma_start3A_1235, %dma_start3A_1236, %dma_start3A_1237] : memref<2x4x8192xf32, #tpu.memory_space<vmem>> -> memref<1x4x8192xf32, #tpu.memory_space<vmem>>
    %dma_start3A_1239 = tpu.memref_squeeze %dma_start3A_1238 : memref<1x4x8192xf32, #tpu.memory_space<vmem>> -> memref<4x8192xf32, #tpu.memory_space<vmem>>
    %dma_start3A_1240 = arith.constant 0 : i32
    %dma_start3A_1241 = tpu.memref_slice %arg4[%add3A_1234, %dma_start3A_1240] : memref<4096x8192xf32, #tpu.memory_space<hbm>> -> memref<4x8192xf32, #tpu.memory_space<hbm>>
    %dma_start3A_1242 = arith.constant 0 : i32
    %dma_start3A_1243 = tpu.memref_slice %arg4[%add3A_1234, %dma_start3A_1242] : memref<4096x8192xf32, #tpu.memory_space<hbm>> -> memref<4x8192xf32, #tpu.memory_space<hbm>>
    %dma_start3A_1244 = arith.constant 0 : i32
    %dma_start3A_1245 = arith.constant 0 : i32
    %dma_start3A_1246 = tpu.memref_slice %arg6[%dma_start3A_1235, %dma_start3A_1244, %dma_start3A_1245] : memref<2x4x8192xf32, #tpu.memory_space<vmem>> -> memref<1x4x8192xf32, #tpu.memory_space<vmem>>
    %dma_start3A_1247 = tpu.memref_squeeze %dma_start3A_1246 : memref<1x4x8192xf32, #tpu.memory_space<vmem>> -> memref<4x8192xf32, #tpu.memory_space<vmem>>
    tpu.enqueue_dma source(%dma_start3A_1247 : memref<4x8192xf32, #tpu.memory_space<vmem>>) target(%dma_start3A_1243 : memref<4x8192xf32, #tpu.memory_space<hbm>>) target_semaphore(%arg10 : memref<!tpu.dma_semaphore, #tpu.memory_space<semaphore_mem>>)
    %dma_wait3A_1248 = arith.constant 1 : i32
    %dma_wait3A_1249 = arith.constant 0 : i32
    %dma_wait3A_1250 = arith.constant 0 : i32
    %dma_wait3A_1251 = tpu.memref_slice %arg6[%dma_wait3A_1248, %dma_wait3A_1249, %dma_wait3A_1250] : memref<2x4x8192xf32, #tpu.memory_space<vmem>> -> memref<1x4x8192xf32, #tpu.memory_space<vmem>>
    %dma_wait3A_1252 = tpu.memref_squeeze %dma_wait3A_1251 : memref<1x4x8192xf32, #tpu.memory_space<vmem>> -> memref<4x8192xf32, #tpu.memory_space<vmem>>
    %dma_wait3A_1253 = arith.constant 0 : i32
    %dma_wait3A_1254 = tpu.memref_slice %arg4[%add3A_1234, %dma_wait3A_1253] : memref<4096x8192xf32, #tpu.memory_space<hbm>> -> memref<4x8192xf32, #tpu.memory_space<hbm>>
    %dma_wait3A_1255 = arith.constant 0 : i32
    %dma_wait3A_1256 = tpu.memref_slice %arg4[%add3A_1234, %dma_wait3A_1255] : memref<4096x8192xf32, #tpu.memory_space<hbm>> -> memref<4x8192xf32, #tpu.memory_space<hbm>>
    %dma_wait3A_1257 = arith.constant 0 : i32
    %dma_wait3A_1258 = arith.constant 0 : i32
    %dma_wait3A_1259 = tpu.memref_slice %arg6[%dma_wait3A_1248, %dma_wait3A_1257, %dma_wait3A_1258] : memref<2x4x8192xf32, #tpu.memory_space<vmem>> -> memref<1x4x8192xf32, #tpu.memory_space<vmem>>
    %dma_wait3A_1260 = tpu.memref_squeeze %dma_wait3A_1259 : memref<1x4x8192xf32, #tpu.memory_space<vmem>> -> memref<4x8192xf32, #tpu.memory_space<vmem>>
    tpu.wait_dma2 semaphore(%arg10 : memref<!tpu.dma_semaphore, #tpu.memory_space<semaphore_mem>>) src(%dma_wait3A_1260 : memref<4x8192xf32, #tpu.memory_space<vmem>>) dst(%dma_wait3A_1256 : memref<4x8192xf32, #tpu.memory_space<hbm>>)
    %dma_start3A_1261 = arith.constant 25 : i32
    %dma_start3A_1262 = arith.constant 1 : i32
    %dma_start3A_1263 = arith.constant 0 : i32
    %dma_start3A_1264 = arith.constant 0 : i32
    %dma_start3A_1265 = tpu.memref_slice %arg6[%dma_start3A_1262, %dma_start3A_1263, %dma_start3A_1264] : memref<2x4x8192xf32, #tpu.memory_space<vmem>> -> memref<1x4x8192xf32, #tpu.memory_space<vmem>>
    %dma_start3A_1266 = tpu.memref_squeeze %dma_start3A_1265 : memref<1x4x8192xf32, #tpu.memory_space<vmem>> -> memref<4x8192xf32, #tpu.memory_space<vmem>>
    %dma_start3A_1267 = arith.constant 0 : i32
    %dma_start3A_1268 = tpu.memref_slice %arg5[%dma_start3A_1261, %dma_start3A_1267] : memref<32x4xi32, #tpu.memory_space<vmem>> -> memref<1x4xi32, #tpu.memory_space<vmem>>
    %dma_start3A_1269 = tpu.memref_squeeze %dma_start3A_1268 : memref<1x4xi32, #tpu.memory_space<vmem>> -> memref<4xi32, #tpu.memory_space<vmem>>
    %dma_start3A_1270 = arith.constant 0 : i32
    %dma_start3A_1271 = arith.constant 0 : i32
    %dma_start3A_1272 = tpu.memref_slice %arg3[%dma_start3A_1270, %dma_start3A_1271] : memref<8192x8192xf32, #tpu.memory_space<hbm>> -> memref<8192x8192xf32, #tpu.memory_space<hbm>>
    tpu.enqueue_indirect_dma source(%dma_start3A_1272 : memref<8192x8192xf32, #tpu.memory_space<hbm>>) target(%dma_start3A_1266 : memref<4x8192xf32, #tpu.memory_space<vmem>>) offsets(%dma_start3A_1269 : memref<4xi32, #tpu.memory_space<vmem>>) semaphore(%arg8 : memref<!tpu.dma_semaphore, #tpu.memory_space<semaphore_mem>>)
    %dma_wait3A_1273 = arith.constant 24 : i32
    %dma_wait3A_1274 = arith.constant 0 : i32
    %dma_wait3A_1275 = arith.constant 0 : i32
    %dma_wait3A_1276 = arith.constant 0 : i32
    %dma_wait3A_1277 = tpu.memref_slice %arg6[%dma_wait3A_1274, %dma_wait3A_1275, %dma_wait3A_1276] : memref<2x4x8192xf32, #tpu.memory_space<vmem>> -> memref<1x4x8192xf32, #tpu.memory_space<vmem>>
    %dma_wait3A_1278 = tpu.memref_squeeze %dma_wait3A_1277 : memref<1x4x8192xf32, #tpu.memory_space<vmem>> -> memref<4x8192xf32, #tpu.memory_space<vmem>>
    %dma_wait3A_1279 = arith.constant 0 : i32
    %dma_wait3A_1280 = tpu.memref_slice %arg5[%dma_wait3A_1273, %dma_wait3A_1279] : memref<32x4xi32, #tpu.memory_space<vmem>> -> memref<1x4xi32, #tpu.memory_space<vmem>>
    %dma_wait3A_1281 = tpu.memref_squeeze %dma_wait3A_1280 : memref<1x4xi32, #tpu.memory_space<vmem>> -> memref<4xi32, #tpu.memory_space<vmem>>
    %dma_wait3A_1282 = arith.constant 0 : i32
    %dma_wait3A_1283 = arith.constant 0 : i32
    %dma_wait3A_1284 = tpu.memref_slice %arg3[%dma_wait3A_1282, %dma_wait3A_1283] : memref<8192x8192xf32, #tpu.memory_space<hbm>> -> memref<8192x8192xf32, #tpu.memory_space<hbm>>
    tpu.wait_indirect_dma semaphore(%arg7 : memref<!tpu.dma_semaphore, #tpu.memory_space<semaphore_mem>>) src(%dma_wait3A_1284 : memref<8192x8192xf32, #tpu.memory_space<hbm>>) dst(%dma_wait3A_1278 : memref<4x8192xf32, #tpu.memory_space<vmem>>)
    %add3A_1285 = arith.constant 96 : i32
    %add3A_1286 = arith.addi %mul3A_2, %add3A_1285 : i32
    %dma_start3A_1287 = arith.constant 0 : i32
    %dma_start3A_1288 = arith.constant 0 : i32
    %dma_start3A_1289 = arith.constant 0 : i32
    %dma_start3A_1290 = tpu.memref_slice %arg6[%dma_start3A_1287, %dma_start3A_1288, %dma_start3A_1289] : memref<2x4x8192xf32, #tpu.memory_space<vmem>> -> memref<1x4x8192xf32, #tpu.memory_space<vmem>>
    %dma_start3A_1291 = tpu.memref_squeeze %dma_start3A_1290 : memref<1x4x8192xf32, #tpu.memory_space<vmem>> -> memref<4x8192xf32, #tpu.memory_space<vmem>>
    %dma_start3A_1292 = arith.constant 0 : i32
    %dma_start3A_1293 = tpu.memref_slice %arg4[%add3A_1286, %dma_start3A_1292] : memref<4096x8192xf32, #tpu.memory_space<hbm>> -> memref<4x8192xf32, #tpu.memory_space<hbm>>
    %dma_start3A_1294 = arith.constant 0 : i32
    %dma_start3A_1295 = tpu.memref_slice %arg4[%add3A_1286, %dma_start3A_1294] : memref<4096x8192xf32, #tpu.memory_space<hbm>> -> memref<4x8192xf32, #tpu.memory_space<hbm>>
    %dma_start3A_1296 = arith.constant 0 : i32
    %dma_start3A_1297 = arith.constant 0 : i32
    %dma_start3A_1298 = tpu.memref_slice %arg6[%dma_start3A_1287, %dma_start3A_1296, %dma_start3A_1297] : memref<2x4x8192xf32, #tpu.memory_space<vmem>> -> memref<1x4x8192xf32, #tpu.memory_space<vmem>>
    %dma_start3A_1299 = tpu.memref_squeeze %dma_start3A_1298 : memref<1x4x8192xf32, #tpu.memory_space<vmem>> -> memref<4x8192xf32, #tpu.memory_space<vmem>>
    tpu.enqueue_dma source(%dma_start3A_1299 : memref<4x8192xf32, #tpu.memory_space<vmem>>) target(%dma_start3A_1295 : memref<4x8192xf32, #tpu.memory_space<hbm>>) target_semaphore(%arg9 : memref<!tpu.dma_semaphore, #tpu.memory_space<semaphore_mem>>)
    %dma_wait3A_1300 = arith.constant 0 : i32
    %dma_wait3A_1301 = arith.constant 0 : i32
    %dma_wait3A_1302 = arith.constant 0 : i32
    %dma_wait3A_1303 = tpu.memref_slice %arg6[%dma_wait3A_1300, %dma_wait3A_1301, %dma_wait3A_1302] : memref<2x4x8192xf32, #tpu.memory_space<vmem>> -> memref<1x4x8192xf32, #tpu.memory_space<vmem>>
    %dma_wait3A_1304 = tpu.memref_squeeze %dma_wait3A_1303 : memref<1x4x8192xf32, #tpu.memory_space<vmem>> -> memref<4x8192xf32, #tpu.memory_space<vmem>>
    %dma_wait3A_1305 = arith.constant 0 : i32
    %dma_wait3A_1306 = tpu.memref_slice %arg4[%add3A_1286, %dma_wait3A_1305] : memref<4096x8192xf32, #tpu.memory_space<hbm>> -> memref<4x8192xf32, #tpu.memory_space<hbm>>
    %dma_wait3A_1307 = arith.constant 0 : i32
    %dma_wait3A_1308 = tpu.memref_slice %arg4[%add3A_1286, %dma_wait3A_1307] : memref<4096x8192xf32, #tpu.memory_space<hbm>> -> memref<4x8192xf32, #tpu.memory_space<hbm>>
    %dma_wait3A_1309 = arith.constant 0 : i32
    %dma_wait3A_1310 = arith.constant 0 : i32
    %dma_wait3A_1311 = tpu.memref_slice %arg6[%dma_wait3A_1300, %dma_wait3A_1309, %dma_wait3A_1310] : memref<2x4x8192xf32, #tpu.memory_space<vmem>> -> memref<1x4x8192xf32, #tpu.memory_space<vmem>>
    %dma_wait3A_1312 = tpu.memref_squeeze %dma_wait3A_1311 : memref<1x4x8192xf32, #tpu.memory_space<vmem>> -> memref<4x8192xf32, #tpu.memory_space<vmem>>
    tpu.wait_dma2 semaphore(%arg9 : memref<!tpu.dma_semaphore, #tpu.memory_space<semaphore_mem>>) src(%dma_wait3A_1312 : memref<4x8192xf32, #tpu.memory_space<vmem>>) dst(%dma_wait3A_1308 : memref<4x8192xf32, #tpu.memory_space<hbm>>)
    %dma_start3A_1313 = arith.constant 26 : i32
    %dma_start3A_1314 = arith.constant 0 : i32
    %dma_start3A_1315 = arith.constant 0 : i32
    %dma_start3A_1316 = arith.constant 0 : i32
    %dma_start3A_1317 = tpu.memref_slice %arg6[%dma_start3A_1314, %dma_start3A_1315, %dma_start3A_1316] : memref<2x4x8192xf32, #tpu.memory_space<vmem>> -> memref<1x4x8192xf32, #tpu.memory_space<vmem>>
    %dma_start3A_1318 = tpu.memref_squeeze %dma_start3A_1317 : memref<1x4x8192xf32, #tpu.memory_space<vmem>> -> memref<4x8192xf32, #tpu.memory_space<vmem>>
    %dma_start3A_1319 = arith.constant 0 : i32
    %dma_start3A_1320 = tpu.memref_slice %arg5[%dma_start3A_1313, %dma_start3A_1319] : memref<32x4xi32, #tpu.memory_space<vmem>> -> memref<1x4xi32, #tpu.memory_space<vmem>>
    %dma_start3A_1321 = tpu.memref_squeeze %dma_start3A_1320 : memref<1x4xi32, #tpu.memory_space<vmem>> -> memref<4xi32, #tpu.memory_space<vmem>>
    %dma_start3A_1322 = arith.constant 0 : i32
    %dma_start3A_1323 = arith.constant 0 : i32
    %dma_start3A_1324 = tpu.memref_slice %arg3[%dma_start3A_1322, %dma_start3A_1323] : memref<8192x8192xf32, #tpu.memory_space<hbm>> -> memref<8192x8192xf32, #tpu.memory_space<hbm>>
    tpu.enqueue_indirect_dma source(%dma_start3A_1324 : memref<8192x8192xf32, #tpu.memory_space<hbm>>) target(%dma_start3A_1318 : memref<4x8192xf32, #tpu.memory_space<vmem>>) offsets(%dma_start3A_1321 : memref<4xi32, #tpu.memory_space<vmem>>) semaphore(%arg7 : memref<!tpu.dma_semaphore, #tpu.memory_space<semaphore_mem>>)
    %dma_wait3A_1325 = arith.constant 25 : i32
    %dma_wait3A_1326 = arith.constant 1 : i32
    %dma_wait3A_1327 = arith.constant 0 : i32
    %dma_wait3A_1328 = arith.constant 0 : i32
    %dma_wait3A_1329 = tpu.memref_slice %arg6[%dma_wait3A_1326, %dma_wait3A_1327, %dma_wait3A_1328] : memref<2x4x8192xf32, #tpu.memory_space<vmem>> -> memref<1x4x8192xf32, #tpu.memory_space<vmem>>
    %dma_wait3A_1330 = tpu.memref_squeeze %dma_wait3A_1329 : memref<1x4x8192xf32, #tpu.memory_space<vmem>> -> memref<4x8192xf32, #tpu.memory_space<vmem>>
    %dma_wait3A_1331 = arith.constant 0 : i32
    %dma_wait3A_1332 = tpu.memref_slice %arg5[%dma_wait3A_1325, %dma_wait3A_1331] : memref<32x4xi32, #tpu.memory_space<vmem>> -> memref<1x4xi32, #tpu.memory_space<vmem>>
    %dma_wait3A_1333 = tpu.memref_squeeze %dma_wait3A_1332 : memref<1x4xi32, #tpu.memory_space<vmem>> -> memref<4xi32, #tpu.memory_space<vmem>>
    %dma_wait3A_1334 = arith.constant 0 : i32
    %dma_wait3A_1335 = arith.constant 0 : i32
    %dma_wait3A_1336 = tpu.memref_slice %arg3[%dma_wait3A_1334, %dma_wait3A_1335] : memref<8192x8192xf32, #tpu.memory_space<hbm>> -> memref<8192x8192xf32, #tpu.memory_space<hbm>>
    tpu.wait_indirect_dma semaphore(%arg8 : memref<!tpu.dma_semaphore, #tpu.memory_space<semaphore_mem>>) src(%dma_wait3A_1336 : memref<8192x8192xf32, #tpu.memory_space<hbm>>) dst(%dma_wait3A_1330 : memref<4x8192xf32, #tpu.memory_space<vmem>>)
    %add3A_1337 = arith.constant 100 : i32
    %add3A_1338 = arith.addi %mul3A_2, %add3A_1337 : i32
    %dma_start3A_1339 = arith.constant 1 : i32
    %dma_start3A_1340 = arith.constant 0 : i32
    %dma_start3A_1341 = arith.constant 0 : i32
    %dma_start3A_1342 = tpu.memref_slice %arg6[%dma_start3A_1339, %dma_start3A_1340, %dma_start3A_1341] : memref<2x4x8192xf32, #tpu.memory_space<vmem>> -> memref<1x4x8192xf32, #tpu.memory_space<vmem>>
    %dma_start3A_1343 = tpu.memref_squeeze %dma_start3A_1342 : memref<1x4x8192xf32, #tpu.memory_space<vmem>> -> memref<4x8192xf32, #tpu.memory_space<vmem>>
    %dma_start3A_1344 = arith.constant 0 : i32
    %dma_start3A_1345 = tpu.memref_slice %arg4[%add3A_1338, %dma_start3A_1344] : memref<4096x8192xf32, #tpu.memory_space<hbm>> -> memref<4x8192xf32, #tpu.memory_space<hbm>>
    %dma_start3A_1346 = arith.constant 0 : i32
    %dma_start3A_1347 = tpu.memref_slice %arg4[%add3A_1338, %dma_start3A_1346] : memref<4096x8192xf32, #tpu.memory_space<hbm>> -> memref<4x8192xf32, #tpu.memory_space<hbm>>
    %dma_start3A_1348 = arith.constant 0 : i32
    %dma_start3A_1349 = arith.constant 0 : i32
    %dma_start3A_1350 = tpu.memref_slice %arg6[%dma_start3A_1339, %dma_start3A_1348, %dma_start3A_1349] : memref<2x4x8192xf32, #tpu.memory_space<vmem>> -> memref<1x4x8192xf32, #tpu.memory_space<vmem>>
    %dma_start3A_1351 = tpu.memref_squeeze %dma_start3A_1350 : memref<1x4x8192xf32, #tpu.memory_space<vmem>> -> memref<4x8192xf32, #tpu.memory_space<vmem>>
    tpu.enqueue_dma source(%dma_start3A_1351 : memref<4x8192xf32, #tpu.memory_space<vmem>>) target(%dma_start3A_1347 : memref<4x8192xf32, #tpu.memory_space<hbm>>) target_semaphore(%arg10 : memref<!tpu.dma_semaphore, #tpu.memory_space<semaphore_mem>>)
    %dma_wait3A_1352 = arith.constant 1 : i32
    %dma_wait3A_1353 = arith.constant 0 : i32
    %dma_wait3A_1354 = arith.constant 0 : i32
    %dma_wait3A_1355 = tpu.memref_slice %arg6[%dma_wait3A_1352, %dma_wait3A_1353, %dma_wait3A_1354] : memref<2x4x8192xf32, #tpu.memory_space<vmem>> -> memref<1x4x8192xf32, #tpu.memory_space<vmem>>
    %dma_wait3A_1356 = tpu.memref_squeeze %dma_wait3A_1355 : memref<1x4x8192xf32, #tpu.memory_space<vmem>> -> memref<4x8192xf32, #tpu.memory_space<vmem>>
    %dma_wait3A_1357 = arith.constant 0 : i32
    %dma_wait3A_1358 = tpu.memref_slice %arg4[%add3A_1338, %dma_wait3A_1357] : memref<4096x8192xf32, #tpu.memory_space<hbm>> -> memref<4x8192xf32, #tpu.memory_space<hbm>>
    %dma_wait3A_1359 = arith.constant 0 : i32
    %dma_wait3A_1360 = tpu.memref_slice %arg4[%add3A_1338, %dma_wait3A_1359] : memref<4096x8192xf32, #tpu.memory_space<hbm>> -> memref<4x8192xf32, #tpu.memory_space<hbm>>
    %dma_wait3A_1361 = arith.constant 0 : i32
    %dma_wait3A_1362 = arith.constant 0 : i32
    %dma_wait3A_1363 = tpu.memref_slice %arg6[%dma_wait3A_1352, %dma_wait3A_1361, %dma_wait3A_1362] : memref<2x4x8192xf32, #tpu.memory_space<vmem>> -> memref<1x4x8192xf32, #tpu.memory_space<vmem>>
    %dma_wait3A_1364 = tpu.memref_squeeze %dma_wait3A_1363 : memref<1x4x8192xf32, #tpu.memory_space<vmem>> -> memref<4x8192xf32, #tpu.memory_space<vmem>>
    tpu.wait_dma2 semaphore(%arg10 : memref<!tpu.dma_semaphore, #tpu.memory_space<semaphore_mem>>) src(%dma_wait3A_1364 : memref<4x8192xf32, #tpu.memory_space<vmem>>) dst(%dma_wait3A_1360 : memref<4x8192xf32, #tpu.memory_space<hbm>>)
    %dma_start3A_1365 = arith.constant 27 : i32
    %dma_start3A_1366 = arith.constant 1 : i32
    %dma_start3A_1367 = arith.constant 0 : i32
    %dma_start3A_1368 = arith.constant 0 : i32
    %dma_start3A_1369 = tpu.memref_slice %arg6[%dma_start3A_1366, %dma_start3A_1367, %dma_start3A_1368] : memref<2x4x8192xf32, #tpu.memory_space<vmem>> -> memref<1x4x8192xf32, #tpu.memory_space<vmem>>
    %dma_start3A_1370 = tpu.memref_squeeze %dma_start3A_1369 : memref<1x4x8192xf32, #tpu.memory_space<vmem>> -> memref<4x8192xf32, #tpu.memory_space<vmem>>
    %dma_start3A_1371 = arith.constant 0 : i32
    %dma_start3A_1372 = tpu.memref_slice %arg5[%dma_start3A_1365, %dma_start3A_1371] : memref<32x4xi32, #tpu.memory_space<vmem>> -> memref<1x4xi32, #tpu.memory_space<vmem>>
    %dma_start3A_1373 = tpu.memref_squeeze %dma_start3A_1372 : memref<1x4xi32, #tpu.memory_space<vmem>> -> memref<4xi32, #tpu.memory_space<vmem>>
    %dma_start3A_1374 = arith.constant 0 : i32
    %dma_start3A_1375 = arith.constant 0 : i32
    %dma_start3A_1376 = tpu.memref_slice %arg3[%dma_start3A_1374, %dma_start3A_1375] : memref<8192x8192xf32, #tpu.memory_space<hbm>> -> memref<8192x8192xf32, #tpu.memory_space<hbm>>
    tpu.enqueue_indirect_dma source(%dma_start3A_1376 : memref<8192x8192xf32, #tpu.memory_space<hbm>>) target(%dma_start3A_1370 : memref<4x8192xf32, #tpu.memory_space<vmem>>) offsets(%dma_start3A_1373 : memref<4xi32, #tpu.memory_space<vmem>>) semaphore(%arg8 : memref<!tpu.dma_semaphore, #tpu.memory_space<semaphore_mem>>)
    %dma_wait3A_1377 = arith.constant 26 : i32
    %dma_wait3A_1378 = arith.constant 0 : i32
    %dma_wait3A_1379 = arith.constant 0 : i32
    %dma_wait3A_1380 = arith.constant 0 : i32
    %dma_wait3A_1381 = tpu.memref_slice %arg6[%dma_wait3A_1378, %dma_wait3A_1379, %dma_wait3A_1380] : memref<2x4x8192xf32, #tpu.memory_space<vmem>> -> memref<1x4x8192xf32, #tpu.memory_space<vmem>>
    %dma_wait3A_1382 = tpu.memref_squeeze %dma_wait3A_1381 : memref<1x4x8192xf32, #tpu.memory_space<vmem>> -> memref<4x8192xf32, #tpu.memory_space<vmem>>
    %dma_wait3A_1383 = arith.constant 0 : i32
    %dma_wait3A_1384 = tpu.memref_slice %arg5[%dma_wait3A_1377, %dma_wait3A_1383] : memref<32x4xi32, #tpu.memory_space<vmem>> -> memref<1x4xi32, #tpu.memory_space<vmem>>
    %dma_wait3A_1385 = tpu.memref_squeeze %dma_wait3A_1384 : memref<1x4xi32, #tpu.memory_space<vmem>> -> memref<4xi32, #tpu.memory_space<vmem>>
    %dma_wait3A_1386 = arith.constant 0 : i32
    %dma_wait3A_1387 = arith.constant 0 : i32
    %dma_wait3A_1388 = tpu.memref_slice %arg3[%dma_wait3A_1386, %dma_wait3A_1387] : memref<8192x8192xf32, #tpu.memory_space<hbm>> -> memref<8192x8192xf32, #tpu.memory_space<hbm>>
    tpu.wait_indirect_dma semaphore(%arg7 : memref<!tpu.dma_semaphore, #tpu.memory_space<semaphore_mem>>) src(%dma_wait3A_1388 : memref<8192x8192xf32, #tpu.memory_space<hbm>>) dst(%dma_wait3A_1382 : memref<4x8192xf32, #tpu.memory_space<vmem>>)
    %add3A_1389 = arith.constant 104 : i32
    %add3A_1390 = arith.addi %mul3A_2, %add3A_1389 : i32
    %dma_start3A_1391 = arith.constant 0 : i32
    %dma_start3A_1392 = arith.constant 0 : i32
    %dma_start3A_1393 = arith.constant 0 : i32
    %dma_start3A_1394 = tpu.memref_slice %arg6[%dma_start3A_1391, %dma_start3A_1392, %dma_start3A_1393] : memref<2x4x8192xf32, #tpu.memory_space<vmem>> -> memref<1x4x8192xf32, #tpu.memory_space<vmem>>
    %dma_start3A_1395 = tpu.memref_squeeze %dma_start3A_1394 : memref<1x4x8192xf32, #tpu.memory_space<vmem>> -> memref<4x8192xf32, #tpu.memory_space<vmem>>
    %dma_start3A_1396 = arith.constant 0 : i32
    %dma_start3A_1397 = tpu.memref_slice %arg4[%add3A_1390, %dma_start3A_1396] : memref<4096x8192xf32, #tpu.memory_space<hbm>> -> memref<4x8192xf32, #tpu.memory_space<hbm>>
    %dma_start3A_1398 = arith.constant 0 : i32
    %dma_start3A_1399 = tpu.memref_slice %arg4[%add3A_1390, %dma_start3A_1398] : memref<4096x8192xf32, #tpu.memory_space<hbm>> -> memref<4x8192xf32, #tpu.memory_space<hbm>>
    %dma_start3A_1400 = arith.constant 0 : i32
    %dma_start3A_1401 = arith.constant 0 : i32
    %dma_start3A_1402 = tpu.memref_slice %arg6[%dma_start3A_1391, %dma_start3A_1400, %dma_start3A_1401] : memref<2x4x8192xf32, #tpu.memory_space<vmem>> -> memref<1x4x8192xf32, #tpu.memory_space<vmem>>
    %dma_start3A_1403 = tpu.memref_squeeze %dma_start3A_1402 : memref<1x4x8192xf32, #tpu.memory_space<vmem>> -> memref<4x8192xf32, #tpu.memory_space<vmem>>
    tpu.enqueue_dma source(%dma_start3A_1403 : memref<4x8192xf32, #tpu.memory_space<vmem>>) target(%dma_start3A_1399 : memref<4x8192xf32, #tpu.memory_space<hbm>>) target_semaphore(%arg9 : memref<!tpu.dma_semaphore, #tpu.memory_space<semaphore_mem>>)
    %dma_wait3A_1404 = arith.constant 0 : i32
    %dma_wait3A_1405 = arith.constant 0 : i32
    %dma_wait3A_1406 = arith.constant 0 : i32
    %dma_wait3A_1407 = tpu.memref_slice %arg6[%dma_wait3A_1404, %dma_wait3A_1405, %dma_wait3A_1406] : memref<2x4x8192xf32, #tpu.memory_space<vmem>> -> memref<1x4x8192xf32, #tpu.memory_space<vmem>>
    %dma_wait3A_1408 = tpu.memref_squeeze %dma_wait3A_1407 : memref<1x4x8192xf32, #tpu.memory_space<vmem>> -> memref<4x8192xf32, #tpu.memory_space<vmem>>
    %dma_wait3A_1409 = arith.constant 0 : i32
    %dma_wait3A_1410 = tpu.memref_slice %arg4[%add3A_1390, %dma_wait3A_1409] : memref<4096x8192xf32, #tpu.memory_space<hbm>> -> memref<4x8192xf32, #tpu.memory_space<hbm>>
    %dma_wait3A_1411 = arith.constant 0 : i32
    %dma_wait3A_1412 = tpu.memref_slice %arg4[%add3A_1390, %dma_wait3A_1411] : memref<4096x8192xf32, #tpu.memory_space<hbm>> -> memref<4x8192xf32, #tpu.memory_space<hbm>>
    %dma_wait3A_1413 = arith.constant 0 : i32
    %dma_wait3A_1414 = arith.constant 0 : i32
    %dma_wait3A_1415 = tpu.memref_slice %arg6[%dma_wait3A_1404, %dma_wait3A_1413, %dma_wait3A_1414] : memref<2x4x8192xf32, #tpu.memory_space<vmem>> -> memref<1x4x8192xf32, #tpu.memory_space<vmem>>
    %dma_wait3A_1416 = tpu.memref_squeeze %dma_wait3A_1415 : memref<1x4x8192xf32, #tpu.memory_space<vmem>> -> memref<4x8192xf32, #tpu.memory_space<vmem>>
    tpu.wait_dma2 semaphore(%arg9 : memref<!tpu.dma_semaphore, #tpu.memory_space<semaphore_mem>>) src(%dma_wait3A_1416 : memref<4x8192xf32, #tpu.memory_space<vmem>>) dst(%dma_wait3A_1412 : memref<4x8192xf32, #tpu.memory_space<hbm>>)
    %dma_start3A_1417 = arith.constant 28 : i32
    %dma_start3A_1418 = arith.constant 0 : i32
    %dma_start3A_1419 = arith.constant 0 : i32
    %dma_start3A_1420 = arith.constant 0 : i32
    %dma_start3A_1421 = tpu.memref_slice %arg6[%dma_start3A_1418, %dma_start3A_1419, %dma_start3A_1420] : memref<2x4x8192xf32, #tpu.memory_space<vmem>> -> memref<1x4x8192xf32, #tpu.memory_space<vmem>>
    %dma_start3A_1422 = tpu.memref_squeeze %dma_start3A_1421 : memref<1x4x8192xf32, #tpu.memory_space<vmem>> -> memref<4x8192xf32, #tpu.memory_space<vmem>>
    %dma_start3A_1423 = arith.constant 0 : i32
    %dma_start3A_1424 = tpu.memref_slice %arg5[%dma_start3A_1417, %dma_start3A_1423] : memref<32x4xi32, #tpu.memory_space<vmem>> -> memref<1x4xi32, #tpu.memory_space<vmem>>
    %dma_start3A_1425 = tpu.memref_squeeze %dma_start3A_1424 : memref<1x4xi32, #tpu.memory_space<vmem>> -> memref<4xi32, #tpu.memory_space<vmem>>
    %dma_start3A_1426 = arith.constant 0 : i32
    %dma_start3A_1427 = arith.constant 0 : i32
    %dma_start3A_1428 = tpu.memref_slice %arg3[%dma_start3A_1426, %dma_start3A_1427] : memref<8192x8192xf32, #tpu.memory_space<hbm>> -> memref<8192x8192xf32, #tpu.memory_space<hbm>>
    tpu.enqueue_indirect_dma source(%dma_start3A_1428 : memref<8192x8192xf32, #tpu.memory_space<hbm>>) target(%dma_start3A_1422 : memref<4x8192xf32, #tpu.memory_space<vmem>>) offsets(%dma_start3A_1425 : memref<4xi32, #tpu.memory_space<vmem>>) semaphore(%arg7 : memref<!tpu.dma_semaphore, #tpu.memory_space<semaphore_mem>>)
    %dma_wait3A_1429 = arith.constant 27 : i32
    %dma_wait3A_1430 = arith.constant 1 : i32
    %dma_wait3A_1431 = arith.constant 0 : i32
    %dma_wait3A_1432 = arith.constant 0 : i32
    %dma_wait3A_1433 = tpu.memref_slice %arg6[%dma_wait3A_1430, %dma_wait3A_1431, %dma_wait3A_1432] : memref<2x4x8192xf32, #tpu.memory_space<vmem>> -> memref<1x4x8192xf32, #tpu.memory_space<vmem>>
    %dma_wait3A_1434 = tpu.memref_squeeze %dma_wait3A_1433 : memref<1x4x8192xf32, #tpu.memory_space<vmem>> -> memref<4x8192xf32, #tpu.memory_space<vmem>>
    %dma_wait3A_1435 = arith.constant 0 : i32
    %dma_wait3A_1436 = tpu.memref_slice %arg5[%dma_wait3A_1429, %dma_wait3A_1435] : memref<32x4xi32, #tpu.memory_space<vmem>> -> memref<1x4xi32, #tpu.memory_space<vmem>>
    %dma_wait3A_1437 = tpu.memref_squeeze %dma_wait3A_1436 : memref<1x4xi32, #tpu.memory_space<vmem>> -> memref<4xi32, #tpu.memory_space<vmem>>
    %dma_wait3A_1438 = arith.constant 0 : i32
    %dma_wait3A_1439 = arith.constant 0 : i32
    %dma_wait3A_1440 = tpu.memref_slice %arg3[%dma_wait3A_1438, %dma_wait3A_1439] : memref<8192x8192xf32, #tpu.memory_space<hbm>> -> memref<8192x8192xf32, #tpu.memory_space<hbm>>
    tpu.wait_indirect_dma semaphore(%arg8 : memref<!tpu.dma_semaphore, #tpu.memory_space<semaphore_mem>>) src(%dma_wait3A_1440 : memref<8192x8192xf32, #tpu.memory_space<hbm>>) dst(%dma_wait3A_1434 : memref<4x8192xf32, #tpu.memory_space<vmem>>)
    %add3A_1441 = arith.constant 108 : i32
    %add3A_1442 = arith.addi %mul3A_2, %add3A_1441 : i32
    %dma_start3A_1443 = arith.constant 1 : i32
    %dma_start3A_1444 = arith.constant 0 : i32
    %dma_start3A_1445 = arith.constant 0 : i32
    %dma_start3A_1446 = tpu.memref_slice %arg6[%dma_start3A_1443, %dma_start3A_1444, %dma_start3A_1445] : memref<2x4x8192xf32, #tpu.memory_space<vmem>> -> memref<1x4x8192xf32, #tpu.memory_space<vmem>>
    %dma_start3A_1447 = tpu.memref_squeeze %dma_start3A_1446 : memref<1x4x8192xf32, #tpu.memory_space<vmem>> -> memref<4x8192xf32, #tpu.memory_space<vmem>>
    %dma_start3A_1448 = arith.constant 0 : i32
    %dma_start3A_1449 = tpu.memref_slice %arg4[%add3A_1442, %dma_start3A_1448] : memref<4096x8192xf32, #tpu.memory_space<hbm>> -> memref<4x8192xf32, #tpu.memory_space<hbm>>
    %dma_start3A_1450 = arith.constant 0 : i32
    %dma_start3A_1451 = tpu.memref_slice %arg4[%add3A_1442, %dma_start3A_1450] : memref<4096x8192xf32, #tpu.memory_space<hbm>> -> memref<4x8192xf32, #tpu.memory_space<hbm>>
    %dma_start3A_1452 = arith.constant 0 : i32
    %dma_start3A_1453 = arith.constant 0 : i32
    %dma_start3A_1454 = tpu.memref_slice %arg6[%dma_start3A_1443, %dma_start3A_1452, %dma_start3A_1453] : memref<2x4x8192xf32, #tpu.memory_space<vmem>> -> memref<1x4x8192xf32, #tpu.memory_space<vmem>>
    %dma_start3A_1455 = tpu.memref_squeeze %dma_start3A_1454 : memref<1x4x8192xf32, #tpu.memory_space<vmem>> -> memref<4x8192xf32, #tpu.memory_space<vmem>>
    tpu.enqueue_dma source(%dma_start3A_1455 : memref<4x8192xf32, #tpu.memory_space<vmem>>) target(%dma_start3A_1451 : memref<4x8192xf32, #tpu.memory_space<hbm>>) target_semaphore(%arg10 : memref<!tpu.dma_semaphore, #tpu.memory_space<semaphore_mem>>)
    %dma_wait3A_1456 = arith.constant 1 : i32
    %dma_wait3A_1457 = arith.constant 0 : i32
    %dma_wait3A_1458 = arith.constant 0 : i32
    %dma_wait3A_1459 = tpu.memref_slice %arg6[%dma_wait3A_1456, %dma_wait3A_1457, %dma_wait3A_1458] : memref<2x4x8192xf32, #tpu.memory_space<vmem>> -> memref<1x4x8192xf32, #tpu.memory_space<vmem>>
    %dma_wait3A_1460 = tpu.memref_squeeze %dma_wait3A_1459 : memref<1x4x8192xf32, #tpu.memory_space<vmem>> -> memref<4x8192xf32, #tpu.memory_space<vmem>>
    %dma_wait3A_1461 = arith.constant 0 : i32
    %dma_wait3A_1462 = tpu.memref_slice %arg4[%add3A_1442, %dma_wait3A_1461] : memref<4096x8192xf32, #tpu.memory_space<hbm>> -> memref<4x8192xf32, #tpu.memory_space<hbm>>
    %dma_wait3A_1463 = arith.constant 0 : i32
    %dma_wait3A_1464 = tpu.memref_slice %arg4[%add3A_1442, %dma_wait3A_1463] : memref<4096x8192xf32, #tpu.memory_space<hbm>> -> memref<4x8192xf32, #tpu.memory_space<hbm>>
    %dma_wait3A_1465 = arith.constant 0 : i32
    %dma_wait3A_1466 = arith.constant 0 : i32
    %dma_wait3A_1467 = tpu.memref_slice %arg6[%dma_wait3A_1456, %dma_wait3A_1465, %dma_wait3A_1466] : memref<2x4x8192xf32, #tpu.memory_space<vmem>> -> memref<1x4x8192xf32, #tpu.memory_space<vmem>>
    %dma_wait3A_1468 = tpu.memref_squeeze %dma_wait3A_1467 : memref<1x4x8192xf32, #tpu.memory_space<vmem>> -> memref<4x8192xf32, #tpu.memory_space<vmem>>
    tpu.wait_dma2 semaphore(%arg10 : memref<!tpu.dma_semaphore, #tpu.memory_space<semaphore_mem>>) src(%dma_wait3A_1468 : memref<4x8192xf32, #tpu.memory_space<vmem>>) dst(%dma_wait3A_1464 : memref<4x8192xf32, #tpu.memory_space<hbm>>)
    %dma_start3A_1469 = arith.constant 29 : i32
    %dma_start3A_1470 = arith.constant 1 : i32
    %dma_start3A_1471 = arith.constant 0 : i32
    %dma_start3A_1472 = arith.constant 0 : i32
    %dma_start3A_1473 = tpu.memref_slice %arg6[%dma_start3A_1470, %dma_start3A_1471, %dma_start3A_1472] : memref<2x4x8192xf32, #tpu.memory_space<vmem>> -> memref<1x4x8192xf32, #tpu.memory_space<vmem>>
    %dma_start3A_1474 = tpu.memref_squeeze %dma_start3A_1473 : memref<1x4x8192xf32, #tpu.memory_space<vmem>> -> memref<4x8192xf32, #tpu.memory_space<vmem>>
    %dma_start3A_1475 = arith.constant 0 : i32
    %dma_start3A_1476 = tpu.memref_slice %arg5[%dma_start3A_1469, %dma_start3A_1475] : memref<32x4xi32, #tpu.memory_space<vmem>> -> memref<1x4xi32, #tpu.memory_space<vmem>>
    %dma_start3A_1477 = tpu.memref_squeeze %dma_start3A_1476 : memref<1x4xi32, #tpu.memory_space<vmem>> -> memref<4xi32, #tpu.memory_space<vmem>>
    %dma_start3A_1478 = arith.constant 0 : i32
    %dma_start3A_1479 = arith.constant 0 : i32
    %dma_start3A_1480 = tpu.memref_slice %arg3[%dma_start3A_1478, %dma_start3A_1479] : memref<8192x8192xf32, #tpu.memory_space<hbm>> -> memref<8192x8192xf32, #tpu.memory_space<hbm>>
    tpu.enqueue_indirect_dma source(%dma_start3A_1480 : memref<8192x8192xf32, #tpu.memory_space<hbm>>) target(%dma_start3A_1474 : memref<4x8192xf32, #tpu.memory_space<vmem>>) offsets(%dma_start3A_1477 : memref<4xi32, #tpu.memory_space<vmem>>) semaphore(%arg8 : memref<!tpu.dma_semaphore, #tpu.memory_space<semaphore_mem>>)
    %dma_wait3A_1481 = arith.constant 28 : i32
    %dma_wait3A_1482 = arith.constant 0 : i32
    %dma_wait3A_1483 = arith.constant 0 : i32
    %dma_wait3A_1484 = arith.constant 0 : i32
    %dma_wait3A_1485 = tpu.memref_slice %arg6[%dma_wait3A_1482, %dma_wait3A_1483, %dma_wait3A_1484] : memref<2x4x8192xf32, #tpu.memory_space<vmem>> -> memref<1x4x8192xf32, #tpu.memory_space<vmem>>
    %dma_wait3A_1486 = tpu.memref_squeeze %dma_wait3A_1485 : memref<1x4x8192xf32, #tpu.memory_space<vmem>> -> memref<4x8192xf32, #tpu.memory_space<vmem>>
    %dma_wait3A_1487 = arith.constant 0 : i32
    %dma_wait3A_1488 = tpu.memref_slice %arg5[%dma_wait3A_1481, %dma_wait3A_1487] : memref<32x4xi32, #tpu.memory_space<vmem>> -> memref<1x4xi32, #tpu.memory_space<vmem>>
    %dma_wait3A_1489 = tpu.memref_squeeze %dma_wait3A_1488 : memref<1x4xi32, #tpu.memory_space<vmem>> -> memref<4xi32, #tpu.memory_space<vmem>>
    %dma_wait3A_1490 = arith.constant 0 : i32
    %dma_wait3A_1491 = arith.constant 0 : i32
    %dma_wait3A_1492 = tpu.memref_slice %arg3[%dma_wait3A_1490, %dma_wait3A_1491] : memref<8192x8192xf32, #tpu.memory_space<hbm>> -> memref<8192x8192xf32, #tpu.memory_space<hbm>>
    tpu.wait_indirect_dma semaphore(%arg7 : memref<!tpu.dma_semaphore, #tpu.memory_space<semaphore_mem>>) src(%dma_wait3A_1492 : memref<8192x8192xf32, #tpu.memory_space<hbm>>) dst(%dma_wait3A_1486 : memref<4x8192xf32, #tpu.memory_space<vmem>>)
    %add3A_1493 = arith.constant 112 : i32
    %add3A_1494 = arith.addi %mul3A_2, %add3A_1493 : i32
    %dma_start3A_1495 = arith.constant 0 : i32
    %dma_start3A_1496 = arith.constant 0 : i32
    %dma_start3A_1497 = arith.constant 0 : i32
    %dma_start3A_1498 = tpu.memref_slice %arg6[%dma_start3A_1495, %dma_start3A_1496, %dma_start3A_1497] : memref<2x4x8192xf32, #tpu.memory_space<vmem>> -> memref<1x4x8192xf32, #tpu.memory_space<vmem>>
    %dma_start3A_1499 = tpu.memref_squeeze %dma_start3A_1498 : memref<1x4x8192xf32, #tpu.memory_space<vmem>> -> memref<4x8192xf32, #tpu.memory_space<vmem>>
    %dma_start3A_1500 = arith.constant 0 : i32
    %dma_start3A_1501 = tpu.memref_slice %arg4[%add3A_1494, %dma_start3A_1500] : memref<4096x8192xf32, #tpu.memory_space<hbm>> -> memref<4x8192xf32, #tpu.memory_space<hbm>>
    %dma_start3A_1502 = arith.constant 0 : i32
    %dma_start3A_1503 = tpu.memref_slice %arg4[%add3A_1494, %dma_start3A_1502] : memref<4096x8192xf32, #tpu.memory_space<hbm>> -> memref<4x8192xf32, #tpu.memory_space<hbm>>
    %dma_start3A_1504 = arith.constant 0 : i32
    %dma_start3A_1505 = arith.constant 0 : i32
    %dma_start3A_1506 = tpu.memref_slice %arg6[%dma_start3A_1495, %dma_start3A_1504, %dma_start3A_1505] : memref<2x4x8192xf32, #tpu.memory_space<vmem>> -> memref<1x4x8192xf32, #tpu.memory_space<vmem>>
    %dma_start3A_1507 = tpu.memref_squeeze %dma_start3A_1506 : memref<1x4x8192xf32, #tpu.memory_space<vmem>> -> memref<4x8192xf32, #tpu.memory_space<vmem>>
    tpu.enqueue_dma source(%dma_start3A_1507 : memref<4x8192xf32, #tpu.memory_space<vmem>>) target(%dma_start3A_1503 : memref<4x8192xf32, #tpu.memory_space<hbm>>) target_semaphore(%arg9 : memref<!tpu.dma_semaphore, #tpu.memory_space<semaphore_mem>>)
    %dma_wait3A_1508 = arith.constant 0 : i32
    %dma_wait3A_1509 = arith.constant 0 : i32
    %dma_wait3A_1510 = arith.constant 0 : i32
    %dma_wait3A_1511 = tpu.memref_slice %arg6[%dma_wait3A_1508, %dma_wait3A_1509, %dma_wait3A_1510] : memref<2x4x8192xf32, #tpu.memory_space<vmem>> -> memref<1x4x8192xf32, #tpu.memory_space<vmem>>
    %dma_wait3A_1512 = tpu.memref_squeeze %dma_wait3A_1511 : memref<1x4x8192xf32, #tpu.memory_space<vmem>> -> memref<4x8192xf32, #tpu.memory_space<vmem>>
    %dma_wait3A_1513 = arith.constant 0 : i32
    %dma_wait3A_1514 = tpu.memref_slice %arg4[%add3A_1494, %dma_wait3A_1513] : memref<4096x8192xf32, #tpu.memory_space<hbm>> -> memref<4x8192xf32, #tpu.memory_space<hbm>>
    %dma_wait3A_1515 = arith.constant 0 : i32
    %dma_wait3A_1516 = tpu.memref_slice %arg4[%add3A_1494, %dma_wait3A_1515] : memref<4096x8192xf32, #tpu.memory_space<hbm>> -> memref<4x8192xf32, #tpu.memory_space<hbm>>
    %dma_wait3A_1517 = arith.constant 0 : i32
    %dma_wait3A_1518 = arith.constant 0 : i32
    %dma_wait3A_1519 = tpu.memref_slice %arg6[%dma_wait3A_1508, %dma_wait3A_1517, %dma_wait3A_1518] : memref<2x4x8192xf32, #tpu.memory_space<vmem>> -> memref<1x4x8192xf32, #tpu.memory_space<vmem>>
    %dma_wait3A_1520 = tpu.memref_squeeze %dma_wait3A_1519 : memref<1x4x8192xf32, #tpu.memory_space<vmem>> -> memref<4x8192xf32, #tpu.memory_space<vmem>>
    tpu.wait_dma2 semaphore(%arg9 : memref<!tpu.dma_semaphore, #tpu.memory_space<semaphore_mem>>) src(%dma_wait3A_1520 : memref<4x8192xf32, #tpu.memory_space<vmem>>) dst(%dma_wait3A_1516 : memref<4x8192xf32, #tpu.memory_space<hbm>>)
    %dma_start3A_1521 = arith.constant 30 : i32
    %dma_start3A_1522 = arith.constant 0 : i32
    %dma_start3A_1523 = arith.constant 0 : i32
    %dma_start3A_1524 = arith.constant 0 : i32
    %dma_start3A_1525 = tpu.memref_slice %arg6[%dma_start3A_1522, %dma_start3A_1523, %dma_start3A_1524] : memref<2x4x8192xf32, #tpu.memory_space<vmem>> -> memref<1x4x8192xf32, #tpu.memory_space<vmem>>
    %dma_start3A_1526 = tpu.memref_squeeze %dma_start3A_1525 : memref<1x4x8192xf32, #tpu.memory_space<vmem>> -> memref<4x8192xf32, #tpu.memory_space<vmem>>
    %dma_start3A_1527 = arith.constant 0 : i32
    %dma_start3A_1528 = tpu.memref_slice %arg5[%dma_start3A_1521, %dma_start3A_1527] : memref<32x4xi32, #tpu.memory_space<vmem>> -> memref<1x4xi32, #tpu.memory_space<vmem>>
    %dma_start3A_1529 = tpu.memref_squeeze %dma_start3A_1528 : memref<1x4xi32, #tpu.memory_space<vmem>> -> memref<4xi32, #tpu.memory_space<vmem>>
    %dma_start3A_1530 = arith.constant 0 : i32
    %dma_start3A_1531 = arith.constant 0 : i32
    %dma_start3A_1532 = tpu.memref_slice %arg3[%dma_start3A_1530, %dma_start3A_1531] : memref<8192x8192xf32, #tpu.memory_space<hbm>> -> memref<8192x8192xf32, #tpu.memory_space<hbm>>
    tpu.enqueue_indirect_dma source(%dma_start3A_1532 : memref<8192x8192xf32, #tpu.memory_space<hbm>>) target(%dma_start3A_1526 : memref<4x8192xf32, #tpu.memory_space<vmem>>) offsets(%dma_start3A_1529 : memref<4xi32, #tpu.memory_space<vmem>>) semaphore(%arg7 : memref<!tpu.dma_semaphore, #tpu.memory_space<semaphore_mem>>)
    %dma_wait3A_1533 = arith.constant 29 : i32
    %dma_wait3A_1534 = arith.constant 1 : i32
    %dma_wait3A_1535 = arith.constant 0 : i32
    %dma_wait3A_1536 = arith.constant 0 : i32
    %dma_wait3A_1537 = tpu.memref_slice %arg6[%dma_wait3A_1534, %dma_wait3A_1535, %dma_wait3A_1536] : memref<2x4x8192xf32, #tpu.memory_space<vmem>> -> memref<1x4x8192xf32, #tpu.memory_space<vmem>>
    %dma_wait3A_1538 = tpu.memref_squeeze %dma_wait3A_1537 : memref<1x4x8192xf32, #tpu.memory_space<vmem>> -> memref<4x8192xf32, #tpu.memory_space<vmem>>
    %dma_wait3A_1539 = arith.constant 0 : i32
    %dma_wait3A_1540 = tpu.memref_slice %arg5[%dma_wait3A_1533, %dma_wait3A_1539] : memref<32x4xi32, #tpu.memory_space<vmem>> -> memref<1x4xi32, #tpu.memory_space<vmem>>
    %dma_wait3A_1541 = tpu.memref_squeeze %dma_wait3A_1540 : memref<1x4xi32, #tpu.memory_space<vmem>> -> memref<4xi32, #tpu.memory_space<vmem>>
    %dma_wait3A_1542 = arith.constant 0 : i32
    %dma_wait3A_1543 = arith.constant 0 : i32
    %dma_wait3A_1544 = tpu.memref_slice %arg3[%dma_wait3A_1542, %dma_wait3A_1543] : memref<8192x8192xf32, #tpu.memory_space<hbm>> -> memref<8192x8192xf32, #tpu.memory_space<hbm>>
    tpu.wait_indirect_dma semaphore(%arg8 : memref<!tpu.dma_semaphore, #tpu.memory_space<semaphore_mem>>) src(%dma_wait3A_1544 : memref<8192x8192xf32, #tpu.memory_space<hbm>>) dst(%dma_wait3A_1538 : memref<4x8192xf32, #tpu.memory_space<vmem>>)
    %add3A_1545 = arith.constant 116 : i32
    %add3A_1546 = arith.addi %mul3A_2, %add3A_1545 : i32
    %dma_start3A_1547 = arith.constant 1 : i32
    %dma_start3A_1548 = arith.constant 0 : i32
    %dma_start3A_1549 = arith.constant 0 : i32
    %dma_start3A_1550 = tpu.memref_slice %arg6[%dma_start3A_1547, %dma_start3A_1548, %dma_start3A_1549] : memref<2x4x8192xf32, #tpu.memory_space<vmem>> -> memref<1x4x8192xf32, #tpu.memory_space<vmem>>
    %dma_start3A_1551 = tpu.memref_squeeze %dma_start3A_1550 : memref<1x4x8192xf32, #tpu.memory_space<vmem>> -> memref<4x8192xf32, #tpu.memory_space<vmem>>
    %dma_start3A_1552 = arith.constant 0 : i32
    %dma_start3A_1553 = tpu.memref_slice %arg4[%add3A_1546, %dma_start3A_1552] : memref<4096x8192xf32, #tpu.memory_space<hbm>> -> memref<4x8192xf32, #tpu.memory_space<hbm>>
    %dma_start3A_1554 = arith.constant 0 : i32
    %dma_start3A_1555 = tpu.memref_slice %arg4[%add3A_1546, %dma_start3A_1554] : memref<4096x8192xf32, #tpu.memory_space<hbm>> -> memref<4x8192xf32, #tpu.memory_space<hbm>>
    %dma_start3A_1556 = arith.constant 0 : i32
    %dma_start3A_1557 = arith.constant 0 : i32
    %dma_start3A_1558 = tpu.memref_slice %arg6[%dma_start3A_1547, %dma_start3A_1556, %dma_start3A_1557] : memref<2x4x8192xf32, #tpu.memory_space<vmem>> -> memref<1x4x8192xf32, #tpu.memory_space<vmem>>
    %dma_start3A_1559 = tpu.memref_squeeze %dma_start3A_1558 : memref<1x4x8192xf32, #tpu.memory_space<vmem>> -> memref<4x8192xf32, #tpu.memory_space<vmem>>
    tpu.enqueue_dma source(%dma_start3A_1559 : memref<4x8192xf32, #tpu.memory_space<vmem>>) target(%dma_start3A_1555 : memref<4x8192xf32, #tpu.memory_space<hbm>>) target_semaphore(%arg10 : memref<!tpu.dma_semaphore, #tpu.memory_space<semaphore_mem>>)
    %dma_wait3A_1560 = arith.constant 1 : i32
    %dma_wait3A_1561 = arith.constant 0 : i32
    %dma_wait3A_1562 = arith.constant 0 : i32
    %dma_wait3A_1563 = tpu.memref_slice %arg6[%dma_wait3A_1560, %dma_wait3A_1561, %dma_wait3A_1562] : memref<2x4x8192xf32, #tpu.memory_space<vmem>> -> memref<1x4x8192xf32, #tpu.memory_space<vmem>>
    %dma_wait3A_1564 = tpu.memref_squeeze %dma_wait3A_1563 : memref<1x4x8192xf32, #tpu.memory_space<vmem>> -> memref<4x8192xf32, #tpu.memory_space<vmem>>
    %dma_wait3A_1565 = arith.constant 0 : i32
    %dma_wait3A_1566 = tpu.memref_slice %arg4[%add3A_1546, %dma_wait3A_1565] : memref<4096x8192xf32, #tpu.memory_space<hbm>> -> memref<4x8192xf32, #tpu.memory_space<hbm>>
    %dma_wait3A_1567 = arith.constant 0 : i32
    %dma_wait3A_1568 = tpu.memref_slice %arg4[%add3A_1546, %dma_wait3A_1567] : memref<4096x8192xf32, #tpu.memory_space<hbm>> -> memref<4x8192xf32, #tpu.memory_space<hbm>>
    %dma_wait3A_1569 = arith.constant 0 : i32
    %dma_wait3A_1570 = arith.constant 0 : i32
    %dma_wait3A_1571 = tpu.memref_slice %arg6[%dma_wait3A_1560, %dma_wait3A_1569, %dma_wait3A_1570] : memref<2x4x8192xf32, #tpu.memory_space<vmem>> -> memref<1x4x8192xf32, #tpu.memory_space<vmem>>
    %dma_wait3A_1572 = tpu.memref_squeeze %dma_wait3A_1571 : memref<1x4x8192xf32, #tpu.memory_space<vmem>> -> memref<4x8192xf32, #tpu.memory_space<vmem>>
    tpu.wait_dma2 semaphore(%arg10 : memref<!tpu.dma_semaphore, #tpu.memory_space<semaphore_mem>>) src(%dma_wait3A_1572 : memref<4x8192xf32, #tpu.memory_space<vmem>>) dst(%dma_wait3A_1568 : memref<4x8192xf32, #tpu.memory_space<hbm>>)
    %dma_start3A_1573 = arith.constant 31 : i32
    %dma_start3A_1574 = arith.constant 1 : i32
    %dma_start3A_1575 = arith.constant 0 : i32
    %dma_start3A_1576 = arith.constant 0 : i32
    %dma_start3A_1577 = tpu.memref_slice %arg6[%dma_start3A_1574, %dma_start3A_1575, %dma_start3A_1576] : memref<2x4x8192xf32, #tpu.memory_space<vmem>> -> memref<1x4x8192xf32, #tpu.memory_space<vmem>>
    %dma_start3A_1578 = tpu.memref_squeeze %dma_start3A_1577 : memref<1x4x8192xf32, #tpu.memory_space<vmem>> -> memref<4x8192xf32, #tpu.memory_space<vmem>>
    %dma_start3A_1579 = arith.constant 0 : i32
    %dma_start3A_1580 = tpu.memref_slice %arg5[%dma_start3A_1573, %dma_start3A_1579] : memref<32x4xi32, #tpu.memory_space<vmem>> -> memref<1x4xi32, #tpu.memory_space<vmem>>
    %dma_start3A_1581 = tpu.memref_squeeze %dma_start3A_1580 : memref<1x4xi32, #tpu.memory_space<vmem>> -> memref<4xi32, #tpu.memory_space<vmem>>
    %dma_start3A_1582 = arith.constant 0 : i32
    %dma_start3A_1583 = arith.constant 0 : i32
    %dma_start3A_1584 = tpu.memref_slice %arg3[%dma_start3A_1582, %dma_start3A_1583] : memref<8192x8192xf32, #tpu.memory_space<hbm>> -> memref<8192x8192xf32, #tpu.memory_space<hbm>>
    tpu.enqueue_indirect_dma source(%dma_start3A_1584 : memref<8192x8192xf32, #tpu.memory_space<hbm>>) target(%dma_start3A_1578 : memref<4x8192xf32, #tpu.memory_space<vmem>>) offsets(%dma_start3A_1581 : memref<4xi32, #tpu.memory_space<vmem>>) semaphore(%arg8 : memref<!tpu.dma_semaphore, #tpu.memory_space<semaphore_mem>>)
    %dma_wait3A_1585 = arith.constant 30 : i32
    %dma_wait3A_1586 = arith.constant 0 : i32
    %dma_wait3A_1587 = arith.constant 0 : i32
    %dma_wait3A_1588 = arith.constant 0 : i32
    %dma_wait3A_1589 = tpu.memref_slice %arg6[%dma_wait3A_1586, %dma_wait3A_1587, %dma_wait3A_1588] : memref<2x4x8192xf32, #tpu.memory_space<vmem>> -> memref<1x4x8192xf32, #tpu.memory_space<vmem>>
    %dma_wait3A_1590 = tpu.memref_squeeze %dma_wait3A_1589 : memref<1x4x8192xf32, #tpu.memory_space<vmem>> -> memref<4x8192xf32, #tpu.memory_space<vmem>>
    %dma_wait3A_1591 = arith.constant 0 : i32
    %dma_wait3A_1592 = tpu.memref_slice %arg5[%dma_wait3A_1585, %dma_wait3A_1591] : memref<32x4xi32, #tpu.memory_space<vmem>> -> memref<1x4xi32, #tpu.memory_space<vmem>>
    %dma_wait3A_1593 = tpu.memref_squeeze %dma_wait3A_1592 : memref<1x4xi32, #tpu.memory_space<vmem>> -> memref<4xi32, #tpu.memory_space<vmem>>
    %dma_wait3A_1594 = arith.constant 0 : i32
    %dma_wait3A_1595 = arith.constant 0 : i32
    %dma_wait3A_1596 = tpu.memref_slice %arg3[%dma_wait3A_1594, %dma_wait3A_1595] : memref<8192x8192xf32, #tpu.memory_space<hbm>> -> memref<8192x8192xf32, #tpu.memory_space<hbm>>
    tpu.wait_indirect_dma semaphore(%arg7 : memref<!tpu.dma_semaphore, #tpu.memory_space<semaphore_mem>>) src(%dma_wait3A_1596 : memref<8192x8192xf32, #tpu.memory_space<hbm>>) dst(%dma_wait3A_1590 : memref<4x8192xf32, #tpu.memory_space<vmem>>)
    %add3A_1597 = arith.constant 120 : i32
    %add3A_1598 = arith.addi %mul3A_2, %add3A_1597 : i32
    %dma_start3A_1599 = arith.constant 0 : i32
    %dma_start3A_1600 = arith.constant 0 : i32
    %dma_start3A_1601 = arith.constant 0 : i32
    %dma_start3A_1602 = tpu.memref_slice %arg6[%dma_start3A_1599, %dma_start3A_1600, %dma_start3A_1601] : memref<2x4x8192xf32, #tpu.memory_space<vmem>> -> memref<1x4x8192xf32, #tpu.memory_space<vmem>>
    %dma_start3A_1603 = tpu.memref_squeeze %dma_start3A_1602 : memref<1x4x8192xf32, #tpu.memory_space<vmem>> -> memref<4x8192xf32, #tpu.memory_space<vmem>>
    %dma_start3A_1604 = arith.constant 0 : i32
    %dma_start3A_1605 = tpu.memref_slice %arg4[%add3A_1598, %dma_start3A_1604] : memref<4096x8192xf32, #tpu.memory_space<hbm>> -> memref<4x8192xf32, #tpu.memory_space<hbm>>
    %dma_start3A_1606 = arith.constant 0 : i32
    %dma_start3A_1607 = tpu.memref_slice %arg4[%add3A_1598, %dma_start3A_1606] : memref<4096x8192xf32, #tpu.memory_space<hbm>> -> memref<4x8192xf32, #tpu.memory_space<hbm>>
    %dma_start3A_1608 = arith.constant 0 : i32
    %dma_start3A_1609 = arith.constant 0 : i32
    %dma_start3A_1610 = tpu.memref_slice %arg6[%dma_start3A_1599, %dma_start3A_1608, %dma_start3A_1609] : memref<2x4x8192xf32, #tpu.memory_space<vmem>> -> memref<1x4x8192xf32, #tpu.memory_space<vmem>>
    %dma_start3A_1611 = tpu.memref_squeeze %dma_start3A_1610 : memref<1x4x8192xf32, #tpu.memory_space<vmem>> -> memref<4x8192xf32, #tpu.memory_space<vmem>>
    tpu.enqueue_dma source(%dma_start3A_1611 : memref<4x8192xf32, #tpu.memory_space<vmem>>) target(%dma_start3A_1607 : memref<4x8192xf32, #tpu.memory_space<hbm>>) target_semaphore(%arg9 : memref<!tpu.dma_semaphore, #tpu.memory_space<semaphore_mem>>)
    %dma_wait3A_1612 = arith.constant 31 : i32
    %dma_wait3A_1613 = arith.constant 1 : i32
    %dma_wait3A_1614 = arith.constant 0 : i32
    %dma_wait3A_1615 = arith.constant 0 : i32
    %dma_wait3A_1616 = tpu.memref_slice %arg6[%dma_wait3A_1613, %dma_wait3A_1614, %dma_wait3A_1615] : memref<2x4x8192xf32, #tpu.memory_space<vmem>> -> memref<1x4x8192xf32, #tpu.memory_space<vmem>>
    %dma_wait3A_1617 = tpu.memref_squeeze %dma_wait3A_1616 : memref<1x4x8192xf32, #tpu.memory_space<vmem>> -> memref<4x8192xf32, #tpu.memory_space<vmem>>
    %dma_wait3A_1618 = arith.constant 0 : i32
    %dma_wait3A_1619 = tpu.memref_slice %arg5[%dma_wait3A_1612, %dma_wait3A_1618] : memref<32x4xi32, #tpu.memory_space<vmem>> -> memref<1x4xi32, #tpu.memory_space<vmem>>
    %dma_wait3A_1620 = tpu.memref_squeeze %dma_wait3A_1619 : memref<1x4xi32, #tpu.memory_space<vmem>> -> memref<4xi32, #tpu.memory_space<vmem>>
    %dma_wait3A_1621 = arith.constant 0 : i32
    %dma_wait3A_1622 = arith.constant 0 : i32
    %dma_wait3A_1623 = tpu.memref_slice %arg3[%dma_wait3A_1621, %dma_wait3A_1622] : memref<8192x8192xf32, #tpu.memory_space<hbm>> -> memref<8192x8192xf32, #tpu.memory_space<hbm>>
    tpu.wait_indirect_dma semaphore(%arg8 : memref<!tpu.dma_semaphore, #tpu.memory_space<semaphore_mem>>) src(%dma_wait3A_1623 : memref<8192x8192xf32, #tpu.memory_space<hbm>>) dst(%dma_wait3A_1617 : memref<4x8192xf32, #tpu.memory_space<vmem>>)
    %add3A_1624 = arith.constant 124 : i32
    %add3A_1625 = arith.addi %mul3A_2, %add3A_1624 : i32
    %dma_start3A_1626 = arith.constant 1 : i32
    %dma_start3A_1627 = arith.constant 0 : i32
    %dma_start3A_1628 = arith.constant 0 : i32
    %dma_start3A_1629 = tpu.memref_slice %arg6[%dma_start3A_1626, %dma_start3A_1627, %dma_start3A_1628] : memref<2x4x8192xf32, #tpu.memory_space<vmem>> -> memref<1x4x8192xf32, #tpu.memory_space<vmem>>
    %dma_start3A_1630 = tpu.memref_squeeze %dma_start3A_1629 : memref<1x4x8192xf32, #tpu.memory_space<vmem>> -> memref<4x8192xf32, #tpu.memory_space<vmem>>
    %dma_start3A_1631 = arith.constant 0 : i32
    %dma_start3A_1632 = tpu.memref_slice %arg4[%add3A_1625, %dma_start3A_1631] : memref<4096x8192xf32, #tpu.memory_space<hbm>> -> memref<4x8192xf32, #tpu.memory_space<hbm>>
    %dma_start3A_1633 = arith.constant 0 : i32
    %dma_start3A_1634 = tpu.memref_slice %arg4[%add3A_1625, %dma_start3A_1633] : memref<4096x8192xf32, #tpu.memory_space<hbm>> -> memref<4x8192xf32, #tpu.memory_space<hbm>>
    %dma_start3A_1635 = arith.constant 0 : i32
    %dma_start3A_1636 = arith.constant 0 : i32
    %dma_start3A_1637 = tpu.memref_slice %arg6[%dma_start3A_1626, %dma_start3A_1635, %dma_start3A_1636] : memref<2x4x8192xf32, #tpu.memory_space<vmem>> -> memref<1x4x8192xf32, #tpu.memory_space<vmem>>
    %dma_start3A_1638 = tpu.memref_squeeze %dma_start3A_1637 : memref<1x4x8192xf32, #tpu.memory_space<vmem>> -> memref<4x8192xf32, #tpu.memory_space<vmem>>
    tpu.enqueue_dma source(%dma_start3A_1638 : memref<4x8192xf32, #tpu.memory_space<vmem>>) target(%dma_start3A_1634 : memref<4x8192xf32, #tpu.memory_space<hbm>>) target_semaphore(%arg10 : memref<!tpu.dma_semaphore, #tpu.memory_space<semaphore_mem>>)
    %dma_wait3A_1639 = arith.constant 1 : i32
    %dma_wait3A_1640 = arith.constant 0 : i32
    %dma_wait3A_1641 = arith.constant 0 : i32
    %dma_wait3A_1642 = tpu.memref_slice %arg6[%dma_wait3A_1639, %dma_wait3A_1640, %dma_wait3A_1641] : memref<2x4x8192xf32, #tpu.memory_space<vmem>> -> memref<1x4x8192xf32, #tpu.memory_space<vmem>>
    %dma_wait3A_1643 = tpu.memref_squeeze %dma_wait3A_1642 : memref<1x4x8192xf32, #tpu.memory_space<vmem>> -> memref<4x8192xf32, #tpu.memory_space<vmem>>
    %dma_wait3A_1644 = arith.constant 0 : i32
    %dma_wait3A_1645 = tpu.memref_slice %arg4[%add3A_1625, %dma_wait3A_1644] : memref<4096x8192xf32, #tpu.memory_space<hbm>> -> memref<4x8192xf32, #tpu.memory_space<hbm>>
    %dma_wait3A_1646 = arith.constant 0 : i32
    %dma_wait3A_1647 = tpu.memref_slice %arg4[%add3A_1625, %dma_wait3A_1646] : memref<4096x8192xf32, #tpu.memory_space<hbm>> -> memref<4x8192xf32, #tpu.memory_space<hbm>>
    %dma_wait3A_1648 = arith.constant 0 : i32
    %dma_wait3A_1649 = arith.constant 0 : i32
    %dma_wait3A_1650 = tpu.memref_slice %arg6[%dma_wait3A_1639, %dma_wait3A_1648, %dma_wait3A_1649] : memref<2x4x8192xf32, #tpu.memory_space<vmem>> -> memref<1x4x8192xf32, #tpu.memory_space<vmem>>
    %dma_wait3A_1651 = tpu.memref_squeeze %dma_wait3A_1650 : memref<1x4x8192xf32, #tpu.memory_space<vmem>> -> memref<4x8192xf32, #tpu.memory_space<vmem>>
    tpu.wait_dma2 semaphore(%arg10 : memref<!tpu.dma_semaphore, #tpu.memory_space<semaphore_mem>>) src(%dma_wait3A_1651 : memref<4x8192xf32, #tpu.memory_space<vmem>>) dst(%dma_wait3A_1647 : memref<4x8192xf32, #tpu.memory_space<hbm>>)
    return
  }
}

</mosaic_0001>

<sc_bundles>
// kernel: kernel.3.cloned.1.call-start
scs
__scs_entry_jumppad:
0x0: {  	(pc) =	sbr.rel $0x88, $3  }
0x1: {  	(tag) =	ssettag $0x0;
	lr =	simm.s32 $0x1  }
0x2: {  	[smem:$0x3F9F] =	sst lr;
	_ =	strace $0xD0000000  }
0x3: {  	_ = 	snop  }
0x4: {  	_ = 	snop  }
0x5: {  	_ = 	snop  }
0x6: {  	_ = 	snop  }
0x7: {  	_ = 	snop  }
__scs_overlays_trampoline_lowered:
0x8: {  	[smem:$0x3FAE] =	sst s0  }
0x9: {  	[smem:$0x3FAF] =	sst s1  }
0xa: {  	[smem:$0x3FB0] =	sst s2  }
0xb: {  	[smem:$0x3FB1] =	sst s3  }
0xc: {  	[smem:$0x3FB2] =	sst s4  }
0xd: {  	[smem:$0x3FB3] =	sst s5  }
0xe: {  	[smem:$0x3FB4] =	sst s6  }
0xf: {  	[smem:$0x3FB5] =	sst s7  }
0x10: {  	[smem:$0x3FB6] =	sst s8  }
0x11: {  	[smem:$0x3FB7] =	sst s9;
	s0 =	simm.s32 @!p0 $0x0  }
0x12: {  	s1 =	sld [smem:$0x3F9D];
	s0 =	simm.s32 @p0 $0x1  }
0x13: {  	[smem:$0x3FB8] =	sst s0;
	s0 =	simm.s32 @!p1 $0x0  }
0x14: {  	s2 =	sld [smem:$0x3F9C];
	s0 =	simm.s32 @p1 $0x1  }
0x15: {  	[smem:$0x3FB9] =	sst s0;
	s0 =	simm.s32 @!p2 $0x0  }
0x16: {  	s3 =	sld [smem:$0x3FDB];
	s0 =	simm.s32 @p2 $0x1  }
0x17: {  	s4 =	simm.s32 $0x1BF5;
	[smem:$0x3FBB] =	sst s0  }
0x18: {  	s0 =	sld [smem:$0x3F9E];
	_ =	swait.ge [sflag:s4], $0x0  }
0x19: {  	s7 =	sld [smem:$0x3F9F]  }
0x1a: {  	s8 =	sadd.s32 $0xFFFFE003, lr  }
0x1b: {  	s9 =	sadd.s32 $0xFFFFFEF7, lr;
	s5 =	simm.s32 $0xFFFFFFFF;
	p2 =	slt.u32 s8, $0xFFFFF086  }
0x1c: {  	p1 =	slt.u32 s9, $0xF7A;
	s5 =	simm.s32 @!p2 $0x0  }
0x1d: {  	s5 =	simm.s32 @p1 $0x1;
	p0 =	seq.s32 s7, s2  }
0x1e: {  	s7 =	smul.u32 @!p0 $0xF7A, s2;
	p2 =	seq.s32 @!p0 s5, $0x0  }
0x1f: {  	s9 =	smul.u32 $0xF7A, s1;
	s8 =	simm.s32 @!p0 $0x1BF5;
	p2 =	por !p2, p0  }
0x20: {  	[sflag:s8] =	ssyncset.s32 @!p0 $0xFFFFF086;
	s6 =	sadd.s32 @!p0 s3, s7;
	s7 =	simm.s32 @!p0 $0x108  }
0x21: {  	s3 =	sadd.s32 s3, s9;
	s6 =	sadd.s32 @!p0 $0x88, s6;
	s7 =	simm.s32 @p2 $0x1082  }
0x22: {  	[simem:s7], [sflag:s8] =	dma.local @!p0 [hbm:s6], $0xF7A  }
0x23: {  	s9 =	sor.u32 $0xD0000000, s2;
	s6 =	simm.s32 $0x108;
	_ =	swait.ge @!p0 [sflag:s8], $0x0  }
0x24: {  	s3 =	sadd.s32 $0x88, s3;
	s6 =	simm.s32 @!p1 $0x1082;
	[sflag:s4] =	ssyncset.s32 $0xFFFFF086  }
0x25: {  	[simem:s6], [sflag:s4] =	dma.local [hbm:s3], $0xF7A  }
0x26: {  	[smem:$0x3F9F] =	sst s1;
	(tag) =	ssettag s2;
	_ =	strace s9  }
0x27: {  	s1 =	sld [smem:$0x3FAF]  }
0x28: {  	s2 =	sld [smem:$0x3FB0]  }
0x29: {  	s4 =	sld [smem:$0x3FB2]  }
0x2a: {  	p0 =	seq.s32 s5, $0x0;
	s5 =	sld [smem:$0x3FB3]  }
0x2b: {  	s6 =	sld [smem:$0x3FB4]  }
0x2c: {  	s7 =	sld [smem:$0x3FB5]  }
0x2d: {  	s3 =	simm.s32 $0x108;
	s8 =	sld [smem:$0x3FB6]  }
0x2e: {  	s3 =	simm.s32 @!p0 $0x1082;
	s9 =	sld [smem:$0x3FB7]  }
0x2f: {  	lr =	sadd.s32 s0, s3;
	s0 =	sld [smem:$0x3FAE]  }
0x30: {  	s3 =	sld [smem:$0x3FB1]  }
0x31: {  	[smem:$0x3FBA] =	sst s10  }
0x32: {  	s10 =	sld [smem:$0x3FB8];
	_ =	sdelay $0x3  }
0x33: {  	p0 =	seq.s32 s10, $0x1;
	s10 =	sld [smem:$0x3FBA];
	_ =	sdelay $0x3  }
0x34: {  	[smem:$0x3FBA] =	sst s10  }
0x35: {  	s10 =	sld [smem:$0x3FB9];
	_ =	sdelay $0x3  }
0x36: {  	p1 =	seq.s32 s10, $0x1;
	s10 =	sld [smem:$0x3FBA];
	_ =	sdelay $0x3  }
0x37: {  	[smem:$0x3FBA] =	sst s10  }
0x38: {  	s10 =	sld [smem:$0x3FBB]  }
0x39: {  	_ = 	snop;
	(pc) =	sbr.ind lr, $3  }
0x3a: {  	_ = 	snop  }
0x3b: {  	_ = 	snop  }
0x3c: {  	p2 =	seq.s32 s10, $0x1;
	s10 =	sld [smem:$0x3FBA]  }
0x3d: {  	_ =	shalt  }
0x3e: {  	_ =	shalt  }
0x3f: {  	_ =	shalt  }
0x40: {  	_ =	shalt  }
0x41: {  	_ =	shalt  }
0x42: {  	_ =	shalt  }
0x43: {  	_ =	shalt  }
0x44: {  	_ =	shalt  }
0x45: {  	_ =	shalt  }
0x46: {  	_ =	shalt  }
0x47: {  	_ =	shalt  }
0x48: {  	_ =	shalt  }
0x49: {  	_ =	shalt  }
0x4a: {  	_ =	shalt  }
0x4b: {  	_ =	shalt  }
0x4c: {  	_ =	shalt  }
0x4d: {  	_ =	shalt  }
0x4e: {  	_ =	shalt  }
0x4f: {  	_ =	shalt  }
0x50: {  	_ =	shalt  }
0x51: {  	_ =	shalt  }
0x52: {  	_ =	shalt  }
0x53: {  	_ =	shalt  }
0x54: {  	_ =	shalt  }
0x55: {  	_ =	shalt  }
0x56: {  	_ =	shalt  }
0x57: {  	_ =	shalt  }
0x58: {  	_ =	shalt  }
0x59: {  	_ =	shalt  }
0x5a: {  	_ =	shalt  }
0x5b: {  	_ =	shalt  }
0x5c: {  	_ =	shalt  }
0x5d: {  	_ =	shalt  }
0x5e: {  	_ =	shalt  }
0x5f: {  	_ =	shalt  }
0x60: {  	_ =	shalt  }
0x61: {  	_ =	shalt  }
0x62: {  	_ =	shalt  }
0x63: {  	_ =	shalt  }
0x64: {  	_ =	shalt  }
0x65: {  	_ =	shalt  }
0x66: {  	_ =	shalt  }
0x67: {  	_ =	shalt  }
0x68: {  	_ =	shalt  }
0x69: {  	_ =	shalt  }
0x6a: {  	_ =	shalt  }
0x6b: {  	_ =	shalt  }
0x6c: {  	_ =	shalt  }
0x6d: {  	_ =	shalt  }
0x6e: {  	_ =	shalt  }
0x6f: {  	_ =	shalt  }
0x70: {  	_ =	shalt  }
0x71: {  	_ =	shalt  }
0x72: {  	_ =	shalt  }
0x73: {  	_ =	shalt  }
0x74: {  	_ =	shalt  }
0x75: {  	_ =	shalt  }
0x76: {  	_ =	shalt  }
0x77: {  	_ =	shalt  }
0x78: {  	_ =	shalt  }
0x79: {  	_ =	shalt  }
0x7a: {  	_ =	shalt  }
0x7b: {  	_ =	shalt  }
0x7c: {  	_ =	shalt  }
0x7d: {  	_ =	shalt  }
0x7e: {  	_ =	shalt  }
0x7f: {  	_ =	shalt  }
0x80: {  	_ =	shalt  }
0x81: {  	_ =	shalt  }
0x82: {  	_ =	shalt  }
0x83: {  	_ =	shalt  }
0x84: {  	_ =	shalt  }
0x85: {  	_ =	shalt  }
0x86: {  	_ =	shalt  }
0x87: {  	_ =	shalt  }
.Lfunc_end0:
.L_simem_size_0:
called_computation_lowered:
.L_overlay_start_0:
0x88: {  	s2 =	sld [smem:$0x3FD9]  }
0x89: {  	s3 =	sld [smem:$0x3FFE];
	_ =	sdelay $0x1  }
0x8a: {  	s1 =	srdreg.scid  }
0x8b: {  	s0 =	sand.u32 $0x1, s1  }
0x8c: {  	s17 =	sshll.u32 s0, $0xA;
	s2 =	sadd.s32 s3, s2  }
0x8d: {  	s2 =	sadd.s32 s2, s17  }
0x8e: {  	[smem:$0x3FC6] =	sst s2  }
0x8f: {  	_ = 	snop  }
0x90: {  	s2 =	sld [smem:$0x3FC8]  }
0x91: {  	s18 =	sld [smem:$0x3FD0];
	(tm) =	ssettm $0x1  }
0x92: {  	s4 =	sld [smem:$0x3FFB];
	_ =	sdelay $0x3  }
0x93: {  	_ =	strace s4  }
0x94: {  	s4 =	sld [smem:$0x3FFC];
	_ =	sdelay $0x3  }
0x95: {  	_ =	strace s4  }
0x96: {  	s4 =	sld [smem:$0x3FFD];
	_ =	sdelay $0x3  }
0x97: {  	_ =	strace s4  }
0x98: {  	_ =	strace $0x8FFFFFFF  }
0x99: {  	s19 =	sld [smem:$0x3FDB];
	_ =	sdelay $0x1  }
0x9a: {  	s5 =	simm.s32 $_scs_section_size  }
0x9b: {  	s6 =	simm.s32 $_size__tile_overlayer_lowered;
	s7 =	simm.s32 $_tile_overlayer_lowered  }
0x9c: {  	s22 =	simm.s32 $0x1BFF;
	s21 =	sshll.u32 s7, $0x1;
	s4 =	sadd.s32 s5, s19  }
0x9d: {  	s8 =	simm.s32 $0x0;
	s20 =	sshll.u32 s6, $0x1;
	s6 =	sadd.s32 s21, s4  }
0x9e: {  	[timem:s8], [sflag:s22] =	dma.local [hbm:s6], s20  }
0x9f: {  	_ =	swait.ge [sflag:s22], s20  }
0xa0: {  	s5 =	ssub.s32 $0x0, s20;
	[sflag:s22] =	ssyncset.done $0x0  }
0xa1: {  	[sflag:s22] =	ssyncadd.s32 s5;
	_ =	sdelay $0x1  }
0xa2: {  	s23 =	simm.s32 $0x1B8B  }
0xa3: {  	_ =	swait.ge [sflag:s23], $0x1  }
0xa4: {  	[sflag:s23] =	ssyncset.done $0x0  }
0xa5: {  	s25 =	simm.s32 $0x1B8E;
	s24 =	sld [smem:$0x3FFE];
	[sflag:s23] =	ssyncadd.s32 $0xFFFFFFFF  }
0xa6: {  	s26 =	simm.s32 $execute0_lowered;
	[smem:$0x3FD2] =	sst s25  }
0xa7: {  	s6 =	sshll.u32 s26, $0x1;
	_ =	strace $0x80000046;
	[dreg:$0x1] =	wrdreg $0xFFFFFFFF  }
0xa8: {  	s28 =	simm.s32 $_size_execute0_lowered;
	s4 =	sadd.s32 s4, s6;
	[dreg:$0x0] =	wrdreg $0x0  }
0xa9: {  	s6 =	sshll.u32 s28, $0x1;
	[dreg:$0x2] =	wrdreg s4  }
0xaa: {  	[dreg:$0x3] =	wrdreg s6  }
0xab: {  	[dreg:$0x4] =	wrdreg $0xC0  }
0xac: {  	_ =	task [dreg:s8], $0x5FFFF  }
0xad: {  	[dreg:$0x1] =	wrdreg $0xFFFFFFFF  }
0xae: {  	[dreg:$0x0] =	wrdreg $0x60  }
0xaf: {  	[dreg:$0x2] =	wrdreg s24  }
0xb0: {  	[dreg:$0x3] =	wrdreg s2  }
0xb1: {  	[dreg:$0x4] =	wrdreg s18  }
0xb2: {  	[dreg:$0x5] =	wrdreg $0x9  }
0xb3: {  	_ =	task.clear_ibuf [dreg:s8], $0x6FFFF;
	_ =	strace $0x90000046  }
0xb4: {  	s29 =	simm.s32 $0x9;
	_ =	strace $0x80000048  }
0xb5: {  	_ =	swait.ge [sflag:s29], $0x1  }
0xb6: {  	[sflag:s29] =	ssyncadd.s32 $0xFFFFFFFF  }
0xb7: {  	_ =	strace $0x90000048  }
0xb8: {  	_ =	sfence  }
0xb9: {  	s30 =	sld [smem:$0x0];
	_ =	sdelay $0x2  }
0xba: {  	s31 =	sshll.u32 s1, $0xD;
	s1 =	sshrl.u32 s1, $0x2  }
0xbb: {  	s3 =	sand.u32 $0x4000, s31;
	s1 =	sadd.s32 s1, s30  }
0xbc: {  	s0 =	sor.u32 s3, s0;
	s1 =	sshll.u32 s1, $0x11  }
0xbd: {  	s0 =	sor.u32 s1, s0  }
0xbe: {  	s0 =	sadd.s32 $0x8F2B, s0  }
0xbf: {  	[sflag:s0] =	ssyncadd.remote.s32 $0x1  }
0xc0: {  	_ =	sfence.sel $0xFFFF  }
0xc1: {  	[dreg:$0x0] =	wrdreg $0xFFFFFFFF;
	(pc) =	sbr.abs _section_cstart, $3  }
0xc2: {  	[dreg:$0x1] =	wrdreg $0xFFFFFFFF  }
0xc3: {  	_ =	task.clear_ibuf [dreg:s8], $0x2FFFF;
	_ =	strace $0x9FFFFFFF  }
0xc4: {  	(tm) =	ssettm $0x7FFFFFFF  }
0xc5: {  	_ =	shalt  }
tec
execute0_lowered:
.L_overlay_start_1:
0x0: {  	(tag) =	ssettag $0x1  }
0x1: {  	s0 =	rddreg [dreg:$0x0]  }
0x2: {  	s1 =	srdreg.scid;
	s3 =	stileid.u32  }
0x3: {  	s2 =	rddreg [dreg:$0x1];
	s1 =	sand.u32 $0x1, s1;
	s3 =	sshll.u32 s3, $0x1  }
0x4: {  	s4 =	rddreg [dreg:$0x2];
	s5 =	sor.u32 s1, s3  }
0x5: {  	s3 =	simm.s32 $0x0;
	s6 =	sshll.u32 s5, $0x9;
	s5 =	sshll.u32 s5, $0x11  }
0x6: {  	[smem:$0x7FF] =	sst s3;
	s0 =	sadd.s32 s6, s0;
	s19 =	sadd.s32 s4, s5  }
0x7: {  	_ =	strace $0x80000047;
	s0 =	sadd.s32 $0x400, s0;
	[smem:$0x7FC] =	sst s19  }
0x8: {  	s21 =	sadd.s32 $0x40, s19;
	[dreg:$0x4] =	wrdreg s0  }
0x9: {  	s22 =	sadd.s32 $0x2000, s19;
	[dreg:$0x5] =	wrdreg s21  }
0xa: {  	s23 =	sadd.s32 $0x2040, s19;
	[dreg:$0x6] =	wrdreg s22  }
0xb: {  	s24 =	sadd.s32 $0x4000, s19;
	[dreg:$0x7] =	wrdreg s23  }
0xc: {  	s25 =	sadd.s32 $0x4040, s19;
	[dreg:$0x8] =	wrdreg s24  }
0xd: {  	s26 =	sadd.s32 $0x6000, s19;
	[dreg:$0x9] =	wrdreg s25  }
0xe: {  	s28 =	sadd.s32 $0x6040, s19;
	[dreg:$0xa] =	wrdreg s26  }
0xf: {  	s29 =	sadd.s32 $0x8000, s19;
	[dreg:$0xb] =	wrdreg s28  }
0x10: {  	s4 =	sadd.s32 $0x8040, s19;
	[dreg:$0xc] =	wrdreg s29  }
0x11: {  	s5 =	sadd.s32 $0xA000, s19;
	[dreg:$0xd] =	wrdreg s4  }
0x12: {  	s6 =	sadd.s32 $0xA040, s19;
	[dreg:$0xe] =	wrdreg s5  }
0x13: {  	s7 =	sadd.s32 $0xC000, s19;
	[dreg:$0xf] =	wrdreg s6  }
0x14: {  	s30 =	simm.s32 $0x1;
	s8 =	sadd.s32 $0xC040, s19;
	[dreg:$0x10] =	wrdreg s7  }
0x15: {  	s31 =	simm.s32 $0x200;
	s9 =	sadd.s32 $0xE000, s19;
	[dreg:$0x11] =	wrdreg s8  }
0x16: {  	s1 =	ssub.s32 $0x2, s1;
	s10 =	sadd.s32 $0xE040, s19;
	[dreg:$0x12] =	wrdreg s9  }
0x17: {  	s11 =	sshrl.u32 s1, $0x1;
	s12 =	sadd.s32 $0x10000, s19;
	[dreg:$0x13] =	wrdreg s10  }
0x18: {  	s1 =	ssub.s32 s1, s11;
	s13 =	sadd.s32 $0x10040, s19;
	[dreg:$0x14] =	wrdreg s12  }
0x19: {  	s11 =	sadd.s32 $0xE00, s2;
	s14 =	sadd.s32 $0x12000, s19;
	[dreg:$0x15] =	wrdreg s13  }
0x1a: {  	s15 =	sadd.s32 $0x12040, s19;
	s16 =	sadd.s32 $0x14000, s19;
	[dreg:$0x16] =	wrdreg s14  }
0x1b: {  	s17 =	sadd.s32 $0x14040, s19;
	s18 =	sadd.s32 $0x16000, s19;
	[dreg:$0x17] =	wrdreg s15  }
0x1c: {  	s20 =	sadd.s32 $0x16040, s19;
	s5 =	sadd.s32 $0x200, s2;
	[dreg:$0x18] =	wrdreg s16  }
0x1d: {  	s6 =	sadd.s32 $0x400, s2;
	s7 =	sadd.s32 $0x600, s2;
	[dreg:$0x19] =	wrdreg s17  }
0x1e: {  	s8 =	sadd.s32 $0x800, s2;
	s9 =	sadd.s32 $0xA00, s2;
	[dreg:$0x1a] =	wrdreg s18  }
0x1f: {  	s10 =	sadd.s32 $0xC00, s2;
	[dreg:$0x1b] =	wrdreg s20;
	s21 =	sadd.s32 $0x18000, s19  }
0x20: {  	s12 =	sadd.s32 $0x1000, s2;
	s22 =	sadd.s32 $0x18040, s19;
	s13 =	sadd.s32 $0x1200, s2  }
0x21: {  	s23 =	sadd.s32 $0x1A000, s19;
	s14 =	sadd.s32 $0x1400, s2;
	[dreg:$0x1c] =	wrdreg s21  }
0x22: {  	s24 =	sadd.s32 $0x1A040, s19;
	s15 =	sadd.s32 $0x1600, s2;
	[dreg:$0x1d] =	wrdreg s22  }
0x23: {  	s25 =	sadd.s32 $0x1C000, s19;
	s16 =	sadd.s32 $0x1800, s2;
	[dreg:$0x1e] =	wrdreg s23  }
0x24: {  	s26 =	sadd.s32 $0x1C040, s19;
	s17 =	sadd.s32 $0x1A00, s2;
	[dreg:$0x1f] =	wrdreg s24  }
0x25: {  	s28 =	sadd.s32 $0x1E000, s19;
	s18 =	sadd.s32 $0x1C00, s2;
	[smem:$0x7F9] =	sst s25  }
0x26: {  	s29 =	sadd.s32 $0x1E040, s19;
	s19 =	sadd.s32 $0x1E00, s2;
	[smem:$0x7FA] =	sst s26  }
0x27: {  	v0 =	vlaneseq.u32;
	s20 =	smax.u32 s1, $0x1;
	s1 =	simm.s32 $0x400;
	[smem:$0x7FB] =	sst s28  }
0x28: {  	v1 =	vshrl.u32 v0, $0x2;
	s0 =	simm.s32 $0x3;
	s4 =	simm.s32 $0x4;
	[smem:$0x7FD] =	sst s29  }
0x29: {  	vm0 =	vmmov $0xffff;
	v0 =	vand.u32 $0x3, v0;
	v1 =	vmul.u32 $0x8, v1;
	s22 =	simm.s32 $0x1000;
	s25 =	simm.s32 $0x9000;
	s21 =	simm.s32 $0x2  }
.LBB2_1:
0x2a: {  	[smem:$0x7F8] =	sst s20  }
0x2b: {  	s28 =	rddreg [dreg:$0x4];
	s29 =	simm.s32 $0x5  }
0x2c: {  	[tilespmem:s3], [sflag:$0x5] =	stream.linear.gather [hbm4b:s28+s3], $0x1000, $0x38;
	[tilespmem:$0x11000] =	vst v63  }
0x2d: {  	_ =	swait.ge [sflag:s29], $0x1000  }
0x2e: {  	[sflag:s29] =	ssyncset.done $0x0  }
0x2f: {  	[sflag:s29] =	ssyncadd.s32 $0xFFFFF000  }
0x30: {  	v2 =	vld.msk [tilespmem:$0x0], $0xf;
	_ =	sdelay $0x4  }
0x31: {  	v3 =	vshll.u32 v2, $0x6  }
0x32: {  	v2 =	vand.u32 $0x7, v2;
	v3 =	vand.u32 $0xFFFFFE00, v3  }
0x33: {  	v2 =	vor.u32 v2, v3  }
0x34: {  	v2 =	vperm.xlane v2, v0;
	_ =	sdelay $0x1  }
0x35: {  	v2 =	vadd.s32 v1, v2;
	_ =	sdelay $0x4  }
0x36: {  	[tilespmem:s22], [sflag:$0x1] =	stream.indirect_vreg.gather [hbm4b:s2+s3], $0x80, v2, vm0, $0xb8;
	[tilespmem:$0x11000] =	vst v63  }
0x37: {  	s23 =	simm.s32 $0x1800  }
0x38: {  	[tilespmem:s23], [sflag:$0x1] =	stream.indirect_vreg.gather [hbm4b:s5+s3], $0x80, v2, vm0, $0xb8;
	[tilespmem:$0x11000] =	vst v63  }
0x39: {  	s24 =	simm.s32 $0x2000  }
0x3a: {  	[tilespmem:s24], [sflag:$0x1] =	stream.indirect_vreg.gather [hbm4b:s6+s3], $0x80, v2, vm0, $0xb8;
	[tilespmem:$0x11000] =	vst v63  }
0x3b: {  	s26 =	simm.s32 $0x2800  }
0x3c: {  	[tilespmem:s26], [sflag:$0x1] =	stream.indirect_vreg.gather [hbm4b:s7+s3], $0x80, v2, vm0, $0xb8;
	[tilespmem:$0x11000] =	vst v63  }
0x3d: {  	s28 =	simm.s32 $0x3000  }
0x3e: {  	[tilespmem:s28], [sflag:$0x1] =	stream.indirect_vreg.gather [hbm4b:s8+s3], $0x80, v2, vm0, $0xb8;
	[tilespmem:$0x11000] =	vst v63  }
0x3f: {  	s29 =	simm.s32 $0x3800  }
0x40: {  	[tilespmem:s29], [sflag:$0x1] =	stream.indirect_vreg.gather [hbm4b:s9+s3], $0x80, v2, vm0, $0xb8;
	[tilespmem:$0x11000] =	vst v63  }
0x41: {  	s23 =	simm.s32 $0x4000  }
0x42: {  	[tilespmem:s23], [sflag:$0x1] =	stream.indirect_vreg.gather [hbm4b:s10+s3], $0x80, v2, vm0, $0xb8;
	[tilespmem:$0x11000] =	vst v63  }
0x43: {  	s23 =	simm.s32 $0x4800  }
0x44: {  	[tilespmem:s23], [sflag:$0x1] =	stream.indirect_vreg.gather [hbm4b:s11+s3], $0x80, v2, vm0, $0xb8;
	[tilespmem:$0x11000] =	vst v63  }
0x45: {  	s23 =	simm.s32 $0x5000  }
0x46: {  	[tilespmem:s23], [sflag:$0x1] =	stream.indirect_vreg.gather [hbm4b:s12+s3], $0x80, v2, vm0, $0xb8;
	[tilespmem:$0x11000] =	vst v63  }
0x47: {  	s23 =	simm.s32 $0x5800  }
0x48: {  	[tilespmem:s23], [sflag:$0x1] =	stream.indirect_vreg.gather [hbm4b:s13+s3], $0x80, v2, vm0, $0xb8;
	[tilespmem:$0x11000] =	vst v63  }
0x49: {  	s23 =	simm.s32 $0x6000  }
0x4a: {  	[tilespmem:s23], [sflag:$0x1] =	stream.indirect_vreg.gather [hbm4b:s14+s3], $0x80, v2, vm0, $0xb8;
	[tilespmem:$0x11000] =	vst v63  }
0x4b: {  	s23 =	simm.s32 $0x6800  }
0x4c: {  	[tilespmem:s23], [sflag:$0x1] =	stream.indirect_vreg.gather [hbm4b:s15+s3], $0x80, v2, vm0, $0xb8;
	[tilespmem:$0x11000] =	vst v63  }
0x4d: {  	s23 =	simm.s32 $0x7000  }
0x4e: {  	[tilespmem:s23], [sflag:$0x1] =	stream.indirect_vreg.gather [hbm4b:s16+s3], $0x80, v2, vm0, $0xb8;
	[tilespmem:$0x11000] =	vst v63  }
0x4f: {  	s23 =	simm.s32 $0x7800  }
0x50: {  	[tilespmem:s23], [sflag:$0x1] =	stream.indirect_vreg.gather [hbm4b:s17+s3], $0x80, v2, vm0, $0xb8;
	[tilespmem:$0x11000] =	vst v63  }
0x51: {  	s23 =	simm.s32 $0x8000  }
0x52: {  	[tilespmem:s23], [sflag:$0x1] =	stream.indirect_vreg.gather [hbm4b:s18+s3], $0x80, v2, vm0, $0xb8;
	[tilespmem:$0x11000] =	vst v63  }
0x53: {  	s23 =	simm.s32 $0x8800  }
0x54: {  	[tilespmem:s23], [sflag:$0x1] =	stream.indirect_vreg.gather [hbm4b:s19+s3], $0x80, v2, vm0, $0xb8;
	[tilespmem:$0x11000] =	vst v63  }
0x55: {  	v2 =	vld.msk [tilespmem:$0x80], $0xf;
	_ =	sdelay $0x4  }
0x56: {  	v3 =	vshll.u32 v2, $0x6  }
0x57: {  	v2 =	vand.u32 $0x7, v2;
	v3 =	vand.u32 $0xFFFFFE00, v3  }
0x58: {  	v2 =	vor.u32 v2, v3  }
0x59: {  	v2 =	vperm.xlane v2, v0;
	_ =	sdelay $0x1  }
0x5a: {  	v2 =	vadd.s32 v1, v2;
	_ =	sdelay $0x4  }
0x5b: {  	[tilespmem:s25], [sflag:$0x2] =	stream.indirect_vreg.gather [hbm4b:s2+s3], $0x80, v2, vm0, $0xb8;
	[tilespmem:$0x11000] =	vst v63  }
0x5c: {  	s20 =	simm.s32 $0x9800  }
0x5d: {  	[tilespmem:s20], [sflag:$0x2] =	stream.indirect_vreg.gather [hbm4b:s5+s3], $0x80, v2, vm0, $0xb8;
	[tilespmem:$0x11000] =	vst v63  }
0x5e: {  	s20 =	simm.s32 $0xA000  }
0x5f: {  	[tilespmem:s20], [sflag:$0x2] =	stream.indirect_vreg.gather [hbm4b:s6+s3], $0x80, v2, vm0, $0xb8;
	[tilespmem:$0x11000] =	vst v63  }
0x60: {  	s20 =	simm.s32 $0xA800  }
0x61: {  	[tilespmem:s20], [sflag:$0x2] =	stream.indirect_vreg.gather [hbm4b:s7+s3], $0x80, v2, vm0, $0xb8;
	[tilespmem:$0x11000] =	vst v63  }
0x62: {  	s20 =	simm.s32 $0xB000  }
0x63: {  	[tilespmem:s20], [sflag:$0x2] =	stream.indirect_vreg.gather [hbm4b:s8+s3], $0x80, v2, vm0, $0xb8;
	[tilespmem:$0x11000] =	vst v63  }
0x64: {  	s20 =	simm.s32 $0xB800  }
0x65: {  	[tilespmem:s20], [sflag:$0x2] =	stream.indirect_vreg.gather [hbm4b:s9+s3], $0x80, v2, vm0, $0xb8;
	[tilespmem:$0x11000] =	vst v63  }
0x66: {  	s20 =	simm.s32 $0xC000  }
0x67: {  	[tilespmem:s20], [sflag:$0x2] =	stream.indirect_vreg.gather [hbm4b:s10+s3], $0x80, v2, vm0, $0xb8;
	[tilespmem:$0x11000] =	vst v63  }
0x68: {  	s20 =	simm.s32 $0xC800  }
0x69: {  	[tilespmem:s20], [sflag:$0x2] =	stream.indirect_vreg.gather [hbm4b:s11+s3], $0x80, v2, vm0, $0xb8;
	[tilespmem:$0x11000] =	vst v63  }
0x6a: {  	s20 =	simm.s32 $0xD000  }
0x6b: {  	[tilespmem:s20], [sflag:$0x2] =	stream.indirect_vreg.gather [hbm4b:s12+s3], $0x80, v2, vm0, $0xb8;
	[tilespmem:$0x11000] =	vst v63  }
0x6c: {  	s20 =	simm.s32 $0xD800  }
0x6d: {  	[tilespmem:s20], [sflag:$0x2] =	stream.indirect_vreg.gather [hbm4b:s13+s3], $0x80, v2, vm0, $0xb8;
	[tilespmem:$0x11000] =	vst v63  }
0x6e: {  	s20 =	simm.s32 $0xE000  }
0x6f: {  	[tilespmem:s20], [sflag:$0x2] =	stream.indirect_vreg.gather [hbm4b:s14+s3], $0x80, v2, vm0, $0xb8;
	[tilespmem:$0x11000] =	vst v63  }
0x70: {  	s20 =	simm.s32 $0xE800  }
0x71: {  	[tilespmem:s20], [sflag:$0x2] =	stream.indirect_vreg.gather [hbm4b:s15+s3], $0x80, v2, vm0, $0xb8;
	[tilespmem:$0x11000] =	vst v63  }
0x72: {  	s20 =	simm.s32 $0xF000  }
0x73: {  	[tilespmem:s20], [sflag:$0x2] =	stream.indirect_vreg.gather [hbm4b:s16+s3], $0x80, v2, vm0, $0xb8;
	[tilespmem:$0x11000] =	vst v63  }
0x74: {  	s20 =	simm.s32 $0xF800  }
0x75: {  	[tilespmem:s20], [sflag:$0x2] =	stream.indirect_vreg.gather [hbm4b:s17+s3], $0x80, v2, vm0, $0xb8;
	[tilespmem:$0x11000] =	vst v63  }
0x76: {  	s20 =	simm.s32 $0x10000  }
0x77: {  	[tilespmem:s20], [sflag:$0x2] =	stream.indirect_vreg.gather [hbm4b:s18+s3], $0x80, v2, vm0, $0xb8;
	[tilespmem:$0x11000] =	vst v63  }
0x78: {  	s20 =	simm.s32 $0x10800  }
0x79: {  	[tilespmem:s20], [sflag:$0x2] =	stream.indirect_vreg.gather [hbm4b:s19+s3], $0x80, v2, vm0, $0xb8;
	[tilespmem:$0x11000] =	vst v63  }
0x7a: {  	_ =	swait.ge [sflag:s30], $0x8000  }
0x7b: {  	s20 =	sld [smem:$0x7FC]  }
0x7c: {  	[sflag:s30] =	ssyncset.done $0x0  }
0x7d: {  	[sflag:s30] =	ssyncadd.s32 $0xFFFF8000  }
0x7e: {  	[hbm4b:s20+s31] =	stream.strided.scatter [tilespmem:s22], [sflag:$0x3], $0x8000, s1, s31, $0x38;
	[tilespmem:$0x11000] =	vst v63  }
0x7f: {  	_ =	swait.ge [sflag:s0], $0x8000  }
0x80: {  	[sflag:s0] =	ssyncset.done $0x0  }
0x81: {  	[sflag:s0] =	ssyncadd.s32 $0xFFFF8000  }
0x82: {  	v2 =	vld.msk [tilespmem:$0x100], $0xf;
	_ =	sdelay $0x4  }
0x83: {  	v3 =	vshll.u32 v2, $0x6  }
0x84: {  	v2 =	vand.u32 $0x7, v2;
	v3 =	vand.u32 $0xFFFFFE00, v3  }
0x85: {  	v2 =	vor.u32 v2, v3  }
0x86: {  	v2 =	vperm.xlane v2, v0;
	_ =	sdelay $0x1  }
0x87: {  	v2 =	vadd.s32 v1, v2;
	_ =	sdelay $0x4  }
0x88: {  	[tilespmem:s22], [sflag:$0x1] =	stream.indirect_vreg.gather [hbm4b:s2+s3], $0x80, v2, vm0, $0xb8;
	[tilespmem:$0x11000] =	vst v63  }
0x89: {  	s20 =	simm.s32 $0x1800  }
0x8a: {  	[tilespmem:s20], [sflag:$0x1] =	stream.indirect_vreg.gather [hbm4b:s5+s3], $0x80, v2, vm0, $0xb8;
	[tilespmem:$0x11000] =	vst v63  }
0x8b: {  	s24 =	simm.s32 $0x2000  }
0x8c: {  	[tilespmem:s24], [sflag:$0x1] =	stream.indirect_vreg.gather [hbm4b:s6+s3], $0x80, v2, vm0, $0xb8;
	[tilespmem:$0x11000] =	vst v63  }
0x8d: {  	s26 =	simm.s32 $0x2800  }
0x8e: {  	[tilespmem:s26], [sflag:$0x1] =	stream.indirect_vreg.gather [hbm4b:s7+s3], $0x80, v2, vm0, $0xb8;
	[tilespmem:$0x11000] =	vst v63  }
0x8f: {  	s28 =	simm.s32 $0x3000  }
0x90: {  	[tilespmem:s28], [sflag:$0x1] =	stream.indirect_vreg.gather [hbm4b:s8+s3], $0x80, v2, vm0, $0xb8;
	[tilespmem:$0x11000] =	vst v63  }
0x91: {  	s29 =	simm.s32 $0x3800  }
0x92: {  	[tilespmem:s29], [sflag:$0x1] =	stream.indirect_vreg.gather [hbm4b:s9+s3], $0x80, v2, vm0, $0xb8;
	[tilespmem:$0x11000] =	vst v63  }
0x93: {  	s28 =	simm.s32 $0x4000  }
0x94: {  	[tilespmem:s28], [sflag:$0x1] =	stream.indirect_vreg.gather [hbm4b:s10+s3], $0x80, v2, vm0, $0xb8;
	[tilespmem:$0x11000] =	vst v63  }
0x95: {  	s29 =	simm.s32 $0x4800  }
0x96: {  	[tilespmem:s29], [sflag:$0x1] =	stream.indirect_vreg.gather [hbm4b:s11+s3], $0x80, v2, vm0, $0xb8;
	[tilespmem:$0x11000] =	vst v63  }
0x97: {  	s24 =	simm.s32 $0x5000  }
0x98: {  	[tilespmem:s24], [sflag:$0x1] =	stream.indirect_vreg.gather [hbm4b:s12+s3], $0x80, v2, vm0, $0xb8;
	[tilespmem:$0x11000] =	vst v63  }
0x99: {  	s26 =	simm.s32 $0x5800  }
0x9a: {  	[tilespmem:s26], [sflag:$0x1] =	stream.indirect_vreg.gather [hbm4b:s13+s3], $0x80, v2, vm0, $0xb8;
	[tilespmem:$0x11000] =	vst v63  }
0x9b: {  	s28 =	simm.s32 $0x6000  }
0x9c: {  	[tilespmem:s28], [sflag:$0x1] =	stream.indirect_vreg.gather [hbm4b:s14+s3], $0x80, v2, vm0, $0xb8;
	[tilespmem:$0x11000] =	vst v63  }
0x9d: {  	s29 =	simm.s32 $0x6800  }
0x9e: {  	[tilespmem:s29], [sflag:$0x1] =	stream.indirect_vreg.gather [hbm4b:s15+s3], $0x80, v2, vm0, $0xb8;
	[tilespmem:$0x11000] =	vst v63  }
0x9f: {  	s24 =	simm.s32 $0x7000  }
0xa0: {  	[tilespmem:s24], [sflag:$0x1] =	stream.indirect_vreg.gather [hbm4b:s16+s3], $0x80, v2, vm0, $0xb8;
	[tilespmem:$0x11000] =	vst v63  }
0xa1: {  	s26 =	simm.s32 $0x7800  }
0xa2: {  	[tilespmem:s26], [sflag:$0x1] =	stream.indirect_vreg.gather [hbm4b:s17+s3], $0x80, v2, vm0, $0xb8;
	[tilespmem:$0x11000] =	vst v63  }
0xa3: {  	s28 =	simm.s32 $0x8000  }
0xa4: {  	[tilespmem:s28], [sflag:$0x1] =	stream.indirect_vreg.gather [hbm4b:s18+s3], $0x80, v2, vm0, $0xb8;
	[tilespmem:$0x11000] =	vst v63  }
0xa5: {  	s23 =	simm.s32 $0x8800  }
0xa6: {  	[tilespmem:s23], [sflag:$0x1] =	stream.indirect_vreg.gather [hbm4b:s19+s3], $0x80, v2, vm0, $0xb8;
	[tilespmem:$0x11000] =	vst v63  }
0xa7: {  	_ =	swait.ge [sflag:s21], $0x8000  }
0xa8: {  	[sflag:s21] =	ssyncset.done $0x0  }
0xa9: {  	s29 =	rddreg [dreg:$0x5];
	[sflag:s21] =	ssyncadd.s32 $0xFFFF8000  }
0xaa: {  	[hbm4b:s29+s31] =	stream.strided.scatter [tilespmem:s25], [sflag:$0x4], $0x8000, s1, s31, $0x38;
	[tilespmem:$0x11000] =	vst v63  }
0xab: {  	_ =	swait.ge [sflag:s4], $0x8000  }
0xac: {  	[sflag:s4] =	ssyncset.done $0x0  }
0xad: {  	[sflag:s4] =	ssyncadd.s32 $0xFFFF8000  }
0xae: {  	v2 =	vld.msk [tilespmem:$0x180], $0xf;
	_ =	sdelay $0x4  }
0xaf: {  	v3 =	vshll.u32 v2, $0x6  }
0xb0: {  	v2 =	vand.u32 $0x7, v2;
	v3 =	vand.u32 $0xFFFFFE00, v3  }
0xb1: {  	v2 =	vor.u32 v2, v3  }
0xb2: {  	v2 =	vperm.xlane v2, v0;
	_ =	sdelay $0x1  }
0xb3: {  	v2 =	vadd.s32 v1, v2;
	_ =	sdelay $0x4  }
0xb4: {  	[tilespmem:s25], [sflag:$0x2] =	stream.indirect_vreg.gather [hbm4b:s2+s3], $0x80, v2, vm0, $0xb8;
	[tilespmem:$0x11000] =	vst v63  }
0xb5: {  	s23 =	simm.s32 $0x9800  }
0xb6: {  	[tilespmem:s23], [sflag:$0x2] =	stream.indirect_vreg.gather [hbm4b:s5+s3], $0x80, v2, vm0, $0xb8;
	[tilespmem:$0x11000] =	vst v63  }
0xb7: {  	s24 =	simm.s32 $0xA000  }
0xb8: {  	[tilespmem:s24], [sflag:$0x2] =	stream.indirect_vreg.gather [hbm4b:s6+s3], $0x80, v2, vm0, $0xb8;
	[tilespmem:$0x11000] =	vst v63  }
0xb9: {  	s26 =	simm.s32 $0xA800  }
0xba: {  	[tilespmem:s26], [sflag:$0x2] =	stream.indirect_vreg.gather [hbm4b:s7+s3], $0x80, v2, vm0, $0xb8;
	[tilespmem:$0x11000] =	vst v63  }
0xbb: {  	s28 =	simm.s32 $0xB000  }
0xbc: {  	[tilespmem:s28], [sflag:$0x2] =	stream.indirect_vreg.gather [hbm4b:s8+s3], $0x80, v2, vm0, $0xb8;
	[tilespmem:$0x11000] =	vst v63  }
0xbd: {  	s29 =	simm.s32 $0xB800  }
0xbe: {  	[tilespmem:s29], [sflag:$0x2] =	stream.indirect_vreg.gather [hbm4b:s9+s3], $0x80, v2, vm0, $0xb8;
	[tilespmem:$0x11000] =	vst v63  }
0xbf: {  	s20 =	simm.s32 $0xC000  }
0xc0: {  	[tilespmem:s20], [sflag:$0x2] =	stream.indirect_vreg.gather [hbm4b:s10+s3], $0x80, v2, vm0, $0xb8;
	[tilespmem:$0x11000] =	vst v63  }
0xc1: {  	s20 =	simm.s32 $0xC800  }
0xc2: {  	[tilespmem:s20], [sflag:$0x2] =	stream.indirect_vreg.gather [hbm4b:s11+s3], $0x80, v2, vm0, $0xb8;
	[tilespmem:$0x11000] =	vst v63  }
0xc3: {  	s20 =	simm.s32 $0xD000  }
0xc4: {  	[tilespmem:s20], [sflag:$0x2] =	stream.indirect_vreg.gather [hbm4b:s12+s3], $0x80, v2, vm0, $0xb8;
	[tilespmem:$0x11000] =	vst v63  }
0xc5: {  	s20 =	simm.s32 $0xD800  }
0xc6: {  	[tilespmem:s20], [sflag:$0x2] =	stream.indirect_vreg.gather [hbm4b:s13+s3], $0x80, v2, vm0, $0xb8;
	[tilespmem:$0x11000] =	vst v63  }
0xc7: {  	s20 =	simm.s32 $0xE000  }
0xc8: {  	[tilespmem:s20], [sflag:$0x2] =	stream.indirect_vreg.gather [hbm4b:s14+s3], $0x80, v2, vm0, $0xb8;
	[tilespmem:$0x11000] =	vst v63  }
0xc9: {  	s20 =	simm.s32 $0xE800  }
0xca: {  	[tilespmem:s20], [sflag:$0x2] =	stream.indirect_vreg.gather [hbm4b:s15+s3], $0x80, v2, vm0, $0xb8;
	[tilespmem:$0x11000] =	vst v63  }
0xcb: {  	s20 =	simm.s32 $0xF000  }
0xcc: {  	[tilespmem:s20], [sflag:$0x2] =	stream.indirect_vreg.gather [hbm4b:s16+s3], $0x80, v2, vm0, $0xb8;
	[tilespmem:$0x11000] =	vst v63  }
0xcd: {  	s20 =	simm.s32 $0xF800  }
0xce: {  	[tilespmem:s20], [sflag:$0x2] =	stream.indirect_vreg.gather [hbm4b:s17+s3], $0x80, v2, vm0, $0xb8;
	[tilespmem:$0x11000] =	vst v63  }
0xcf: {  	s20 =	simm.s32 $0x10000  }
0xd0: {  	[tilespmem:s20], [sflag:$0x2] =	stream.indirect_vreg.gather [hbm4b:s18+s3], $0x80, v2, vm0, $0xb8;
	[tilespmem:$0x11000] =	vst v63  }
0xd1: {  	s20 =	simm.s32 $0x10800  }
0xd2: {  	[tilespmem:s20], [sflag:$0x2] =	stream.indirect_vreg.gather [hbm4b:s19+s3], $0x80, v2, vm0, $0xb8;
	[tilespmem:$0x11000] =	vst v63  }
0xd3: {  	_ =	swait.ge [sflag:s30], $0x8000  }
0xd4: {  	[sflag:s30] =	ssyncset.done $0x0  }
0xd5: {  	s20 =	rddreg [dreg:$0x6];
	[sflag:s30] =	ssyncadd.s32 $0xFFFF8000  }
0xd6: {  	[hbm4b:s20+s31] =	stream.strided.scatter [tilespmem:s22], [sflag:$0x3], $0x8000, s1, s31, $0x38;
	[tilespmem:$0x11000] =	vst v63  }
0xd7: {  	_ =	swait.ge [sflag:s0], $0x8000  }
0xd8: {  	[sflag:s0] =	ssyncset.done $0x0  }
0xd9: {  	[sflag:s0] =	ssyncadd.s32 $0xFFFF8000  }
0xda: {  	v2 =	vld.msk [tilespmem:$0x200], $0xf;
	_ =	sdelay $0x4  }
0xdb: {  	v3 =	vshll.u32 v2, $0x6  }
0xdc: {  	v2 =	vand.u32 $0x7, v2;
	v3 =	vand.u32 $0xFFFFFE00, v3  }
0xdd: {  	v2 =	vor.u32 v2, v3  }
0xde: {  	v2 =	vperm.xlane v2, v0;
	_ =	sdelay $0x1  }
0xdf: {  	v2 =	vadd.s32 v1, v2;
	_ =	sdelay $0x4  }
0xe0: {  	[tilespmem:s22], [sflag:$0x1] =	stream.indirect_vreg.gather [hbm4b:s2+s3], $0x80, v2, vm0, $0xb8;
	[tilespmem:$0x11000] =	vst v63  }
0xe1: {  	s20 =	simm.s32 $0x1800  }
0xe2: {  	[tilespmem:s20], [sflag:$0x1] =	stream.indirect_vreg.gather [hbm4b:s5+s3], $0x80, v2, vm0, $0xb8;
	[tilespmem:$0x11000] =	vst v63  }
0xe3: {  	s20 =	simm.s32 $0x2000  }
0xe4: {  	[tilespmem:s20], [sflag:$0x1] =	stream.indirect_vreg.gather [hbm4b:s6+s3], $0x80, v2, vm0, $0xb8;
	[tilespmem:$0x11000] =	vst v63  }
0xe5: {  	s20 =	simm.s32 $0x2800  }
0xe6: {  	[tilespmem:s20], [sflag:$0x1] =	stream.indirect_vreg.gather [hbm4b:s7+s3], $0x80, v2, vm0, $0xb8;
	[tilespmem:$0x11000] =	vst v63  }
0xe7: {  	s20 =	simm.s32 $0x3000  }
0xe8: {  	[tilespmem:s20], [sflag:$0x1] =	stream.indirect_vreg.gather [hbm4b:s8+s3], $0x80, v2, vm0, $0xb8;
	[tilespmem:$0x11000] =	vst v63  }
0xe9: {  	s20 =	simm.s32 $0x3800  }
0xea: {  	[tilespmem:s20], [sflag:$0x1] =	stream.indirect_vreg.gather [hbm4b:s9+s3], $0x80, v2, vm0, $0xb8;
	[tilespmem:$0x11000] =	vst v63  }
0xeb: {  	s20 =	simm.s32 $0x4000  }
0xec: {  	[tilespmem:s20], [sflag:$0x1] =	stream.indirect_vreg.gather [hbm4b:s10+s3], $0x80, v2, vm0, $0xb8;
	[tilespmem:$0x11000] =	vst v63  }
0xed: {  	s20 =	simm.s32 $0x4800  }
0xee: {  	[tilespmem:s20], [sflag:$0x1] =	stream.indirect_vreg.gather [hbm4b:s11+s3], $0x80, v2, vm0, $0xb8;
	[tilespmem:$0x11000] =	vst v63  }
0xef: {  	s20 =	simm.s32 $0x5000  }
0xf0: {  	[tilespmem:s20], [sflag:$0x1] =	stream.indirect_vreg.gather [hbm4b:s12+s3], $0x80, v2, vm0, $0xb8;
	[tilespmem:$0x11000] =	vst v63  }
0xf1: {  	s20 =	simm.s32 $0x5800  }
0xf2: {  	[tilespmem:s20], [sflag:$0x1] =	stream.indirect_vreg.gather [hbm4b:s13+s3], $0x80, v2, vm0, $0xb8;
	[tilespmem:$0x11000] =	vst v63  }
0xf3: {  	s20 =	simm.s32 $0x6000  }
0xf4: {  	[tilespmem:s20], [sflag:$0x1] =	stream.indirect_vreg.gather [hbm4b:s14+s3], $0x80, v2, vm0, $0xb8;
	[tilespmem:$0x11000] =	vst v63  }
0xf5: {  	s20 =	simm.s32 $0x6800  }
0xf6: {  	[tilespmem:s20], [sflag:$0x1] =	stream.indirect_vreg.gather [hbm4b:s15+s3], $0x80, v2, vm0, $0xb8;
	[tilespmem:$0x11000] =	vst v63  }
0xf7: {  	s20 =	simm.s32 $0x7000  }
0xf8: {  	[tilespmem:s20], [sflag:$0x1] =	stream.indirect_vreg.gather [hbm4b:s16+s3], $0x80, v2, vm0, $0xb8;
	[tilespmem:$0x11000] =	vst v63  }
0xf9: {  	s20 =	simm.s32 $0x7800  }
0xfa: {  	[tilespmem:s20], [sflag:$0x1] =	stream.indirect_vreg.gather [hbm4b:s17+s3], $0x80, v2, vm0, $0xb8;
	[tilespmem:$0x11000] =	vst v63  }
0xfb: {  	s20 =	simm.s32 $0x8000  }
0xfc: {  	[tilespmem:s20], [sflag:$0x1] =	stream.indirect_vreg.gather [hbm4b:s18+s3], $0x80, v2, vm0, $0xb8;
	[tilespmem:$0x11000] =	vst v63  }
0xfd: {  	s20 =	simm.s32 $0x8800  }
0xfe: {  	[tilespmem:s20], [sflag:$0x1] =	stream.indirect_vreg.gather [hbm4b:s19+s3], $0x80, v2, vm0, $0xb8;
	[tilespmem:$0x11000] =	vst v63  }
0xff: {  	_ =	swait.ge [sflag:s21], $0x8000  }
0x100: {  	[sflag:s21] =	ssyncset.done $0x0  }
0x101: {  	s20 =	rddreg [dreg:$0x7];
	[sflag:s21] =	ssyncadd.s32 $0xFFFF8000  }
0x102: {  	[hbm4b:s20+s31] =	stream.strided.scatter [tilespmem:s25], [sflag:$0x4], $0x8000, s1, s31, $0x38;
	[tilespmem:$0x11000] =	vst v63  }
0x103: {  	_ =	swait.ge [sflag:s4], $0x8000  }
0x104: {  	[sflag:s4] =	ssyncset.done $0x0  }
0x105: {  	[sflag:s4] =	ssyncadd.s32 $0xFFFF8000  }
0x106: {  	v2 =	vld.msk [tilespmem:$0x280], $0xf;
	_ =	sdelay $0x4  }
0x107: {  	v3 =	vshll.u32 v2, $0x6  }
0x108: {  	v2 =	vand.u32 $0x7, v2;
	v3 =	vand.u32 $0xFFFFFE00, v3  }
0x109: {  	v2 =	vor.u32 v2, v3  }
0x10a: {  	v2 =	vperm.xlane v2, v0;
	_ =	sdelay $0x1  }
0x10b: {  	v2 =	vadd.s32 v1, v2;
	_ =	sdelay $0x4  }
0x10c: {  	[tilespmem:s25], [sflag:$0x2] =	stream.indirect_vreg.gather [hbm4b:s2+s3], $0x80, v2, vm0, $0xb8;
	[tilespmem:$0x11000] =	vst v63  }
0x10d: {  	s23 =	simm.s32 $0x9800  }
0x10e: {  	[tilespmem:s23], [sflag:$0x2] =	stream.indirect_vreg.gather [hbm4b:s5+s3], $0x80, v2, vm0, $0xb8;
	[tilespmem:$0x11000] =	vst v63  }
0x10f: {  	s24 =	simm.s32 $0xA000  }
0x110: {  	[tilespmem:s24], [sflag:$0x2] =	stream.indirect_vreg.gather [hbm4b:s6+s3], $0x80, v2, vm0, $0xb8;
	[tilespmem:$0x11000] =	vst v63  }
0x111: {  	s26 =	simm.s32 $0xA800  }
0x112: {  	[tilespmem:s26], [sflag:$0x2] =	stream.indirect_vreg.gather [hbm4b:s7+s3], $0x80, v2, vm0, $0xb8;
	[tilespmem:$0x11000] =	vst v63  }
0x113: {  	s28 =	simm.s32 $0xB000  }
0x114: {  	[tilespmem:s28], [sflag:$0x2] =	stream.indirect_vreg.gather [hbm4b:s8+s3], $0x80, v2, vm0, $0xb8;
	[tilespmem:$0x11000] =	vst v63  }
0x115: {  	s29 =	simm.s32 $0xB800  }
0x116: {  	[tilespmem:s29], [sflag:$0x2] =	stream.indirect_vreg.gather [hbm4b:s9+s3], $0x80, v2, vm0, $0xb8;
	[tilespmem:$0x11000] =	vst v63  }
0x117: {  	s23 =	simm.s32 $0xC000  }
0x118: {  	[tilespmem:s23], [sflag:$0x2] =	stream.indirect_vreg.gather [hbm4b:s10+s3], $0x80, v2, vm0, $0xb8;
	[tilespmem:$0x11000] =	vst v63  }
0x119: {  	s20 =	simm.s32 $0xC800  }
0x11a: {  	[tilespmem:s20], [sflag:$0x2] =	stream.indirect_vreg.gather [hbm4b:s11+s3], $0x80, v2, vm0, $0xb8;
	[tilespmem:$0x11000] =	vst v63  }
0x11b: {  	s20 =	simm.s32 $0xD000  }
0x11c: {  	[tilespmem:s20], [sflag:$0x2] =	stream.indirect_vreg.gather [hbm4b:s12+s3], $0x80, v2, vm0, $0xb8;
	[tilespmem:$0x11000] =	vst v63  }
0x11d: {  	s20 =	simm.s32 $0xD800  }
0x11e: {  	[tilespmem:s20], [sflag:$0x2] =	stream.indirect_vreg.gather [hbm4b:s13+s3], $0x80, v2, vm0, $0xb8;
	[tilespmem:$0x11000] =	vst v63  }
0x11f: {  	s20 =	simm.s32 $0xE000  }
0x120: {  	[tilespmem:s20], [sflag:$0x2] =	stream.indirect_vreg.gather [hbm4b:s14+s3], $0x80, v2, vm0, $0xb8;
	[tilespmem:$0x11000] =	vst v63  }
0x121: {  	s20 =	simm.s32 $0xE800  }
0x122: {  	[tilespmem:s20], [sflag:$0x2] =	stream.indirect_vreg.gather [hbm4b:s15+s3], $0x80, v2, vm0, $0xb8;
	[tilespmem:$0x11000] =	vst v63  }
0x123: {  	s20 =	simm.s32 $0xF000  }
0x124: {  	[tilespmem:s20], [sflag:$0x2] =	stream.indirect_vreg.gather [hbm4b:s16+s3], $0x80, v2, vm0, $0xb8;
	[tilespmem:$0x11000] =	vst v63  }
0x125: {  	s20 =	simm.s32 $0xF800  }
0x126: {  	[tilespmem:s20], [sflag:$0x2] =	stream.indirect_vreg.gather [hbm4b:s17+s3], $0x80, v2, vm0, $0xb8;
	[tilespmem:$0x11000] =	vst v63  }
0x127: {  	s20 =	simm.s32 $0x10000  }
0x128: {  	[tilespmem:s20], [sflag:$0x2] =	stream.indirect_vreg.gather [hbm4b:s18+s3], $0x80, v2, vm0, $0xb8;
	[tilespmem:$0x11000] =	vst v63  }
0x129: {  	s20 =	simm.s32 $0x10800  }
0x12a: {  	[tilespmem:s20], [sflag:$0x2] =	stream.indirect_vreg.gather [hbm4b:s19+s3], $0x80, v2, vm0, $0xb8;
	[tilespmem:$0x11000] =	vst v63  }
0x12b: {  	_ =	swait.ge [sflag:s30], $0x8000  }
0x12c: {  	[sflag:s30] =	ssyncset.done $0x0  }
0x12d: {  	s20 =	rddreg [dreg:$0x8];
	[sflag:s30] =	ssyncadd.s32 $0xFFFF8000  }
0x12e: {  	[hbm4b:s20+s31] =	stream.strided.scatter [tilespmem:s22], [sflag:$0x3], $0x8000, s1, s31, $0x38;
	[tilespmem:$0x11000] =	vst v63  }
0x12f: {  	_ =	swait.ge [sflag:s0], $0x8000  }
0x130: {  	[sflag:s0] =	ssyncset.done $0x0  }
0x131: {  	[sflag:s0] =	ssyncadd.s32 $0xFFFF8000  }
0x132: {  	v2 =	vld.msk [tilespmem:$0x300], $0xf;
	_ =	sdelay $0x4  }
0x133: {  	v3 =	vshll.u32 v2, $0x6  }
0x134: {  	v2 =	vand.u32 $0x7, v2;
	v3 =	vand.u32 $0xFFFFFE00, v3  }
0x135: {  	v2 =	vor.u32 v2, v3  }
0x136: {  	v2 =	vperm.xlane v2, v0;
	_ =	sdelay $0x1  }
0x137: {  	v2 =	vadd.s32 v1, v2;
	_ =	sdelay $0x4  }
0x138: {  	[tilespmem:s22], [sflag:$0x1] =	stream.indirect_vreg.gather [hbm4b:s2+s3], $0x80, v2, vm0, $0xb8;
	[tilespmem:$0x11000] =	vst v63  }
0x139: {  	s20 =	simm.s32 $0x1800  }
0x13a: {  	[tilespmem:s20], [sflag:$0x1] =	stream.indirect_vreg.gather [hbm4b:s5+s3], $0x80, v2, vm0, $0xb8;
	[tilespmem:$0x11000] =	vst v63  }
0x13b: {  	s20 =	simm.s32 $0x2000  }
0x13c: {  	[tilespmem:s20], [sflag:$0x1] =	stream.indirect_vreg.gather [hbm4b:s6+s3], $0x80, v2, vm0, $0xb8;
	[tilespmem:$0x11000] =	vst v63  }
0x13d: {  	s20 =	simm.s32 $0x2800  }
0x13e: {  	[tilespmem:s20], [sflag:$0x1] =	stream.indirect_vreg.gather [hbm4b:s7+s3], $0x80, v2, vm0, $0xb8;
	[tilespmem:$0x11000] =	vst v63  }
0x13f: {  	s20 =	simm.s32 $0x3000  }
0x140: {  	[tilespmem:s20], [sflag:$0x1] =	stream.indirect_vreg.gather [hbm4b:s8+s3], $0x80, v2, vm0, $0xb8;
	[tilespmem:$0x11000] =	vst v63  }
0x141: {  	s20 =	simm.s32 $0x3800  }
0x142: {  	[tilespmem:s20], [sflag:$0x1] =	stream.indirect_vreg.gather [hbm4b:s9+s3], $0x80, v2, vm0, $0xb8;
	[tilespmem:$0x11000] =	vst v63  }
0x143: {  	s20 =	simm.s32 $0x4000  }
0x144: {  	[tilespmem:s20], [sflag:$0x1] =	stream.indirect_vreg.gather [hbm4b:s10+s3], $0x80, v2, vm0, $0xb8;
	[tilespmem:$0x11000] =	vst v63  }
0x145: {  	s20 =	simm.s32 $0x4800  }
0x146: {  	[tilespmem:s20], [sflag:$0x1] =	stream.indirect_vreg.gather [hbm4b:s11+s3], $0x80, v2, vm0, $0xb8;
	[tilespmem:$0x11000] =	vst v63  }
0x147: {  	s20 =	simm.s32 $0x5000  }
0x148: {  	[tilespmem:s20], [sflag:$0x1] =	stream.indirect_vreg.gather [hbm4b:s12+s3], $0x80, v2, vm0, $0xb8;
	[tilespmem:$0x11000] =	vst v63  }
0x149: {  	s20 =	simm.s32 $0x5800  }
0x14a: {  	[tilespmem:s20], [sflag:$0x1] =	stream.indirect_vreg.gather [hbm4b:s13+s3], $0x80, v2, vm0, $0xb8;
	[tilespmem:$0x11000] =	vst v63  }
0x14b: {  	s20 =	simm.s32 $0x6000  }
0x14c: {  	[tilespmem:s20], [sflag:$0x1] =	stream.indirect_vreg.gather [hbm4b:s14+s3], $0x80, v2, vm0, $0xb8;
	[tilespmem:$0x11000] =	vst v63  }
0x14d: {  	s20 =	simm.s32 $0x6800  }
0x14e: {  	[tilespmem:s20], [sflag:$0x1] =	stream.indirect_vreg.gather [hbm4b:s15+s3], $0x80, v2, vm0, $0xb8;
	[tilespmem:$0x11000] =	vst v63  }
0x14f: {  	s20 =	simm.s32 $0x7000  }
0x150: {  	[tilespmem:s20], [sflag:$0x1] =	stream.indirect_vreg.gather [hbm4b:s16+s3], $0x80, v2, vm0, $0xb8;
	[tilespmem:$0x11000] =	vst v63  }
0x151: {  	s20 =	simm.s32 $0x7800  }
0x152: {  	[tilespmem:s20], [sflag:$0x1] =	stream.indirect_vreg.gather [hbm4b:s17+s3], $0x80, v2, vm0, $0xb8;
	[tilespmem:$0x11000] =	vst v63  }
0x153: {  	s20 =	simm.s32 $0x8000  }
0x154: {  	[tilespmem:s20], [sflag:$0x1] =	stream.indirect_vreg.gather [hbm4b:s18+s3], $0x80, v2, vm0, $0xb8;
	[tilespmem:$0x11000] =	vst v63  }
0x155: {  	s20 =	simm.s32 $0x8800  }
0x156: {  	[tilespmem:s20], [sflag:$0x1] =	stream.indirect_vreg.gather [hbm4b:s19+s3], $0x80, v2, vm0, $0xb8;
	[tilespmem:$0x11000] =	vst v63  }
0x157: {  	_ =	swait.ge [sflag:s21], $0x8000  }
0x158: {  	[sflag:s21] =	ssyncset.done $0x0  }
0x159: {  	s20 =	rddreg [dreg:$0x9];
	[sflag:s21] =	ssyncadd.s32 $0xFFFF8000  }
0x15a: {  	[hbm4b:s20+s31] =	stream.strided.scatter [tilespmem:s25], [sflag:$0x4], $0x8000, s1, s31, $0x38;
	[tilespmem:$0x11000] =	vst v63  }
0x15b: {  	_ =	swait.ge [sflag:s4], $0x8000  }
0x15c: {  	[sflag:s4] =	ssyncset.done $0x0  }
0x15d: {  	[sflag:s4] =	ssyncadd.s32 $0xFFFF8000  }
0x15e: {  	v2 =	vld.msk [tilespmem:$0x380], $0xf;
	_ =	sdelay $0x4  }
0x15f: {  	v3 =	vshll.u32 v2, $0x6  }
0x160: {  	v2 =	vand.u32 $0x7, v2;
	v3 =	vand.u32 $0xFFFFFE00, v3  }
0x161: {  	v2 =	vor.u32 v2, v3  }
0x162: {  	v2 =	vperm.xlane v2, v0;
	_ =	sdelay $0x1  }
0x163: {  	v2 =	vadd.s32 v1, v2;
	_ =	sdelay $0x4  }
0x164: {  	[tilespmem:s25], [sflag:$0x2] =	stream.indirect_vreg.gather [hbm4b:s2+s3], $0x80, v2, vm0, $0xb8;
	[tilespmem:$0x11000] =	vst v63  }
0x165: {  	s20 =	simm.s32 $0x9800  }
0x166: {  	[tilespmem:s20], [sflag:$0x2] =	stream.indirect_vreg.gather [hbm4b:s5+s3], $0x80, v2, vm0, $0xb8;
	[tilespmem:$0x11000] =	vst v63  }
0x167: {  	s24 =	simm.s32 $0xA000  }
0x168: {  	[tilespmem:s24], [sflag:$0x2] =	stream.indirect_vreg.gather [hbm4b:s6+s3], $0x80, v2, vm0, $0xb8;
	[tilespmem:$0x11000] =	vst v63  }
0x169: {  	s26 =	simm.s32 $0xA800  }
0x16a: {  	[tilespmem:s26], [sflag:$0x2] =	stream.indirect_vreg.gather [hbm4b:s7+s3], $0x80, v2, vm0, $0xb8;
	[tilespmem:$0x11000] =	vst v63  }
0x16b: {  	s28 =	simm.s32 $0xB000  }
0x16c: {  	[tilespmem:s28], [sflag:$0x2] =	stream.indirect_vreg.gather [hbm4b:s8+s3], $0x80, v2, vm0, $0xb8;
	[tilespmem:$0x11000] =	vst v63  }
0x16d: {  	s29 =	simm.s32 $0xB800  }
0x16e: {  	[tilespmem:s29], [sflag:$0x2] =	stream.indirect_vreg.gather [hbm4b:s9+s3], $0x80, v2, vm0, $0xb8;
	[tilespmem:$0x11000] =	vst v63  }
0x16f: {  	s23 =	simm.s32 $0xC000  }
0x170: {  	[tilespmem:s23], [sflag:$0x2] =	stream.indirect_vreg.gather [hbm4b:s10+s3], $0x80, v2, vm0, $0xb8;
	[tilespmem:$0x11000] =	vst v63  }
0x171: {  	s23 =	simm.s32 $0xC800  }
0x172: {  	[tilespmem:s23], [sflag:$0x2] =	stream.indirect_vreg.gather [hbm4b:s11+s3], $0x80, v2, vm0, $0xb8;
	[tilespmem:$0x11000] =	vst v63  }
0x173: {  	s20 =	simm.s32 $0xD000  }
0x174: {  	[tilespmem:s20], [sflag:$0x2] =	stream.indirect_vreg.gather [hbm4b:s12+s3], $0x80, v2, vm0, $0xb8;
	[tilespmem:$0x11000] =	vst v63  }
0x175: {  	s20 =	simm.s32 $0xD800  }
0x176: {  	[tilespmem:s20], [sflag:$0x2] =	stream.indirect_vreg.gather [hbm4b:s13+s3], $0x80, v2, vm0, $0xb8;
	[tilespmem:$0x11000] =	vst v63  }
0x177: {  	s20 =	simm.s32 $0xE000  }
0x178: {  	[tilespmem:s20], [sflag:$0x2] =	stream.indirect_vreg.gather [hbm4b:s14+s3], $0x80, v2, vm0, $0xb8;
	[tilespmem:$0x11000] =	vst v63  }
0x179: {  	s20 =	simm.s32 $0xE800  }
0x17a: {  	[tilespmem:s20], [sflag:$0x2] =	stream.indirect_vreg.gather [hbm4b:s15+s3], $0x80, v2, vm0, $0xb8;
	[tilespmem:$0x11000] =	vst v63  }
0x17b: {  	s20 =	simm.s32 $0xF000  }
0x17c: {  	[tilespmem:s20], [sflag:$0x2] =	stream.indirect_vreg.gather [hbm4b:s16+s3], $0x80, v2, vm0, $0xb8;
	[tilespmem:$0x11000] =	vst v63  }
0x17d: {  	s20 =	simm.s32 $0xF800  }
0x17e: {  	[tilespmem:s20], [sflag:$0x2] =	stream.indirect_vreg.gather [hbm4b:s17+s3], $0x80, v2, vm0, $0xb8;
	[tilespmem:$0x11000] =	vst v63  }
0x17f: {  	s20 =	simm.s32 $0x10000  }
0x180: {  	[tilespmem:s20], [sflag:$0x2] =	stream.indirect_vreg.gather [hbm4b:s18+s3], $0x80, v2, vm0, $0xb8;
	[tilespmem:$0x11000] =	vst v63  }
0x181: {  	s20 =	simm.s32 $0x10800  }
0x182: {  	[tilespmem:s20], [sflag:$0x2] =	stream.indirect_vreg.gather [hbm4b:s19+s3], $0x80, v2, vm0, $0xb8;
	[tilespmem:$0x11000] =	vst v63  }
0x183: {  	_ =	swait.ge [sflag:s30], $0x8000  }
0x184: {  	[sflag:s30] =	ssyncset.done $0x0  }
0x185: {  	s20 =	rddreg [dreg:$0xa];
	[sflag:s30] =	ssyncadd.s32 $0xFFFF8000  }
0x186: {  	[hbm4b:s20+s31] =	stream.strided.scatter [tilespmem:s22], [sflag:$0x3], $0x8000, s1, s31, $0x38;
	[tilespmem:$0x11000] =	vst v63  }
0x187: {  	_ =	swait.ge [sflag:s0], $0x8000  }
0x188: {  	[sflag:s0] =	ssyncset.done $0x0  }
0x189: {  	[sflag:s0] =	ssyncadd.s32 $0xFFFF8000  }
0x18a: {  	v2 =	vld.msk [tilespmem:$0x400], $0xf;
	_ =	sdelay $0x4  }
0x18b: {  	v3 =	vshll.u32 v2, $0x6  }
0x18c: {  	v2 =	vand.u32 $0x7, v2;
	v3 =	vand.u32 $0xFFFFFE00, v3  }
0x18d: {  	v2 =	vor.u32 v2, v3  }
0x18e: {  	v2 =	vperm.xlane v2, v0;
	_ =	sdelay $0x1  }
0x18f: {  	v2 =	vadd.s32 v1, v2;
	_ =	sdelay $0x4  }
0x190: {  	[tilespmem:s22], [sflag:$0x1] =	stream.indirect_vreg.gather [hbm4b:s2+s3], $0x80, v2, vm0, $0xb8;
	[tilespmem:$0x11000] =	vst v63  }
0x191: {  	s20 =	simm.s32 $0x1800  }
0x192: {  	[tilespmem:s20], [sflag:$0x1] =	stream.indirect_vreg.gather [hbm4b:s5+s3], $0x80, v2, vm0, $0xb8;
	[tilespmem:$0x11000] =	vst v63  }
0x193: {  	s20 =	simm.s32 $0x2000  }
0x194: {  	[tilespmem:s20], [sflag:$0x1] =	stream.indirect_vreg.gather [hbm4b:s6+s3], $0x80, v2, vm0, $0xb8;
	[tilespmem:$0x11000] =	vst v63  }
0x195: {  	s20 =	simm.s32 $0x2800  }
0x196: {  	[tilespmem:s20], [sflag:$0x1] =	stream.indirect_vreg.gather [hbm4b:s7+s3], $0x80, v2, vm0, $0xb8;
	[tilespmem:$0x11000] =	vst v63  }
0x197: {  	s20 =	simm.s32 $0x3000  }
0x198: {  	[tilespmem:s20], [sflag:$0x1] =	stream.indirect_vreg.gather [hbm4b:s8+s3], $0x80, v2, vm0, $0xb8;
	[tilespmem:$0x11000] =	vst v63  }
0x199: {  	s20 =	simm.s32 $0x3800  }
0x19a: {  	[tilespmem:s20], [sflag:$0x1] =	stream.indirect_vreg.gather [hbm4b:s9+s3], $0x80, v2, vm0, $0xb8;
	[tilespmem:$0x11000] =	vst v63  }
0x19b: {  	s20 =	simm.s32 $0x4000  }
0x19c: {  	[tilespmem:s20], [sflag:$0x1] =	stream.indirect_vreg.gather [hbm4b:s10+s3], $0x80, v2, vm0, $0xb8;
	[tilespmem:$0x11000] =	vst v63  }
0x19d: {  	s20 =	simm.s32 $0x4800  }
0x19e: {  	[tilespmem:s20], [sflag:$0x1] =	stream.indirect_vreg.gather [hbm4b:s11+s3], $0x80, v2, vm0, $0xb8;
	[tilespmem:$0x11000] =	vst v63  }
0x19f: {  	s20 =	simm.s32 $0x5000  }
0x1a0: {  	[tilespmem:s20], [sflag:$0x1] =	stream.indirect_vreg.gather [hbm4b:s12+s3], $0x80, v2, vm0, $0xb8;
	[tilespmem:$0x11000] =	vst v63  }
0x1a1: {  	s20 =	simm.s32 $0x5800  }
0x1a2: {  	[tilespmem:s20], [sflag:$0x1] =	stream.indirect_vreg.gather [hbm4b:s13+s3], $0x80, v2, vm0, $0xb8;
	[tilespmem:$0x11000] =	vst v63  }
0x1a3: {  	s20 =	simm.s32 $0x6000  }
0x1a4: {  	[tilespmem:s20], [sflag:$0x1] =	stream.indirect_vreg.gather [hbm4b:s14+s3], $0x80, v2, vm0, $0xb8;
	[tilespmem:$0x11000] =	vst v63  }
0x1a5: {  	s20 =	simm.s32 $0x6800  }
0x1a6: {  	[tilespmem:s20], [sflag:$0x1] =	stream.indirect_vreg.gather [hbm4b:s15+s3], $0x80, v2, vm0, $0xb8;
	[tilespmem:$0x11000] =	vst v63  }
0x1a7: {  	s20 =	simm.s32 $0x7000  }
0x1a8: {  	[tilespmem:s20], [sflag:$0x1] =	stream.indirect_vreg.gather [hbm4b:s16+s3], $0x80, v2, vm0, $0xb8;
	[tilespmem:$0x11000] =	vst v63  }
0x1a9: {  	s20 =	simm.s32 $0x7800  }
0x1aa: {  	[tilespmem:s20], [sflag:$0x1] =	stream.indirect_vreg.gather [hbm4b:s17+s3], $0x80, v2, vm0, $0xb8;
	[tilespmem:$0x11000] =	vst v63  }
0x1ab: {  	s20 =	simm.s32 $0x8000  }
0x1ac: {  	[tilespmem:s20], [sflag:$0x1] =	stream.indirect_vreg.gather [hbm4b:s18+s3], $0x80, v2, vm0, $0xb8;
	[tilespmem:$0x11000] =	vst v63  }
0x1ad: {  	s20 =	simm.s32 $0x8800  }
0x1ae: {  	[tilespmem:s20], [sflag:$0x1] =	stream.indirect_vreg.gather [hbm4b:s19+s3], $0x80, v2, vm0, $0xb8;
	[tilespmem:$0x11000] =	vst v63  }
0x1af: {  	_ =	swait.ge [sflag:s21], $0x8000  }
0x1b0: {  	[sflag:s21] =	ssyncset.done $0x0  }
0x1b1: {  	s20 =	rddreg [dreg:$0xb];
	[sflag:s21] =	ssyncadd.s32 $0xFFFF8000  }
0x1b2: {  	[hbm4b:s20+s31] =	stream.strided.scatter [tilespmem:s25], [sflag:$0x4], $0x8000, s1, s31, $0x38;
	[tilespmem:$0x11000] =	vst v63  }
0x1b3: {  	_ =	swait.ge [sflag:s4], $0x8000  }
0x1b4: {  	[sflag:s4] =	ssyncset.done $0x0  }
0x1b5: {  	[sflag:s4] =	ssyncadd.s32 $0xFFFF8000  }
0x1b6: {  	v2 =	vld.msk [tilespmem:$0x480], $0xf;
	_ =	sdelay $0x4  }
0x1b7: {  	v3 =	vshll.u32 v2, $0x6  }
0x1b8: {  	v2 =	vand.u32 $0x7, v2;
	v3 =	vand.u32 $0xFFFFFE00, v3  }
0x1b9: {  	v2 =	vor.u32 v2, v3  }
0x1ba: {  	v2 =	vperm.xlane v2, v0;
	_ =	sdelay $0x1  }
0x1bb: {  	v2 =	vadd.s32 v1, v2;
	_ =	sdelay $0x4  }
0x1bc: {  	[tilespmem:s25], [sflag:$0x2] =	stream.indirect_vreg.gather [hbm4b:s2+s3], $0x80, v2, vm0, $0xb8;
	[tilespmem:$0x11000] =	vst v63  }
0x1bd: {  	s20 =	simm.s32 $0x9800  }
0x1be: {  	[tilespmem:s20], [sflag:$0x2] =	stream.indirect_vreg.gather [hbm4b:s5+s3], $0x80, v2, vm0, $0xb8;
	[tilespmem:$0x11000] =	vst v63  }
0x1bf: {  	s20 =	simm.s32 $0xA000  }
0x1c0: {  	[tilespmem:s20], [sflag:$0x2] =	stream.indirect_vreg.gather [hbm4b:s6+s3], $0x80, v2, vm0, $0xb8;
	[tilespmem:$0x11000] =	vst v63  }
0x1c1: {  	s26 =	simm.s32 $0xA800  }
0x1c2: {  	[tilespmem:s26], [sflag:$0x2] =	stream.indirect_vreg.gather [hbm4b:s7+s3], $0x80, v2, vm0, $0xb8;
	[tilespmem:$0x11000] =	vst v63  }
0x1c3: {  	s28 =	simm.s32 $0xB000  }
0x1c4: {  	[tilespmem:s28], [sflag:$0x2] =	stream.indirect_vreg.gather [hbm4b:s8+s3], $0x80, v2, vm0, $0xb8;
	[tilespmem:$0x11000] =	vst v63  }
0x1c5: {  	s29 =	simm.s32 $0xB800  }
0x1c6: {  	[tilespmem:s29], [sflag:$0x2] =	stream.indirect_vreg.gather [hbm4b:s9+s3], $0x80, v2, vm0, $0xb8;
	[tilespmem:$0x11000] =	vst v63  }
0x1c7: {  	s24 =	simm.s32 $0xC000  }
0x1c8: {  	[tilespmem:s24], [sflag:$0x2] =	stream.indirect_vreg.gather [hbm4b:s10+s3], $0x80, v2, vm0, $0xb8;
	[tilespmem:$0x11000] =	vst v63  }
0x1c9: {  	s23 =	simm.s32 $0xC800  }
0x1ca: {  	[tilespmem:s23], [sflag:$0x2] =	stream.indirect_vreg.gather [hbm4b:s11+s3], $0x80, v2, vm0, $0xb8;
	[tilespmem:$0x11000] =	vst v63  }
0x1cb: {  	s24 =	simm.s32 $0xD000  }
0x1cc: {  	[tilespmem:s24], [sflag:$0x2] =	stream.indirect_vreg.gather [hbm4b:s12+s3], $0x80, v2, vm0, $0xb8;
	[tilespmem:$0x11000] =	vst v63  }
0x1cd: {  	s20 =	simm.s32 $0xD800  }
0x1ce: {  	[tilespmem:s20], [sflag:$0x2] =	stream.indirect_vreg.gather [hbm4b:s13+s3], $0x80, v2, vm0, $0xb8;
	[tilespmem:$0x11000] =	vst v63  }
0x1cf: {  	s20 =	simm.s32 $0xE000  }
0x1d0: {  	[tilespmem:s20], [sflag:$0x2] =	stream.indirect_vreg.gather [hbm4b:s14+s3], $0x80, v2, vm0, $0xb8;
	[tilespmem:$0x11000] =	vst v63  }
0x1d1: {  	s20 =	simm.s32 $0xE800  }
0x1d2: {  	[tilespmem:s20], [sflag:$0x2] =	stream.indirect_vreg.gather [hbm4b:s15+s3], $0x80, v2, vm0, $0xb8;
	[tilespmem:$0x11000] =	vst v63  }
0x1d3: {  	s20 =	simm.s32 $0xF000  }
0x1d4: {  	[tilespmem:s20], [sflag:$0x2] =	stream.indirect_vreg.gather [hbm4b:s16+s3], $0x80, v2, vm0, $0xb8;
	[tilespmem:$0x11000] =	vst v63  }
0x1d5: {  	s20 =	simm.s32 $0xF800  }
0x1d6: {  	[tilespmem:s20], [sflag:$0x2] =	stream.indirect_vreg.gather [hbm4b:s17+s3], $0x80, v2, vm0, $0xb8;
	[tilespmem:$0x11000] =	vst v63  }
0x1d7: {  	s20 =	simm.s32 $0x10000  }
0x1d8: {  	[tilespmem:s20], [sflag:$0x2] =	stream.indirect_vreg.gather [hbm4b:s18+s3], $0x80, v2, vm0, $0xb8;
	[tilespmem:$0x11000] =	vst v63  }
0x1d9: {  	s20 =	simm.s32 $0x10800  }
0x1da: {  	[tilespmem:s20], [sflag:$0x2] =	stream.indirect_vreg.gather [hbm4b:s19+s3], $0x80, v2, vm0, $0xb8;
	[tilespmem:$0x11000] =	vst v63  }
0x1db: {  	_ =	swait.ge [sflag:s30], $0x8000  }
0x1dc: {  	[sflag:s30] =	ssyncset.done $0x0  }
0x1dd: {  	s20 =	rddreg [dreg:$0xc];
	[sflag:s30] =	ssyncadd.s32 $0xFFFF8000  }
0x1de: {  	[hbm4b:s20+s31] =	stream.strided.scatter [tilespmem:s22], [sflag:$0x3], $0x8000, s1, s31, $0x38;
	[tilespmem:$0x11000] =	vst v63  }
0x1df: {  	_ =	swait.ge [sflag:s0], $0x8000  }
0x1e0: {  	[sflag:s0] =	ssyncset.done $0x0  }
0x1e1: {  	[sflag:s0] =	ssyncadd.s32 $0xFFFF8000  }
0x1e2: {  	v2 =	vld.msk [tilespmem:$0x500], $0xf;
	_ =	sdelay $0x4  }
0x1e3: {  	v3 =	vshll.u32 v2, $0x6  }
0x1e4: {  	v2 =	vand.u32 $0x7, v2;
	v3 =	vand.u32 $0xFFFFFE00, v3  }
0x1e5: {  	v2 =	vor.u32 v2, v3  }
0x1e6: {  	v2 =	vperm.xlane v2, v0;
	_ =	sdelay $0x1  }
0x1e7: {  	v2 =	vadd.s32 v1, v2;
	_ =	sdelay $0x4  }
0x1e8: {  	[tilespmem:s22], [sflag:$0x1] =	stream.indirect_vreg.gather [hbm4b:s2+s3], $0x80, v2, vm0, $0xb8;
	[tilespmem:$0x11000] =	vst v63  }
0x1e9: {  	s20 =	simm.s32 $0x1800  }
0x1ea: {  	[tilespmem:s20], [sflag:$0x1] =	stream.indirect_vreg.gather [hbm4b:s5+s3], $0x80, v2, vm0, $0xb8;
	[tilespmem:$0x11000] =	vst v63  }
0x1eb: {  	s20 =	simm.s32 $0x2000  }
0x1ec: {  	[tilespmem:s20], [sflag:$0x1] =	stream.indirect_vreg.gather [hbm4b:s6+s3], $0x80, v2, vm0, $0xb8;
	[tilespmem:$0x11000] =	vst v63  }
0x1ed: {  	s20 =	simm.s32 $0x2800  }
0x1ee: {  	[tilespmem:s20], [sflag:$0x1] =	stream.indirect_vreg.gather [hbm4b:s7+s3], $0x80, v2, vm0, $0xb8;
	[tilespmem:$0x11000] =	vst v63  }
0x1ef: {  	s20 =	simm.s32 $0x3000  }
0x1f0: {  	[tilespmem:s20], [sflag:$0x1] =	stream.indirect_vreg.gather [hbm4b:s8+s3], $0x80, v2, vm0, $0xb8;
	[tilespmem:$0x11000] =	vst v63  }
0x1f1: {  	s20 =	simm.s32 $0x3800  }
0x1f2: {  	[tilespmem:s20], [sflag:$0x1] =	stream.indirect_vreg.gather [hbm4b:s9+s3], $0x80, v2, vm0, $0xb8;
	[tilespmem:$0x11000] =	vst v63  }
0x1f3: {  	s20 =	simm.s32 $0x4000  }
0x1f4: {  	[tilespmem:s20], [sflag:$0x1] =	stream.indirect_vreg.gather [hbm4b:s10+s3], $0x80, v2, vm0, $0xb8;
	[tilespmem:$0x11000] =	vst v63  }
0x1f5: {  	s20 =	simm.s32 $0x4800  }
0x1f6: {  	[tilespmem:s20], [sflag:$0x1] =	stream.indirect_vreg.gather [hbm4b:s11+s3], $0x80, v2, vm0, $0xb8;
	[tilespmem:$0x11000] =	vst v63  }
0x1f7: {  	s20 =	simm.s32 $0x5000  }
0x1f8: {  	[tilespmem:s20], [sflag:$0x1] =	stream.indirect_vreg.gather [hbm4b:s12+s3], $0x80, v2, vm0, $0xb8;
	[tilespmem:$0x11000] =	vst v63  }
0x1f9: {  	s20 =	simm.s32 $0x5800  }
0x1fa: {  	[tilespmem:s20], [sflag:$0x1] =	stream.indirect_vreg.gather [hbm4b:s13+s3], $0x80, v2, vm0, $0xb8;
	[tilespmem:$0x11000] =	vst v63  }
0x1fb: {  	s20 =	simm.s32 $0x6000  }
0x1fc: {  	[tilespmem:s20], [sflag:$0x1] =	stream.indirect_vreg.gather [hbm4b:s14+s3], $0x80, v2, vm0, $0xb8;
	[tilespmem:$0x11000] =	vst v63  }
0x1fd: {  	s20 =	simm.s32 $0x6800  }
0x1fe: {  	[tilespmem:s20], [sflag:$0x1] =	stream.indirect_vreg.gather [hbm4b:s15+s3], $0x80, v2, vm0, $0xb8;
	[tilespmem:$0x11000] =	vst v63  }
0x1ff: {  	s20 =	simm.s32 $0x7000  }
0x200: {  	[tilespmem:s20], [sflag:$0x1] =	stream.indirect_vreg.gather [hbm4b:s16+s3], $0x80, v2, vm0, $0xb8;
	[tilespmem:$0x11000] =	vst v63  }
0x201: {  	s20 =	simm.s32 $0x7800  }
0x202: {  	[tilespmem:s20], [sflag:$0x1] =	stream.indirect_vreg.gather [hbm4b:s17+s3], $0x80, v2, vm0, $0xb8;
	[tilespmem:$0x11000] =	vst v63  }
0x203: {  	s20 =	simm.s32 $0x8000  }
0x204: {  	[tilespmem:s20], [sflag:$0x1] =	stream.indirect_vreg.gather [hbm4b:s18+s3], $0x80, v2, vm0, $0xb8;
	[tilespmem:$0x11000] =	vst v63  }
0x205: {  	s20 =	simm.s32 $0x8800  }
0x206: {  	[tilespmem:s20], [sflag:$0x1] =	stream.indirect_vreg.gather [hbm4b:s19+s3], $0x80, v2, vm0, $0xb8;
	[tilespmem:$0x11000] =	vst v63  }
0x207: {  	_ =	swait.ge [sflag:s21], $0x8000  }
0x208: {  	[sflag:s21] =	ssyncset.done $0x0  }
0x209: {  	s20 =	rddreg [dreg:$0xd];
	[sflag:s21] =	ssyncadd.s32 $0xFFFF8000  }
0x20a: {  	[hbm4b:s20+s31] =	stream.strided.scatter [tilespmem:s25], [sflag:$0x4], $0x8000, s1, s31, $0x38;
	[tilespmem:$0x11000] =	vst v63  }
0x20b: {  	_ =	swait.ge [sflag:s4], $0x8000  }
0x20c: {  	[sflag:s4] =	ssyncset.done $0x0  }
0x20d: {  	[sflag:s4] =	ssyncadd.s32 $0xFFFF8000  }
0x20e: {  	v2 =	vld.msk [tilespmem:$0x580], $0xf;
	_ =	sdelay $0x4  }
0x20f: {  	v3 =	vshll.u32 v2, $0x6  }
0x210: {  	v2 =	vand.u32 $0x7, v2;
	v3 =	vand.u32 $0xFFFFFE00, v3  }
0x211: {  	v2 =	vor.u32 v2, v3  }
0x212: {  	v2 =	vperm.xlane v2, v0;
	_ =	sdelay $0x1  }
0x213: {  	v2 =	vadd.s32 v1, v2;
	_ =	sdelay $0x4  }
0x214: {  	[tilespmem:s25], [sflag:$0x2] =	stream.indirect_vreg.gather [hbm4b:s2+s3], $0x80, v2, vm0, $0xb8;
	[tilespmem:$0x11000] =	vst v63  }
0x215: {  	s20 =	simm.s32 $0x9800  }
0x216: {  	[tilespmem:s20], [sflag:$0x2] =	stream.indirect_vreg.gather [hbm4b:s5+s3], $0x80, v2, vm0, $0xb8;
	[tilespmem:$0x11000] =	vst v63  }
0x217: {  	s20 =	simm.s32 $0xA000  }
0x218: {  	[tilespmem:s20], [sflag:$0x2] =	stream.indirect_vreg.gather [hbm4b:s6+s3], $0x80, v2, vm0, $0xb8;
	[tilespmem:$0x11000] =	vst v63  }
0x219: {  	s20 =	simm.s32 $0xA800  }
0x21a: {  	[tilespmem:s20], [sflag:$0x2] =	stream.indirect_vreg.gather [hbm4b:s7+s3], $0x80, v2, vm0, $0xb8;
	[tilespmem:$0x11000] =	vst v63  }
0x21b: {  	s28 =	simm.s32 $0xB000  }
0x21c: {  	[tilespmem:s28], [sflag:$0x2] =	stream.indirect_vreg.gather [hbm4b:s8+s3], $0x80, v2, vm0, $0xb8;
	[tilespmem:$0x11000] =	vst v63  }
0x21d: {  	s29 =	simm.s32 $0xB800  }
0x21e: {  	[tilespmem:s29], [sflag:$0x2] =	stream.indirect_vreg.gather [hbm4b:s9+s3], $0x80, v2, vm0, $0xb8;
	[tilespmem:$0x11000] =	vst v63  }
0x21f: {  	s26 =	simm.s32 $0xC000  }
0x220: {  	[tilespmem:s26], [sflag:$0x2] =	stream.indirect_vreg.gather [hbm4b:s10+s3], $0x80, v2, vm0, $0xb8;
	[tilespmem:$0x11000] =	vst v63  }
0x221: {  	s23 =	simm.s32 $0xC800  }
0x222: {  	[tilespmem:s23], [sflag:$0x2] =	stream.indirect_vreg.gather [hbm4b:s11+s3], $0x80, v2, vm0, $0xb8;
	[tilespmem:$0x11000] =	vst v63  }
0x223: {  	s24 =	simm.s32 $0xD000  }
0x224: {  	[tilespmem:s24], [sflag:$0x2] =	stream.indirect_vreg.gather [hbm4b:s12+s3], $0x80, v2, vm0, $0xb8;
	[tilespmem:$0x11000] =	vst v63  }
0x225: {  	s26 =	simm.s32 $0xD800  }
0x226: {  	[tilespmem:s26], [sflag:$0x2] =	stream.indirect_vreg.gather [hbm4b:s13+s3], $0x80, v2, vm0, $0xb8;
	[tilespmem:$0x11000] =	vst v63  }
0x227: {  	s20 =	simm.s32 $0xE000  }
0x228: {  	[tilespmem:s20], [sflag:$0x2] =	stream.indirect_vreg.gather [hbm4b:s14+s3], $0x80, v2, vm0, $0xb8;
	[tilespmem:$0x11000] =	vst v63  }
0x229: {  	s20 =	simm.s32 $0xE800  }
0x22a: {  	[tilespmem:s20], [sflag:$0x2] =	stream.indirect_vreg.gather [hbm4b:s15+s3], $0x80, v2, vm0, $0xb8;
	[tilespmem:$0x11000] =	vst v63  }
0x22b: {  	s20 =	simm.s32 $0xF000  }
0x22c: {  	[tilespmem:s20], [sflag:$0x2] =	stream.indirect_vreg.gather [hbm4b:s16+s3], $0x80, v2, vm0, $0xb8;
	[tilespmem:$0x11000] =	vst v63  }
0x22d: {  	s20 =	simm.s32 $0xF800  }
0x22e: {  	[tilespmem:s20], [sflag:$0x2] =	stream.indirect_vreg.gather [hbm4b:s17+s3], $0x80, v2, vm0, $0xb8;
	[tilespmem:$0x11000] =	vst v63  }
0x22f: {  	s20 =	simm.s32 $0x10000  }
0x230: {  	[tilespmem:s20], [sflag:$0x2] =	stream.indirect_vreg.gather [hbm4b:s18+s3], $0x80, v2, vm0, $0xb8;
	[tilespmem:$0x11000] =	vst v63  }
0x231: {  	s20 =	simm.s32 $0x10800  }
0x232: {  	[tilespmem:s20], [sflag:$0x2] =	stream.indirect_vreg.gather [hbm4b:s19+s3], $0x80, v2, vm0, $0xb8;
	[tilespmem:$0x11000] =	vst v63  }
0x233: {  	_ =	swait.ge [sflag:s30], $0x8000  }
0x234: {  	[sflag:s30] =	ssyncset.done $0x0  }
0x235: {  	s20 =	rddreg [dreg:$0xe];
	[sflag:s30] =	ssyncadd.s32 $0xFFFF8000  }
0x236: {  	[hbm4b:s20+s31] =	stream.strided.scatter [tilespmem:s22], [sflag:$0x3], $0x8000, s1, s31, $0x38;
	[tilespmem:$0x11000] =	vst v63  }
0x237: {  	_ =	swait.ge [sflag:s0], $0x8000  }
0x238: {  	[sflag:s0] =	ssyncset.done $0x0  }
0x239: {  	[sflag:s0] =	ssyncadd.s32 $0xFFFF8000  }
0x23a: {  	v2 =	vld.msk [tilespmem:$0x600], $0xf;
	_ =	sdelay $0x4  }
0x23b: {  	v3 =	vshll.u32 v2, $0x6  }
0x23c: {  	v2 =	vand.u32 $0x7, v2;
	v3 =	vand.u32 $0xFFFFFE00, v3  }
0x23d: {  	v2 =	vor.u32 v2, v3  }
0x23e: {  	v2 =	vperm.xlane v2, v0;
	_ =	sdelay $0x1  }
0x23f: {  	v2 =	vadd.s32 v1, v2;
	_ =	sdelay $0x4  }
0x240: {  	[tilespmem:s22], [sflag:$0x1] =	stream.indirect_vreg.gather [hbm4b:s2+s3], $0x80, v2, vm0, $0xb8;
	[tilespmem:$0x11000] =	vst v63  }
0x241: {  	s20 =	simm.s32 $0x1800  }
0x242: {  	[tilespmem:s20], [sflag:$0x1] =	stream.indirect_vreg.gather [hbm4b:s5+s3], $0x80, v2, vm0, $0xb8;
	[tilespmem:$0x11000] =	vst v63  }
0x243: {  	s20 =	simm.s32 $0x2000  }
0x244: {  	[tilespmem:s20], [sflag:$0x1] =	stream.indirect_vreg.gather [hbm4b:s6+s3], $0x80, v2, vm0, $0xb8;
	[tilespmem:$0x11000] =	vst v63  }
0x245: {  	s20 =	simm.s32 $0x2800  }
0x246: {  	[tilespmem:s20], [sflag:$0x1] =	stream.indirect_vreg.gather [hbm4b:s7+s3], $0x80, v2, vm0, $0xb8;
	[tilespmem:$0x11000] =	vst v63  }
0x247: {  	s20 =	simm.s32 $0x3000  }
0x248: {  	[tilespmem:s20], [sflag:$0x1] =	stream.indirect_vreg.gather [hbm4b:s8+s3], $0x80, v2, vm0, $0xb8;
	[tilespmem:$0x11000] =	vst v63  }
0x249: {  	s20 =	simm.s32 $0x3800  }
0x24a: {  	[tilespmem:s20], [sflag:$0x1] =	stream.indirect_vreg.gather [hbm4b:s9+s3], $0x80, v2, vm0, $0xb8;
	[tilespmem:$0x11000] =	vst v63  }
0x24b: {  	s20 =	simm.s32 $0x4000  }
0x24c: {  	[tilespmem:s20], [sflag:$0x1] =	stream.indirect_vreg.gather [hbm4b:s10+s3], $0x80, v2, vm0, $0xb8;
	[tilespmem:$0x11000] =	vst v63  }
0x24d: {  	s20 =	simm.s32 $0x4800  }
0x24e: {  	[tilespmem:s20], [sflag:$0x1] =	stream.indirect_vreg.gather [hbm4b:s11+s3], $0x80, v2, vm0, $0xb8;
	[tilespmem:$0x11000] =	vst v63  }
0x24f: {  	s20 =	simm.s32 $0x5000  }
0x250: {  	[tilespmem:s20], [sflag:$0x1] =	stream.indirect_vreg.gather [hbm4b:s12+s3], $0x80, v2, vm0, $0xb8;
	[tilespmem:$0x11000] =	vst v63  }
0x251: {  	s20 =	simm.s32 $0x5800  }
0x252: {  	[tilespmem:s20], [sflag:$0x1] =	stream.indirect_vreg.gather [hbm4b:s13+s3], $0x80, v2, vm0, $0xb8;
	[tilespmem:$0x11000] =	vst v63  }
0x253: {  	s20 =	simm.s32 $0x6000  }
0x254: {  	[tilespmem:s20], [sflag:$0x1] =	stream.indirect_vreg.gather [hbm4b:s14+s3], $0x80, v2, vm0, $0xb8;
	[tilespmem:$0x11000] =	vst v63  }
0x255: {  	s20 =	simm.s32 $0x6800  }
0x256: {  	[tilespmem:s20], [sflag:$0x1] =	stream.indirect_vreg.gather [hbm4b:s15+s3], $0x80, v2, vm0, $0xb8;
	[tilespmem:$0x11000] =	vst v63  }
0x257: {  	s20 =	simm.s32 $0x7000  }
0x258: {  	[tilespmem:s20], [sflag:$0x1] =	stream.indirect_vreg.gather [hbm4b:s16+s3], $0x80, v2, vm0, $0xb8;
	[tilespmem:$0x11000] =	vst v63  }
0x259: {  	s20 =	simm.s32 $0x7800  }
0x25a: {  	[tilespmem:s20], [sflag:$0x1] =	stream.indirect_vreg.gather [hbm4b:s17+s3], $0x80, v2, vm0, $0xb8;
	[tilespmem:$0x11000] =	vst v63  }
0x25b: {  	s20 =	simm.s32 $0x8000  }
0x25c: {  	[tilespmem:s20], [sflag:$0x1] =	stream.indirect_vreg.gather [hbm4b:s18+s3], $0x80, v2, vm0, $0xb8;
	[tilespmem:$0x11000] =	vst v63  }
0x25d: {  	s20 =	simm.s32 $0x8800  }
0x25e: {  	[tilespmem:s20], [sflag:$0x1] =	stream.indirect_vreg.gather [hbm4b:s19+s3], $0x80, v2, vm0, $0xb8;
	[tilespmem:$0x11000] =	vst v63  }
0x25f: {  	_ =	swait.ge [sflag:s21], $0x8000  }
0x260: {  	[sflag:s21] =	ssyncset.done $0x0  }
0x261: {  	s20 =	rddreg [dreg:$0xf];
	[sflag:s21] =	ssyncadd.s32 $0xFFFF8000  }
0x262: {  	[hbm4b:s20+s31] =	stream.strided.scatter [tilespmem:s25], [sflag:$0x4], $0x8000, s1, s31, $0x38;
	[tilespmem:$0x11000] =	vst v63  }
0x263: {  	_ =	swait.ge [sflag:s4], $0x8000  }
0x264: {  	[sflag:s4] =	ssyncset.done $0x0  }
0x265: {  	[sflag:s4] =	ssyncadd.s32 $0xFFFF8000  }
0x266: {  	v2 =	vld.msk [tilespmem:$0x680], $0xf;
	_ =	sdelay $0x4  }
0x267: {  	v3 =	vshll.u32 v2, $0x6  }
0x268: {  	v2 =	vand.u32 $0x7, v2;
	v3 =	vand.u32 $0xFFFFFE00, v3  }
0x269: {  	v2 =	vor.u32 v2, v3  }
0x26a: {  	v2 =	vperm.xlane v2, v0;
	_ =	sdelay $0x1  }
0x26b: {  	v2 =	vadd.s32 v1, v2;
	_ =	sdelay $0x4  }
0x26c: {  	[tilespmem:s25], [sflag:$0x2] =	stream.indirect_vreg.gather [hbm4b:s2+s3], $0x80, v2, vm0, $0xb8;
	[tilespmem:$0x11000] =	vst v63  }
0x26d: {  	s20 =	simm.s32 $0x9800  }
0x26e: {  	[tilespmem:s20], [sflag:$0x2] =	stream.indirect_vreg.gather [hbm4b:s5+s3], $0x80, v2, vm0, $0xb8;
	[tilespmem:$0x11000] =	vst v63  }
0x26f: {  	s20 =	simm.s32 $0xA000  }
0x270: {  	[tilespmem:s20], [sflag:$0x2] =	stream.indirect_vreg.gather [hbm4b:s6+s3], $0x80, v2, vm0, $0xb8;
	[tilespmem:$0x11000] =	vst v63  }
0x271: {  	s20 =	simm.s32 $0xA800  }
0x272: {  	[tilespmem:s20], [sflag:$0x2] =	stream.indirect_vreg.gather [hbm4b:s7+s3], $0x80, v2, vm0, $0xb8;
	[tilespmem:$0x11000] =	vst v63  }
0x273: {  	s20 =	simm.s32 $0xB000  }
0x274: {  	[tilespmem:s20], [sflag:$0x2] =	stream.indirect_vreg.gather [hbm4b:s8+s3], $0x80, v2, vm0, $0xb8;
	[tilespmem:$0x11000] =	vst v63  }
0x275: {  	s29 =	simm.s32 $0xB800  }
0x276: {  	[tilespmem:s29], [sflag:$0x2] =	stream.indirect_vreg.gather [hbm4b:s9+s3], $0x80, v2, vm0, $0xb8;
	[tilespmem:$0x11000] =	vst v63  }
0x277: {  	s28 =	simm.s32 $0xC000  }
0x278: {  	[tilespmem:s28], [sflag:$0x2] =	stream.indirect_vreg.gather [hbm4b:s10+s3], $0x80, v2, vm0, $0xb8;
	[tilespmem:$0x11000] =	vst v63  }
0x279: {  	s23 =	simm.s32 $0xC800  }
0x27a: {  	[tilespmem:s23], [sflag:$0x2] =	stream.indirect_vreg.gather [hbm4b:s11+s3], $0x80, v2, vm0, $0xb8;
	[tilespmem:$0x11000] =	vst v63  }
0x27b: {  	s24 =	simm.s32 $0xD000  }
0x27c: {  	[tilespmem:s24], [sflag:$0x2] =	stream.indirect_vreg.gather [hbm4b:s12+s3], $0x80, v2, vm0, $0xb8;
	[tilespmem:$0x11000] =	vst v63  }
0x27d: {  	s26 =	simm.s32 $0xD800  }
0x27e: {  	[tilespmem:s26], [sflag:$0x2] =	stream.indirect_vreg.gather [hbm4b:s13+s3], $0x80, v2, vm0, $0xb8;
	[tilespmem:$0x11000] =	vst v63  }
0x27f: {  	s28 =	simm.s32 $0xE000  }
0x280: {  	[tilespmem:s28], [sflag:$0x2] =	stream.indirect_vreg.gather [hbm4b:s14+s3], $0x80, v2, vm0, $0xb8;
	[tilespmem:$0x11000] =	vst v63  }
0x281: {  	s20 =	simm.s32 $0xE800  }
0x282: {  	[tilespmem:s20], [sflag:$0x2] =	stream.indirect_vreg.gather [hbm4b:s15+s3], $0x80, v2, vm0, $0xb8;
	[tilespmem:$0x11000] =	vst v63  }
0x283: {  	s20 =	simm.s32 $0xF000  }
0x284: {  	[tilespmem:s20], [sflag:$0x2] =	stream.indirect_vreg.gather [hbm4b:s16+s3], $0x80, v2, vm0, $0xb8;
	[tilespmem:$0x11000] =	vst v63  }
0x285: {  	s20 =	simm.s32 $0xF800  }
0x286: {  	[tilespmem:s20], [sflag:$0x2] =	stream.indirect_vreg.gather [hbm4b:s17+s3], $0x80, v2, vm0, $0xb8;
	[tilespmem:$0x11000] =	vst v63  }
0x287: {  	s20 =	simm.s32 $0x10000  }
0x288: {  	[tilespmem:s20], [sflag:$0x2] =	stream.indirect_vreg.gather [hbm4b:s18+s3], $0x80, v2, vm0, $0xb8;
	[tilespmem:$0x11000] =	vst v63  }
0x289: {  	s20 =	simm.s32 $0x10800  }
0x28a: {  	[tilespmem:s20], [sflag:$0x2] =	stream.indirect_vreg.gather [hbm4b:s19+s3], $0x80, v2, vm0, $0xb8;
	[tilespmem:$0x11000] =	vst v63  }
0x28b: {  	_ =	swait.ge [sflag:s30], $0x8000  }
0x28c: {  	[sflag:s30] =	ssyncset.done $0x0  }
0x28d: {  	s20 =	rddreg [dreg:$0x10];
	[sflag:s30] =	ssyncadd.s32 $0xFFFF8000  }
0x28e: {  	[hbm4b:s20+s31] =	stream.strided.scatter [tilespmem:s22], [sflag:$0x3], $0x8000, s1, s31, $0x38;
	[tilespmem:$0x11000] =	vst v63  }
0x28f: {  	_ =	swait.ge [sflag:s0], $0x8000  }
0x290: {  	[sflag:s0] =	ssyncset.done $0x0  }
0x291: {  	[sflag:s0] =	ssyncadd.s32 $0xFFFF8000  }
0x292: {  	v2 =	vld.msk [tilespmem:$0x700], $0xf;
	_ =	sdelay $0x4  }
0x293: {  	v3 =	vshll.u32 v2, $0x6  }
0x294: {  	v2 =	vand.u32 $0x7, v2;
	v3 =	vand.u32 $0xFFFFFE00, v3  }
0x295: {  	v2 =	vor.u32 v2, v3  }
0x296: {  	v2 =	vperm.xlane v2, v0;
	_ =	sdelay $0x1  }
0x297: {  	v2 =	vadd.s32 v1, v2;
	_ =	sdelay $0x4  }
0x298: {  	[tilespmem:s22], [sflag:$0x1] =	stream.indirect_vreg.gather [hbm4b:s2+s3], $0x80, v2, vm0, $0xb8;
	[tilespmem:$0x11000] =	vst v63  }
0x299: {  	s20 =	simm.s32 $0x1800  }
0x29a: {  	[tilespmem:s20], [sflag:$0x1] =	stream.indirect_vreg.gather [hbm4b:s5+s3], $0x80, v2, vm0, $0xb8;
	[tilespmem:$0x11000] =	vst v63  }
0x29b: {  	s20 =	simm.s32 $0x2000  }
0x29c: {  	[tilespmem:s20], [sflag:$0x1] =	stream.indirect_vreg.gather [hbm4b:s6+s3], $0x80, v2, vm0, $0xb8;
	[tilespmem:$0x11000] =	vst v63  }
0x29d: {  	s20 =	simm.s32 $0x2800  }
0x29e: {  	[tilespmem:s20], [sflag:$0x1] =	stream.indirect_vreg.gather [hbm4b:s7+s3], $0x80, v2, vm0, $0xb8;
	[tilespmem:$0x11000] =	vst v63  }
0x29f: {  	s20 =	simm.s32 $0x3000  }
0x2a0: {  	[tilespmem:s20], [sflag:$0x1] =	stream.indirect_vreg.gather [hbm4b:s8+s3], $0x80, v2, vm0, $0xb8;
	[tilespmem:$0x11000] =	vst v63  }
0x2a1: {  	s20 =	simm.s32 $0x3800  }
0x2a2: {  	[tilespmem:s20], [sflag:$0x1] =	stream.indirect_vreg.gather [hbm4b:s9+s3], $0x80, v2, vm0, $0xb8;
	[tilespmem:$0x11000] =	vst v63  }
0x2a3: {  	s20 =	simm.s32 $0x4000  }
0x2a4: {  	[tilespmem:s20], [sflag:$0x1] =	stream.indirect_vreg.gather [hbm4b:s10+s3], $0x80, v2, vm0, $0xb8;
	[tilespmem:$0x11000] =	vst v63  }
0x2a5: {  	s20 =	simm.s32 $0x4800  }
0x2a6: {  	[tilespmem:s20], [sflag:$0x1] =	stream.indirect_vreg.gather [hbm4b:s11+s3], $0x80, v2, vm0, $0xb8;
	[tilespmem:$0x11000] =	vst v63  }
0x2a7: {  	s20 =	simm.s32 $0x5000  }
0x2a8: {  	[tilespmem:s20], [sflag:$0x1] =	stream.indirect_vreg.gather [hbm4b:s12+s3], $0x80, v2, vm0, $0xb8;
	[tilespmem:$0x11000] =	vst v63  }
0x2a9: {  	s20 =	simm.s32 $0x5800  }
0x2aa: {  	[tilespmem:s20], [sflag:$0x1] =	stream.indirect_vreg.gather [hbm4b:s13+s3], $0x80, v2, vm0, $0xb8;
	[tilespmem:$0x11000] =	vst v63  }
0x2ab: {  	s20 =	simm.s32 $0x6000  }
0x2ac: {  	[tilespmem:s20], [sflag:$0x1] =	stream.indirect_vreg.gather [hbm4b:s14+s3], $0x80, v2, vm0, $0xb8;
	[tilespmem:$0x11000] =	vst v63  }
0x2ad: {  	s20 =	simm.s32 $0x6800  }
0x2ae: {  	[tilespmem:s20], [sflag:$0x1] =	stream.indirect_vreg.gather [hbm4b:s15+s3], $0x80, v2, vm0, $0xb8;
	[tilespmem:$0x11000] =	vst v63  }
0x2af: {  	s20 =	simm.s32 $0x7000  }
0x2b0: {  	[tilespmem:s20], [sflag:$0x1] =	stream.indirect_vreg.gather [hbm4b:s16+s3], $0x80, v2, vm0, $0xb8;
	[tilespmem:$0x11000] =	vst v63  }
0x2b1: {  	s20 =	simm.s32 $0x7800  }
0x2b2: {  	[tilespmem:s20], [sflag:$0x1] =	stream.indirect_vreg.gather [hbm4b:s17+s3], $0x80, v2, vm0, $0xb8;
	[tilespmem:$0x11000] =	vst v63  }
0x2b3: {  	s20 =	simm.s32 $0x8000  }
0x2b4: {  	[tilespmem:s20], [sflag:$0x1] =	stream.indirect_vreg.gather [hbm4b:s18+s3], $0x80, v2, vm0, $0xb8;
	[tilespmem:$0x11000] =	vst v63  }
0x2b5: {  	s20 =	simm.s32 $0x8800  }
0x2b6: {  	[tilespmem:s20], [sflag:$0x1] =	stream.indirect_vreg.gather [hbm4b:s19+s3], $0x80, v2, vm0, $0xb8;
	[tilespmem:$0x11000] =	vst v63  }
0x2b7: {  	_ =	swait.ge [sflag:s21], $0x8000  }
0x2b8: {  	[sflag:s21] =	ssyncset.done $0x0  }
0x2b9: {  	s20 =	rddreg [dreg:$0x11];
	[sflag:s21] =	ssyncadd.s32 $0xFFFF8000  }
0x2ba: {  	[hbm4b:s20+s31] =	stream.strided.scatter [tilespmem:s25], [sflag:$0x4], $0x8000, s1, s31, $0x38;
	[tilespmem:$0x11000] =	vst v63  }
0x2bb: {  	_ =	swait.ge [sflag:s4], $0x8000  }
0x2bc: {  	[sflag:s4] =	ssyncset.done $0x0  }
0x2bd: {  	[sflag:s4] =	ssyncadd.s32 $0xFFFF8000  }
0x2be: {  	v2 =	vld.msk [tilespmem:$0x780], $0xf;
	_ =	sdelay $0x4  }
0x2bf: {  	v3 =	vshll.u32 v2, $0x6  }
0x2c0: {  	v2 =	vand.u32 $0x7, v2;
	v3 =	vand.u32 $0xFFFFFE00, v3  }
0x2c1: {  	v2 =	vor.u32 v2, v3  }
0x2c2: {  	v2 =	vperm.xlane v2, v0;
	_ =	sdelay $0x1  }
0x2c3: {  	v2 =	vadd.s32 v1, v2;
	_ =	sdelay $0x4  }
0x2c4: {  	[tilespmem:s25], [sflag:$0x2] =	stream.indirect_vreg.gather [hbm4b:s2+s3], $0x80, v2, vm0, $0xb8;
	[tilespmem:$0x11000] =	vst v63  }
0x2c5: {  	s20 =	simm.s32 $0x9800  }
0x2c6: {  	[tilespmem:s20], [sflag:$0x2] =	stream.indirect_vreg.gather [hbm4b:s5+s3], $0x80, v2, vm0, $0xb8;
	[tilespmem:$0x11000] =	vst v63  }
0x2c7: {  	s20 =	simm.s32 $0xA000  }
0x2c8: {  	[tilespmem:s20], [sflag:$0x2] =	stream.indirect_vreg.gather [hbm4b:s6+s3], $0x80, v2, vm0, $0xb8;
	[tilespmem:$0x11000] =	vst v63  }
0x2c9: {  	s20 =	simm.s32 $0xA800  }
0x2ca: {  	[tilespmem:s20], [sflag:$0x2] =	stream.indirect_vreg.gather [hbm4b:s7+s3], $0x80, v2, vm0, $0xb8;
	[tilespmem:$0x11000] =	vst v63  }
0x2cb: {  	s20 =	simm.s32 $0xB000  }
0x2cc: {  	[tilespmem:s20], [sflag:$0x2] =	stream.indirect_vreg.gather [hbm4b:s8+s3], $0x80, v2, vm0, $0xb8;
	[tilespmem:$0x11000] =	vst v63  }
0x2cd: {  	s20 =	simm.s32 $0xB800  }
0x2ce: {  	[tilespmem:s20], [sflag:$0x2] =	stream.indirect_vreg.gather [hbm4b:s9+s3], $0x80, v2, vm0, $0xb8;
	[tilespmem:$0x11000] =	vst v63  }
0x2cf: {  	s29 =	simm.s32 $0xC000  }
0x2d0: {  	[tilespmem:s29], [sflag:$0x2] =	stream.indirect_vreg.gather [hbm4b:s10+s3], $0x80, v2, vm0, $0xb8;
	[tilespmem:$0x11000] =	vst v63  }
0x2d1: {  	s23 =	simm.s32 $0xC800  }
0x2d2: {  	[tilespmem:s23], [sflag:$0x2] =	stream.indirect_vreg.gather [hbm4b:s11+s3], $0x80, v2, vm0, $0xb8;
	[tilespmem:$0x11000] =	vst v63  }
0x2d3: {  	s24 =	simm.s32 $0xD000  }
0x2d4: {  	[tilespmem:s24], [sflag:$0x2] =	stream.indirect_vreg.gather [hbm4b:s12+s3], $0x80, v2, vm0, $0xb8;
	[tilespmem:$0x11000] =	vst v63  }
0x2d5: {  	s26 =	simm.s32 $0xD800  }
0x2d6: {  	[tilespmem:s26], [sflag:$0x2] =	stream.indirect_vreg.gather [hbm4b:s13+s3], $0x80, v2, vm0, $0xb8;
	[tilespmem:$0x11000] =	vst v63  }
0x2d7: {  	s28 =	simm.s32 $0xE000  }
0x2d8: {  	[tilespmem:s28], [sflag:$0x2] =	stream.indirect_vreg.gather [hbm4b:s14+s3], $0x80, v2, vm0, $0xb8;
	[tilespmem:$0x11000] =	vst v63  }
0x2d9: {  	s20 =	simm.s32 $0xE800  }
0x2da: {  	[tilespmem:s20], [sflag:$0x2] =	stream.indirect_vreg.gather [hbm4b:s15+s3], $0x80, v2, vm0, $0xb8;
	[tilespmem:$0x11000] =	vst v63  }
0x2db: {  	s20 =	simm.s32 $0xF000  }
0x2dc: {  	[tilespmem:s20], [sflag:$0x2] =	stream.indirect_vreg.gather [hbm4b:s16+s3], $0x80, v2, vm0, $0xb8;
	[tilespmem:$0x11000] =	vst v63  }
0x2dd: {  	s20 =	simm.s32 $0xF800  }
0x2de: {  	[tilespmem:s20], [sflag:$0x2] =	stream.indirect_vreg.gather [hbm4b:s17+s3], $0x80, v2, vm0, $0xb8;
	[tilespmem:$0x11000] =	vst v63  }
0x2df: {  	s20 =	simm.s32 $0x10000  }
0x2e0: {  	[tilespmem:s20], [sflag:$0x2] =	stream.indirect_vreg.gather [hbm4b:s18+s3], $0x80, v2, vm0, $0xb8;
	[tilespmem:$0x11000] =	vst v63  }
0x2e1: {  	s20 =	simm.s32 $0x10800  }
0x2e2: {  	[tilespmem:s20], [sflag:$0x2] =	stream.indirect_vreg.gather [hbm4b:s19+s3], $0x80, v2, vm0, $0xb8;
	[tilespmem:$0x11000] =	vst v63  }
0x2e3: {  	_ =	swait.ge [sflag:s30], $0x8000  }
0x2e4: {  	[sflag:s30] =	ssyncset.done $0x0  }
0x2e5: {  	s20 =	rddreg [dreg:$0x12];
	[sflag:s30] =	ssyncadd.s32 $0xFFFF8000  }
0x2e6: {  	[hbm4b:s20+s31] =	stream.strided.scatter [tilespmem:s22], [sflag:$0x3], $0x8000, s1, s31, $0x38;
	[tilespmem:$0x11000] =	vst v63  }
0x2e7: {  	_ =	swait.ge [sflag:s0], $0x8000  }
0x2e8: {  	[sflag:s0] =	ssyncset.done $0x0  }
0x2e9: {  	[sflag:s0] =	ssyncadd.s32 $0xFFFF8000  }
0x2ea: {  	v2 =	vld.msk [tilespmem:$0x800], $0xf;
	_ =	sdelay $0x4  }
0x2eb: {  	v3 =	vshll.u32 v2, $0x6  }
0x2ec: {  	v2 =	vand.u32 $0x7, v2;
	v3 =	vand.u32 $0xFFFFFE00, v3  }
0x2ed: {  	v2 =	vor.u32 v2, v3  }
0x2ee: {  	v2 =	vperm.xlane v2, v0;
	_ =	sdelay $0x1  }
0x2ef: {  	v2 =	vadd.s32 v1, v2;
	_ =	sdelay $0x4  }
0x2f0: {  	[tilespmem:s22], [sflag:$0x1] =	stream.indirect_vreg.gather [hbm4b:s2+s3], $0x80, v2, vm0, $0xb8;
	[tilespmem:$0x11000] =	vst v63  }
0x2f1: {  	s20 =	simm.s32 $0x1800  }
0x2f2: {  	[tilespmem:s20], [sflag:$0x1] =	stream.indirect_vreg.gather [hbm4b:s5+s3], $0x80, v2, vm0, $0xb8;
	[tilespmem:$0x11000] =	vst v63  }
0x2f3: {  	s20 =	simm.s32 $0x2000  }
0x2f4: {  	[tilespmem:s20], [sflag:$0x1] =	stream.indirect_vreg.gather [hbm4b:s6+s3], $0x80, v2, vm0, $0xb8;
	[tilespmem:$0x11000] =	vst v63  }
0x2f5: {  	s20 =	simm.s32 $0x2800  }
0x2f6: {  	[tilespmem:s20], [sflag:$0x1] =	stream.indirect_vreg.gather [hbm4b:s7+s3], $0x80, v2, vm0, $0xb8;
	[tilespmem:$0x11000] =	vst v63  }
0x2f7: {  	s20 =	simm.s32 $0x3000  }
0x2f8: {  	[tilespmem:s20], [sflag:$0x1] =	stream.indirect_vreg.gather [hbm4b:s8+s3], $0x80, v2, vm0, $0xb8;
	[tilespmem:$0x11000] =	vst v63  }
0x2f9: {  	s20 =	simm.s32 $0x3800  }
0x2fa: {  	[tilespmem:s20], [sflag:$0x1] =	stream.indirect_vreg.gather [hbm4b:s9+s3], $0x80, v2, vm0, $0xb8;
	[tilespmem:$0x11000] =	vst v63  }
0x2fb: {  	s20 =	simm.s32 $0x4000  }
0x2fc: {  	[tilespmem:s20], [sflag:$0x1] =	stream.indirect_vreg.gather [hbm4b:s10+s3], $0x80, v2, vm0, $0xb8;
	[tilespmem:$0x11000] =	vst v63  }
0x2fd: {  	s20 =	simm.s32 $0x4800  }
0x2fe: {  	[tilespmem:s20], [sflag:$0x1] =	stream.indirect_vreg.gather [hbm4b:s11+s3], $0x80, v2, vm0, $0xb8;
	[tilespmem:$0x11000] =	vst v63  }
0x2ff: {  	s20 =	simm.s32 $0x5000  }
0x300: {  	[tilespmem:s20], [sflag:$0x1] =	stream.indirect_vreg.gather [hbm4b:s12+s3], $0x80, v2, vm0, $0xb8;
	[tilespmem:$0x11000] =	vst v63  }
0x301: {  	s20 =	simm.s32 $0x5800  }
0x302: {  	[tilespmem:s20], [sflag:$0x1] =	stream.indirect_vreg.gather [hbm4b:s13+s3], $0x80, v2, vm0, $0xb8;
	[tilespmem:$0x11000] =	vst v63  }
0x303: {  	s20 =	simm.s32 $0x6000  }
0x304: {  	[tilespmem:s20], [sflag:$0x1] =	stream.indirect_vreg.gather [hbm4b:s14+s3], $0x80, v2, vm0, $0xb8;
	[tilespmem:$0x11000] =	vst v63  }
0x305: {  	s20 =	simm.s32 $0x6800  }
0x306: {  	[tilespmem:s20], [sflag:$0x1] =	stream.indirect_vreg.gather [hbm4b:s15+s3], $0x80, v2, vm0, $0xb8;
	[tilespmem:$0x11000] =	vst v63  }
0x307: {  	s20 =	simm.s32 $0x7000  }
0x308: {  	[tilespmem:s20], [sflag:$0x1] =	stream.indirect_vreg.gather [hbm4b:s16+s3], $0x80, v2, vm0, $0xb8;
	[tilespmem:$0x11000] =	vst v63  }
0x309: {  	s20 =	simm.s32 $0x7800  }
0x30a: {  	[tilespmem:s20], [sflag:$0x1] =	stream.indirect_vreg.gather [hbm4b:s17+s3], $0x80, v2, vm0, $0xb8;
	[tilespmem:$0x11000] =	vst v63  }
0x30b: {  	s20 =	simm.s32 $0x8000  }
0x30c: {  	[tilespmem:s20], [sflag:$0x1] =	stream.indirect_vreg.gather [hbm4b:s18+s3], $0x80, v2, vm0, $0xb8;
	[tilespmem:$0x11000] =	vst v63  }
0x30d: {  	s20 =	simm.s32 $0x8800  }
0x30e: {  	[tilespmem:s20], [sflag:$0x1] =	stream.indirect_vreg.gather [hbm4b:s19+s3], $0x80, v2, vm0, $0xb8;
	[tilespmem:$0x11000] =	vst v63  }
0x30f: {  	_ =	swait.ge [sflag:s21], $0x8000  }
0x310: {  	[sflag:s21] =	ssyncset.done $0x0  }
0x311: {  	s20 =	rddreg [dreg:$0x13];
	[sflag:s21] =	ssyncadd.s32 $0xFFFF8000  }
0x312: {  	[hbm4b:s20+s31] =	stream.strided.scatter [tilespmem:s25], [sflag:$0x4], $0x8000, s1, s31, $0x38;
	[tilespmem:$0x11000] =	vst v63  }
0x313: {  	_ =	swait.ge [sflag:s4], $0x8000  }
0x314: {  	[sflag:s4] =	ssyncset.done $0x0  }
0x315: {  	[sflag:s4] =	ssyncadd.s32 $0xFFFF8000  }
0x316: {  	v2 =	vld.msk [tilespmem:$0x880], $0xf;
	_ =	sdelay $0x4  }
0x317: {  	v3 =	vshll.u32 v2, $0x6  }
0x318: {  	v2 =	vand.u32 $0x7, v2;
	v3 =	vand.u32 $0xFFFFFE00, v3  }
0x319: {  	v2 =	vor.u32 v2, v3  }
0x31a: {  	v2 =	vperm.xlane v2, v0;
	_ =	sdelay $0x1  }
0x31b: {  	v2 =	vadd.s32 v1, v2;
	_ =	sdelay $0x4  }
0x31c: {  	[tilespmem:s25], [sflag:$0x2] =	stream.indirect_vreg.gather [hbm4b:s2+s3], $0x80, v2, vm0, $0xb8;
	[tilespmem:$0x11000] =	vst v63  }
0x31d: {  	s20 =	simm.s32 $0x9800  }
0x31e: {  	[tilespmem:s20], [sflag:$0x2] =	stream.indirect_vreg.gather [hbm4b:s5+s3], $0x80, v2, vm0, $0xb8;
	[tilespmem:$0x11000] =	vst v63  }
0x31f: {  	s20 =	simm.s32 $0xA000  }
0x320: {  	[tilespmem:s20], [sflag:$0x2] =	stream.indirect_vreg.gather [hbm4b:s6+s3], $0x80, v2, vm0, $0xb8;
	[tilespmem:$0x11000] =	vst v63  }
0x321: {  	s20 =	simm.s32 $0xA800  }
0x322: {  	[tilespmem:s20], [sflag:$0x2] =	stream.indirect_vreg.gather [hbm4b:s7+s3], $0x80, v2, vm0, $0xb8;
	[tilespmem:$0x11000] =	vst v63  }
0x323: {  	s20 =	simm.s32 $0xB000  }
0x324: {  	[tilespmem:s20], [sflag:$0x2] =	stream.indirect_vreg.gather [hbm4b:s8+s3], $0x80, v2, vm0, $0xb8;
	[tilespmem:$0x11000] =	vst v63  }
0x325: {  	s20 =	simm.s32 $0xB800  }
0x326: {  	[tilespmem:s20], [sflag:$0x2] =	stream.indirect_vreg.gather [hbm4b:s9+s3], $0x80, v2, vm0, $0xb8;
	[tilespmem:$0x11000] =	vst v63  }
0x327: {  	s29 =	simm.s32 $0xC000  }
0x328: {  	[tilespmem:s29], [sflag:$0x2] =	stream.indirect_vreg.gather [hbm4b:s10+s3], $0x80, v2, vm0, $0xb8;
	[tilespmem:$0x11000] =	vst v63  }
0x329: {  	s23 =	simm.s32 $0xC800  }
0x32a: {  	[tilespmem:s23], [sflag:$0x2] =	stream.indirect_vreg.gather [hbm4b:s11+s3], $0x80, v2, vm0, $0xb8;
	[tilespmem:$0x11000] =	vst v63  }
0x32b: {  	s24 =	simm.s32 $0xD000  }
0x32c: {  	[tilespmem:s24], [sflag:$0x2] =	stream.indirect_vreg.gather [hbm4b:s12+s3], $0x80, v2, vm0, $0xb8;
	[tilespmem:$0x11000] =	vst v63  }
0x32d: {  	s26 =	simm.s32 $0xD800  }
0x32e: {  	[tilespmem:s26], [sflag:$0x2] =	stream.indirect_vreg.gather [hbm4b:s13+s3], $0x80, v2, vm0, $0xb8;
	[tilespmem:$0x11000] =	vst v63  }
0x32f: {  	s28 =	simm.s32 $0xE000  }
0x330: {  	[tilespmem:s28], [sflag:$0x2] =	stream.indirect_vreg.gather [hbm4b:s14+s3], $0x80, v2, vm0, $0xb8;
	[tilespmem:$0x11000] =	vst v63  }
0x331: {  	s20 =	simm.s32 $0xE800  }
0x332: {  	[tilespmem:s20], [sflag:$0x2] =	stream.indirect_vreg.gather [hbm4b:s15+s3], $0x80, v2, vm0, $0xb8;
	[tilespmem:$0x11000] =	vst v63  }
0x333: {  	s20 =	simm.s32 $0xF000  }
0x334: {  	[tilespmem:s20], [sflag:$0x2] =	stream.indirect_vreg.gather [hbm4b:s16+s3], $0x80, v2, vm0, $0xb8;
	[tilespmem:$0x11000] =	vst v63  }
0x335: {  	s20 =	simm.s32 $0xF800  }
0x336: {  	[tilespmem:s20], [sflag:$0x2] =	stream.indirect_vreg.gather [hbm4b:s17+s3], $0x80, v2, vm0, $0xb8;
	[tilespmem:$0x11000] =	vst v63  }
0x337: {  	s20 =	simm.s32 $0x10000  }
0x338: {  	[tilespmem:s20], [sflag:$0x2] =	stream.indirect_vreg.gather [hbm4b:s18+s3], $0x80, v2, vm0, $0xb8;
	[tilespmem:$0x11000] =	vst v63  }
0x339: {  	s20 =	simm.s32 $0x10800  }
0x33a: {  	[tilespmem:s20], [sflag:$0x2] =	stream.indirect_vreg.gather [hbm4b:s19+s3], $0x80, v2, vm0, $0xb8;
	[tilespmem:$0x11000] =	vst v63  }
0x33b: {  	_ =	swait.ge [sflag:s30], $0x8000  }
0x33c: {  	[sflag:s30] =	ssyncset.done $0x0  }
0x33d: {  	s20 =	rddreg [dreg:$0x14];
	[sflag:s30] =	ssyncadd.s32 $0xFFFF8000  }
0x33e: {  	[hbm4b:s20+s31] =	stream.strided.scatter [tilespmem:s22], [sflag:$0x3], $0x8000, s1, s31, $0x38;
	[tilespmem:$0x11000] =	vst v63  }
0x33f: {  	_ =	swait.ge [sflag:s0], $0x8000  }
0x340: {  	[sflag:s0] =	ssyncset.done $0x0  }
0x341: {  	[sflag:s0] =	ssyncadd.s32 $0xFFFF8000  }
0x342: {  	v2 =	vld.msk [tilespmem:$0x900], $0xf;
	_ =	sdelay $0x4  }
0x343: {  	v3 =	vshll.u32 v2, $0x6  }
0x344: {  	v2 =	vand.u32 $0x7, v2;
	v3 =	vand.u32 $0xFFFFFE00, v3  }
0x345: {  	v2 =	vor.u32 v2, v3  }
0x346: {  	v2 =	vperm.xlane v2, v0;
	_ =	sdelay $0x1  }
0x347: {  	v2 =	vadd.s32 v1, v2;
	_ =	sdelay $0x4  }
0x348: {  	[tilespmem:s22], [sflag:$0x1] =	stream.indirect_vreg.gather [hbm4b:s2+s3], $0x80, v2, vm0, $0xb8;
	[tilespmem:$0x11000] =	vst v63  }
0x349: {  	s20 =	simm.s32 $0x1800  }
0x34a: {  	[tilespmem:s20], [sflag:$0x1] =	stream.indirect_vreg.gather [hbm4b:s5+s3], $0x80, v2, vm0, $0xb8;
	[tilespmem:$0x11000] =	vst v63  }
0x34b: {  	s20 =	simm.s32 $0x2000  }
0x34c: {  	[tilespmem:s20], [sflag:$0x1] =	stream.indirect_vreg.gather [hbm4b:s6+s3], $0x80, v2, vm0, $0xb8;
	[tilespmem:$0x11000] =	vst v63  }
0x34d: {  	s20 =	simm.s32 $0x2800  }
0x34e: {  	[tilespmem:s20], [sflag:$0x1] =	stream.indirect_vreg.gather [hbm4b:s7+s3], $0x80, v2, vm0, $0xb8;
	[tilespmem:$0x11000] =	vst v63  }
0x34f: {  	s20 =	simm.s32 $0x3000  }
0x350: {  	[tilespmem:s20], [sflag:$0x1] =	stream.indirect_vreg.gather [hbm4b:s8+s3], $0x80, v2, vm0, $0xb8;
	[tilespmem:$0x11000] =	vst v63  }
0x351: {  	s20 =	simm.s32 $0x3800  }
0x352: {  	[tilespmem:s20], [sflag:$0x1] =	stream.indirect_vreg.gather [hbm4b:s9+s3], $0x80, v2, vm0, $0xb8;
	[tilespmem:$0x11000] =	vst v63  }
0x353: {  	s20 =	simm.s32 $0x4000  }
0x354: {  	[tilespmem:s20], [sflag:$0x1] =	stream.indirect_vreg.gather [hbm4b:s10+s3], $0x80, v2, vm0, $0xb8;
	[tilespmem:$0x11000] =	vst v63  }
0x355: {  	s20 =	simm.s32 $0x4800  }
0x356: {  	[tilespmem:s20], [sflag:$0x1] =	stream.indirect_vreg.gather [hbm4b:s11+s3], $0x80, v2, vm0, $0xb8;
	[tilespmem:$0x11000] =	vst v63  }
0x357: {  	s20 =	simm.s32 $0x5000  }
0x358: {  	[tilespmem:s20], [sflag:$0x1] =	stream.indirect_vreg.gather [hbm4b:s12+s3], $0x80, v2, vm0, $0xb8;
	[tilespmem:$0x11000] =	vst v63  }
0x359: {  	s20 =	simm.s32 $0x5800  }
0x35a: {  	[tilespmem:s20], [sflag:$0x1] =	stream.indirect_vreg.gather [hbm4b:s13+s3], $0x80, v2, vm0, $0xb8;
	[tilespmem:$0x11000] =	vst v63  }
0x35b: {  	s20 =	simm.s32 $0x6000  }
0x35c: {  	[tilespmem:s20], [sflag:$0x1] =	stream.indirect_vreg.gather [hbm4b:s14+s3], $0x80, v2, vm0, $0xb8;
	[tilespmem:$0x11000] =	vst v63  }
0x35d: {  	s20 =	simm.s32 $0x6800  }
0x35e: {  	[tilespmem:s20], [sflag:$0x1] =	stream.indirect_vreg.gather [hbm4b:s15+s3], $0x80, v2, vm0, $0xb8;
	[tilespmem:$0x11000] =	vst v63  }
0x35f: {  	s20 =	simm.s32 $0x7000  }
0x360: {  	[tilespmem:s20], [sflag:$0x1] =	stream.indirect_vreg.gather [hbm4b:s16+s3], $0x80, v2, vm0, $0xb8;
	[tilespmem:$0x11000] =	vst v63  }
0x361: {  	s20 =	simm.s32 $0x7800  }
0x362: {  	[tilespmem:s20], [sflag:$0x1] =	stream.indirect_vreg.gather [hbm4b:s17+s3], $0x80, v2, vm0, $0xb8;
	[tilespmem:$0x11000] =	vst v63  }
0x363: {  	s20 =	simm.s32 $0x8000  }
0x364: {  	[tilespmem:s20], [sflag:$0x1] =	stream.indirect_vreg.gather [hbm4b:s18+s3], $0x80, v2, vm0, $0xb8;
	[tilespmem:$0x11000] =	vst v63  }
0x365: {  	s20 =	simm.s32 $0x8800  }
0x366: {  	[tilespmem:s20], [sflag:$0x1] =	stream.indirect_vreg.gather [hbm4b:s19+s3], $0x80, v2, vm0, $0xb8;
	[tilespmem:$0x11000] =	vst v63  }
0x367: {  	_ =	swait.ge [sflag:s21], $0x8000  }
0x368: {  	[sflag:s21] =	ssyncset.done $0x0  }
0x369: {  	s20 =	rddreg [dreg:$0x15];
	[sflag:s21] =	ssyncadd.s32 $0xFFFF8000  }
0x36a: {  	[hbm4b:s20+s31] =	stream.strided.scatter [tilespmem:s25], [sflag:$0x4], $0x8000, s1, s31, $0x38;
	[tilespmem:$0x11000] =	vst v63  }
0x36b: {  	_ =	swait.ge [sflag:s4], $0x8000  }
0x36c: {  	[sflag:s4] =	ssyncset.done $0x0  }
0x36d: {  	[sflag:s4] =	ssyncadd.s32 $0xFFFF8000  }
0x36e: {  	v2 =	vld.msk [tilespmem:$0x980], $0xf;
	_ =	sdelay $0x4  }
0x36f: {  	v3 =	vshll.u32 v2, $0x6  }
0x370: {  	v2 =	vand.u32 $0x7, v2;
	v3 =	vand.u32 $0xFFFFFE00, v3  }
0x371: {  	v2 =	vor.u32 v2, v3  }
0x372: {  	v2 =	vperm.xlane v2, v0;
	_ =	sdelay $0x1  }
0x373: {  	v2 =	vadd.s32 v1, v2;
	_ =	sdelay $0x4  }
0x374: {  	[tilespmem:s25], [sflag:$0x2] =	stream.indirect_vreg.gather [hbm4b:s2+s3], $0x80, v2, vm0, $0xb8;
	[tilespmem:$0x11000] =	vst v63  }
0x375: {  	s20 =	simm.s32 $0x9800  }
0x376: {  	[tilespmem:s20], [sflag:$0x2] =	stream.indirect_vreg.gather [hbm4b:s5+s3], $0x80, v2, vm0, $0xb8;
	[tilespmem:$0x11000] =	vst v63  }
0x377: {  	s20 =	simm.s32 $0xA000  }
0x378: {  	[tilespmem:s20], [sflag:$0x2] =	stream.indirect_vreg.gather [hbm4b:s6+s3], $0x80, v2, vm0, $0xb8;
	[tilespmem:$0x11000] =	vst v63  }
0x379: {  	s20 =	simm.s32 $0xA800  }
0x37a: {  	[tilespmem:s20], [sflag:$0x2] =	stream.indirect_vreg.gather [hbm4b:s7+s3], $0x80, v2, vm0, $0xb8;
	[tilespmem:$0x11000] =	vst v63  }
0x37b: {  	s20 =	simm.s32 $0xB000  }
0x37c: {  	[tilespmem:s20], [sflag:$0x2] =	stream.indirect_vreg.gather [hbm4b:s8+s3], $0x80, v2, vm0, $0xb8;
	[tilespmem:$0x11000] =	vst v63  }
0x37d: {  	s20 =	simm.s32 $0xB800  }
0x37e: {  	[tilespmem:s20], [sflag:$0x2] =	stream.indirect_vreg.gather [hbm4b:s9+s3], $0x80, v2, vm0, $0xb8;
	[tilespmem:$0x11000] =	vst v63  }
0x37f: {  	s29 =	simm.s32 $0xC000  }
0x380: {  	[tilespmem:s29], [sflag:$0x2] =	stream.indirect_vreg.gather [hbm4b:s10+s3], $0x80, v2, vm0, $0xb8;
	[tilespmem:$0x11000] =	vst v63  }
0x381: {  	s23 =	simm.s32 $0xC800  }
0x382: {  	[tilespmem:s23], [sflag:$0x2] =	stream.indirect_vreg.gather [hbm4b:s11+s3], $0x80, v2, vm0, $0xb8;
	[tilespmem:$0x11000] =	vst v63  }
0x383: {  	s24 =	simm.s32 $0xD000  }
0x384: {  	[tilespmem:s24], [sflag:$0x2] =	stream.indirect_vreg.gather [hbm4b:s12+s3], $0x80, v2, vm0, $0xb8;
	[tilespmem:$0x11000] =	vst v63  }
0x385: {  	s26 =	simm.s32 $0xD800  }
0x386: {  	[tilespmem:s26], [sflag:$0x2] =	stream.indirect_vreg.gather [hbm4b:s13+s3], $0x80, v2, vm0, $0xb8;
	[tilespmem:$0x11000] =	vst v63  }
0x387: {  	s28 =	simm.s32 $0xE000  }
0x388: {  	[tilespmem:s28], [sflag:$0x2] =	stream.indirect_vreg.gather [hbm4b:s14+s3], $0x80, v2, vm0, $0xb8;
	[tilespmem:$0x11000] =	vst v63  }
0x389: {  	s20 =	simm.s32 $0xE800  }
0x38a: {  	[tilespmem:s20], [sflag:$0x2] =	stream.indirect_vreg.gather [hbm4b:s15+s3], $0x80, v2, vm0, $0xb8;
	[tilespmem:$0x11000] =	vst v63  }
0x38b: {  	s20 =	simm.s32 $0xF000  }
0x38c: {  	[tilespmem:s20], [sflag:$0x2] =	stream.indirect_vreg.gather [hbm4b:s16+s3], $0x80, v2, vm0, $0xb8;
	[tilespmem:$0x11000] =	vst v63  }
0x38d: {  	s20 =	simm.s32 $0xF800  }
0x38e: {  	[tilespmem:s20], [sflag:$0x2] =	stream.indirect_vreg.gather [hbm4b:s17+s3], $0x80, v2, vm0, $0xb8;
	[tilespmem:$0x11000] =	vst v63  }
0x38f: {  	s20 =	simm.s32 $0x10000  }
0x390: {  	[tilespmem:s20], [sflag:$0x2] =	stream.indirect_vreg.gather [hbm4b:s18+s3], $0x80, v2, vm0, $0xb8;
	[tilespmem:$0x11000] =	vst v63  }
0x391: {  	s20 =	simm.s32 $0x10800  }
0x392: {  	[tilespmem:s20], [sflag:$0x2] =	stream.indirect_vreg.gather [hbm4b:s19+s3], $0x80, v2, vm0, $0xb8;
	[tilespmem:$0x11000] =	vst v63  }
0x393: {  	_ =	swait.ge [sflag:s30], $0x8000  }
0x394: {  	[sflag:s30] =	ssyncset.done $0x0  }
0x395: {  	s20 =	rddreg [dreg:$0x16];
	[sflag:s30] =	ssyncadd.s32 $0xFFFF8000  }
0x396: {  	[hbm4b:s20+s31] =	stream.strided.scatter [tilespmem:s22], [sflag:$0x3], $0x8000, s1, s31, $0x38;
	[tilespmem:$0x11000] =	vst v63  }
0x397: {  	_ =	swait.ge [sflag:s0], $0x8000  }
0x398: {  	[sflag:s0] =	ssyncset.done $0x0  }
0x399: {  	[sflag:s0] =	ssyncadd.s32 $0xFFFF8000  }
0x39a: {  	v2 =	vld.msk [tilespmem:$0xA00], $0xf;
	_ =	sdelay $0x4  }
0x39b: {  	v3 =	vshll.u32 v2, $0x6  }
0x39c: {  	v2 =	vand.u32 $0x7, v2;
	v3 =	vand.u32 $0xFFFFFE00, v3  }
0x39d: {  	v2 =	vor.u32 v2, v3  }
0x39e: {  	v2 =	vperm.xlane v2, v0;
	_ =	sdelay $0x1  }
0x39f: {  	v2 =	vadd.s32 v1, v2;
	_ =	sdelay $0x4  }
0x3a0: {  	[tilespmem:s22], [sflag:$0x1] =	stream.indirect_vreg.gather [hbm4b:s2+s3], $0x80, v2, vm0, $0xb8;
	[tilespmem:$0x11000] =	vst v63  }
0x3a1: {  	s20 =	simm.s32 $0x1800  }
0x3a2: {  	[tilespmem:s20], [sflag:$0x1] =	stream.indirect_vreg.gather [hbm4b:s5+s3], $0x80, v2, vm0, $0xb8;
	[tilespmem:$0x11000] =	vst v63  }
0x3a3: {  	s20 =	simm.s32 $0x2000  }
0x3a4: {  	[tilespmem:s20], [sflag:$0x1] =	stream.indirect_vreg.gather [hbm4b:s6+s3], $0x80, v2, vm0, $0xb8;
	[tilespmem:$0x11000] =	vst v63  }
0x3a5: {  	s20 =	simm.s32 $0x2800  }
0x3a6: {  	[tilespmem:s20], [sflag:$0x1] =	stream.indirect_vreg.gather [hbm4b:s7+s3], $0x80, v2, vm0, $0xb8;
	[tilespmem:$0x11000] =	vst v63  }
0x3a7: {  	s20 =	simm.s32 $0x3000  }
0x3a8: {  	[tilespmem:s20], [sflag:$0x1] =	stream.indirect_vreg.gather [hbm4b:s8+s3], $0x80, v2, vm0, $0xb8;
	[tilespmem:$0x11000] =	vst v63  }
0x3a9: {  	s20 =	simm.s32 $0x3800  }
0x3aa: {  	[tilespmem:s20], [sflag:$0x1] =	stream.indirect_vreg.gather [hbm4b:s9+s3], $0x80, v2, vm0, $0xb8;
	[tilespmem:$0x11000] =	vst v63  }
0x3ab: {  	s20 =	simm.s32 $0x4000  }
0x3ac: {  	[tilespmem:s20], [sflag:$0x1] =	stream.indirect_vreg.gather [hbm4b:s10+s3], $0x80, v2, vm0, $0xb8;
	[tilespmem:$0x11000] =	vst v63  }
0x3ad: {  	s20 =	simm.s32 $0x4800  }
0x3ae: {  	[tilespmem:s20], [sflag:$0x1] =	stream.indirect_vreg.gather [hbm4b:s11+s3], $0x80, v2, vm0, $0xb8;
	[tilespmem:$0x11000] =	vst v63  }
0x3af: {  	s20 =	simm.s32 $0x5000  }
0x3b0: {  	[tilespmem:s20], [sflag:$0x1] =	stream.indirect_vreg.gather [hbm4b:s12+s3], $0x80, v2, vm0, $0xb8;
	[tilespmem:$0x11000] =	vst v63  }
0x3b1: {  	s20 =	simm.s32 $0x5800  }
0x3b2: {  	[tilespmem:s20], [sflag:$0x1] =	stream.indirect_vreg.gather [hbm4b:s13+s3], $0x80, v2, vm0, $0xb8;
	[tilespmem:$0x11000] =	vst v63  }
0x3b3: {  	s20 =	simm.s32 $0x6000  }
0x3b4: {  	[tilespmem:s20], [sflag:$0x1] =	stream.indirect_vreg.gather [hbm4b:s14+s3], $0x80, v2, vm0, $0xb8;
	[tilespmem:$0x11000] =	vst v63  }
0x3b5: {  	s20 =	simm.s32 $0x6800  }
0x3b6: {  	[tilespmem:s20], [sflag:$0x1] =	stream.indirect_vreg.gather [hbm4b:s15+s3], $0x80, v2, vm0, $0xb8;
	[tilespmem:$0x11000] =	vst v63  }
0x3b7: {  	s20 =	simm.s32 $0x7000  }
0x3b8: {  	[tilespmem:s20], [sflag:$0x1] =	stream.indirect_vreg.gather [hbm4b:s16+s3], $0x80, v2, vm0, $0xb8;
	[tilespmem:$0x11000] =	vst v63  }
0x3b9: {  	s20 =	simm.s32 $0x7800  }
0x3ba: {  	[tilespmem:s20], [sflag:$0x1] =	stream.indirect_vreg.gather [hbm4b:s17+s3], $0x80, v2, vm0, $0xb8;
	[tilespmem:$0x11000] =	vst v63  }
0x3bb: {  	s20 =	simm.s32 $0x8000  }
0x3bc: {  	[tilespmem:s20], [sflag:$0x1] =	stream.indirect_vreg.gather [hbm4b:s18+s3], $0x80, v2, vm0, $0xb8;
	[tilespmem:$0x11000] =	vst v63  }
0x3bd: {  	s20 =	simm.s32 $0x8800  }
0x3be: {  	[tilespmem:s20], [sflag:$0x1] =	stream.indirect_vreg.gather [hbm4b:s19+s3], $0x80, v2, vm0, $0xb8;
	[tilespmem:$0x11000] =	vst v63  }
0x3bf: {  	_ =	swait.ge [sflag:s21], $0x8000  }
0x3c0: {  	[sflag:s21] =	ssyncset.done $0x0  }
0x3c1: {  	s20 =	rddreg [dreg:$0x17];
	[sflag:s21] =	ssyncadd.s32 $0xFFFF8000  }
0x3c2: {  	[hbm4b:s20+s31] =	stream.strided.scatter [tilespmem:s25], [sflag:$0x4], $0x8000, s1, s31, $0x38;
	[tilespmem:$0x11000] =	vst v63  }
0x3c3: {  	_ =	swait.ge [sflag:s4], $0x8000  }
0x3c4: {  	[sflag:s4] =	ssyncset.done $0x0  }
0x3c5: {  	[sflag:s4] =	ssyncadd.s32 $0xFFFF8000  }
0x3c6: {  	v2 =	vld.msk [tilespmem:$0xA80], $0xf;
	_ =	sdelay $0x4  }
0x3c7: {  	v3 =	vshll.u32 v2, $0x6  }
0x3c8: {  	v2 =	vand.u32 $0x7, v2;
	v3 =	vand.u32 $0xFFFFFE00, v3  }
0x3c9: {  	v2 =	vor.u32 v2, v3  }
0x3ca: {  	v2 =	vperm.xlane v2, v0;
	_ =	sdelay $0x1  }
0x3cb: {  	v2 =	vadd.s32 v1, v2;
	_ =	sdelay $0x4  }
0x3cc: {  	[tilespmem:s25], [sflag:$0x2] =	stream.indirect_vreg.gather [hbm4b:s2+s3], $0x80, v2, vm0, $0xb8;
	[tilespmem:$0x11000] =	vst v63  }
0x3cd: {  	s20 =	simm.s32 $0x9800  }
0x3ce: {  	[tilespmem:s20], [sflag:$0x2] =	stream.indirect_vreg.gather [hbm4b:s5+s3], $0x80, v2, vm0, $0xb8;
	[tilespmem:$0x11000] =	vst v63  }
0x3cf: {  	s20 =	simm.s32 $0xA000  }
0x3d0: {  	[tilespmem:s20], [sflag:$0x2] =	stream.indirect_vreg.gather [hbm4b:s6+s3], $0x80, v2, vm0, $0xb8;
	[tilespmem:$0x11000] =	vst v63  }
0x3d1: {  	s20 =	simm.s32 $0xA800  }
0x3d2: {  	[tilespmem:s20], [sflag:$0x2] =	stream.indirect_vreg.gather [hbm4b:s7+s3], $0x80, v2, vm0, $0xb8;
	[tilespmem:$0x11000] =	vst v63  }
0x3d3: {  	s20 =	simm.s32 $0xB000  }
0x3d4: {  	[tilespmem:s20], [sflag:$0x2] =	stream.indirect_vreg.gather [hbm4b:s8+s3], $0x80, v2, vm0, $0xb8;
	[tilespmem:$0x11000] =	vst v63  }
0x3d5: {  	s20 =	simm.s32 $0xB800  }
0x3d6: {  	[tilespmem:s20], [sflag:$0x2] =	stream.indirect_vreg.gather [hbm4b:s9+s3], $0x80, v2, vm0, $0xb8;
	[tilespmem:$0x11000] =	vst v63  }
0x3d7: {  	s29 =	simm.s32 $0xC000  }
0x3d8: {  	[tilespmem:s29], [sflag:$0x2] =	stream.indirect_vreg.gather [hbm4b:s10+s3], $0x80, v2, vm0, $0xb8;
	[tilespmem:$0x11000] =	vst v63  }
0x3d9: {  	s23 =	simm.s32 $0xC800  }
0x3da: {  	[tilespmem:s23], [sflag:$0x2] =	stream.indirect_vreg.gather [hbm4b:s11+s3], $0x80, v2, vm0, $0xb8;
	[tilespmem:$0x11000] =	vst v63  }
0x3db: {  	s24 =	simm.s32 $0xD000  }
0x3dc: {  	[tilespmem:s24], [sflag:$0x2] =	stream.indirect_vreg.gather [hbm4b:s12+s3], $0x80, v2, vm0, $0xb8;
	[tilespmem:$0x11000] =	vst v63  }
0x3dd: {  	s26 =	simm.s32 $0xD800  }
0x3de: {  	[tilespmem:s26], [sflag:$0x2] =	stream.indirect_vreg.gather [hbm4b:s13+s3], $0x80, v2, vm0, $0xb8;
	[tilespmem:$0x11000] =	vst v63  }
0x3df: {  	s28 =	simm.s32 $0xE000  }
0x3e0: {  	[tilespmem:s28], [sflag:$0x2] =	stream.indirect_vreg.gather [hbm4b:s14+s3], $0x80, v2, vm0, $0xb8;
	[tilespmem:$0x11000] =	vst v63  }
0x3e1: {  	s20 =	simm.s32 $0xE800  }
0x3e2: {  	[tilespmem:s20], [sflag:$0x2] =	stream.indirect_vreg.gather [hbm4b:s15+s3], $0x80, v2, vm0, $0xb8;
	[tilespmem:$0x11000] =	vst v63  }
0x3e3: {  	s20 =	simm.s32 $0xF000  }
0x3e4: {  	[tilespmem:s20], [sflag:$0x2] =	stream.indirect_vreg.gather [hbm4b:s16+s3], $0x80, v2, vm0, $0xb8;
	[tilespmem:$0x11000] =	vst v63  }
0x3e5: {  	s20 =	simm.s32 $0xF800  }
0x3e6: {  	[tilespmem:s20], [sflag:$0x2] =	stream.indirect_vreg.gather [hbm4b:s17+s3], $0x80, v2, vm0, $0xb8;
	[tilespmem:$0x11000] =	vst v63  }
0x3e7: {  	s20 =	simm.s32 $0x10000  }
0x3e8: {  	[tilespmem:s20], [sflag:$0x2] =	stream.indirect_vreg.gather [hbm4b:s18+s3], $0x80, v2, vm0, $0xb8;
	[tilespmem:$0x11000] =	vst v63  }
0x3e9: {  	s20 =	simm.s32 $0x10800  }
0x3ea: {  	[tilespmem:s20], [sflag:$0x2] =	stream.indirect_vreg.gather [hbm4b:s19+s3], $0x80, v2, vm0, $0xb8;
	[tilespmem:$0x11000] =	vst v63  }
0x3eb: {  	_ =	swait.ge [sflag:s30], $0x8000  }
0x3ec: {  	[sflag:s30] =	ssyncset.done $0x0  }
0x3ed: {  	s20 =	rddreg [dreg:$0x18];
	[sflag:s30] =	ssyncadd.s32 $0xFFFF8000  }
0x3ee: {  	[hbm4b:s20+s31] =	stream.strided.scatter [tilespmem:s22], [sflag:$0x3], $0x8000, s1, s31, $0x38;
	[tilespmem:$0x11000] =	vst v63  }
0x3ef: {  	_ =	swait.ge [sflag:s0], $0x8000  }
0x3f0: {  	[sflag:s0] =	ssyncset.done $0x0  }
0x3f1: {  	[sflag:s0] =	ssyncadd.s32 $0xFFFF8000  }
0x3f2: {  	v2 =	vld.msk [tilespmem:$0xB00], $0xf;
	_ =	sdelay $0x4  }
0x3f3: {  	v3 =	vshll.u32 v2, $0x6  }
0x3f4: {  	v2 =	vand.u32 $0x7, v2;
	v3 =	vand.u32 $0xFFFFFE00, v3  }
0x3f5: {  	v2 =	vor.u32 v2, v3  }
0x3f6: {  	v2 =	vperm.xlane v2, v0;
	_ =	sdelay $0x1  }
0x3f7: {  	v2 =	vadd.s32 v1, v2;
	_ =	sdelay $0x4  }
0x3f8: {  	[tilespmem:s22], [sflag:$0x1] =	stream.indirect_vreg.gather [hbm4b:s2+s3], $0x80, v2, vm0, $0xb8;
	[tilespmem:$0x11000] =	vst v63  }
0x3f9: {  	s20 =	simm.s32 $0x1800  }
0x3fa: {  	[tilespmem:s20], [sflag:$0x1] =	stream.indirect_vreg.gather [hbm4b:s5+s3], $0x80, v2, vm0, $0xb8;
	[tilespmem:$0x11000] =	vst v63  }
0x3fb: {  	s20 =	simm.s32 $0x2000  }
0x3fc: {  	[tilespmem:s20], [sflag:$0x1] =	stream.indirect_vreg.gather [hbm4b:s6+s3], $0x80, v2, vm0, $0xb8;
	[tilespmem:$0x11000] =	vst v63  }
0x3fd: {  	s20 =	simm.s32 $0x2800  }
0x3fe: {  	[tilespmem:s20], [sflag:$0x1] =	stream.indirect_vreg.gather [hbm4b:s7+s3], $0x80, v2, vm0, $0xb8;
	[tilespmem:$0x11000] =	vst v63  }
0x3ff: {  	s20 =	simm.s32 $0x3000  }
0x400: {  	[tilespmem:s20], [sflag:$0x1] =	stream.indirect_vreg.gather [hbm4b:s8+s3], $0x80, v2, vm0, $0xb8;
	[tilespmem:$0x11000] =	vst v63  }
0x401: {  	s20 =	simm.s32 $0x3800  }
0x402: {  	[tilespmem:s20], [sflag:$0x1] =	stream.indirect_vreg.gather [hbm4b:s9+s3], $0x80, v2, vm0, $0xb8;
	[tilespmem:$0x11000] =	vst v63  }
0x403: {  	s20 =	simm.s32 $0x4000  }
0x404: {  	[tilespmem:s20], [sflag:$0x1] =	stream.indirect_vreg.gather [hbm4b:s10+s3], $0x80, v2, vm0, $0xb8;
	[tilespmem:$0x11000] =	vst v63  }
0x405: {  	s20 =	simm.s32 $0x4800  }
0x406: {  	[tilespmem:s20], [sflag:$0x1] =	stream.indirect_vreg.gather [hbm4b:s11+s3], $0x80, v2, vm0, $0xb8;
	[tilespmem:$0x11000] =	vst v63  }
0x407: {  	s20 =	simm.s32 $0x5000  }
0x408: {  	[tilespmem:s20], [sflag:$0x1] =	stream.indirect_vreg.gather [hbm4b:s12+s3], $0x80, v2, vm0, $0xb8;
	[tilespmem:$0x11000] =	vst v63  }
0x409: {  	s20 =	simm.s32 $0x5800  }
0x40a: {  	[tilespmem:s20], [sflag:$0x1] =	stream.indirect_vreg.gather [hbm4b:s13+s3], $0x80, v2, vm0, $0xb8;
	[tilespmem:$0x11000] =	vst v63  }
0x40b: {  	s20 =	simm.s32 $0x6000  }
0x40c: {  	[tilespmem:s20], [sflag:$0x1] =	stream.indirect_vreg.gather [hbm4b:s14+s3], $0x80, v2, vm0, $0xb8;
	[tilespmem:$0x11000] =	vst v63  }
0x40d: {  	s20 =	simm.s32 $0x6800  }
0x40e: {  	[tilespmem:s20], [sflag:$0x1] =	stream.indirect_vreg.gather [hbm4b:s15+s3], $0x80, v2, vm0, $0xb8;
	[tilespmem:$0x11000] =	vst v63  }
0x40f: {  	s20 =	simm.s32 $0x7000  }
0x410: {  	[tilespmem:s20], [sflag:$0x1] =	stream.indirect_vreg.gather [hbm4b:s16+s3], $0x80, v2, vm0, $0xb8;
	[tilespmem:$0x11000] =	vst v63  }
0x411: {  	s20 =	simm.s32 $0x7800  }
0x412: {  	[tilespmem:s20], [sflag:$0x1] =	stream.indirect_vreg.gather [hbm4b:s17+s3], $0x80, v2, vm0, $0xb8;
	[tilespmem:$0x11000] =	vst v63  }
0x413: {  	s20 =	simm.s32 $0x8000  }
0x414: {  	[tilespmem:s20], [sflag:$0x1] =	stream.indirect_vreg.gather [hbm4b:s18+s3], $0x80, v2, vm0, $0xb8;
	[tilespmem:$0x11000] =	vst v63  }
0x415: {  	s20 =	simm.s32 $0x8800  }
0x416: {  	[tilespmem:s20], [sflag:$0x1] =	stream.indirect_vreg.gather [hbm4b:s19+s3], $0x80, v2, vm0, $0xb8;
	[tilespmem:$0x11000] =	vst v63  }
0x417: {  	_ =	swait.ge [sflag:s21], $0x8000  }
0x418: {  	[sflag:s21] =	ssyncset.done $0x0  }
0x419: {  	s20 =	rddreg [dreg:$0x19];
	[sflag:s21] =	ssyncadd.s32 $0xFFFF8000  }
0x41a: {  	[hbm4b:s20+s31] =	stream.strided.scatter [tilespmem:s25], [sflag:$0x4], $0x8000, s1, s31, $0x38;
	[tilespmem:$0x11000] =	vst v63  }
0x41b: {  	_ =	swait.ge [sflag:s4], $0x8000  }
0x41c: {  	[sflag:s4] =	ssyncset.done $0x0  }
0x41d: {  	[sflag:s4] =	ssyncadd.s32 $0xFFFF8000  }
0x41e: {  	v2 =	vld.msk [tilespmem:$0xB80], $0xf;
	_ =	sdelay $0x4  }
0x41f: {  	v3 =	vshll.u32 v2, $0x6  }
0x420: {  	v2 =	vand.u32 $0x7, v2;
	v3 =	vand.u32 $0xFFFFFE00, v3  }
0x421: {  	v2 =	vor.u32 v2, v3  }
0x422: {  	v2 =	vperm.xlane v2, v0;
	_ =	sdelay $0x1  }
0x423: {  	v2 =	vadd.s32 v1, v2;
	_ =	sdelay $0x4  }
0x424: {  	[tilespmem:s25], [sflag:$0x2] =	stream.indirect_vreg.gather [hbm4b:s2+s3], $0x80, v2, vm0, $0xb8;
	[tilespmem:$0x11000] =	vst v63  }
0x425: {  	s20 =	simm.s32 $0x9800  }
0x426: {  	[tilespmem:s20], [sflag:$0x2] =	stream.indirect_vreg.gather [hbm4b:s5+s3], $0x80, v2, vm0, $0xb8;
	[tilespmem:$0x11000] =	vst v63  }
0x427: {  	s20 =	simm.s32 $0xA000  }
0x428: {  	[tilespmem:s20], [sflag:$0x2] =	stream.indirect_vreg.gather [hbm4b:s6+s3], $0x80, v2, vm0, $0xb8;
	[tilespmem:$0x11000] =	vst v63  }
0x429: {  	s20 =	simm.s32 $0xA800  }
0x42a: {  	[tilespmem:s20], [sflag:$0x2] =	stream.indirect_vreg.gather [hbm4b:s7+s3], $0x80, v2, vm0, $0xb8;
	[tilespmem:$0x11000] =	vst v63  }
0x42b: {  	s20 =	simm.s32 $0xB000  }
0x42c: {  	[tilespmem:s20], [sflag:$0x2] =	stream.indirect_vreg.gather [hbm4b:s8+s3], $0x80, v2, vm0, $0xb8;
	[tilespmem:$0x11000] =	vst v63  }
0x42d: {  	s20 =	simm.s32 $0xB800  }
0x42e: {  	[tilespmem:s20], [sflag:$0x2] =	stream.indirect_vreg.gather [hbm4b:s9+s3], $0x80, v2, vm0, $0xb8;
	[tilespmem:$0x11000] =	vst v63  }
0x42f: {  	s29 =	simm.s32 $0xC000  }
0x430: {  	[tilespmem:s29], [sflag:$0x2] =	stream.indirect_vreg.gather [hbm4b:s10+s3], $0x80, v2, vm0, $0xb8;
	[tilespmem:$0x11000] =	vst v63  }
0x431: {  	s23 =	simm.s32 $0xC800  }
0x432: {  	[tilespmem:s23], [sflag:$0x2] =	stream.indirect_vreg.gather [hbm4b:s11+s3], $0x80, v2, vm0, $0xb8;
	[tilespmem:$0x11000] =	vst v63  }
0x433: {  	s24 =	simm.s32 $0xD000  }
0x434: {  	[tilespmem:s24], [sflag:$0x2] =	stream.indirect_vreg.gather [hbm4b:s12+s3], $0x80, v2, vm0, $0xb8;
	[tilespmem:$0x11000] =	vst v63  }
0x435: {  	s26 =	simm.s32 $0xD800  }
0x436: {  	[tilespmem:s26], [sflag:$0x2] =	stream.indirect_vreg.gather [hbm4b:s13+s3], $0x80, v2, vm0, $0xb8;
	[tilespmem:$0x11000] =	vst v63  }
0x437: {  	s28 =	simm.s32 $0xE000  }
0x438: {  	[tilespmem:s28], [sflag:$0x2] =	stream.indirect_vreg.gather [hbm4b:s14+s3], $0x80, v2, vm0, $0xb8;
	[tilespmem:$0x11000] =	vst v63  }
0x439: {  	s20 =	simm.s32 $0xE800  }
0x43a: {  	[tilespmem:s20], [sflag:$0x2] =	stream.indirect_vreg.gather [hbm4b:s15+s3], $0x80, v2, vm0, $0xb8;
	[tilespmem:$0x11000] =	vst v63  }
0x43b: {  	s20 =	simm.s32 $0xF000  }
0x43c: {  	[tilespmem:s20], [sflag:$0x2] =	stream.indirect_vreg.gather [hbm4b:s16+s3], $0x80, v2, vm0, $0xb8;
	[tilespmem:$0x11000] =	vst v63  }
0x43d: {  	s20 =	simm.s32 $0xF800  }
0x43e: {  	[tilespmem:s20], [sflag:$0x2] =	stream.indirect_vreg.gather [hbm4b:s17+s3], $0x80, v2, vm0, $0xb8;
	[tilespmem:$0x11000] =	vst v63  }
0x43f: {  	s20 =	simm.s32 $0x10000  }
0x440: {  	[tilespmem:s20], [sflag:$0x2] =	stream.indirect_vreg.gather [hbm4b:s18+s3], $0x80, v2, vm0, $0xb8;
	[tilespmem:$0x11000] =	vst v63  }
0x441: {  	s20 =	simm.s32 $0x10800  }
0x442: {  	[tilespmem:s20], [sflag:$0x2] =	stream.indirect_vreg.gather [hbm4b:s19+s3], $0x80, v2, vm0, $0xb8;
	[tilespmem:$0x11000] =	vst v63  }
0x443: {  	_ =	swait.ge [sflag:s30], $0x8000  }
0x444: {  	[sflag:s30] =	ssyncset.done $0x0  }
0x445: {  	s20 =	rddreg [dreg:$0x1a];
	[sflag:s30] =	ssyncadd.s32 $0xFFFF8000  }
0x446: {  	[hbm4b:s20+s31] =	stream.strided.scatter [tilespmem:s22], [sflag:$0x3], $0x8000, s1, s31, $0x38;
	[tilespmem:$0x11000] =	vst v63  }
0x447: {  	_ =	swait.ge [sflag:s0], $0x8000  }
0x448: {  	[sflag:s0] =	ssyncset.done $0x0  }
0x449: {  	[sflag:s0] =	ssyncadd.s32 $0xFFFF8000  }
0x44a: {  	v2 =	vld.msk [tilespmem:$0xC00], $0xf;
	_ =	sdelay $0x4  }
0x44b: {  	v3 =	vshll.u32 v2, $0x6  }
0x44c: {  	v2 =	vand.u32 $0x7, v2;
	v3 =	vand.u32 $0xFFFFFE00, v3  }
0x44d: {  	v2 =	vor.u32 v2, v3  }
0x44e: {  	v2 =	vperm.xlane v2, v0;
	_ =	sdelay $0x1  }
0x44f: {  	v2 =	vadd.s32 v1, v2;
	_ =	sdelay $0x4  }
0x450: {  	[tilespmem:s22], [sflag:$0x1] =	stream.indirect_vreg.gather [hbm4b:s2+s3], $0x80, v2, vm0, $0xb8;
	[tilespmem:$0x11000] =	vst v63  }
0x451: {  	s20 =	simm.s32 $0x1800  }
0x452: {  	[tilespmem:s20], [sflag:$0x1] =	stream.indirect_vreg.gather [hbm4b:s5+s3], $0x80, v2, vm0, $0xb8;
	[tilespmem:$0x11000] =	vst v63  }
0x453: {  	s20 =	simm.s32 $0x2000  }
0x454: {  	[tilespmem:s20], [sflag:$0x1] =	stream.indirect_vreg.gather [hbm4b:s6+s3], $0x80, v2, vm0, $0xb8;
	[tilespmem:$0x11000] =	vst v63  }
0x455: {  	s20 =	simm.s32 $0x2800  }
0x456: {  	[tilespmem:s20], [sflag:$0x1] =	stream.indirect_vreg.gather [hbm4b:s7+s3], $0x80, v2, vm0, $0xb8;
	[tilespmem:$0x11000] =	vst v63  }
0x457: {  	s20 =	simm.s32 $0x3000  }
0x458: {  	[tilespmem:s20], [sflag:$0x1] =	stream.indirect_vreg.gather [hbm4b:s8+s3], $0x80, v2, vm0, $0xb8;
	[tilespmem:$0x11000] =	vst v63  }
0x459: {  	s20 =	simm.s32 $0x3800  }
0x45a: {  	[tilespmem:s20], [sflag:$0x1] =	stream.indirect_vreg.gather [hbm4b:s9+s3], $0x80, v2, vm0, $0xb8;
	[tilespmem:$0x11000] =	vst v63  }
0x45b: {  	s20 =	simm.s32 $0x4000  }
0x45c: {  	[tilespmem:s20], [sflag:$0x1] =	stream.indirect_vreg.gather [hbm4b:s10+s3], $0x80, v2, vm0, $0xb8;
	[tilespmem:$0x11000] =	vst v63  }
0x45d: {  	s20 =	simm.s32 $0x4800  }
0x45e: {  	[tilespmem:s20], [sflag:$0x1] =	stream.indirect_vreg.gather [hbm4b:s11+s3], $0x80, v2, vm0, $0xb8;
	[tilespmem:$0x11000] =	vst v63  }
0x45f: {  	s20 =	simm.s32 $0x5000  }
0x460: {  	[tilespmem:s20], [sflag:$0x1] =	stream.indirect_vreg.gather [hbm4b:s12+s3], $0x80, v2, vm0, $0xb8;
	[tilespmem:$0x11000] =	vst v63  }
0x461: {  	s20 =	simm.s32 $0x5800  }
0x462: {  	[tilespmem:s20], [sflag:$0x1] =	stream.indirect_vreg.gather [hbm4b:s13+s3], $0x80, v2, vm0, $0xb8;
	[tilespmem:$0x11000] =	vst v63  }
0x463: {  	s20 =	simm.s32 $0x6000  }
0x464: {  	[tilespmem:s20], [sflag:$0x1] =	stream.indirect_vreg.gather [hbm4b:s14+s3], $0x80, v2, vm0, $0xb8;
	[tilespmem:$0x11000] =	vst v63  }
0x465: {  	s20 =	simm.s32 $0x6800  }
0x466: {  	[tilespmem:s20], [sflag:$0x1] =	stream.indirect_vreg.gather [hbm4b:s15+s3], $0x80, v2, vm0, $0xb8;
	[tilespmem:$0x11000] =	vst v63  }
0x467: {  	s20 =	simm.s32 $0x7000  }
0x468: {  	[tilespmem:s20], [sflag:$0x1] =	stream.indirect_vreg.gather [hbm4b:s16+s3], $0x80, v2, vm0, $0xb8;
	[tilespmem:$0x11000] =	vst v63  }
0x469: {  	s20 =	simm.s32 $0x7800  }
0x46a: {  	[tilespmem:s20], [sflag:$0x1] =	stream.indirect_vreg.gather [hbm4b:s17+s3], $0x80, v2, vm0, $0xb8;
	[tilespmem:$0x11000] =	vst v63  }
0x46b: {  	s20 =	simm.s32 $0x8000  }
0x46c: {  	[tilespmem:s20], [sflag:$0x1] =	stream.indirect_vreg.gather [hbm4b:s18+s3], $0x80, v2, vm0, $0xb8;
	[tilespmem:$0x11000] =	vst v63  }
0x46d: {  	s20 =	simm.s32 $0x8800  }
0x46e: {  	[tilespmem:s20], [sflag:$0x1] =	stream.indirect_vreg.gather [hbm4b:s19+s3], $0x80, v2, vm0, $0xb8;
	[tilespmem:$0x11000] =	vst v63  }
0x46f: {  	_ =	swait.ge [sflag:s21], $0x8000  }
0x470: {  	[sflag:s21] =	ssyncset.done $0x0  }
0x471: {  	s20 =	rddreg [dreg:$0x1b];
	[sflag:s21] =	ssyncadd.s32 $0xFFFF8000  }
0x472: {  	[hbm4b:s20+s31] =	stream.strided.scatter [tilespmem:s25], [sflag:$0x4], $0x8000, s1, s31, $0x38;
	[tilespmem:$0x11000] =	vst v63  }
0x473: {  	_ =	swait.ge [sflag:s4], $0x8000  }
0x474: {  	[sflag:s4] =	ssyncset.done $0x0  }
0x475: {  	[sflag:s4] =	ssyncadd.s32 $0xFFFF8000  }
0x476: {  	v2 =	vld.msk [tilespmem:$0xC80], $0xf;
	_ =	sdelay $0x4  }
0x477: {  	v3 =	vshll.u32 v2, $0x6  }
0x478: {  	v2 =	vand.u32 $0x7, v2;
	v3 =	vand.u32 $0xFFFFFE00, v3  }
0x479: {  	v2 =	vor.u32 v2, v3  }
0x47a: {  	v2 =	vperm.xlane v2, v0;
	_ =	sdelay $0x1  }
0x47b: {  	v2 =	vadd.s32 v1, v2;
	_ =	sdelay $0x4  }
0x47c: {  	[tilespmem:s25], [sflag:$0x2] =	stream.indirect_vreg.gather [hbm4b:s2+s3], $0x80, v2, vm0, $0xb8;
	[tilespmem:$0x11000] =	vst v63  }
0x47d: {  	s20 =	simm.s32 $0x9800  }
0x47e: {  	[tilespmem:s20], [sflag:$0x2] =	stream.indirect_vreg.gather [hbm4b:s5+s3], $0x80, v2, vm0, $0xb8;
	[tilespmem:$0x11000] =	vst v63  }
0x47f: {  	s20 =	simm.s32 $0xA000  }
0x480: {  	[tilespmem:s20], [sflag:$0x2] =	stream.indirect_vreg.gather [hbm4b:s6+s3], $0x80, v2, vm0, $0xb8;
	[tilespmem:$0x11000] =	vst v63  }
0x481: {  	s20 =	simm.s32 $0xA800  }
0x482: {  	[tilespmem:s20], [sflag:$0x2] =	stream.indirect_vreg.gather [hbm4b:s7+s3], $0x80, v2, vm0, $0xb8;
	[tilespmem:$0x11000] =	vst v63  }
0x483: {  	s20 =	simm.s32 $0xB000  }
0x484: {  	[tilespmem:s20], [sflag:$0x2] =	stream.indirect_vreg.gather [hbm4b:s8+s3], $0x80, v2, vm0, $0xb8;
	[tilespmem:$0x11000] =	vst v63  }
0x485: {  	s20 =	simm.s32 $0xB800  }
0x486: {  	[tilespmem:s20], [sflag:$0x2] =	stream.indirect_vreg.gather [hbm4b:s9+s3], $0x80, v2, vm0, $0xb8;
	[tilespmem:$0x11000] =	vst v63  }
0x487: {  	s29 =	simm.s32 $0xC000  }
0x488: {  	[tilespmem:s29], [sflag:$0x2] =	stream.indirect_vreg.gather [hbm4b:s10+s3], $0x80, v2, vm0, $0xb8;
	[tilespmem:$0x11000] =	vst v63  }
0x489: {  	s23 =	simm.s32 $0xC800  }
0x48a: {  	[tilespmem:s23], [sflag:$0x2] =	stream.indirect_vreg.gather [hbm4b:s11+s3], $0x80, v2, vm0, $0xb8;
	[tilespmem:$0x11000] =	vst v63  }
0x48b: {  	s24 =	simm.s32 $0xD000  }
0x48c: {  	[tilespmem:s24], [sflag:$0x2] =	stream.indirect_vreg.gather [hbm4b:s12+s3], $0x80, v2, vm0, $0xb8;
	[tilespmem:$0x11000] =	vst v63  }
0x48d: {  	s26 =	simm.s32 $0xD800  }
0x48e: {  	[tilespmem:s26], [sflag:$0x2] =	stream.indirect_vreg.gather [hbm4b:s13+s3], $0x80, v2, vm0, $0xb8;
	[tilespmem:$0x11000] =	vst v63  }
0x48f: {  	s28 =	simm.s32 $0xE000  }
0x490: {  	[tilespmem:s28], [sflag:$0x2] =	stream.indirect_vreg.gather [hbm4b:s14+s3], $0x80, v2, vm0, $0xb8;
	[tilespmem:$0x11000] =	vst v63  }
0x491: {  	s20 =	simm.s32 $0xE800  }
0x492: {  	[tilespmem:s20], [sflag:$0x2] =	stream.indirect_vreg.gather [hbm4b:s15+s3], $0x80, v2, vm0, $0xb8;
	[tilespmem:$0x11000] =	vst v63  }
0x493: {  	s20 =	simm.s32 $0xF000  }
0x494: {  	[tilespmem:s20], [sflag:$0x2] =	stream.indirect_vreg.gather [hbm4b:s16+s3], $0x80, v2, vm0, $0xb8;
	[tilespmem:$0x11000] =	vst v63  }
0x495: {  	s20 =	simm.s32 $0xF800  }
0x496: {  	[tilespmem:s20], [sflag:$0x2] =	stream.indirect_vreg.gather [hbm4b:s17+s3], $0x80, v2, vm0, $0xb8;
	[tilespmem:$0x11000] =	vst v63  }
0x497: {  	s20 =	simm.s32 $0x10000  }
0x498: {  	[tilespmem:s20], [sflag:$0x2] =	stream.indirect_vreg.gather [hbm4b:s18+s3], $0x80, v2, vm0, $0xb8;
	[tilespmem:$0x11000] =	vst v63  }
0x499: {  	s20 =	simm.s32 $0x10800  }
0x49a: {  	[tilespmem:s20], [sflag:$0x2] =	stream.indirect_vreg.gather [hbm4b:s19+s3], $0x80, v2, vm0, $0xb8;
	[tilespmem:$0x11000] =	vst v63  }
0x49b: {  	_ =	swait.ge [sflag:s30], $0x8000  }
0x49c: {  	[sflag:s30] =	ssyncset.done $0x0  }
0x49d: {  	s20 =	rddreg [dreg:$0x1c];
	[sflag:s30] =	ssyncadd.s32 $0xFFFF8000  }
0x49e: {  	[hbm4b:s20+s31] =	stream.strided.scatter [tilespmem:s22], [sflag:$0x3], $0x8000, s1, s31, $0x38;
	[tilespmem:$0x11000] =	vst v63  }
0x49f: {  	_ =	swait.ge [sflag:s0], $0x8000  }
0x4a0: {  	[sflag:s0] =	ssyncset.done $0x0  }
0x4a1: {  	[sflag:s0] =	ssyncadd.s32 $0xFFFF8000  }
0x4a2: {  	v2 =	vld.msk [tilespmem:$0xD00], $0xf;
	_ =	sdelay $0x4  }
0x4a3: {  	v3 =	vshll.u32 v2, $0x6  }
0x4a4: {  	v2 =	vand.u32 $0x7, v2;
	v3 =	vand.u32 $0xFFFFFE00, v3  }
0x4a5: {  	v2 =	vor.u32 v2, v3  }
0x4a6: {  	v2 =	vperm.xlane v2, v0;
	_ =	sdelay $0x1  }
0x4a7: {  	v2 =	vadd.s32 v1, v2;
	_ =	sdelay $0x4  }
0x4a8: {  	[tilespmem:s22], [sflag:$0x1] =	stream.indirect_vreg.gather [hbm4b:s2+s3], $0x80, v2, vm0, $0xb8;
	[tilespmem:$0x11000] =	vst v63  }
0x4a9: {  	s20 =	simm.s32 $0x1800  }
0x4aa: {  	[tilespmem:s20], [sflag:$0x1] =	stream.indirect_vreg.gather [hbm4b:s5+s3], $0x80, v2, vm0, $0xb8;
	[tilespmem:$0x11000] =	vst v63  }
0x4ab: {  	s20 =	simm.s32 $0x2000  }
0x4ac: {  	[tilespmem:s20], [sflag:$0x1] =	stream.indirect_vreg.gather [hbm4b:s6+s3], $0x80, v2, vm0, $0xb8;
	[tilespmem:$0x11000] =	vst v63  }
0x4ad: {  	s20 =	simm.s32 $0x2800  }
0x4ae: {  	[tilespmem:s20], [sflag:$0x1] =	stream.indirect_vreg.gather [hbm4b:s7+s3], $0x80, v2, vm0, $0xb8;
	[tilespmem:$0x11000] =	vst v63  }
0x4af: {  	s20 =	simm.s32 $0x3000  }
0x4b0: {  	[tilespmem:s20], [sflag:$0x1] =	stream.indirect_vreg.gather [hbm4b:s8+s3], $0x80, v2, vm0, $0xb8;
	[tilespmem:$0x11000] =	vst v63  }
0x4b1: {  	s20 =	simm.s32 $0x3800  }
0x4b2: {  	[tilespmem:s20], [sflag:$0x1] =	stream.indirect_vreg.gather [hbm4b:s9+s3], $0x80, v2, vm0, $0xb8;
	[tilespmem:$0x11000] =	vst v63  }
0x4b3: {  	s20 =	simm.s32 $0x4000  }
0x4b4: {  	[tilespmem:s20], [sflag:$0x1] =	stream.indirect_vreg.gather [hbm4b:s10+s3], $0x80, v2, vm0, $0xb8;
	[tilespmem:$0x11000] =	vst v63  }
0x4b5: {  	s20 =	simm.s32 $0x4800  }
0x4b6: {  	[tilespmem:s20], [sflag:$0x1] =	stream.indirect_vreg.gather [hbm4b:s11+s3], $0x80, v2, vm0, $0xb8;
	[tilespmem:$0x11000] =	vst v63  }
0x4b7: {  	s20 =	simm.s32 $0x5000  }
0x4b8: {  	[tilespmem:s20], [sflag:$0x1] =	stream.indirect_vreg.gather [hbm4b:s12+s3], $0x80, v2, vm0, $0xb8;
	[tilespmem:$0x11000] =	vst v63  }
0x4b9: {  	s20 =	simm.s32 $0x5800  }
0x4ba: {  	[tilespmem:s20], [sflag:$0x1] =	stream.indirect_vreg.gather [hbm4b:s13+s3], $0x80, v2, vm0, $0xb8;
	[tilespmem:$0x11000] =	vst v63  }
0x4bb: {  	s20 =	simm.s32 $0x6000  }
0x4bc: {  	[tilespmem:s20], [sflag:$0x1] =	stream.indirect_vreg.gather [hbm4b:s14+s3], $0x80, v2, vm0, $0xb8;
	[tilespmem:$0x11000] =	vst v63  }
0x4bd: {  	s20 =	simm.s32 $0x6800  }
0x4be: {  	[tilespmem:s20], [sflag:$0x1] =	stream.indirect_vreg.gather [hbm4b:s15+s3], $0x80, v2, vm0, $0xb8;
	[tilespmem:$0x11000] =	vst v63  }
0x4bf: {  	s20 =	simm.s32 $0x7000  }
0x4c0: {  	[tilespmem:s20], [sflag:$0x1] =	stream.indirect_vreg.gather [hbm4b:s16+s3], $0x80, v2, vm0, $0xb8;
	[tilespmem:$0x11000] =	vst v63  }
0x4c1: {  	s20 =	simm.s32 $0x7800  }
0x4c2: {  	[tilespmem:s20], [sflag:$0x1] =	stream.indirect_vreg.gather [hbm4b:s17+s3], $0x80, v2, vm0, $0xb8;
	[tilespmem:$0x11000] =	vst v63  }
0x4c3: {  	s20 =	simm.s32 $0x8000  }
0x4c4: {  	[tilespmem:s20], [sflag:$0x1] =	stream.indirect_vreg.gather [hbm4b:s18+s3], $0x80, v2, vm0, $0xb8;
	[tilespmem:$0x11000] =	vst v63  }
0x4c5: {  	s20 =	simm.s32 $0x8800  }
0x4c6: {  	[tilespmem:s20], [sflag:$0x1] =	stream.indirect_vreg.gather [hbm4b:s19+s3], $0x80, v2, vm0, $0xb8;
	[tilespmem:$0x11000] =	vst v63  }
0x4c7: {  	_ =	swait.ge [sflag:s21], $0x8000  }
0x4c8: {  	[sflag:s21] =	ssyncset.done $0x0  }
0x4c9: {  	s20 =	rddreg [dreg:$0x1d];
	[sflag:s21] =	ssyncadd.s32 $0xFFFF8000  }
0x4ca: {  	[hbm4b:s20+s31] =	stream.strided.scatter [tilespmem:s25], [sflag:$0x4], $0x8000, s1, s31, $0x38;
	[tilespmem:$0x11000] =	vst v63  }
0x4cb: {  	_ =	swait.ge [sflag:s4], $0x8000  }
0x4cc: {  	[sflag:s4] =	ssyncset.done $0x0  }
0x4cd: {  	[sflag:s4] =	ssyncadd.s32 $0xFFFF8000  }
0x4ce: {  	v2 =	vld.msk [tilespmem:$0xD80], $0xf;
	_ =	sdelay $0x4  }
0x4cf: {  	v3 =	vshll.u32 v2, $0x6  }
0x4d0: {  	v2 =	vand.u32 $0x7, v2;
	v3 =	vand.u32 $0xFFFFFE00, v3  }
0x4d1: {  	v2 =	vor.u32 v2, v3  }
0x4d2: {  	v2 =	vperm.xlane v2, v0;
	_ =	sdelay $0x1  }
0x4d3: {  	v2 =	vadd.s32 v1, v2;
	_ =	sdelay $0x4  }
0x4d4: {  	[tilespmem:s25], [sflag:$0x2] =	stream.indirect_vreg.gather [hbm4b:s2+s3], $0x80, v2, vm0, $0xb8;
	[tilespmem:$0x11000] =	vst v63  }
0x4d5: {  	s20 =	simm.s32 $0x9800  }
0x4d6: {  	[tilespmem:s20], [sflag:$0x2] =	stream.indirect_vreg.gather [hbm4b:s5+s3], $0x80, v2, vm0, $0xb8;
	[tilespmem:$0x11000] =	vst v63  }
0x4d7: {  	s20 =	simm.s32 $0xA000  }
0x4d8: {  	[tilespmem:s20], [sflag:$0x2] =	stream.indirect_vreg.gather [hbm4b:s6+s3], $0x80, v2, vm0, $0xb8;
	[tilespmem:$0x11000] =	vst v63  }
0x4d9: {  	s20 =	simm.s32 $0xA800  }
0x4da: {  	[tilespmem:s20], [sflag:$0x2] =	stream.indirect_vreg.gather [hbm4b:s7+s3], $0x80, v2, vm0, $0xb8;
	[tilespmem:$0x11000] =	vst v63  }
0x4db: {  	s20 =	simm.s32 $0xB000  }
0x4dc: {  	[tilespmem:s20], [sflag:$0x2] =	stream.indirect_vreg.gather [hbm4b:s8+s3], $0x80, v2, vm0, $0xb8;
	[tilespmem:$0x11000] =	vst v63  }
0x4dd: {  	s20 =	simm.s32 $0xB800  }
0x4de: {  	[tilespmem:s20], [sflag:$0x2] =	stream.indirect_vreg.gather [hbm4b:s9+s3], $0x80, v2, vm0, $0xb8;
	[tilespmem:$0x11000] =	vst v63  }
0x4df: {  	s29 =	simm.s32 $0xC000  }
0x4e0: {  	[tilespmem:s29], [sflag:$0x2] =	stream.indirect_vreg.gather [hbm4b:s10+s3], $0x80, v2, vm0, $0xb8;
	[tilespmem:$0x11000] =	vst v63  }
0x4e1: {  	s23 =	simm.s32 $0xC800  }
0x4e2: {  	[tilespmem:s23], [sflag:$0x2] =	stream.indirect_vreg.gather [hbm4b:s11+s3], $0x80, v2, vm0, $0xb8;
	[tilespmem:$0x11000] =	vst v63  }
0x4e3: {  	s24 =	simm.s32 $0xD000  }
0x4e4: {  	[tilespmem:s24], [sflag:$0x2] =	stream.indirect_vreg.gather [hbm4b:s12+s3], $0x80, v2, vm0, $0xb8;
	[tilespmem:$0x11000] =	vst v63  }
0x4e5: {  	s26 =	simm.s32 $0xD800  }
0x4e6: {  	[tilespmem:s26], [sflag:$0x2] =	stream.indirect_vreg.gather [hbm4b:s13+s3], $0x80, v2, vm0, $0xb8;
	[tilespmem:$0x11000] =	vst v63  }
0x4e7: {  	s28 =	simm.s32 $0xE000  }
0x4e8: {  	[tilespmem:s28], [sflag:$0x2] =	stream.indirect_vreg.gather [hbm4b:s14+s3], $0x80, v2, vm0, $0xb8;
	[tilespmem:$0x11000] =	vst v63  }
0x4e9: {  	s28 =	simm.s32 $0xE800  }
0x4ea: {  	[tilespmem:s28], [sflag:$0x2] =	stream.indirect_vreg.gather [hbm4b:s15+s3], $0x80, v2, vm0, $0xb8;
	[tilespmem:$0x11000] =	vst v63  }
0x4eb: {  	s29 =	simm.s32 $0xF000  }
0x4ec: {  	[tilespmem:s29], [sflag:$0x2] =	stream.indirect_vreg.gather [hbm4b:s16+s3], $0x80, v2, vm0, $0xb8;
	[tilespmem:$0x11000] =	vst v63  }
0x4ed: {  	s23 =	simm.s32 $0xF800  }
0x4ee: {  	[tilespmem:s23], [sflag:$0x2] =	stream.indirect_vreg.gather [hbm4b:s17+s3], $0x80, v2, vm0, $0xb8;
	[tilespmem:$0x11000] =	vst v63  }
0x4ef: {  	s24 =	simm.s32 $0x10000  }
0x4f0: {  	[tilespmem:s24], [sflag:$0x2] =	stream.indirect_vreg.gather [hbm4b:s18+s3], $0x80, v2, vm0, $0xb8;
	[tilespmem:$0x11000] =	vst v63  }
0x4f1: {  	s26 =	simm.s32 $0x10800  }
0x4f2: {  	[tilespmem:s26], [sflag:$0x2] =	stream.indirect_vreg.gather [hbm4b:s19+s3], $0x80, v2, vm0, $0xb8;
	[tilespmem:$0x11000] =	vst v63  }
0x4f3: {  	_ =	swait.ge [sflag:s30], $0x8000  }
0x4f4: {  	[sflag:s30] =	ssyncset.done $0x0  }
0x4f5: {  	s28 =	rddreg [dreg:$0x1e];
	[sflag:s30] =	ssyncadd.s32 $0xFFFF8000  }
0x4f6: {  	[hbm4b:s28+s31] =	stream.strided.scatter [tilespmem:s22], [sflag:$0x3], $0x8000, s1, s31, $0x38;
	[tilespmem:$0x11000] =	vst v63  }
0x4f7: {  	_ =	swait.ge [sflag:s0], $0x8000  }
0x4f8: {  	[sflag:s0] =	ssyncset.done $0x0  }
0x4f9: {  	[sflag:s0] =	ssyncadd.s32 $0xFFFF8000  }
0x4fa: {  	v2 =	vld.msk [tilespmem:$0xE00], $0xf;
	_ =	sdelay $0x4  }
0x4fb: {  	v3 =	vshll.u32 v2, $0x6  }
0x4fc: {  	v2 =	vand.u32 $0x7, v2;
	v3 =	vand.u32 $0xFFFFFE00, v3  }
0x4fd: {  	v2 =	vor.u32 v2, v3  }
0x4fe: {  	v2 =	vperm.xlane v2, v0;
	_ =	sdelay $0x1  }
0x4ff: {  	v2 =	vadd.s32 v1, v2;
	_ =	sdelay $0x4  }
0x500: {  	[tilespmem:s22], [sflag:$0x1] =	stream.indirect_vreg.gather [hbm4b:s2+s3], $0x80, v2, vm0, $0xb8;
	[tilespmem:$0x11000] =	vst v63  }
0x501: {  	s29 =	simm.s32 $0x1800  }
0x502: {  	[tilespmem:s29], [sflag:$0x1] =	stream.indirect_vreg.gather [hbm4b:s5+s3], $0x80, v2, vm0, $0xb8;
	[tilespmem:$0x11000] =	vst v63  }
0x503: {  	s23 =	simm.s32 $0x2000  }
0x504: {  	[tilespmem:s23], [sflag:$0x1] =	stream.indirect_vreg.gather [hbm4b:s6+s3], $0x80, v2, vm0, $0xb8;
	[tilespmem:$0x11000] =	vst v63  }
0x505: {  	s24 =	simm.s32 $0x2800  }
0x506: {  	[tilespmem:s24], [sflag:$0x1] =	stream.indirect_vreg.gather [hbm4b:s7+s3], $0x80, v2, vm0, $0xb8;
	[tilespmem:$0x11000] =	vst v63  }
0x507: {  	s26 =	simm.s32 $0x3000  }
0x508: {  	[tilespmem:s26], [sflag:$0x1] =	stream.indirect_vreg.gather [hbm4b:s8+s3], $0x80, v2, vm0, $0xb8;
	[tilespmem:$0x11000] =	vst v63  }
0x509: {  	s28 =	simm.s32 $0x3800  }
0x50a: {  	[tilespmem:s28], [sflag:$0x1] =	stream.indirect_vreg.gather [hbm4b:s9+s3], $0x80, v2, vm0, $0xb8;
	[tilespmem:$0x11000] =	vst v63  }
0x50b: {  	s29 =	simm.s32 $0x4000  }
0x50c: {  	[tilespmem:s29], [sflag:$0x1] =	stream.indirect_vreg.gather [hbm4b:s10+s3], $0x80, v2, vm0, $0xb8;
	[tilespmem:$0x11000] =	vst v63  }
0x50d: {  	s23 =	simm.s32 $0x4800  }
0x50e: {  	[tilespmem:s23], [sflag:$0x1] =	stream.indirect_vreg.gather [hbm4b:s11+s3], $0x80, v2, vm0, $0xb8;
	[tilespmem:$0x11000] =	vst v63  }
0x50f: {  	s24 =	simm.s32 $0x5000  }
0x510: {  	[tilespmem:s24], [sflag:$0x1] =	stream.indirect_vreg.gather [hbm4b:s12+s3], $0x80, v2, vm0, $0xb8;
	[tilespmem:$0x11000] =	vst v63  }
0x511: {  	s26 =	simm.s32 $0x5800  }
0x512: {  	[tilespmem:s26], [sflag:$0x1] =	stream.indirect_vreg.gather [hbm4b:s13+s3], $0x80, v2, vm0, $0xb8;
	[tilespmem:$0x11000] =	vst v63  }
0x513: {  	s28 =	simm.s32 $0x6000  }
0x514: {  	[tilespmem:s28], [sflag:$0x1] =	stream.indirect_vreg.gather [hbm4b:s14+s3], $0x80, v2, vm0, $0xb8;
	[tilespmem:$0x11000] =	vst v63  }
0x515: {  	s29 =	simm.s32 $0x6800  }
0x516: {  	[tilespmem:s29], [sflag:$0x1] =	stream.indirect_vreg.gather [hbm4b:s15+s3], $0x80, v2, vm0, $0xb8;
	[tilespmem:$0x11000] =	vst v63  }
0x517: {  	s23 =	simm.s32 $0x7000  }
0x518: {  	[tilespmem:s23], [sflag:$0x1] =	stream.indirect_vreg.gather [hbm4b:s16+s3], $0x80, v2, vm0, $0xb8;
	[tilespmem:$0x11000] =	vst v63  }
0x519: {  	s24 =	simm.s32 $0x7800  }
0x51a: {  	[tilespmem:s24], [sflag:$0x1] =	stream.indirect_vreg.gather [hbm4b:s17+s3], $0x80, v2, vm0, $0xb8;
	[tilespmem:$0x11000] =	vst v63  }
0x51b: {  	s26 =	simm.s32 $0x8000  }
0x51c: {  	[tilespmem:s26], [sflag:$0x1] =	stream.indirect_vreg.gather [hbm4b:s18+s3], $0x80, v2, vm0, $0xb8;
	[tilespmem:$0x11000] =	vst v63  }
0x51d: {  	s28 =	simm.s32 $0x8800  }
0x51e: {  	[tilespmem:s28], [sflag:$0x1] =	stream.indirect_vreg.gather [hbm4b:s19+s3], $0x80, v2, vm0, $0xb8;
	[tilespmem:$0x11000] =	vst v63  }
0x51f: {  	_ =	swait.ge [sflag:s21], $0x8000  }
0x520: {  	[sflag:s21] =	ssyncset.done $0x0  }
0x521: {  	s29 =	rddreg [dreg:$0x1f];
	[sflag:s21] =	ssyncadd.s32 $0xFFFF8000  }
0x522: {  	[hbm4b:s29+s31] =	stream.strided.scatter [tilespmem:s25], [sflag:$0x4], $0x8000, s1, s31, $0x38;
	[tilespmem:$0x11000] =	vst v63  }
0x523: {  	_ =	swait.ge [sflag:s4], $0x8000  }
0x524: {  	[sflag:s4] =	ssyncset.done $0x0  }
0x525: {  	[sflag:s4] =	ssyncadd.s32 $0xFFFF8000  }
0x526: {  	v2 =	vld.msk [tilespmem:$0xE80], $0xf;
	_ =	sdelay $0x4  }
0x527: {  	v3 =	vshll.u32 v2, $0x6  }
0x528: {  	v2 =	vand.u32 $0x7, v2;
	v3 =	vand.u32 $0xFFFFFE00, v3  }
0x529: {  	v2 =	vor.u32 v2, v3  }
0x52a: {  	v2 =	vperm.xlane v2, v0;
	_ =	sdelay $0x1  }
0x52b: {  	v2 =	vadd.s32 v1, v2;
	_ =	sdelay $0x4  }
0x52c: {  	[tilespmem:s25], [sflag:$0x2] =	stream.indirect_vreg.gather [hbm4b:s2+s3], $0x80, v2, vm0, $0xb8;
	[tilespmem:$0x11000] =	vst v63  }
0x52d: {  	s23 =	simm.s32 $0x9800  }
0x52e: {  	[tilespmem:s23], [sflag:$0x2] =	stream.indirect_vreg.gather [hbm4b:s5+s3], $0x80, v2, vm0, $0xb8;
	[tilespmem:$0x11000] =	vst v63  }
0x52f: {  	s24 =	simm.s32 $0xA000  }
0x530: {  	[tilespmem:s24], [sflag:$0x2] =	stream.indirect_vreg.gather [hbm4b:s6+s3], $0x80, v2, vm0, $0xb8;
	[tilespmem:$0x11000] =	vst v63  }
0x531: {  	s26 =	simm.s32 $0xA800  }
0x532: {  	[tilespmem:s26], [sflag:$0x2] =	stream.indirect_vreg.gather [hbm4b:s7+s3], $0x80, v2, vm0, $0xb8;
	[tilespmem:$0x11000] =	vst v63  }
0x533: {  	s28 =	simm.s32 $0xB000  }
0x534: {  	[tilespmem:s28], [sflag:$0x2] =	stream.indirect_vreg.gather [hbm4b:s8+s3], $0x80, v2, vm0, $0xb8;
	[tilespmem:$0x11000] =	vst v63  }
0x535: {  	s29 =	simm.s32 $0xB800  }
0x536: {  	[tilespmem:s29], [sflag:$0x2] =	stream.indirect_vreg.gather [hbm4b:s9+s3], $0x80, v2, vm0, $0xb8;
	[tilespmem:$0x11000] =	vst v63  }
0x537: {  	s20 =	simm.s32 $0xC000  }
0x538: {  	[tilespmem:s20], [sflag:$0x2] =	stream.indirect_vreg.gather [hbm4b:s10+s3], $0x80, v2, vm0, $0xb8;
	[tilespmem:$0x11000] =	vst v63  }
0x539: {  	s20 =	simm.s32 $0xC800  }
0x53a: {  	[tilespmem:s20], [sflag:$0x2] =	stream.indirect_vreg.gather [hbm4b:s11+s3], $0x80, v2, vm0, $0xb8;
	[tilespmem:$0x11000] =	vst v63  }
0x53b: {  	s20 =	simm.s32 $0xD000  }
0x53c: {  	[tilespmem:s20], [sflag:$0x2] =	stream.indirect_vreg.gather [hbm4b:s12+s3], $0x80, v2, vm0, $0xb8;
	[tilespmem:$0x11000] =	vst v63  }
0x53d: {  	s20 =	simm.s32 $0xD800  }
0x53e: {  	[tilespmem:s20], [sflag:$0x2] =	stream.indirect_vreg.gather [hbm4b:s13+s3], $0x80, v2, vm0, $0xb8;
	[tilespmem:$0x11000] =	vst v63  }
0x53f: {  	s20 =	simm.s32 $0xE000  }
0x540: {  	[tilespmem:s20], [sflag:$0x2] =	stream.indirect_vreg.gather [hbm4b:s14+s3], $0x80, v2, vm0, $0xb8;
	[tilespmem:$0x11000] =	vst v63  }
0x541: {  	s20 =	simm.s32 $0xE800  }
0x542: {  	[tilespmem:s20], [sflag:$0x2] =	stream.indirect_vreg.gather [hbm4b:s15+s3], $0x80, v2, vm0, $0xb8;
	[tilespmem:$0x11000] =	vst v63  }
0x543: {  	s20 =	simm.s32 $0xF000  }
0x544: {  	[tilespmem:s20], [sflag:$0x2] =	stream.indirect_vreg.gather [hbm4b:s16+s3], $0x80, v2, vm0, $0xb8;
	[tilespmem:$0x11000] =	vst v63  }
0x545: {  	s20 =	simm.s32 $0xF800  }
0x546: {  	[tilespmem:s20], [sflag:$0x2] =	stream.indirect_vreg.gather [hbm4b:s17+s3], $0x80, v2, vm0, $0xb8;
	[tilespmem:$0x11000] =	vst v63  }
0x547: {  	s20 =	simm.s32 $0x10000  }
0x548: {  	[tilespmem:s20], [sflag:$0x2] =	stream.indirect_vreg.gather [hbm4b:s18+s3], $0x80, v2, vm0, $0xb8;
	[tilespmem:$0x11000] =	vst v63  }
0x549: {  	s20 =	simm.s32 $0x10800  }
0x54a: {  	[tilespmem:s20], [sflag:$0x2] =	stream.indirect_vreg.gather [hbm4b:s19+s3], $0x80, v2, vm0, $0xb8;
	[tilespmem:$0x11000] =	vst v63  }
0x54b: {  	_ =	swait.ge [sflag:s30], $0x8000  }
0x54c: {  	s20 =	sld [smem:$0x7F9]  }
0x54d: {  	[sflag:s30] =	ssyncset.done $0x0  }
0x54e: {  	[sflag:s30] =	ssyncadd.s32 $0xFFFF8000  }
0x54f: {  	[hbm4b:s20+s31] =	stream.strided.scatter [tilespmem:s22], [sflag:$0x3], $0x8000, s1, s31, $0x38;
	[tilespmem:$0x11000] =	vst v63  }
0x550: {  	_ =	swait.ge [sflag:s0], $0x8000  }
0x551: {  	[sflag:s0] =	ssyncset.done $0x0  }
0x552: {  	[sflag:s0] =	ssyncadd.s32 $0xFFFF8000  }
0x553: {  	v2 =	vld.msk [tilespmem:$0xF00], $0xf;
	_ =	sdelay $0x4  }
0x554: {  	v3 =	vshll.u32 v2, $0x6  }
0x555: {  	v2 =	vand.u32 $0x7, v2;
	v3 =	vand.u32 $0xFFFFFE00, v3  }
0x556: {  	v2 =	vor.u32 v2, v3  }
0x557: {  	v2 =	vperm.xlane v2, v0;
	_ =	sdelay $0x1  }
0x558: {  	v2 =	vadd.s32 v1, v2;
	_ =	sdelay $0x4  }
0x559: {  	[tilespmem:s22], [sflag:$0x1] =	stream.indirect_vreg.gather [hbm4b:s2+s3], $0x80, v2, vm0, $0xb8;
	[tilespmem:$0x11000] =	vst v63  }
0x55a: {  	s20 =	simm.s32 $0x1800  }
0x55b: {  	[tilespmem:s20], [sflag:$0x1] =	stream.indirect_vreg.gather [hbm4b:s5+s3], $0x80, v2, vm0, $0xb8;
	[tilespmem:$0x11000] =	vst v63  }
0x55c: {  	s20 =	simm.s32 $0x2000  }
0x55d: {  	[tilespmem:s20], [sflag:$0x1] =	stream.indirect_vreg.gather [hbm4b:s6+s3], $0x80, v2, vm0, $0xb8;
	[tilespmem:$0x11000] =	vst v63  }
0x55e: {  	s20 =	simm.s32 $0x2800  }
0x55f: {  	[tilespmem:s20], [sflag:$0x1] =	stream.indirect_vreg.gather [hbm4b:s7+s3], $0x80, v2, vm0, $0xb8;
	[tilespmem:$0x11000] =	vst v63  }
0x560: {  	s20 =	simm.s32 $0x3000  }
0x561: {  	[tilespmem:s20], [sflag:$0x1] =	stream.indirect_vreg.gather [hbm4b:s8+s3], $0x80, v2, vm0, $0xb8;
	[tilespmem:$0x11000] =	vst v63  }
0x562: {  	s20 =	simm.s32 $0x3800  }
0x563: {  	[tilespmem:s20], [sflag:$0x1] =	stream.indirect_vreg.gather [hbm4b:s9+s3], $0x80, v2, vm0, $0xb8;
	[tilespmem:$0x11000] =	vst v63  }
0x564: {  	s20 =	simm.s32 $0x4000  }
0x565: {  	[tilespmem:s20], [sflag:$0x1] =	stream.indirect_vreg.gather [hbm4b:s10+s3], $0x80, v2, vm0, $0xb8;
	[tilespmem:$0x11000] =	vst v63  }
0x566: {  	s20 =	simm.s32 $0x4800  }
0x567: {  	[tilespmem:s20], [sflag:$0x1] =	stream.indirect_vreg.gather [hbm4b:s11+s3], $0x80, v2, vm0, $0xb8;
	[tilespmem:$0x11000] =	vst v63  }
0x568: {  	s20 =	simm.s32 $0x5000  }
0x569: {  	[tilespmem:s20], [sflag:$0x1] =	stream.indirect_vreg.gather [hbm4b:s12+s3], $0x80, v2, vm0, $0xb8;
	[tilespmem:$0x11000] =	vst v63  }
0x56a: {  	s20 =	simm.s32 $0x5800  }
0x56b: {  	[tilespmem:s20], [sflag:$0x1] =	stream.indirect_vreg.gather [hbm4b:s13+s3], $0x80, v2, vm0, $0xb8;
	[tilespmem:$0x11000] =	vst v63  }
0x56c: {  	s20 =	simm.s32 $0x6000  }
0x56d: {  	[tilespmem:s20], [sflag:$0x1] =	stream.indirect_vreg.gather [hbm4b:s14+s3], $0x80, v2, vm0, $0xb8;
	[tilespmem:$0x11000] =	vst v63  }
0x56e: {  	s20 =	simm.s32 $0x6800  }
0x56f: {  	[tilespmem:s20], [sflag:$0x1] =	stream.indirect_vreg.gather [hbm4b:s15+s3], $0x80, v2, vm0, $0xb8;
	[tilespmem:$0x11000] =	vst v63  }
0x570: {  	s20 =	simm.s32 $0x7000  }
0x571: {  	[tilespmem:s20], [sflag:$0x1] =	stream.indirect_vreg.gather [hbm4b:s16+s3], $0x80, v2, vm0, $0xb8;
	[tilespmem:$0x11000] =	vst v63  }
0x572: {  	s20 =	simm.s32 $0x7800  }
0x573: {  	[tilespmem:s20], [sflag:$0x1] =	stream.indirect_vreg.gather [hbm4b:s17+s3], $0x80, v2, vm0, $0xb8;
	[tilespmem:$0x11000] =	vst v63  }
0x574: {  	s20 =	simm.s32 $0x8000  }
0x575: {  	[tilespmem:s20], [sflag:$0x1] =	stream.indirect_vreg.gather [hbm4b:s18+s3], $0x80, v2, vm0, $0xb8;
	[tilespmem:$0x11000] =	vst v63  }
0x576: {  	s20 =	simm.s32 $0x8800  }
0x577: {  	[tilespmem:s20], [sflag:$0x1] =	stream.indirect_vreg.gather [hbm4b:s19+s3], $0x80, v2, vm0, $0xb8;
	[tilespmem:$0x11000] =	vst v63  }
0x578: {  	_ =	swait.ge [sflag:s21], $0x8000  }
0x579: {  	s20 =	sld [smem:$0x7FA]  }
0x57a: {  	[sflag:s21] =	ssyncset.done $0x0  }
0x57b: {  	[sflag:s21] =	ssyncadd.s32 $0xFFFF8000  }
0x57c: {  	[hbm4b:s20+s31] =	stream.strided.scatter [tilespmem:s25], [sflag:$0x4], $0x8000, s1, s31, $0x38;
	[tilespmem:$0x11000] =	vst v63  }
0x57d: {  	_ =	swait.ge [sflag:s4], $0x8000  }
0x57e: {  	[sflag:s4] =	ssyncset.done $0x0  }
0x57f: {  	[sflag:s4] =	ssyncadd.s32 $0xFFFF8000  }
0x580: {  	v2 =	vld.msk [tilespmem:$0xF80], $0xf;
	_ =	sdelay $0x4  }
0x581: {  	v3 =	vshll.u32 v2, $0x6  }
0x582: {  	v2 =	vand.u32 $0x7, v2;
	v3 =	vand.u32 $0xFFFFFE00, v3  }
0x583: {  	v2 =	vor.u32 v2, v3  }
0x584: {  	v2 =	vperm.xlane v2, v0;
	_ =	sdelay $0x1  }
0x585: {  	v2 =	vadd.s32 v1, v2;
	_ =	sdelay $0x4  }
0x586: {  	[tilespmem:s25], [sflag:$0x2] =	stream.indirect_vreg.gather [hbm4b:s2+s3], $0x80, v2, vm0, $0xb8;
	[tilespmem:$0x11000] =	vst v63  }
0x587: {  	s23 =	simm.s32 $0x9800  }
0x588: {  	[tilespmem:s23], [sflag:$0x2] =	stream.indirect_vreg.gather [hbm4b:s5+s3], $0x80, v2, vm0, $0xb8;
	[tilespmem:$0x11000] =	vst v63  }
0x589: {  	s24 =	simm.s32 $0xA000  }
0x58a: {  	[tilespmem:s24], [sflag:$0x2] =	stream.indirect_vreg.gather [hbm4b:s6+s3], $0x80, v2, vm0, $0xb8;
	[tilespmem:$0x11000] =	vst v63  }
0x58b: {  	s26 =	simm.s32 $0xA800  }
0x58c: {  	[tilespmem:s26], [sflag:$0x2] =	stream.indirect_vreg.gather [hbm4b:s7+s3], $0x80, v2, vm0, $0xb8;
	[tilespmem:$0x11000] =	vst v63  }
0x58d: {  	s28 =	simm.s32 $0xB000  }
0x58e: {  	[tilespmem:s28], [sflag:$0x2] =	stream.indirect_vreg.gather [hbm4b:s8+s3], $0x80, v2, vm0, $0xb8;
	[tilespmem:$0x11000] =	vst v63  }
0x58f: {  	s29 =	simm.s32 $0xB800  }
0x590: {  	[tilespmem:s29], [sflag:$0x2] =	stream.indirect_vreg.gather [hbm4b:s9+s3], $0x80, v2, vm0, $0xb8;
	[tilespmem:$0x11000] =	vst v63  }
0x591: {  	s26 =	simm.s32 $0xC000  }
0x592: {  	[tilespmem:s26], [sflag:$0x2] =	stream.indirect_vreg.gather [hbm4b:s10+s3], $0x80, v2, vm0, $0xb8;
	[tilespmem:$0x11000] =	vst v63  }
0x593: {  	s28 =	simm.s32 $0xC800  }
0x594: {  	[tilespmem:s28], [sflag:$0x2] =	stream.indirect_vreg.gather [hbm4b:s11+s3], $0x80, v2, vm0, $0xb8;
	[tilespmem:$0x11000] =	vst v63  }
0x595: {  	s29 =	simm.s32 $0xD000  }
0x596: {  	[tilespmem:s29], [sflag:$0x2] =	stream.indirect_vreg.gather [hbm4b:s12+s3], $0x80, v2, vm0, $0xb8;
	[tilespmem:$0x11000] =	vst v63  }
0x597: {  	s23 =	simm.s32 $0xD800  }
0x598: {  	[tilespmem:s23], [sflag:$0x2] =	stream.indirect_vreg.gather [hbm4b:s13+s3], $0x80, v2, vm0, $0xb8;
	[tilespmem:$0x11000] =	vst v63  }
0x599: {  	s24 =	simm.s32 $0xE000  }
0x59a: {  	[tilespmem:s24], [sflag:$0x2] =	stream.indirect_vreg.gather [hbm4b:s14+s3], $0x80, v2, vm0, $0xb8;
	[tilespmem:$0x11000] =	vst v63  }
0x59b: {  	s26 =	simm.s32 $0xE800  }
0x59c: {  	[tilespmem:s26], [sflag:$0x2] =	stream.indirect_vreg.gather [hbm4b:s15+s3], $0x80, v2, vm0, $0xb8;
	[tilespmem:$0x11000] =	vst v63  }
0x59d: {  	s28 =	simm.s32 $0xF000  }
0x59e: {  	[tilespmem:s28], [sflag:$0x2] =	stream.indirect_vreg.gather [hbm4b:s16+s3], $0x80, v2, vm0, $0xb8;
	[tilespmem:$0x11000] =	vst v63  }
0x59f: {  	s29 =	simm.s32 $0xF800  }
0x5a0: {  	[tilespmem:s29], [sflag:$0x2] =	stream.indirect_vreg.gather [hbm4b:s17+s3], $0x80, v2, vm0, $0xb8;
	[tilespmem:$0x11000] =	vst v63  }
0x5a1: {  	s23 =	simm.s32 $0x10000  }
0x5a2: {  	[tilespmem:s23], [sflag:$0x2] =	stream.indirect_vreg.gather [hbm4b:s18+s3], $0x80, v2, vm0, $0xb8;
	[tilespmem:$0x11000] =	vst v63  }
0x5a3: {  	s24 =	simm.s32 $0x10800  }
0x5a4: {  	[tilespmem:s24], [sflag:$0x2] =	stream.indirect_vreg.gather [hbm4b:s19+s3], $0x80, v2, vm0, $0xb8;
	[tilespmem:$0x11000] =	vst v63  }
0x5a5: {  	_ =	swait.ge [sflag:s30], $0x8000  }
0x5a6: {  	s26 =	sld [smem:$0x7FB]  }
0x5a7: {  	[sflag:s30] =	ssyncset.done $0x0  }
0x5a8: {  	[sflag:s30] =	ssyncadd.s32 $0xFFFF8000  }
0x5a9: {  	[hbm4b:s26+s31] =	stream.strided.scatter [tilespmem:s22], [sflag:$0x3], $0x8000, s1, s31, $0x38;
	[tilespmem:$0x11000] =	vst v63  }
0x5aa: {  	_ =	swait.ge [sflag:s21], $0x8000  }
0x5ab: {  	s29 =	sld [smem:$0x7F8];
	_ =	sdelay $0x1  }
0x5ac: {  	s28 =	sld [smem:$0x7FD]  }
0x5ad: {  	[sflag:s21] =	ssyncset.done $0x0;
	p0 =	sne.s32 s29, $0x1  }
.Ltmp0:
0x5ae: {  	[sflag:s21] =	ssyncadd.s32 $0xFFFF8000;
	(pc) =	sbr.rel @p0 .LBB2_1-.Ltmp0, $4  }
0x5af: {  	[hbm4b:s28+s31] =	stream.strided.scatter [tilespmem:s25], [sflag:$0x4], $0x8000, s1, s31, $0x38;
	[tilespmem:$0x11000] =	vst v63  }
0x5b0: {  	_ =	swait.ge [sflag:s4], $0x8000  }
0x5b1: {  	[sflag:s4] =	ssyncset.done $0x0  }
0x5b2: {  	s20 =	sadd.s32 $0xFFFFFFFF, s29;
	[sflag:s4] =	ssyncadd.s32 $0xFFFF8000  }
0x5b3: {  	_ =	sfence.sel $0x180000  }
0x5b4: {  	[bflag:$0x0] =	sbarrier.arrive $0xFFFF  }
0x5b5: {  	_ =	strace $0x90000047  }
0x5b6: {  	s0 =	stileid.u32;
	[bflag:$0x2] =	sbarrier.arrive $0xFFFF  }
0x5b7: {  	p0 =	sne.s32 s0, $0x0;
	s0 =	rddreg [dreg:$0x3]  }
0x5b8: {  	s0 =	sadd.s32 @!p0 $0x100000, s0  }
0x5b9: {  	[sflag:s0] =	ssyncadd.tile.s32 @!p0 $0x1;
	_ =	shalt  }
.Lfunc_end2:
_tile_overlayer_lowered:
.L_overlay_start_2:
0x5ba: {  	(tag) =	ssettag $0x2  }
0x5bb: {  	s0 =	rddreg [dreg:$0x0];
	s2 =	stileid.u32  }
0x5bc: {  	s1 =	rddreg [dreg:$0x1];
	p0 =	sne.s32 s2, $0x0  }
0x5bd: {  	s3 =	rddreg [dreg:$0x2];
	[bflag:$0x3] =	sbarrier.arrive $0xFFFF;
	s2 =	simm.s32 @!p0 $0x1C05  }
0x5be: {  	[timem:s3], [sflag:s2] =	dma.local @!p0 [hbm:s0], s1  }
0x5bf: {  	s0 =	simm.s32 @!p0 $0x5  }
0x5c0: {  	_ =	swait.ge @!p0 [sflag:s0], s1  }
0x5c1: {  	s1 =	ssub.s32 @!p0 $0x0, s1;
	[sflag:s0] =	ssyncset.done @!p0 $0x0  }
0x5c2: {  	[sflag:s0] =	ssyncadd.s32 @!p0 s1  }
0x5c3: {  	[bflag:$0x3] =	sbarrier.arrive $0xFFFF  }
0x5c4: {  	_ =	shalt  }

</sc_bundles>
